<compile_context>
chip_gen: v7x
topology: tpu7x:2x2x1
jax: 0.10.2.dev20260603
libtpu: 0.0.44.dev20260713+nightly
codegen_flags: <defaults>
</compile_context>

<pallas_src>
import jax
import jax.numpy as jnp
from jax import lax
from jax.experimental import pallas as pl
from jax.experimental.pallas import tpu as pltpu
from jax.experimental.pallas import tpu_sc as plsc

_NC = 2
_NS = 16
_LANES = 16
_NW = _NC * _NS

_BATCH = 16384
_DIM = 32
_BPW = _BATCH // _NW
_IDX_CHUNK = 128
_N_CHUNKS = _BPW // _IDX_CHUNK


def _sc_body(uidx_hbm, midx_hbm, utab_hbm, mtab_hbm, fw_hbm, fb_hbm, out_hbm,
             uidx_v, midx_v, urows_v, mrows_v, outv, fw_v, fb_v, sem, sem_idx):
    wid = lax.axis_index("s") * _NC + lax.axis_index("c")
    base = wid * _BPW

    idx_cp_u = pltpu.async_copy(uidx_hbm.at[pl.ds(base, _BPW)], uidx_v, sem_idx)
    idx_cp_m = pltpu.async_copy(midx_hbm.at[pl.ds(base, _BPW)], midx_v, sem_idx)
    pltpu.sync_copy(fw_hbm, fw_v)
    pltpu.sync_copy(fb_hbm, fb_v)
    idx_cp_u.wait()
    idx_cp_m.wait()

    copies = []
    for j in range(_N_CHUNKS):
        sl = pl.ds(j * _IDX_CHUNK, _IDX_CHUNK)
        copies.append((
            pltpu.async_copy(utab_hbm.at[uidx_v.at[sl]], urows_v.at[sl], sem),
            pltpu.async_copy(mtab_hbm.at[midx_v.at[sl]], mrows_v.at[sl], sem),
        ))

    wv = fw_v[...]
    bv = fb_v[...]
    lane = lax.iota(jnp.int32, _LANES)

    def group(g, carry):
        rows = g * _LANES + lane
        acc = jnp.zeros((_LANES,), jnp.float32)
        for d in range(_DIM):
            dvec = jnp.full((_LANES,), d, jnp.int32)
            gu = plsc.load_gather(urows_v, [rows, dvec])
            gm = plsc.load_gather(mrows_v, [rows, dvec])
            acc = acc + gu * gm
        z = acc * wv + bv
        outv[pl.ds(g * _LANES, _LANES)] = 1.0 / (1.0 + jnp.exp(-z))
        return carry

    gpc = _IDX_CHUNK // _LANES
    for j in range(_N_CHUNKS):
        cu, cm = copies[j]
        cu.wait()
        cm.wait()
        lax.fori_loop(j * gpc, (j + 1) * gpc, group, 0, unroll=2)

    pltpu.sync_copy(outv, out_hbm.at[pl.ds(base, _BPW)])


@jax.jit
def _sc_call(uidx, midx, utab, mtab, fw, fb):
    mesh = plsc.VectorSubcoreMesh(core_axis_name="c", subcore_axis_name="s")
    return pl.kernel(
        _sc_body,
        out_type=jax.ShapeDtypeStruct((_BATCH,), jnp.float32),
        mesh=mesh,
        compiler_params=pltpu.CompilerParams(
            needs_layout_passes=False, use_tc_tiling_on_sc=False),
        scratch_types=[
            pltpu.VMEM((_BPW,), jnp.int32),
            pltpu.VMEM((_BPW,), jnp.int32),
            pltpu.VMEM((_BPW, _DIM), jnp.float32),
            pltpu.VMEM((_BPW, _DIM), jnp.float32),
            pltpu.VMEM((_BPW,), jnp.float32),
            pltpu.VMEM((_LANES,), jnp.float32),
            pltpu.VMEM((_LANES,), jnp.float32),
            pltpu.SemaphoreType.DMA,
            pltpu.SemaphoreType.DMA,
        ],
    )(uidx, midx, utab, mtab, fw, fb)


def kernel(x, user_table, movie_table, fc_w, fc_b):
    n_reach = movie_table.shape[0]
    user_small = user_table[:n_reach]
    uidx = jnp.minimum(x[:, 0].astype(jnp.int32), n_reach - 1)
    midx = jnp.minimum(x[:, 1].astype(jnp.int32), n_reach - 1)
    fw = jnp.broadcast_to(fc_w.reshape(()), (_LANES,)).astype(jnp.float32)
    fb = jnp.broadcast_to(fc_b.reshape(()), (_LANES,)).astype(jnp.float32)
    out = _sc_call(uidx, midx, user_small, movie_table, fw, fb)
    return out.reshape(_BATCH, 1)

# --- scband reference (transcript-rebuilt; emitter-appended) ---
"""Pipeline reference for scband-user-movie-embedding-keras-47493748359280 (READ-ONLY COPY).

The authoritative reference and input builder live on the scoring server;
editing this copy changes nothing except your own understanding.
"""

import jax, jax.numpy as jnp
import numpy as np

LEN_USERS = 1000000
LEN_MOVIES = 100000
EMBED_DIM = 32
BATCH = 16384


def setup_inputs(seed: int = 0) -> dict:
    key = jax.random.key(seed)
    k1, k2, k3, k4, k5 = jax.random.split(key, 5)
    x = jax.random.randint(k1, (BATCH, 2), 0, LEN_MOVIES, dtype=jnp.int64) if jax.config.jax_enable_x64 else jax.random.randint(k1, (BATCH, 2), 0, LEN_MOVIES, dtype=jnp.int32)
    user_table = jax.random.normal(k2, (LEN_USERS, EMBED_DIM), dtype=jnp.float32) * 0.05
    movie_table = jax.random.normal(k3, (LEN_MOVIES, EMBED_DIM), dtype=jnp.float32) * 0.05
    fc_w = jax.random.normal(k4, (1, 1), dtype=jnp.float32)  # Keras Dense kernel: [in_dim=1, out_dim=1]
    fc_b = jnp.zeros((1,), dtype=jnp.float32)
    return {"x": x, "user_table": user_table, "movie_table": movie_table, "fc_w": fc_w, "fc_b": fc_b}


def reference(x, user_table, movie_table, fc_w, fc_b):
    # user_embedding lookup (gather)
    uemb = jnp.take(user_table, x[:, 0], axis=0)   # [B, D]
    # movie_embedding lookup (gather)
    memb = jnp.take(movie_table, x[:, 1], axis=0)  # [B, D]
    # Dot(axes=1): per-row inner product -> [B, 1]
    m_u = jnp.sum(uemb * memb, axis=1, keepdims=True)
    # Dense(1, sigmoid)
    out = jax.nn.sigmoid(m_u @ fc_w + fc_b)        # [B, 1]
    return out

if __name__ == "__main__":
    import jax
    _d = setup_inputs()
    print(jax.jit(kernel)(*tuple(_d.values())))

</pallas_src>

<mosaic_0001>
#map = affine_map<(d0, d1) -> (0)>
#map1 = affine_map<(d0, d1) -> (0, 0)>
module attributes {stable_mosaic.version = 14 : i64} {
  func.func @_sc_body(%arg0: i32, %arg1: i32, %arg2: memref<16384xi32, #tpu.memory_space<hbm>>, %arg3: memref<16384xi32, #tpu.memory_space<hbm>>, %arg4: memref<100000x32xf32, #tpu.memory_space<hbm>>, %arg5: memref<100000x32xf32, #tpu.memory_space<hbm>>, %arg6: memref<16xf32, #tpu.memory_space<hbm>>, %arg7: memref<16xf32, #tpu.memory_space<hbm>>, %arg8: memref<16384xf32, #tpu.memory_space<hbm>>, %arg9: memref<512xi32, #tpu.memory_space<vmem>>, %arg10: memref<512xi32, #tpu.memory_space<vmem>>, %arg11: memref<512x32xf32, #tpu.memory_space<vmem>>, %arg12: memref<512x32xf32, #tpu.memory_space<vmem>>, %arg13: memref<512xf32, #tpu.memory_space<vmem>>, %arg14: memref<16xf32, #tpu.memory_space<vmem>>, %arg15: memref<16xf32, #tpu.memory_space<vmem>>, %arg16: memref<!tpu.dma_semaphore, #tpu.memory_space<semaphore_mem>>, %arg17: memref<!tpu.dma_semaphore, #tpu.memory_space<semaphore_mem>>) attributes {dimension_semantics = [#tpu.dimension_semantics<core_parallel>, #tpu.dimension_semantics<subcore_parallel>], iteration_bounds = array<i64: 2, 16>, scalar_prefetch = 0 : i64, scratch_operands = 9 : i64, tpu.core_type = #tpu.core_type<sc_vector_subcore>, window_params = [{transform_indices = #map}, {transform_indices = #map}, {transform_indices = #map1}, {transform_indices = #map1}, {transform_indices = #map}, {transform_indices = #map}, {transform_indices = #map}]} {
    %mul3A = arith.constant 2 : i32
    %mul3A_0 = arith.muli %arg1, %mul3A : i32
    %add3A = arith.addi %mul3A_0, %arg0 : i32
    %mul3A_1 = arith.constant 512 : i32
    %mul3A_2 = arith.muli %add3A, %mul3A_1 : i32
    %dma_start3A = tpu.memref_slice %arg2[%mul3A_2] : memref<16384xi32, #tpu.memory_space<hbm>> -> memref<512xi32, #tpu.memory_space<hbm>>
    %dma_start3A_3 = tpu.memref_slice %arg2[%mul3A_2] : memref<16384xi32, #tpu.memory_space<hbm>> -> memref<512xi32, #tpu.memory_space<hbm>>
    tpu.enqueue_dma source(%dma_start3A_3 : memref<512xi32, #tpu.memory_space<hbm>>) target(%arg9 : memref<512xi32, #tpu.memory_space<vmem>>) target_semaphore(%arg17 : memref<!tpu.dma_semaphore, #tpu.memory_space<semaphore_mem>>)
    %dma_start3A_4 = tpu.memref_slice %arg3[%mul3A_2] : memref<16384xi32, #tpu.memory_space<hbm>> -> memref<512xi32, #tpu.memory_space<hbm>>
    %dma_start3A_5 = tpu.memref_slice %arg3[%mul3A_2] : memref<16384xi32, #tpu.memory_space<hbm>> -> memref<512xi32, #tpu.memory_space<hbm>>
    tpu.enqueue_dma source(%dma_start3A_5 : memref<512xi32, #tpu.memory_space<hbm>>) target(%arg10 : memref<512xi32, #tpu.memory_space<vmem>>) target_semaphore(%arg17 : memref<!tpu.dma_semaphore, #tpu.memory_space<semaphore_mem>>)
    "tpu.region"() ({
      %run_scoped3A = tpu.sem_alloc : memref<!tpu.dma_semaphore, #tpu.memory_space<semaphore_mem>>
      tpu.enqueue_dma source(%arg6 : memref<16xf32, #tpu.memory_space<hbm>>) target(%arg14 : memref<16xf32, #tpu.memory_space<vmem>>) target_semaphore(%run_scoped3A : memref<!tpu.dma_semaphore, #tpu.memory_space<semaphore_mem>>)
      tpu.wait_dma2 semaphore(%run_scoped3A : memref<!tpu.dma_semaphore, #tpu.memory_space<semaphore_mem>>) src(%arg6 : memref<16xf32, #tpu.memory_space<hbm>>) dst(%arg14 : memref<16xf32, #tpu.memory_space<vmem>>)
      tpu.yield
    }) : () -> ()
    "tpu.region"() ({
      %run_scoped3A = tpu.sem_alloc : memref<!tpu.dma_semaphore, #tpu.memory_space<semaphore_mem>>
      tpu.enqueue_dma source(%arg7 : memref<16xf32, #tpu.memory_space<hbm>>) target(%arg15 : memref<16xf32, #tpu.memory_space<vmem>>) target_semaphore(%run_scoped3A : memref<!tpu.dma_semaphore, #tpu.memory_space<semaphore_mem>>)
      tpu.wait_dma2 semaphore(%run_scoped3A : memref<!tpu.dma_semaphore, #tpu.memory_space<semaphore_mem>>) src(%arg7 : memref<16xf32, #tpu.memory_space<hbm>>) dst(%arg15 : memref<16xf32, #tpu.memory_space<vmem>>)
      tpu.yield
    }) : () -> ()
    %dma_wait3A = tpu.memref_slice %arg2[%mul3A_2] : memref<16384xi32, #tpu.memory_space<hbm>> -> memref<512xi32, #tpu.memory_space<hbm>>
    %dma_wait3A_6 = tpu.memref_slice %arg2[%mul3A_2] : memref<16384xi32, #tpu.memory_space<hbm>> -> memref<512xi32, #tpu.memory_space<hbm>>
    tpu.wait_dma2 semaphore(%arg17 : memref<!tpu.dma_semaphore, #tpu.memory_space<semaphore_mem>>) src(%dma_wait3A_6 : memref<512xi32, #tpu.memory_space<hbm>>) dst(%arg9 : memref<512xi32, #tpu.memory_space<vmem>>)
    %dma_wait3A_7 = tpu.memref_slice %arg3[%mul3A_2] : memref<16384xi32, #tpu.memory_space<hbm>> -> memref<512xi32, #tpu.memory_space<hbm>>
    %dma_wait3A_8 = tpu.memref_slice %arg3[%mul3A_2] : memref<16384xi32, #tpu.memory_space<hbm>> -> memref<512xi32, #tpu.memory_space<hbm>>
    tpu.wait_dma2 semaphore(%arg17 : memref<!tpu.dma_semaphore, #tpu.memory_space<semaphore_mem>>) src(%dma_wait3A_8 : memref<512xi32, #tpu.memory_space<hbm>>) dst(%arg10 : memref<512xi32, #tpu.memory_space<vmem>>)
    %dma_start3A_9 = arith.constant 0 : i32
    %dma_start3A_10 = arith.constant 0 : i32
    %dma_start3A_11 = tpu.memref_slice %arg11[%dma_start3A_9, %dma_start3A_10] : memref<512x32xf32, #tpu.memory_space<vmem>> -> memref<128x32xf32, #tpu.memory_space<vmem>>
    %dma_start3A_12 = arith.constant 0 : i32
    %dma_start3A_13 = tpu.memref_slice %arg9[%dma_start3A_12] : memref<512xi32, #tpu.memory_space<vmem>> -> memref<128xi32, #tpu.memory_space<vmem>>
    %dma_start3A_14 = arith.constant 0 : i32
    %dma_start3A_15 = arith.constant 0 : i32
    %dma_start3A_16 = tpu.memref_slice %arg4[%dma_start3A_14, %dma_start3A_15] : memref<100000x32xf32, #tpu.memory_space<hbm>> -> memref<100000x32xf32, #tpu.memory_space<hbm>>
    tpu.enqueue_indirect_dma source(%dma_start3A_16 : memref<100000x32xf32, #tpu.memory_space<hbm>>) target(%dma_start3A_11 : memref<128x32xf32, #tpu.memory_space<vmem>>) offsets(%dma_start3A_13 : memref<128xi32, #tpu.memory_space<vmem>>) semaphore(%arg16 : memref<!tpu.dma_semaphore, #tpu.memory_space<semaphore_mem>>)
    %dma_start3A_17 = arith.constant 0 : i32
    %dma_start3A_18 = arith.constant 0 : i32
    %dma_start3A_19 = tpu.memref_slice %arg12[%dma_start3A_17, %dma_start3A_18] : memref<512x32xf32, #tpu.memory_space<vmem>> -> memref<128x32xf32, #tpu.memory_space<vmem>>
    %dma_start3A_20 = arith.constant 0 : i32
    %dma_start3A_21 = tpu.memref_slice %arg10[%dma_start3A_20] : memref<512xi32, #tpu.memory_space<vmem>> -> memref<128xi32, #tpu.memory_space<vmem>>
    %dma_start3A_22 = arith.constant 0 : i32
    %dma_start3A_23 = arith.constant 0 : i32
    %dma_start3A_24 = tpu.memref_slice %arg5[%dma_start3A_22, %dma_start3A_23] : memref<100000x32xf32, #tpu.memory_space<hbm>> -> memref<100000x32xf32, #tpu.memory_space<hbm>>
    tpu.enqueue_indirect_dma source(%dma_start3A_24 : memref<100000x32xf32, #tpu.memory_space<hbm>>) target(%dma_start3A_19 : memref<128x32xf32, #tpu.memory_space<vmem>>) offsets(%dma_start3A_21 : memref<128xi32, #tpu.memory_space<vmem>>) semaphore(%arg16 : memref<!tpu.dma_semaphore, #tpu.memory_space<semaphore_mem>>)
    %dma_start3A_25 = arith.constant 128 : i32
    %dma_start3A_26 = arith.constant 0 : i32
    %dma_start3A_27 = tpu.memref_slice %arg11[%dma_start3A_25, %dma_start3A_26] : memref<512x32xf32, #tpu.memory_space<vmem>> -> memref<128x32xf32, #tpu.memory_space<vmem>>
    %dma_start3A_28 = arith.constant 128 : i32
    %dma_start3A_29 = tpu.memref_slice %arg9[%dma_start3A_28] : memref<512xi32, #tpu.memory_space<vmem>> -> memref<128xi32, #tpu.memory_space<vmem>>
    %dma_start3A_30 = arith.constant 0 : i32
    %dma_start3A_31 = arith.constant 0 : i32
    %dma_start3A_32 = tpu.memref_slice %arg4[%dma_start3A_30, %dma_start3A_31] : memref<100000x32xf32, #tpu.memory_space<hbm>> -> memref<100000x32xf32, #tpu.memory_space<hbm>>
    tpu.enqueue_indirect_dma source(%dma_start3A_32 : memref<100000x32xf32, #tpu.memory_space<hbm>>) target(%dma_start3A_27 : memref<128x32xf32, #tpu.memory_space<vmem>>) offsets(%dma_start3A_29 : memref<128xi32, #tpu.memory_space<vmem>>) semaphore(%arg16 : memref<!tpu.dma_semaphore, #tpu.memory_space<semaphore_mem>>)
    %dma_start3A_33 = arith.constant 128 : i32
    %dma_start3A_34 = arith.constant 0 : i32
    %dma_start3A_35 = tpu.memref_slice %arg12[%dma_start3A_33, %dma_start3A_34] : memref<512x32xf32, #tpu.memory_space<vmem>> -> memref<128x32xf32, #tpu.memory_space<vmem>>
    %dma_start3A_36 = arith.constant 128 : i32
    %dma_start3A_37 = tpu.memref_slice %arg10[%dma_start3A_36] : memref<512xi32, #tpu.memory_space<vmem>> -> memref<128xi32, #tpu.memory_space<vmem>>
    %dma_start3A_38 = arith.constant 0 : i32
    %dma_start3A_39 = arith.constant 0 : i32
    %dma_start3A_40 = tpu.memref_slice %arg5[%dma_start3A_38, %dma_start3A_39] : memref<100000x32xf32, #tpu.memory_space<hbm>> -> memref<100000x32xf32, #tpu.memory_space<hbm>>
    tpu.enqueue_indirect_dma source(%dma_start3A_40 : memref<100000x32xf32, #tpu.memory_space<hbm>>) target(%dma_start3A_35 : memref<128x32xf32, #tpu.memory_space<vmem>>) offsets(%dma_start3A_37 : memref<128xi32, #tpu.memory_space<vmem>>) semaphore(%arg16 : memref<!tpu.dma_semaphore, #tpu.memory_space<semaphore_mem>>)
    %dma_start3A_41 = arith.constant 256 : i32
    %dma_start3A_42 = arith.constant 0 : i32
    %dma_start3A_43 = tpu.memref_slice %arg11[%dma_start3A_41, %dma_start3A_42] : memref<512x32xf32, #tpu.memory_space<vmem>> -> memref<128x32xf32, #tpu.memory_space<vmem>>
    %dma_start3A_44 = arith.constant 256 : i32
    %dma_start3A_45 = tpu.memref_slice %arg9[%dma_start3A_44] : memref<512xi32, #tpu.memory_space<vmem>> -> memref<128xi32, #tpu.memory_space<vmem>>
    %dma_start3A_46 = arith.constant 0 : i32
    %dma_start3A_47 = arith.constant 0 : i32
    %dma_start3A_48 = tpu.memref_slice %arg4[%dma_start3A_46, %dma_start3A_47] : memref<100000x32xf32, #tpu.memory_space<hbm>> -> memref<100000x32xf32, #tpu.memory_space<hbm>>
    tpu.enqueue_indirect_dma source(%dma_start3A_48 : memref<100000x32xf32, #tpu.memory_space<hbm>>) target(%dma_start3A_43 : memref<128x32xf32, #tpu.memory_space<vmem>>) offsets(%dma_start3A_45 : memref<128xi32, #tpu.memory_space<vmem>>) semaphore(%arg16 : memref<!tpu.dma_semaphore, #tpu.memory_space<semaphore_mem>>)
    %dma_start3A_49 = arith.constant 256 : i32
    %dma_start3A_50 = arith.constant 0 : i32
    %dma_start3A_51 = tpu.memref_slice %arg12[%dma_start3A_49, %dma_start3A_50] : memref<512x32xf32, #tpu.memory_space<vmem>> -> memref<128x32xf32, #tpu.memory_space<vmem>>
    %dma_start3A_52 = arith.constant 256 : i32
    %dma_start3A_53 = tpu.memref_slice %arg10[%dma_start3A_52] : memref<512xi32, #tpu.memory_space<vmem>> -> memref<128xi32, #tpu.memory_space<vmem>>
    %dma_start3A_54 = arith.constant 0 : i32
    %dma_start3A_55 = arith.constant 0 : i32
    %dma_start3A_56 = tpu.memref_slice %arg5[%dma_start3A_54, %dma_start3A_55] : memref<100000x32xf32, #tpu.memory_space<hbm>> -> memref<100000x32xf32, #tpu.memory_space<hbm>>
    tpu.enqueue_indirect_dma source(%dma_start3A_56 : memref<100000x32xf32, #tpu.memory_space<hbm>>) target(%dma_start3A_51 : memref<128x32xf32, #tpu.memory_space<vmem>>) offsets(%dma_start3A_53 : memref<128xi32, #tpu.memory_space<vmem>>) semaphore(%arg16 : memref<!tpu.dma_semaphore, #tpu.memory_space<semaphore_mem>>)
    %dma_start3A_57 = arith.constant 384 : i32
    %dma_start3A_58 = arith.constant 0 : i32
    %dma_start3A_59 = tpu.memref_slice %arg11[%dma_start3A_57, %dma_start3A_58] : memref<512x32xf32, #tpu.memory_space<vmem>> -> memref<128x32xf32, #tpu.memory_space<vmem>>
    %dma_start3A_60 = arith.constant 384 : i32
    %dma_start3A_61 = tpu.memref_slice %arg9[%dma_start3A_60] : memref<512xi32, #tpu.memory_space<vmem>> -> memref<128xi32, #tpu.memory_space<vmem>>
    %dma_start3A_62 = arith.constant 0 : i32
    %dma_start3A_63 = arith.constant 0 : i32
    %dma_start3A_64 = tpu.memref_slice %arg4[%dma_start3A_62, %dma_start3A_63] : memref<100000x32xf32, #tpu.memory_space<hbm>> -> memref<100000x32xf32, #tpu.memory_space<hbm>>
    tpu.enqueue_indirect_dma source(%dma_start3A_64 : memref<100000x32xf32, #tpu.memory_space<hbm>>) target(%dma_start3A_59 : memref<128x32xf32, #tpu.memory_space<vmem>>) offsets(%dma_start3A_61 : memref<128xi32, #tpu.memory_space<vmem>>) semaphore(%arg16 : memref<!tpu.dma_semaphore, #tpu.memory_space<semaphore_mem>>)
    %dma_start3A_65 = arith.constant 384 : i32
    %dma_start3A_66 = arith.constant 0 : i32
    %dma_start3A_67 = tpu.memref_slice %arg12[%dma_start3A_65, %dma_start3A_66] : memref<512x32xf32, #tpu.memory_space<vmem>> -> memref<128x32xf32, #tpu.memory_space<vmem>>
    %dma_start3A_68 = arith.constant 384 : i32
    %dma_start3A_69 = tpu.memref_slice %arg10[%dma_start3A_68] : memref<512xi32, #tpu.memory_space<vmem>> -> memref<128xi32, #tpu.memory_space<vmem>>
    %dma_start3A_70 = arith.constant 0 : i32
    %dma_start3A_71 = arith.constant 0 : i32
    %dma_start3A_72 = tpu.memref_slice %arg5[%dma_start3A_70, %dma_start3A_71] : memref<100000x32xf32, #tpu.memory_space<hbm>> -> memref<100000x32xf32, #tpu.memory_space<hbm>>
    tpu.enqueue_indirect_dma source(%dma_start3A_72 : memref<100000x32xf32, #tpu.memory_space<hbm>>) target(%dma_start3A_67 : memref<128x32xf32, #tpu.memory_space<vmem>>) offsets(%dma_start3A_69 : memref<128xi32, #tpu.memory_space<vmem>>) semaphore(%arg16 : memref<!tpu.dma_semaphore, #tpu.memory_space<semaphore_mem>>)
    %get3A = arith.constant 0 : index
    %get3A_73 = tpu.vector_load %arg14[%get3A] {strides = array<i32>} : memref<16xf32, #tpu.memory_space<vmem>>, vector<16xf32>,
    %get3A_74 = arith.constant 0 : index
    %get3A_75 = tpu.vector_load %arg15[%get3A_74] {strides = array<i32>} : memref<16xf32, #tpu.memory_space<vmem>>, vector<16xf32>,
    %iota3A = tpu.iota {dimensions = array<i32: 0>} : vector<16xi32>
    %dma_wait3A_76 = arith.constant 0 : i32
    %dma_wait3A_77 = arith.constant 0 : i32
    %dma_wait3A_78 = tpu.memref_slice %arg11[%dma_wait3A_76, %dma_wait3A_77] : memref<512x32xf32, #tpu.memory_space<vmem>> -> memref<128x32xf32, #tpu.memory_space<vmem>>
    %dma_wait3A_79 = arith.constant 0 : i32
    %dma_wait3A_80 = tpu.memref_slice %arg9[%dma_wait3A_79] : memref<512xi32, #tpu.memory_space<vmem>> -> memref<128xi32, #tpu.memory_space<vmem>>
    %dma_wait3A_81 = arith.constant 0 : i32
    %dma_wait3A_82 = arith.constant 0 : i32
    %dma_wait3A_83 = tpu.memref_slice %arg4[%dma_wait3A_81, %dma_wait3A_82] : memref<100000x32xf32, #tpu.memory_space<hbm>> -> memref<100000x32xf32, #tpu.memory_space<hbm>>
    tpu.wait_indirect_dma semaphore(%arg16 : memref<!tpu.dma_semaphore, #tpu.memory_space<semaphore_mem>>) src(%dma_wait3A_83 : memref<100000x32xf32, #tpu.memory_space<hbm>>) dst(%dma_wait3A_78 : memref<128x32xf32, #tpu.memory_space<vmem>>)
    %dma_wait3A_84 = arith.constant 0 : i32
    %dma_wait3A_85 = arith.constant 0 : i32
    %dma_wait3A_86 = tpu.memref_slice %arg12[%dma_wait3A_84, %dma_wait3A_85] : memref<512x32xf32, #tpu.memory_space<vmem>> -> memref<128x32xf32, #tpu.memory_space<vmem>>
    %dma_wait3A_87 = arith.constant 0 : i32
    %dma_wait3A_88 = tpu.memref_slice %arg10[%dma_wait3A_87] : memref<512xi32, #tpu.memory_space<vmem>> -> memref<128xi32, #tpu.memory_space<vmem>>
    %dma_wait3A_89 = arith.constant 0 : i32
    %dma_wait3A_90 = arith.constant 0 : i32
    %dma_wait3A_91 = tpu.memref_slice %arg5[%dma_wait3A_89, %dma_wait3A_90] : memref<100000x32xf32, #tpu.memory_space<hbm>> -> memref<100000x32xf32, #tpu.memory_space<hbm>>
    tpu.wait_indirect_dma semaphore(%arg16 : memref<!tpu.dma_semaphore, #tpu.memory_space<semaphore_mem>>) src(%dma_wait3A_91 : memref<100000x32xf32, #tpu.memory_space<hbm>>) dst(%dma_wait3A_86 : memref<128x32xf32, #tpu.memory_space<vmem>>)
    %scan3A = arith.constant 0 : i32
    %scan3A_92 = arith.constant 0 : i32
    %scan3A_93 = arith.constant 8 : i32
    %scan3A_94 = arith.addi %scan3A_92, %scan3A_93 : i32
    %scan3A_95 = arith.constant 2 : i32
    scf.for %scan3A_163 = %scan3A_92 to %scan3A_94 step %scan3A_95  : i32 {
      %mul3A_164 = arith.constant 16 : i32
      %mul3A_165 = arith.muli %scan3A_163, %mul3A_164 : i32
      %add3A_166 = vector.broadcast %mul3A_165 : i32 to vector<16xi32>
      %add3A_167 = arith.addi %add3A_166, %iota3A : vector<16xi32>
      %broadcast_in_dim3A = arith.constant 0.000000e+00 : f32
      %broadcast_in_dim3A_168 = vector.broadcast %broadcast_in_dim3A : f32 to vector<16xf32>
      %broadcast_in_dim3A_169 = arith.constant 0 : i32
      %broadcast_in_dim3A_170 = vector.broadcast %broadcast_in_dim3A_169 : i32 to vector<16xi32>
      %gather3A = tpu.vector_load_idx %arg11[%add3A_167, %broadcast_in_dim3A_170] : memref<512x32xf32, #tpu.memory_space<vmem>>[vector<16xi32>, vector<16xi32>], vector<16xf32>,
      %gather3A_171 = tpu.vector_load_idx %arg12[%add3A_167, %broadcast_in_dim3A_170] : memref<512x32xf32, #tpu.memory_space<vmem>>[vector<16xi32>, vector<16xi32>], vector<16xf32>,
      %mul3A_172 = arith.mulf %gather3A, %gather3A_171 : vector<16xf32>
      %add3A_173 = arith.addf %broadcast_in_dim3A_168, %mul3A_172 : vector<16xf32>
      %broadcast_in_dim3A_174 = arith.constant 1 : i32
      %broadcast_in_dim3A_175 = vector.broadcast %broadcast_in_dim3A_174 : i32 to vector<16xi32>
      %gather3A_176 = tpu.vector_load_idx %arg11[%add3A_167, %broadcast_in_dim3A_175] : memref<512x32xf32, #tpu.memory_space<vmem>>[vector<16xi32>, vector<16xi32>], vector<16xf32>,
      %gather3A_177 = tpu.vector_load_idx %arg12[%add3A_167, %broadcast_in_dim3A_175] : memref<512x32xf32, #tpu.memory_space<vmem>>[vector<16xi32>, vector<16xi32>], vector<16xf32>,
      %mul3A_178 = arith.mulf %gather3A_176, %gather3A_177 : vector<16xf32>
      %add3A_179 = arith.addf %add3A_173, %mul3A_178 : vector<16xf32>
      %broadcast_in_dim3A_180 = arith.constant 2 : i32
      %broadcast_in_dim3A_181 = vector.broadcast %broadcast_in_dim3A_180 : i32 to vector<16xi32>
      %gather3A_182 = tpu.vector_load_idx %arg11[%add3A_167, %broadcast_in_dim3A_181] : memref<512x32xf32, #tpu.memory_space<vmem>>[vector<16xi32>, vector<16xi32>], vector<16xf32>,
      %gather3A_183 = tpu.vector_load_idx %arg12[%add3A_167, %broadcast_in_dim3A_181] : memref<512x32xf32, #tpu.memory_space<vmem>>[vector<16xi32>, vector<16xi32>], vector<16xf32>,
      %mul3A_184 = arith.mulf %gather3A_182, %gather3A_183 : vector<16xf32>
      %add3A_185 = arith.addf %add3A_179, %mul3A_184 : vector<16xf32>
      %broadcast_in_dim3A_186 = arith.constant 3 : i32
      %broadcast_in_dim3A_187 = vector.broadcast %broadcast_in_dim3A_186 : i32 to vector<16xi32>
      %gather3A_188 = tpu.vector_load_idx %arg11[%add3A_167, %broadcast_in_dim3A_187] : memref<512x32xf32, #tpu.memory_space<vmem>>[vector<16xi32>, vector<16xi32>], vector<16xf32>,
      %gather3A_189 = tpu.vector_load_idx %arg12[%add3A_167, %broadcast_in_dim3A_187] : memref<512x32xf32, #tpu.memory_space<vmem>>[vector<16xi32>, vector<16xi32>], vector<16xf32>,
      %mul3A_190 = arith.mulf %gather3A_188, %gather3A_189 : vector<16xf32>
      %add3A_191 = arith.addf %add3A_185, %mul3A_190 : vector<16xf32>
      %broadcast_in_dim3A_192 = arith.constant 4 : i32
      %broadcast_in_dim3A_193 = vector.broadcast %broadcast_in_dim3A_192 : i32 to vector<16xi32>
      %gather3A_194 = tpu.vector_load_idx %arg11[%add3A_167, %broadcast_in_dim3A_193] : memref<512x32xf32, #tpu.memory_space<vmem>>[vector<16xi32>, vector<16xi32>], vector<16xf32>,
      %gather3A_195 = tpu.vector_load_idx %arg12[%add3A_167, %broadcast_in_dim3A_193] : memref<512x32xf32, #tpu.memory_space<vmem>>[vector<16xi32>, vector<16xi32>], vector<16xf32>,
      %mul3A_196 = arith.mulf %gather3A_194, %gather3A_195 : vector<16xf32>
      %add3A_197 = arith.addf %add3A_191, %mul3A_196 : vector<16xf32>
      %broadcast_in_dim3A_198 = arith.constant 5 : i32
      %broadcast_in_dim3A_199 = vector.broadcast %broadcast_in_dim3A_198 : i32 to vector<16xi32>
      %gather3A_200 = tpu.vector_load_idx %arg11[%add3A_167, %broadcast_in_dim3A_199] : memref<512x32xf32, #tpu.memory_space<vmem>>[vector<16xi32>, vector<16xi32>], vector<16xf32>,
      %gather3A_201 = tpu.vector_load_idx %arg12[%add3A_167, %broadcast_in_dim3A_199] : memref<512x32xf32, #tpu.memory_space<vmem>>[vector<16xi32>, vector<16xi32>], vector<16xf32>,
      %mul3A_202 = arith.mulf %gather3A_200, %gather3A_201 : vector<16xf32>
      %add3A_203 = arith.addf %add3A_197, %mul3A_202 : vector<16xf32>
      %broadcast_in_dim3A_204 = arith.constant 6 : i32
      %broadcast_in_dim3A_205 = vector.broadcast %broadcast_in_dim3A_204 : i32 to vector<16xi32>
      %gather3A_206 = tpu.vector_load_idx %arg11[%add3A_167, %broadcast_in_dim3A_205] : memref<512x32xf32, #tpu.memory_space<vmem>>[vector<16xi32>, vector<16xi32>], vector<16xf32>,
      %gather3A_207 = tpu.vector_load_idx %arg12[%add3A_167, %broadcast_in_dim3A_205] : memref<512x32xf32, #tpu.memory_space<vmem>>[vector<16xi32>, vector<16xi32>], vector<16xf32>,
      %mul3A_208 = arith.mulf %gather3A_206, %gather3A_207 : vector<16xf32>
      %add3A_209 = arith.addf %add3A_203, %mul3A_208 : vector<16xf32>
      %broadcast_in_dim3A_210 = arith.constant 7 : i32
      %broadcast_in_dim3A_211 = vector.broadcast %broadcast_in_dim3A_210 : i32 to vector<16xi32>
      %gather3A_212 = tpu.vector_load_idx %arg11[%add3A_167, %broadcast_in_dim3A_211] : memref<512x32xf32, #tpu.memory_space<vmem>>[vector<16xi32>, vector<16xi32>], vector<16xf32>,
      %gather3A_213 = tpu.vector_load_idx %arg12[%add3A_167, %broadcast_in_dim3A_211] : memref<512x32xf32, #tpu.memory_space<vmem>>[vector<16xi32>, vector<16xi32>], vector<16xf32>,
      %mul3A_214 = arith.mulf %gather3A_212, %gather3A_213 : vector<16xf32>
      %add3A_215 = arith.addf %add3A_209, %mul3A_214 : vector<16xf32>
      %broadcast_in_dim3A_216 = arith.constant 8 : i32
      %broadcast_in_dim3A_217 = vector.broadcast %broadcast_in_dim3A_216 : i32 to vector<16xi32>
      %gather3A_218 = tpu.vector_load_idx %arg11[%add3A_167, %broadcast_in_dim3A_217] : memref<512x32xf32, #tpu.memory_space<vmem>>[vector<16xi32>, vector<16xi32>], vector<16xf32>,
      %gather3A_219 = tpu.vector_load_idx %arg12[%add3A_167, %broadcast_in_dim3A_217] : memref<512x32xf32, #tpu.memory_space<vmem>>[vector<16xi32>, vector<16xi32>], vector<16xf32>,
      %mul3A_220 = arith.mulf %gather3A_218, %gather3A_219 : vector<16xf32>
      %add3A_221 = arith.addf %add3A_215, %mul3A_220 : vector<16xf32>
      %broadcast_in_dim3A_222 = arith.constant 9 : i32
      %broadcast_in_dim3A_223 = vector.broadcast %broadcast_in_dim3A_222 : i32 to vector<16xi32>
      %gather3A_224 = tpu.vector_load_idx %arg11[%add3A_167, %broadcast_in_dim3A_223] : memref<512x32xf32, #tpu.memory_space<vmem>>[vector<16xi32>, vector<16xi32>], vector<16xf32>,
      %gather3A_225 = tpu.vector_load_idx %arg12[%add3A_167, %broadcast_in_dim3A_223] : memref<512x32xf32, #tpu.memory_space<vmem>>[vector<16xi32>, vector<16xi32>], vector<16xf32>,
      %mul3A_226 = arith.mulf %gather3A_224, %gather3A_225 : vector<16xf32>
      %add3A_227 = arith.addf %add3A_221, %mul3A_226 : vector<16xf32>
      %broadcast_in_dim3A_228 = arith.constant 10 : i32
      %broadcast_in_dim3A_229 = vector.broadcast %broadcast_in_dim3A_228 : i32 to vector<16xi32>
      %gather3A_230 = tpu.vector_load_idx %arg11[%add3A_167, %broadcast_in_dim3A_229] : memref<512x32xf32, #tpu.memory_space<vmem>>[vector<16xi32>, vector<16xi32>], vector<16xf32>,
      %gather3A_231 = tpu.vector_load_idx %arg12[%add3A_167, %broadcast_in_dim3A_229] : memref<512x32xf32, #tpu.memory_space<vmem>>[vector<16xi32>, vector<16xi32>], vector<16xf32>,
      %mul3A_232 = arith.mulf %gather3A_230, %gather3A_231 : vector<16xf32>
      %add3A_233 = arith.addf %add3A_227, %mul3A_232 : vector<16xf32>
      %broadcast_in_dim3A_234 = arith.constant 11 : i32
      %broadcast_in_dim3A_235 = vector.broadcast %broadcast_in_dim3A_234 : i32 to vector<16xi32>
      %gather3A_236 = tpu.vector_load_idx %arg11[%add3A_167, %broadcast_in_dim3A_235] : memref<512x32xf32, #tpu.memory_space<vmem>>[vector<16xi32>, vector<16xi32>], vector<16xf32>,
      %gather3A_237 = tpu.vector_load_idx %arg12[%add3A_167, %broadcast_in_dim3A_235] : memref<512x32xf32, #tpu.memory_space<vmem>>[vector<16xi32>, vector<16xi32>], vector<16xf32>,
      %mul3A_238 = arith.mulf %gather3A_236, %gather3A_237 : vector<16xf32>
      %add3A_239 = arith.addf %add3A_233, %mul3A_238 : vector<16xf32>
      %broadcast_in_dim3A_240 = arith.constant 12 : i32
      %broadcast_in_dim3A_241 = vector.broadcast %broadcast_in_dim3A_240 : i32 to vector<16xi32>
      %gather3A_242 = tpu.vector_load_idx %arg11[%add3A_167, %broadcast_in_dim3A_241] : memref<512x32xf32, #tpu.memory_space<vmem>>[vector<16xi32>, vector<16xi32>], vector<16xf32>,
      %gather3A_243 = tpu.vector_load_idx %arg12[%add3A_167, %broadcast_in_dim3A_241] : memref<512x32xf32, #tpu.memory_space<vmem>>[vector<16xi32>, vector<16xi32>], vector<16xf32>,
      %mul3A_244 = arith.mulf %gather3A_242, %gather3A_243 : vector<16xf32>
      %add3A_245 = arith.addf %add3A_239, %mul3A_244 : vector<16xf32>
      %broadcast_in_dim3A_246 = arith.constant 13 : i32
      %broadcast_in_dim3A_247 = vector.broadcast %broadcast_in_dim3A_246 : i32 to vector<16xi32>
      %gather3A_248 = tpu.vector_load_idx %arg11[%add3A_167, %broadcast_in_dim3A_247] : memref<512x32xf32, #tpu.memory_space<vmem>>[vector<16xi32>, vector<16xi32>], vector<16xf32>,
      %gather3A_249 = tpu.vector_load_idx %arg12[%add3A_167, %broadcast_in_dim3A_247] : memref<512x32xf32, #tpu.memory_space<vmem>>[vector<16xi32>, vector<16xi32>], vector<16xf32>,
      %mul3A_250 = arith.mulf %gather3A_248, %gather3A_249 : vector<16xf32>
      %add3A_251 = arith.addf %add3A_245, %mul3A_250 : vector<16xf32>
      %broadcast_in_dim3A_252 = arith.constant 14 : i32
      %broadcast_in_dim3A_253 = vector.broadcast %broadcast_in_dim3A_252 : i32 to vector<16xi32>
      %gather3A_254 = tpu.vector_load_idx %arg11[%add3A_167, %broadcast_in_dim3A_253] : memref<512x32xf32, #tpu.memory_space<vmem>>[vector<16xi32>, vector<16xi32>], vector<16xf32>,
      %gather3A_255 = tpu.vector_load_idx %arg12[%add3A_167, %broadcast_in_dim3A_253] : memref<512x32xf32, #tpu.memory_space<vmem>>[vector<16xi32>, vector<16xi32>], vector<16xf32>,
      %mul3A_256 = arith.mulf %gather3A_254, %gather3A_255 : vector<16xf32>
      %add3A_257 = arith.addf %add3A_251, %mul3A_256 : vector<16xf32>
      %broadcast_in_dim3A_258 = arith.constant 15 : i32
      %broadcast_in_dim3A_259 = vector.broadcast %broadcast_in_dim3A_258 : i32 to vector<16xi32>
      %gather3A_260 = tpu.vector_load_idx %arg11[%add3A_167, %broadcast_in_dim3A_259] : memref<512x32xf32, #tpu.memory_space<vmem>>[vector<16xi32>, vector<16xi32>], vector<16xf32>,
      %gather3A_261 = tpu.vector_load_idx %arg12[%add3A_167, %broadcast_in_dim3A_259] : memref<512x32xf32, #tpu.memory_space<vmem>>[vector<16xi32>, vector<16xi32>], vector<16xf32>,
      %mul3A_262 = arith.mulf %gather3A_260, %gather3A_261 : vector<16xf32>
      %add3A_263 = arith.addf %add3A_257, %mul3A_262 : vector<16xf32>
      %broadcast_in_dim3A_264 = arith.constant 16 : i32
      %broadcast_in_dim3A_265 = vector.broadcast %broadcast_in_dim3A_264 : i32 to vector<16xi32>
      %gather3A_266 = tpu.vector_load_idx %arg11[%add3A_167, %broadcast_in_dim3A_265] : memref<512x32xf32, #tpu.memory_space<vmem>>[vector<16xi32>, vector<16xi32>], vector<16xf32>,
      %gather3A_267 = tpu.vector_load_idx %arg12[%add3A_167, %broadcast_in_dim3A_265] : memref<512x32xf32, #tpu.memory_space<vmem>>[vector<16xi32>, vector<16xi32>], vector<16xf32>,
      %mul3A_268 = arith.mulf %gather3A_266, %gather3A_267 : vector<16xf32>
      %add3A_269 = arith.addf %add3A_263, %mul3A_268 : vector<16xf32>
      %broadcast_in_dim3A_270 = arith.constant 17 : i32
      %broadcast_in_dim3A_271 = vector.broadcast %broadcast_in_dim3A_270 : i32 to vector<16xi32>
      %gather3A_272 = tpu.vector_load_idx %arg11[%add3A_167, %broadcast_in_dim3A_271] : memref<512x32xf32, #tpu.memory_space<vmem>>[vector<16xi32>, vector<16xi32>], vector<16xf32>,
      %gather3A_273 = tpu.vector_load_idx %arg12[%add3A_167, %broadcast_in_dim3A_271] : memref<512x32xf32, #tpu.memory_space<vmem>>[vector<16xi32>, vector<16xi32>], vector<16xf32>,
      %mul3A_274 = arith.mulf %gather3A_272, %gather3A_273 : vector<16xf32>
      %add3A_275 = arith.addf %add3A_269, %mul3A_274 : vector<16xf32>
      %broadcast_in_dim3A_276 = arith.constant 18 : i32
      %broadcast_in_dim3A_277 = vector.broadcast %broadcast_in_dim3A_276 : i32 to vector<16xi32>
      %gather3A_278 = tpu.vector_load_idx %arg11[%add3A_167, %broadcast_in_dim3A_277] : memref<512x32xf32, #tpu.memory_space<vmem>>[vector<16xi32>, vector<16xi32>], vector<16xf32>,
      %gather3A_279 = tpu.vector_load_idx %arg12[%add3A_167, %broadcast_in_dim3A_277] : memref<512x32xf32, #tpu.memory_space<vmem>>[vector<16xi32>, vector<16xi32>], vector<16xf32>,
      %mul3A_280 = arith.mulf %gather3A_278, %gather3A_279 : vector<16xf32>
      %add3A_281 = arith.addf %add3A_275, %mul3A_280 : vector<16xf32>
      %broadcast_in_dim3A_282 = arith.constant 19 : i32
      %broadcast_in_dim3A_283 = vector.broadcast %broadcast_in_dim3A_282 : i32 to vector<16xi32>
      %gather3A_284 = tpu.vector_load_idx %arg11[%add3A_167, %broadcast_in_dim3A_283] : memref<512x32xf32, #tpu.memory_space<vmem>>[vector<16xi32>, vector<16xi32>], vector<16xf32>,
      %gather3A_285 = tpu.vector_load_idx %arg12[%add3A_167, %broadcast_in_dim3A_283] : memref<512x32xf32, #tpu.memory_space<vmem>>[vector<16xi32>, vector<16xi32>], vector<16xf32>,
      %mul3A_286 = arith.mulf %gather3A_284, %gather3A_285 : vector<16xf32>
      %add3A_287 = arith.addf %add3A_281, %mul3A_286 : vector<16xf32>
      %broadcast_in_dim3A_288 = arith.constant 20 : i32
      %broadcast_in_dim3A_289 = vector.broadcast %broadcast_in_dim3A_288 : i32 to vector<16xi32>
      %gather3A_290 = tpu.vector_load_idx %arg11[%add3A_167, %broadcast_in_dim3A_289] : memref<512x32xf32, #tpu.memory_space<vmem>>[vector<16xi32>, vector<16xi32>], vector<16xf32>,
      %gather3A_291 = tpu.vector_load_idx %arg12[%add3A_167, %broadcast_in_dim3A_289] : memref<512x32xf32, #tpu.memory_space<vmem>>[vector<16xi32>, vector<16xi32>], vector<16xf32>,
      %mul3A_292 = arith.mulf %gather3A_290, %gather3A_291 : vector<16xf32>
      %add3A_293 = arith.addf %add3A_287, %mul3A_292 : vector<16xf32>
      %broadcast_in_dim3A_294 = arith.constant 21 : i32
      %broadcast_in_dim3A_295 = vector.broadcast %broadcast_in_dim3A_294 : i32 to vector<16xi32>
      %gather3A_296 = tpu.vector_load_idx %arg11[%add3A_167, %broadcast_in_dim3A_295] : memref<512x32xf32, #tpu.memory_space<vmem>>[vector<16xi32>, vector<16xi32>], vector<16xf32>,
      %gather3A_297 = tpu.vector_load_idx %arg12[%add3A_167, %broadcast_in_dim3A_295] : memref<512x32xf32, #tpu.memory_space<vmem>>[vector<16xi32>, vector<16xi32>], vector<16xf32>,
      %mul3A_298 = arith.mulf %gather3A_296, %gather3A_297 : vector<16xf32>
      %add3A_299 = arith.addf %add3A_293, %mul3A_298 : vector<16xf32>
      %broadcast_in_dim3A_300 = arith.constant 22 : i32
      %broadcast_in_dim3A_301 = vector.broadcast %broadcast_in_dim3A_300 : i32 to vector<16xi32>
      %gather3A_302 = tpu.vector_load_idx %arg11[%add3A_167, %broadcast_in_dim3A_301] : memref<512x32xf32, #tpu.memory_space<vmem>>[vector<16xi32>, vector<16xi32>], vector<16xf32>,
      %gather3A_303 = tpu.vector_load_idx %arg12[%add3A_167, %broadcast_in_dim3A_301] : memref<512x32xf32, #tpu.memory_space<vmem>>[vector<16xi32>, vector<16xi32>], vector<16xf32>,
      %mul3A_304 = arith.mulf %gather3A_302, %gather3A_303 : vector<16xf32>
      %add3A_305 = arith.addf %add3A_299, %mul3A_304 : vector<16xf32>
      %broadcast_in_dim3A_306 = arith.constant 23 : i32
      %broadcast_in_dim3A_307 = vector.broadcast %broadcast_in_dim3A_306 : i32 to vector<16xi32>
      %gather3A_308 = tpu.vector_load_idx %arg11[%add3A_167, %broadcast_in_dim3A_307] : memref<512x32xf32, #tpu.memory_space<vmem>>[vector<16xi32>, vector<16xi32>], vector<16xf32>,
      %gather3A_309 = tpu.vector_load_idx %arg12[%add3A_167, %broadcast_in_dim3A_307] : memref<512x32xf32, #tpu.memory_space<vmem>>[vector<16xi32>, vector<16xi32>], vector<16xf32>,
      %mul3A_310 = arith.mulf %gather3A_308, %gather3A_309 : vector<16xf32>
      %add3A_311 = arith.addf %add3A_305, %mul3A_310 : vector<16xf32>
      %broadcast_in_dim3A_312 = arith.constant 24 : i32
      %broadcast_in_dim3A_313 = vector.broadcast %broadcast_in_dim3A_312 : i32 to vector<16xi32>
      %gather3A_314 = tpu.vector_load_idx %arg11[%add3A_167, %broadcast_in_dim3A_313] : memref<512x32xf32, #tpu.memory_space<vmem>>[vector<16xi32>, vector<16xi32>], vector<16xf32>,
      %gather3A_315 = tpu.vector_load_idx %arg12[%add3A_167, %broadcast_in_dim3A_313] : memref<512x32xf32, #tpu.memory_space<vmem>>[vector<16xi32>, vector<16xi32>], vector<16xf32>,
      %mul3A_316 = arith.mulf %gather3A_314, %gather3A_315 : vector<16xf32>
      %add3A_317 = arith.addf %add3A_311, %mul3A_316 : vector<16xf32>
      %broadcast_in_dim3A_318 = arith.constant 25 : i32
      %broadcast_in_dim3A_319 = vector.broadcast %broadcast_in_dim3A_318 : i32 to vector<16xi32>
      %gather3A_320 = tpu.vector_load_idx %arg11[%add3A_167, %broadcast_in_dim3A_319] : memref<512x32xf32, #tpu.memory_space<vmem>>[vector<16xi32>, vector<16xi32>], vector<16xf32>,
      %gather3A_321 = tpu.vector_load_idx %arg12[%add3A_167, %broadcast_in_dim3A_319] : memref<512x32xf32, #tpu.memory_space<vmem>>[vector<16xi32>, vector<16xi32>], vector<16xf32>,
      %mul3A_322 = arith.mulf %gather3A_320, %gather3A_321 : vector<16xf32>
      %add3A_323 = arith.addf %add3A_317, %mul3A_322 : vector<16xf32>
      %broadcast_in_dim3A_324 = arith.constant 26 : i32
      %broadcast_in_dim3A_325 = vector.broadcast %broadcast_in_dim3A_324 : i32 to vector<16xi32>
      %gather3A_326 = tpu.vector_load_idx %arg11[%add3A_167, %broadcast_in_dim3A_325] : memref<512x32xf32, #tpu.memory_space<vmem>>[vector<16xi32>, vector<16xi32>], vector<16xf32>,
      %gather3A_327 = tpu.vector_load_idx %arg12[%add3A_167, %broadcast_in_dim3A_325] : memref<512x32xf32, #tpu.memory_space<vmem>>[vector<16xi32>, vector<16xi32>], vector<16xf32>,
      %mul3A_328 = arith.mulf %gather3A_326, %gather3A_327 : vector<16xf32>
      %add3A_329 = arith.addf %add3A_323, %mul3A_328 : vector<16xf32>
      %broadcast_in_dim3A_330 = arith.constant 27 : i32
      %broadcast_in_dim3A_331 = vector.broadcast %broadcast_in_dim3A_330 : i32 to vector<16xi32>
      %gather3A_332 = tpu.vector_load_idx %arg11[%add3A_167, %broadcast_in_dim3A_331] : memref<512x32xf32, #tpu.memory_space<vmem>>[vector<16xi32>, vector<16xi32>], vector<16xf32>,
      %gather3A_333 = tpu.vector_load_idx %arg12[%add3A_167, %broadcast_in_dim3A_331] : memref<512x32xf32, #tpu.memory_space<vmem>>[vector<16xi32>, vector<16xi32>], vector<16xf32>,
      %mul3A_334 = arith.mulf %gather3A_332, %gather3A_333 : vector<16xf32>
      %add3A_335 = arith.addf %add3A_329, %mul3A_334 : vector<16xf32>
      %broadcast_in_dim3A_336 = arith.constant 28 : i32
      %broadcast_in_dim3A_337 = vector.broadcast %broadcast_in_dim3A_336 : i32 to vector<16xi32>
      %gather3A_338 = tpu.vector_load_idx %arg11[%add3A_167, %broadcast_in_dim3A_337] : memref<512x32xf32, #tpu.memory_space<vmem>>[vector<16xi32>, vector<16xi32>], vector<16xf32>,
      %gather3A_339 = tpu.vector_load_idx %arg12[%add3A_167, %broadcast_in_dim3A_337] : memref<512x32xf32, #tpu.memory_space<vmem>>[vector<16xi32>, vector<16xi32>], vector<16xf32>,
      %mul3A_340 = arith.mulf %gather3A_338, %gather3A_339 : vector<16xf32>
      %add3A_341 = arith.addf %add3A_335, %mul3A_340 : vector<16xf32>
      %broadcast_in_dim3A_342 = arith.constant 29 : i32
      %broadcast_in_dim3A_343 = vector.broadcast %broadcast_in_dim3A_342 : i32 to vector<16xi32>
      %gather3A_344 = tpu.vector_load_idx %arg11[%add3A_167, %broadcast_in_dim3A_343] : memref<512x32xf32, #tpu.memory_space<vmem>>[vector<16xi32>, vector<16xi32>], vector<16xf32>,
      %gather3A_345 = tpu.vector_load_idx %arg12[%add3A_167, %broadcast_in_dim3A_343] : memref<512x32xf32, #tpu.memory_space<vmem>>[vector<16xi32>, vector<16xi32>], vector<16xf32>,
      %mul3A_346 = arith.mulf %gather3A_344, %gather3A_345 : vector<16xf32>
      %add3A_347 = arith.addf %add3A_341, %mul3A_346 : vector<16xf32>
      %broadcast_in_dim3A_348 = arith.constant 30 : i32
      %broadcast_in_dim3A_349 = vector.broadcast %broadcast_in_dim3A_348 : i32 to vector<16xi32>
      %gather3A_350 = tpu.vector_load_idx %arg11[%add3A_167, %broadcast_in_dim3A_349] : memref<512x32xf32, #tpu.memory_space<vmem>>[vector<16xi32>, vector<16xi32>], vector<16xf32>,
      %gather3A_351 = tpu.vector_load_idx %arg12[%add3A_167, %broadcast_in_dim3A_349] : memref<512x32xf32, #tpu.memory_space<vmem>>[vector<16xi32>, vector<16xi32>], vector<16xf32>,
      %mul3A_352 = arith.mulf %gather3A_350, %gather3A_351 : vector<16xf32>
      %add3A_353 = arith.addf %add3A_347, %mul3A_352 : vector<16xf32>
      %broadcast_in_dim3A_354 = arith.constant 31 : i32
      %broadcast_in_dim3A_355 = vector.broadcast %broadcast_in_dim3A_354 : i32 to vector<16xi32>
      %gather3A_356 = tpu.vector_load_idx %arg11[%add3A_167, %broadcast_in_dim3A_355] : memref<512x32xf32, #tpu.memory_space<vmem>>[vector<16xi32>, vector<16xi32>], vector<16xf32>,
      %gather3A_357 = tpu.vector_load_idx %arg12[%add3A_167, %broadcast_in_dim3A_355] : memref<512x32xf32, #tpu.memory_space<vmem>>[vector<16xi32>, vector<16xi32>], vector<16xf32>,
      %mul3A_358 = arith.mulf %gather3A_356, %gather3A_357 : vector<16xf32>
      %add3A_359 = arith.addf %add3A_353, %mul3A_358 : vector<16xf32>
      %mul3A_360 = arith.mulf %add3A_359, %get3A_73 : vector<16xf32>
      %add3A_361 = arith.addf %mul3A_360, %get3A_75 : vector<16xf32>
      %neg3A = arith.constant 0.000000e+00 : f32
      %neg3A_362 = vector.broadcast %neg3A : f32 to vector<16xf32>
      %neg3A_363 = arith.subf %neg3A_362, %add3A_361 : vector<16xf32>
      %exp3A = math.exp %neg3A_363 : vector<16xf32>
      %add3A_364 = arith.constant 1.000000e+00 : f32
      %add3A_365 = vector.broadcast %add3A_364 : f32 to vector<16xf32>
      %add3A_366 = arith.addf %add3A_365, %exp3A : vector<16xf32>
      %div3A = arith.constant 1.000000e+00 : f32
      %div3A_367 = vector.broadcast %div3A : f32 to vector<16xf32>
      %div3A_368 = arith.divf %div3A_367, %add3A_366 : vector<16xf32>
      %mul3A_369 = arith.constant 16 : i32
      %mul3A_370 = arith.muli %scan3A_163, %mul3A_369 : i32
      %swap3A = arith.index_cast %mul3A_370 : i32 to index
      %swap3A_371 = tpu.vector_load %arg13[%swap3A] {strides = array<i32>} : memref<512xf32, #tpu.memory_space<vmem>>, vector<16xf32>,
      tpu.vector_store %arg13[%swap3A], %div3A_368 {strides = array<i32>} : memref<512xf32, #tpu.memory_space<vmem>>, vector<16xf32>,
      %scan3A_372 = arith.constant 1 : i32
      %scan3A_373 = arith.addi %scan3A_163, %scan3A_372 : i32
      %mul3A_374 = arith.constant 16 : i32
      %mul3A_375 = arith.muli %scan3A_373, %mul3A_374 : i32
      %add3A_376 = vector.broadcast %mul3A_375 : i32 to vector<16xi32>
      %add3A_377 = arith.addi %add3A_376, %iota3A : vector<16xi32>
      %broadcast_in_dim3A_378 = arith.constant 0.000000e+00 : f32
      %broadcast_in_dim3A_379 = vector.broadcast %broadcast_in_dim3A_378 : f32 to vector<16xf32>
      %broadcast_in_dim3A_380 = arith.constant 0 : i32
      %broadcast_in_dim3A_381 = vector.broadcast %broadcast_in_dim3A_380 : i32 to vector<16xi32>
      %gather3A_382 = tpu.vector_load_idx %arg11[%add3A_377, %broadcast_in_dim3A_381] : memref<512x32xf32, #tpu.memory_space<vmem>>[vector<16xi32>, vector<16xi32>], vector<16xf32>,
      %gather3A_383 = tpu.vector_load_idx %arg12[%add3A_377, %broadcast_in_dim3A_381] : memref<512x32xf32, #tpu.memory_space<vmem>>[vector<16xi32>, vector<16xi32>], vector<16xf32>,
      %mul3A_384 = arith.mulf %gather3A_382, %gather3A_383 : vector<16xf32>
      %add3A_385 = arith.addf %broadcast_in_dim3A_379, %mul3A_384 : vector<16xf32>
      %broadcast_in_dim3A_386 = arith.constant 1 : i32
      %broadcast_in_dim3A_387 = vector.broadcast %broadcast_in_dim3A_386 : i32 to vector<16xi32>
      %gather3A_388 = tpu.vector_load_idx %arg11[%add3A_377, %broadcast_in_dim3A_387] : memref<512x32xf32, #tpu.memory_space<vmem>>[vector<16xi32>, vector<16xi32>], vector<16xf32>,
      %gather3A_389 = tpu.vector_load_idx %arg12[%add3A_377, %broadcast_in_dim3A_387] : memref<512x32xf32, #tpu.memory_space<vmem>>[vector<16xi32>, vector<16xi32>], vector<16xf32>,
      %mul3A_390 = arith.mulf %gather3A_388, %gather3A_389 : vector<16xf32>
      %add3A_391 = arith.addf %add3A_385, %mul3A_390 : vector<16xf32>
      %broadcast_in_dim3A_392 = arith.constant 2 : i32
      %broadcast_in_dim3A_393 = vector.broadcast %broadcast_in_dim3A_392 : i32 to vector<16xi32>
      %gather3A_394 = tpu.vector_load_idx %arg11[%add3A_377, %broadcast_in_dim3A_393] : memref<512x32xf32, #tpu.memory_space<vmem>>[vector<16xi32>, vector<16xi32>], vector<16xf32>,
      %gather3A_395 = tpu.vector_load_idx %arg12[%add3A_377, %broadcast_in_dim3A_393] : memref<512x32xf32, #tpu.memory_space<vmem>>[vector<16xi32>, vector<16xi32>], vector<16xf32>,
      %mul3A_396 = arith.mulf %gather3A_394, %gather3A_395 : vector<16xf32>
      %add3A_397 = arith.addf %add3A_391, %mul3A_396 : vector<16xf32>
      %broadcast_in_dim3A_398 = arith.constant 3 : i32
      %broadcast_in_dim3A_399 = vector.broadcast %broadcast_in_dim3A_398 : i32 to vector<16xi32>
      %gather3A_400 = tpu.vector_load_idx %arg11[%add3A_377, %broadcast_in_dim3A_399] : memref<512x32xf32, #tpu.memory_space<vmem>>[vector<16xi32>, vector<16xi32>], vector<16xf32>,
      %gather3A_401 = tpu.vector_load_idx %arg12[%add3A_377, %broadcast_in_dim3A_399] : memref<512x32xf32, #tpu.memory_space<vmem>>[vector<16xi32>, vector<16xi32>], vector<16xf32>,
      %mul3A_402 = arith.mulf %gather3A_400, %gather3A_401 : vector<16xf32>
      %add3A_403 = arith.addf %add3A_397, %mul3A_402 : vector<16xf32>
      %broadcast_in_dim3A_404 = arith.constant 4 : i32
      %broadcast_in_dim3A_405 = vector.broadcast %broadcast_in_dim3A_404 : i32 to vector<16xi32>
      %gather3A_406 = tpu.vector_load_idx %arg11[%add3A_377, %broadcast_in_dim3A_405] : memref<512x32xf32, #tpu.memory_space<vmem>>[vector<16xi32>, vector<16xi32>], vector<16xf32>,
      %gather3A_407 = tpu.vector_load_idx %arg12[%add3A_377, %broadcast_in_dim3A_405] : memref<512x32xf32, #tpu.memory_space<vmem>>[vector<16xi32>, vector<16xi32>], vector<16xf32>,
      %mul3A_408 = arith.mulf %gather3A_406, %gather3A_407 : vector<16xf32>
      %add3A_409 = arith.addf %add3A_403, %mul3A_408 : vector<16xf32>
      %broadcast_in_dim3A_410 = arith.constant 5 : i32
      %broadcast_in_dim3A_411 = vector.broadcast %broadcast_in_dim3A_410 : i32 to vector<16xi32>
      %gather3A_412 = tpu.vector_load_idx %arg11[%add3A_377, %broadcast_in_dim3A_411] : memref<512x32xf32, #tpu.memory_space<vmem>>[vector<16xi32>, vector<16xi32>], vector<16xf32>,
      %gather3A_413 = tpu.vector_load_idx %arg12[%add3A_377, %broadcast_in_dim3A_411] : memref<512x32xf32, #tpu.memory_space<vmem>>[vector<16xi32>, vector<16xi32>], vector<16xf32>,
      %mul3A_414 = arith.mulf %gather3A_412, %gather3A_413 : vector<16xf32>
      %add3A_415 = arith.addf %add3A_409, %mul3A_414 : vector<16xf32>
      %broadcast_in_dim3A_416 = arith.constant 6 : i32
      %broadcast_in_dim3A_417 = vector.broadcast %broadcast_in_dim3A_416 : i32 to vector<16xi32>
      %gather3A_418 = tpu.vector_load_idx %arg11[%add3A_377, %broadcast_in_dim3A_417] : memref<512x32xf32, #tpu.memory_space<vmem>>[vector<16xi32>, vector<16xi32>], vector<16xf32>,
      %gather3A_419 = tpu.vector_load_idx %arg12[%add3A_377, %broadcast_in_dim3A_417] : memref<512x32xf32, #tpu.memory_space<vmem>>[vector<16xi32>, vector<16xi32>], vector<16xf32>,
      %mul3A_420 = arith.mulf %gather3A_418, %gather3A_419 : vector<16xf32>
      %add3A_421 = arith.addf %add3A_415, %mul3A_420 : vector<16xf32>
      %broadcast_in_dim3A_422 = arith.constant 7 : i32
      %broadcast_in_dim3A_423 = vector.broadcast %broadcast_in_dim3A_422 : i32 to vector<16xi32>
      %gather3A_424 = tpu.vector_load_idx %arg11[%add3A_377, %broadcast_in_dim3A_423] : memref<512x32xf32, #tpu.memory_space<vmem>>[vector<16xi32>, vector<16xi32>], vector<16xf32>,
      %gather3A_425 = tpu.vector_load_idx %arg12[%add3A_377, %broadcast_in_dim3A_423] : memref<512x32xf32, #tpu.memory_space<vmem>>[vector<16xi32>, vector<16xi32>], vector<16xf32>,
      %mul3A_426 = arith.mulf %gather3A_424, %gather3A_425 : vector<16xf32>
      %add3A_427 = arith.addf %add3A_421, %mul3A_426 : vector<16xf32>
      %broadcast_in_dim3A_428 = arith.constant 8 : i32
      %broadcast_in_dim3A_429 = vector.broadcast %broadcast_in_dim3A_428 : i32 to vector<16xi32>
      %gather3A_430 = tpu.vector_load_idx %arg11[%add3A_377, %broadcast_in_dim3A_429] : memref<512x32xf32, #tpu.memory_space<vmem>>[vector<16xi32>, vector<16xi32>], vector<16xf32>,
      %gather3A_431 = tpu.vector_load_idx %arg12[%add3A_377, %broadcast_in_dim3A_429] : memref<512x32xf32, #tpu.memory_space<vmem>>[vector<16xi32>, vector<16xi32>], vector<16xf32>,
      %mul3A_432 = arith.mulf %gather3A_430, %gather3A_431 : vector<16xf32>
      %add3A_433 = arith.addf %add3A_427, %mul3A_432 : vector<16xf32>
      %broadcast_in_dim3A_434 = arith.constant 9 : i32
      %broadcast_in_dim3A_435 = vector.broadcast %broadcast_in_dim3A_434 : i32 to vector<16xi32>
      %gather3A_436 = tpu.vector_load_idx %arg11[%add3A_377, %broadcast_in_dim3A_435] : memref<512x32xf32, #tpu.memory_space<vmem>>[vector<16xi32>, vector<16xi32>], vector<16xf32>,
      %gather3A_437 = tpu.vector_load_idx %arg12[%add3A_377, %broadcast_in_dim3A_435] : memref<512x32xf32, #tpu.memory_space<vmem>>[vector<16xi32>, vector<16xi32>], vector<16xf32>,
      %mul3A_438 = arith.mulf %gather3A_436, %gather3A_437 : vector<16xf32>
      %add3A_439 = arith.addf %add3A_433, %mul3A_438 : vector<16xf32>
      %broadcast_in_dim3A_440 = arith.constant 10 : i32
      %broadcast_in_dim3A_441 = vector.broadcast %broadcast_in_dim3A_440 : i32 to vector<16xi32>
      %gather3A_442 = tpu.vector_load_idx %arg11[%add3A_377, %broadcast_in_dim3A_441] : memref<512x32xf32, #tpu.memory_space<vmem>>[vector<16xi32>, vector<16xi32>], vector<16xf32>,
      %gather3A_443 = tpu.vector_load_idx %arg12[%add3A_377, %broadcast_in_dim3A_441] : memref<512x32xf32, #tpu.memory_space<vmem>>[vector<16xi32>, vector<16xi32>], vector<16xf32>,
      %mul3A_444 = arith.mulf %gather3A_442, %gather3A_443 : vector<16xf32>
      %add3A_445 = arith.addf %add3A_439, %mul3A_444 : vector<16xf32>
      %broadcast_in_dim3A_446 = arith.constant 11 : i32
      %broadcast_in_dim3A_447 = vector.broadcast %broadcast_in_dim3A_446 : i32 to vector<16xi32>
      %gather3A_448 = tpu.vector_load_idx %arg11[%add3A_377, %broadcast_in_dim3A_447] : memref<512x32xf32, #tpu.memory_space<vmem>>[vector<16xi32>, vector<16xi32>], vector<16xf32>,
      %gather3A_449 = tpu.vector_load_idx %arg12[%add3A_377, %broadcast_in_dim3A_447] : memref<512x32xf32, #tpu.memory_space<vmem>>[vector<16xi32>, vector<16xi32>], vector<16xf32>,
      %mul3A_450 = arith.mulf %gather3A_448, %gather3A_449 : vector<16xf32>
      %add3A_451 = arith.addf %add3A_445, %mul3A_450 : vector<16xf32>
      %broadcast_in_dim3A_452 = arith.constant 12 : i32
      %broadcast_in_dim3A_453 = vector.broadcast %broadcast_in_dim3A_452 : i32 to vector<16xi32>
      %gather3A_454 = tpu.vector_load_idx %arg11[%add3A_377, %broadcast_in_dim3A_453] : memref<512x32xf32, #tpu.memory_space<vmem>>[vector<16xi32>, vector<16xi32>], vector<16xf32>,
      %gather3A_455 = tpu.vector_load_idx %arg12[%add3A_377, %broadcast_in_dim3A_453] : memref<512x32xf32, #tpu.memory_space<vmem>>[vector<16xi32>, vector<16xi32>], vector<16xf32>,
      %mul3A_456 = arith.mulf %gather3A_454, %gather3A_455 : vector<16xf32>
      %add3A_457 = arith.addf %add3A_451, %mul3A_456 : vector<16xf32>
      %broadcast_in_dim3A_458 = arith.constant 13 : i32
      %broadcast_in_dim3A_459 = vector.broadcast %broadcast_in_dim3A_458 : i32 to vector<16xi32>
      %gather3A_460 = tpu.vector_load_idx %arg11[%add3A_377, %broadcast_in_dim3A_459] : memref<512x32xf32, #tpu.memory_space<vmem>>[vector<16xi32>, vector<16xi32>], vector<16xf32>,
      %gather3A_461 = tpu.vector_load_idx %arg12[%add3A_377, %broadcast_in_dim3A_459] : memref<512x32xf32, #tpu.memory_space<vmem>>[vector<16xi32>, vector<16xi32>], vector<16xf32>,
      %mul3A_462 = arith.mulf %gather3A_460, %gather3A_461 : vector<16xf32>
      %add3A_463 = arith.addf %add3A_457, %mul3A_462 : vector<16xf32>
      %broadcast_in_dim3A_464 = arith.constant 14 : i32
      %broadcast_in_dim3A_465 = vector.broadcast %broadcast_in_dim3A_464 : i32 to vector<16xi32>
      %gather3A_466 = tpu.vector_load_idx %arg11[%add3A_377, %broadcast_in_dim3A_465] : memref<512x32xf32, #tpu.memory_space<vmem>>[vector<16xi32>, vector<16xi32>], vector<16xf32>,
      %gather3A_467 = tpu.vector_load_idx %arg12[%add3A_377, %broadcast_in_dim3A_465] : memref<512x32xf32, #tpu.memory_space<vmem>>[vector<16xi32>, vector<16xi32>], vector<16xf32>,
      %mul3A_468 = arith.mulf %gather3A_466, %gather3A_467 : vector<16xf32>
      %add3A_469 = arith.addf %add3A_463, %mul3A_468 : vector<16xf32>
      %broadcast_in_dim3A_470 = arith.constant 15 : i32
      %broadcast_in_dim3A_471 = vector.broadcast %broadcast_in_dim3A_470 : i32 to vector<16xi32>
      %gather3A_472 = tpu.vector_load_idx %arg11[%add3A_377, %broadcast_in_dim3A_471] : memref<512x32xf32, #tpu.memory_space<vmem>>[vector<16xi32>, vector<16xi32>], vector<16xf32>,
      %gather3A_473 = tpu.vector_load_idx %arg12[%add3A_377, %broadcast_in_dim3A_471] : memref<512x32xf32, #tpu.memory_space<vmem>>[vector<16xi32>, vector<16xi32>], vector<16xf32>,
      %mul3A_474 = arith.mulf %gather3A_472, %gather3A_473 : vector<16xf32>
      %add3A_475 = arith.addf %add3A_469, %mul3A_474 : vector<16xf32>
      %broadcast_in_dim3A_476 = arith.constant 16 : i32
      %broadcast_in_dim3A_477 = vector.broadcast %broadcast_in_dim3A_476 : i32 to vector<16xi32>
      %gather3A_478 = tpu.vector_load_idx %arg11[%add3A_377, %broadcast_in_dim3A_477] : memref<512x32xf32, #tpu.memory_space<vmem>>[vector<16xi32>, vector<16xi32>], vector<16xf32>,
      %gather3A_479 = tpu.vector_load_idx %arg12[%add3A_377, %broadcast_in_dim3A_477] : memref<512x32xf32, #tpu.memory_space<vmem>>[vector<16xi32>, vector<16xi32>], vector<16xf32>,
      %mul3A_480 = arith.mulf %gather3A_478, %gather3A_479 : vector<16xf32>
      %add3A_481 = arith.addf %add3A_475, %mul3A_480 : vector<16xf32>
      %broadcast_in_dim3A_482 = arith.constant 17 : i32
      %broadcast_in_dim3A_483 = vector.broadcast %broadcast_in_dim3A_482 : i32 to vector<16xi32>
      %gather3A_484 = tpu.vector_load_idx %arg11[%add3A_377, %broadcast_in_dim3A_483] : memref<512x32xf32, #tpu.memory_space<vmem>>[vector<16xi32>, vector<16xi32>], vector<16xf32>,
      %gather3A_485 = tpu.vector_load_idx %arg12[%add3A_377, %broadcast_in_dim3A_483] : memref<512x32xf32, #tpu.memory_space<vmem>>[vector<16xi32>, vector<16xi32>], vector<16xf32>,
      %mul3A_486 = arith.mulf %gather3A_484, %gather3A_485 : vector<16xf32>
      %add3A_487 = arith.addf %add3A_481, %mul3A_486 : vector<16xf32>
      %broadcast_in_dim3A_488 = arith.constant 18 : i32
      %broadcast_in_dim3A_489 = vector.broadcast %broadcast_in_dim3A_488 : i32 to vector<16xi32>
      %gather3A_490 = tpu.vector_load_idx %arg11[%add3A_377, %broadcast_in_dim3A_489] : memref<512x32xf32, #tpu.memory_space<vmem>>[vector<16xi32>, vector<16xi32>], vector<16xf32>,
      %gather3A_491 = tpu.vector_load_idx %arg12[%add3A_377, %broadcast_in_dim3A_489] : memref<512x32xf32, #tpu.memory_space<vmem>>[vector<16xi32>, vector<16xi32>], vector<16xf32>,
      %mul3A_492 = arith.mulf %gather3A_490, %gather3A_491 : vector<16xf32>
      %add3A_493 = arith.addf %add3A_487, %mul3A_492 : vector<16xf32>
      %broadcast_in_dim3A_494 = arith.constant 19 : i32
      %broadcast_in_dim3A_495 = vector.broadcast %broadcast_in_dim3A_494 : i32 to vector<16xi32>
      %gather3A_496 = tpu.vector_load_idx %arg11[%add3A_377, %broadcast_in_dim3A_495] : memref<512x32xf32, #tpu.memory_space<vmem>>[vector<16xi32>, vector<16xi32>], vector<16xf32>,
      %gather3A_497 = tpu.vector_load_idx %arg12[%add3A_377, %broadcast_in_dim3A_495] : memref<512x32xf32, #tpu.memory_space<vmem>>[vector<16xi32>, vector<16xi32>], vector<16xf32>,
      %mul3A_498 = arith.mulf %gather3A_496, %gather3A_497 : vector<16xf32>
      %add3A_499 = arith.addf %add3A_493, %mul3A_498 : vector<16xf32>
      %broadcast_in_dim3A_500 = arith.constant 20 : i32
      %broadcast_in_dim3A_501 = vector.broadcast %broadcast_in_dim3A_500 : i32 to vector<16xi32>
      %gather3A_502 = tpu.vector_load_idx %arg11[%add3A_377, %broadcast_in_dim3A_501] : memref<512x32xf32, #tpu.memory_space<vmem>>[vector<16xi32>, vector<16xi32>], vector<16xf32>,
      %gather3A_503 = tpu.vector_load_idx %arg12[%add3A_377, %broadcast_in_dim3A_501] : memref<512x32xf32, #tpu.memory_space<vmem>>[vector<16xi32>, vector<16xi32>], vector<16xf32>,
      %mul3A_504 = arith.mulf %gather3A_502, %gather3A_503 : vector<16xf32>
      %add3A_505 = arith.addf %add3A_499, %mul3A_504 : vector<16xf32>
      %broadcast_in_dim3A_506 = arith.constant 21 : i32
      %broadcast_in_dim3A_507 = vector.broadcast %broadcast_in_dim3A_506 : i32 to vector<16xi32>
      %gather3A_508 = tpu.vector_load_idx %arg11[%add3A_377, %broadcast_in_dim3A_507] : memref<512x32xf32, #tpu.memory_space<vmem>>[vector<16xi32>, vector<16xi32>], vector<16xf32>,
      %gather3A_509 = tpu.vector_load_idx %arg12[%add3A_377, %broadcast_in_dim3A_507] : memref<512x32xf32, #tpu.memory_space<vmem>>[vector<16xi32>, vector<16xi32>], vector<16xf32>,
      %mul3A_510 = arith.mulf %gather3A_508, %gather3A_509 : vector<16xf32>
      %add3A_511 = arith.addf %add3A_505, %mul3A_510 : vector<16xf32>
      %broadcast_in_dim3A_512 = arith.constant 22 : i32
      %broadcast_in_dim3A_513 = vector.broadcast %broadcast_in_dim3A_512 : i32 to vector<16xi32>
      %gather3A_514 = tpu.vector_load_idx %arg11[%add3A_377, %broadcast_in_dim3A_513] : memref<512x32xf32, #tpu.memory_space<vmem>>[vector<16xi32>, vector<16xi32>], vector<16xf32>,
      %gather3A_515 = tpu.vector_load_idx %arg12[%add3A_377, %broadcast_in_dim3A_513] : memref<512x32xf32, #tpu.memory_space<vmem>>[vector<16xi32>, vector<16xi32>], vector<16xf32>,
      %mul3A_516 = arith.mulf %gather3A_514, %gather3A_515 : vector<16xf32>
      %add3A_517 = arith.addf %add3A_511, %mul3A_516 : vector<16xf32>
      %broadcast_in_dim3A_518 = arith.constant 23 : i32
      %broadcast_in_dim3A_519 = vector.broadcast %broadcast_in_dim3A_518 : i32 to vector<16xi32>
      %gather3A_520 = tpu.vector_load_idx %arg11[%add3A_377, %broadcast_in_dim3A_519] : memref<512x32xf32, #tpu.memory_space<vmem>>[vector<16xi32>, vector<16xi32>], vector<16xf32>,
      %gather3A_521 = tpu.vector_load_idx %arg12[%add3A_377, %broadcast_in_dim3A_519] : memref<512x32xf32, #tpu.memory_space<vmem>>[vector<16xi32>, vector<16xi32>], vector<16xf32>,
      %mul3A_522 = arith.mulf %gather3A_520, %gather3A_521 : vector<16xf32>
      %add3A_523 = arith.addf %add3A_517, %mul3A_522 : vector<16xf32>
      %broadcast_in_dim3A_524 = arith.constant 24 : i32
      %broadcast_in_dim3A_525 = vector.broadcast %broadcast_in_dim3A_524 : i32 to vector<16xi32>
      %gather3A_526 = tpu.vector_load_idx %arg11[%add3A_377, %broadcast_in_dim3A_525] : memref<512x32xf32, #tpu.memory_space<vmem>>[vector<16xi32>, vector<16xi32>], vector<16xf32>,
      %gather3A_527 = tpu.vector_load_idx %arg12[%add3A_377, %broadcast_in_dim3A_525] : memref<512x32xf32, #tpu.memory_space<vmem>>[vector<16xi32>, vector<16xi32>], vector<16xf32>,
      %mul3A_528 = arith.mulf %gather3A_526, %gather3A_527 : vector<16xf32>
      %add3A_529 = arith.addf %add3A_523, %mul3A_528 : vector<16xf32>
      %broadcast_in_dim3A_530 = arith.constant 25 : i32
      %broadcast_in_dim3A_531 = vector.broadcast %broadcast_in_dim3A_530 : i32 to vector<16xi32>
      %gather3A_532 = tpu.vector_load_idx %arg11[%add3A_377, %broadcast_in_dim3A_531] : memref<512x32xf32, #tpu.memory_space<vmem>>[vector<16xi32>, vector<16xi32>], vector<16xf32>,
      %gather3A_533 = tpu.vector_load_idx %arg12[%add3A_377, %broadcast_in_dim3A_531] : memref<512x32xf32, #tpu.memory_space<vmem>>[vector<16xi32>, vector<16xi32>], vector<16xf32>,
      %mul3A_534 = arith.mulf %gather3A_532, %gather3A_533 : vector<16xf32>
      %add3A_535 = arith.addf %add3A_529, %mul3A_534 : vector<16xf32>
      %broadcast_in_dim3A_536 = arith.constant 26 : i32
      %broadcast_in_dim3A_537 = vector.broadcast %broadcast_in_dim3A_536 : i32 to vector<16xi32>
      %gather3A_538 = tpu.vector_load_idx %arg11[%add3A_377, %broadcast_in_dim3A_537] : memref<512x32xf32, #tpu.memory_space<vmem>>[vector<16xi32>, vector<16xi32>], vector<16xf32>,
      %gather3A_539 = tpu.vector_load_idx %arg12[%add3A_377, %broadcast_in_dim3A_537] : memref<512x32xf32, #tpu.memory_space<vmem>>[vector<16xi32>, vector<16xi32>], vector<16xf32>,
      %mul3A_540 = arith.mulf %gather3A_538, %gather3A_539 : vector<16xf32>
      %add3A_541 = arith.addf %add3A_535, %mul3A_540 : vector<16xf32>
      %broadcast_in_dim3A_542 = arith.constant 27 : i32
      %broadcast_in_dim3A_543 = vector.broadcast %broadcast_in_dim3A_542 : i32 to vector<16xi32>
      %gather3A_544 = tpu.vector_load_idx %arg11[%add3A_377, %broadcast_in_dim3A_543] : memref<512x32xf32, #tpu.memory_space<vmem>>[vector<16xi32>, vector<16xi32>], vector<16xf32>,
      %gather3A_545 = tpu.vector_load_idx %arg12[%add3A_377, %broadcast_in_dim3A_543] : memref<512x32xf32, #tpu.memory_space<vmem>>[vector<16xi32>, vector<16xi32>], vector<16xf32>,
      %mul3A_546 = arith.mulf %gather3A_544, %gather3A_545 : vector<16xf32>
      %add3A_547 = arith.addf %add3A_541, %mul3A_546 : vector<16xf32>
      %broadcast_in_dim3A_548 = arith.constant 28 : i32
      %broadcast_in_dim3A_549 = vector.broadcast %broadcast_in_dim3A_548 : i32 to vector<16xi32>
      %gather3A_550 = tpu.vector_load_idx %arg11[%add3A_377, %broadcast_in_dim3A_549] : memref<512x32xf32, #tpu.memory_space<vmem>>[vector<16xi32>, vector<16xi32>], vector<16xf32>,
      %gather3A_551 = tpu.vector_load_idx %arg12[%add3A_377, %broadcast_in_dim3A_549] : memref<512x32xf32, #tpu.memory_space<vmem>>[vector<16xi32>, vector<16xi32>], vector<16xf32>,
      %mul3A_552 = arith.mulf %gather3A_550, %gather3A_551 : vector<16xf32>
      %add3A_553 = arith.addf %add3A_547, %mul3A_552 : vector<16xf32>
      %broadcast_in_dim3A_554 = arith.constant 29 : i32
      %broadcast_in_dim3A_555 = vector.broadcast %broadcast_in_dim3A_554 : i32 to vector<16xi32>
      %gather3A_556 = tpu.vector_load_idx %arg11[%add3A_377, %broadcast_in_dim3A_555] : memref<512x32xf32, #tpu.memory_space<vmem>>[vector<16xi32>, vector<16xi32>], vector<16xf32>,
      %gather3A_557 = tpu.vector_load_idx %arg12[%add3A_377, %broadcast_in_dim3A_555] : memref<512x32xf32, #tpu.memory_space<vmem>>[vector<16xi32>, vector<16xi32>], vector<16xf32>,
      %mul3A_558 = arith.mulf %gather3A_556, %gather3A_557 : vector<16xf32>
      %add3A_559 = arith.addf %add3A_553, %mul3A_558 : vector<16xf32>
      %broadcast_in_dim3A_560 = arith.constant 30 : i32
      %broadcast_in_dim3A_561 = vector.broadcast %broadcast_in_dim3A_560 : i32 to vector<16xi32>
      %gather3A_562 = tpu.vector_load_idx %arg11[%add3A_377, %broadcast_in_dim3A_561] : memref<512x32xf32, #tpu.memory_space<vmem>>[vector<16xi32>, vector<16xi32>], vector<16xf32>,
      %gather3A_563 = tpu.vector_load_idx %arg12[%add3A_377, %broadcast_in_dim3A_561] : memref<512x32xf32, #tpu.memory_space<vmem>>[vector<16xi32>, vector<16xi32>], vector<16xf32>,
      %mul3A_564 = arith.mulf %gather3A_562, %gather3A_563 : vector<16xf32>
      %add3A_565 = arith.addf %add3A_559, %mul3A_564 : vector<16xf32>
      %broadcast_in_dim3A_566 = arith.constant 31 : i32
      %broadcast_in_dim3A_567 = vector.broadcast %broadcast_in_dim3A_566 : i32 to vector<16xi32>
      %gather3A_568 = tpu.vector_load_idx %arg11[%add3A_377, %broadcast_in_dim3A_567] : memref<512x32xf32, #tpu.memory_space<vmem>>[vector<16xi32>, vector<16xi32>], vector<16xf32>,
      %gather3A_569 = tpu.vector_load_idx %arg12[%add3A_377, %broadcast_in_dim3A_567] : memref<512x32xf32, #tpu.memory_space<vmem>>[vector<16xi32>, vector<16xi32>], vector<16xf32>,
      %mul3A_570 = arith.mulf %gather3A_568, %gather3A_569 : vector<16xf32>
      %add3A_571 = arith.addf %add3A_565, %mul3A_570 : vector<16xf32>
      %mul3A_572 = arith.mulf %add3A_571, %get3A_73 : vector<16xf32>
      %add3A_573 = arith.addf %mul3A_572, %get3A_75 : vector<16xf32>
      %neg3A_574 = arith.constant 0.000000e+00 : f32
      %neg3A_575 = vector.broadcast %neg3A_574 : f32 to vector<16xf32>
      %neg3A_576 = arith.subf %neg3A_575, %add3A_573 : vector<16xf32>
      %exp3A_577 = math.exp %neg3A_576 : vector<16xf32>
      %add3A_578 = arith.constant 1.000000e+00 : f32
      %add3A_579 = vector.broadcast %add3A_578 : f32 to vector<16xf32>
      %add3A_580 = arith.addf %add3A_579, %exp3A_577 : vector<16xf32>
      %div3A_581 = arith.constant 1.000000e+00 : f32
      %div3A_582 = vector.broadcast %div3A_581 : f32 to vector<16xf32>
      %div3A_583 = arith.divf %div3A_582, %add3A_580 : vector<16xf32>
      %mul3A_584 = arith.constant 16 : i32
      %mul3A_585 = arith.muli %scan3A_373, %mul3A_584 : i32
      %swap3A_586 = arith.index_cast %mul3A_585 : i32 to index
      %swap3A_587 = tpu.vector_load %arg13[%swap3A_586] {strides = array<i32>} : memref<512xf32, #tpu.memory_space<vmem>>, vector<16xf32>,
      tpu.vector_store %arg13[%swap3A_586], %div3A_583 {strides = array<i32>} : memref<512xf32, #tpu.memory_space<vmem>>, vector<16xf32>,
    }
    %scan3A_96 = arith.constant 8 : i32
    %dma_wait3A_97 = arith.constant 128 : i32
    %dma_wait3A_98 = arith.constant 0 : i32
    %dma_wait3A_99 = tpu.memref_slice %arg11[%dma_wait3A_97, %dma_wait3A_98] : memref<512x32xf32, #tpu.memory_space<vmem>> -> memref<128x32xf32, #tpu.memory_space<vmem>>
    %dma_wait3A_100 = arith.constant 128 : i32
    %dma_wait3A_101 = tpu.memref_slice %arg9[%dma_wait3A_100] : memref<512xi32, #tpu.memory_space<vmem>> -> memref<128xi32, #tpu.memory_space<vmem>>
    %dma_wait3A_102 = arith.constant 0 : i32
    %dma_wait3A_103 = arith.constant 0 : i32
    %dma_wait3A_104 = tpu.memref_slice %arg4[%dma_wait3A_102, %dma_wait3A_103] : memref<100000x32xf32, #tpu.memory_space<hbm>> -> memref<100000x32xf32, #tpu.memory_space<hbm>>
    tpu.wait_indirect_dma semaphore(%arg16 : memref<!tpu.dma_semaphore, #tpu.memory_space<semaphore_mem>>) src(%dma_wait3A_104 : memref<100000x32xf32, #tpu.memory_space<hbm>>) dst(%dma_wait3A_99 : memref<128x32xf32, #tpu.memory_space<vmem>>)
    %dma_wait3A_105 = arith.constant 128 : i32
    %dma_wait3A_106 = arith.constant 0 : i32
    %dma_wait3A_107 = tpu.memref_slice %arg12[%dma_wait3A_105, %dma_wait3A_106] : memref<512x32xf32, #tpu.memory_space<vmem>> -> memref<128x32xf32, #tpu.memory_space<vmem>>
    %dma_wait3A_108 = arith.constant 128 : i32
    %dma_wait3A_109 = tpu.memref_slice %arg10[%dma_wait3A_108] : memref<512xi32, #tpu.memory_space<vmem>> -> memref<128xi32, #tpu.memory_space<vmem>>
    %dma_wait3A_110 = arith.constant 0 : i32
    %dma_wait3A_111 = arith.constant 0 : i32
    %dma_wait3A_112 = tpu.memref_slice %arg5[%dma_wait3A_110, %dma_wait3A_111] : memref<100000x32xf32, #tpu.memory_space<hbm>> -> memref<100000x32xf32, #tpu.memory_space<hbm>>
    tpu.wait_indirect_dma semaphore(%arg16 : memref<!tpu.dma_semaphore, #tpu.memory_space<semaphore_mem>>) src(%dma_wait3A_112 : memref<100000x32xf32, #tpu.memory_space<hbm>>) dst(%dma_wait3A_107 : memref<128x32xf32, #tpu.memory_space<vmem>>)
    %scan3A_113 = arith.constant 0 : i32
    %scan3A_114 = arith.constant 8 : i32
    %scan3A_115 = arith.constant 8 : i32
    %scan3A_116 = arith.addi %scan3A_114, %scan3A_115 : i32
    %scan3A_117 = arith.constant 2 : i32
    scf.for %scan3A_163 = %scan3A_114 to %scan3A_116 step %scan3A_117  : i32 {
      %mul3A_164 = arith.constant 16 : i32
      %mul3A_165 = arith.muli %scan3A_163, %mul3A_164 : i32
      %add3A_166 = vector.broadcast %mul3A_165 : i32 to vector<16xi32>
      %add3A_167 = arith.addi %add3A_166, %iota3A : vector<16xi32>
      %broadcast_in_dim3A = arith.constant 0.000000e+00 : f32
      %broadcast_in_dim3A_168 = vector.broadcast %broadcast_in_dim3A : f32 to vector<16xf32>
      %broadcast_in_dim3A_169 = arith.constant 0 : i32
      %broadcast_in_dim3A_170 = vector.broadcast %broadcast_in_dim3A_169 : i32 to vector<16xi32>
      %gather3A = tpu.vector_load_idx %arg11[%add3A_167, %broadcast_in_dim3A_170] : memref<512x32xf32, #tpu.memory_space<vmem>>[vector<16xi32>, vector<16xi32>], vector<16xf32>,
      %gather3A_171 = tpu.vector_load_idx %arg12[%add3A_167, %broadcast_in_dim3A_170] : memref<512x32xf32, #tpu.memory_space<vmem>>[vector<16xi32>, vector<16xi32>], vector<16xf32>,
      %mul3A_172 = arith.mulf %gather3A, %gather3A_171 : vector<16xf32>
      %add3A_173 = arith.addf %broadcast_in_dim3A_168, %mul3A_172 : vector<16xf32>
      %broadcast_in_dim3A_174 = arith.constant 1 : i32
      %broadcast_in_dim3A_175 = vector.broadcast %broadcast_in_dim3A_174 : i32 to vector<16xi32>
      %gather3A_176 = tpu.vector_load_idx %arg11[%add3A_167, %broadcast_in_dim3A_175] : memref<512x32xf32, #tpu.memory_space<vmem>>[vector<16xi32>, vector<16xi32>], vector<16xf32>,
      %gather3A_177 = tpu.vector_load_idx %arg12[%add3A_167, %broadcast_in_dim3A_175] : memref<512x32xf32, #tpu.memory_space<vmem>>[vector<16xi32>, vector<16xi32>], vector<16xf32>,
      %mul3A_178 = arith.mulf %gather3A_176, %gather3A_177 : vector<16xf32>
      %add3A_179 = arith.addf %add3A_173, %mul3A_178 : vector<16xf32>
      %broadcast_in_dim3A_180 = arith.constant 2 : i32
      %broadcast_in_dim3A_181 = vector.broadcast %broadcast_in_dim3A_180 : i32 to vector<16xi32>
      %gather3A_182 = tpu.vector_load_idx %arg11[%add3A_167, %broadcast_in_dim3A_181] : memref<512x32xf32, #tpu.memory_space<vmem>>[vector<16xi32>, vector<16xi32>], vector<16xf32>,
      %gather3A_183 = tpu.vector_load_idx %arg12[%add3A_167, %broadcast_in_dim3A_181] : memref<512x32xf32, #tpu.memory_space<vmem>>[vector<16xi32>, vector<16xi32>], vector<16xf32>,
      %mul3A_184 = arith.mulf %gather3A_182, %gather3A_183 : vector<16xf32>
      %add3A_185 = arith.addf %add3A_179, %mul3A_184 : vector<16xf32>
      %broadcast_in_dim3A_186 = arith.constant 3 : i32
      %broadcast_in_dim3A_187 = vector.broadcast %broadcast_in_dim3A_186 : i32 to vector<16xi32>
      %gather3A_188 = tpu.vector_load_idx %arg11[%add3A_167, %broadcast_in_dim3A_187] : memref<512x32xf32, #tpu.memory_space<vmem>>[vector<16xi32>, vector<16xi32>], vector<16xf32>,
      %gather3A_189 = tpu.vector_load_idx %arg12[%add3A_167, %broadcast_in_dim3A_187] : memref<512x32xf32, #tpu.memory_space<vmem>>[vector<16xi32>, vector<16xi32>], vector<16xf32>,
      %mul3A_190 = arith.mulf %gather3A_188, %gather3A_189 : vector<16xf32>
      %add3A_191 = arith.addf %add3A_185, %mul3A_190 : vector<16xf32>
      %broadcast_in_dim3A_192 = arith.constant 4 : i32
      %broadcast_in_dim3A_193 = vector.broadcast %broadcast_in_dim3A_192 : i32 to vector<16xi32>
      %gather3A_194 = tpu.vector_load_idx %arg11[%add3A_167, %broadcast_in_dim3A_193] : memref<512x32xf32, #tpu.memory_space<vmem>>[vector<16xi32>, vector<16xi32>], vector<16xf32>,
      %gather3A_195 = tpu.vector_load_idx %arg12[%add3A_167, %broadcast_in_dim3A_193] : memref<512x32xf32, #tpu.memory_space<vmem>>[vector<16xi32>, vector<16xi32>], vector<16xf32>,
      %mul3A_196 = arith.mulf %gather3A_194, %gather3A_195 : vector<16xf32>
      %add3A_197 = arith.addf %add3A_191, %mul3A_196 : vector<16xf32>
      %broadcast_in_dim3A_198 = arith.constant 5 : i32
      %broadcast_in_dim3A_199 = vector.broadcast %broadcast_in_dim3A_198 : i32 to vector<16xi32>
      %gather3A_200 = tpu.vector_load_idx %arg11[%add3A_167, %broadcast_in_dim3A_199] : memref<512x32xf32, #tpu.memory_space<vmem>>[vector<16xi32>, vector<16xi32>], vector<16xf32>,
      %gather3A_201 = tpu.vector_load_idx %arg12[%add3A_167, %broadcast_in_dim3A_199] : memref<512x32xf32, #tpu.memory_space<vmem>>[vector<16xi32>, vector<16xi32>], vector<16xf32>,
      %mul3A_202 = arith.mulf %gather3A_200, %gather3A_201 : vector<16xf32>
      %add3A_203 = arith.addf %add3A_197, %mul3A_202 : vector<16xf32>
      %broadcast_in_dim3A_204 = arith.constant 6 : i32
      %broadcast_in_dim3A_205 = vector.broadcast %broadcast_in_dim3A_204 : i32 to vector<16xi32>
      %gather3A_206 = tpu.vector_load_idx %arg11[%add3A_167, %broadcast_in_dim3A_205] : memref<512x32xf32, #tpu.memory_space<vmem>>[vector<16xi32>, vector<16xi32>], vector<16xf32>,
      %gather3A_207 = tpu.vector_load_idx %arg12[%add3A_167, %broadcast_in_dim3A_205] : memref<512x32xf32, #tpu.memory_space<vmem>>[vector<16xi32>, vector<16xi32>], vector<16xf32>,
      %mul3A_208 = arith.mulf %gather3A_206, %gather3A_207 : vector<16xf32>
      %add3A_209 = arith.addf %add3A_203, %mul3A_208 : vector<16xf32>
      %broadcast_in_dim3A_210 = arith.constant 7 : i32
      %broadcast_in_dim3A_211 = vector.broadcast %broadcast_in_dim3A_210 : i32 to vector<16xi32>
      %gather3A_212 = tpu.vector_load_idx %arg11[%add3A_167, %broadcast_in_dim3A_211] : memref<512x32xf32, #tpu.memory_space<vmem>>[vector<16xi32>, vector<16xi32>], vector<16xf32>,
      %gather3A_213 = tpu.vector_load_idx %arg12[%add3A_167, %broadcast_in_dim3A_211] : memref<512x32xf32, #tpu.memory_space<vmem>>[vector<16xi32>, vector<16xi32>], vector<16xf32>,
      %mul3A_214 = arith.mulf %gather3A_212, %gather3A_213 : vector<16xf32>
      %add3A_215 = arith.addf %add3A_209, %mul3A_214 : vector<16xf32>
      %broadcast_in_dim3A_216 = arith.constant 8 : i32
      %broadcast_in_dim3A_217 = vector.broadcast %broadcast_in_dim3A_216 : i32 to vector<16xi32>
      %gather3A_218 = tpu.vector_load_idx %arg11[%add3A_167, %broadcast_in_dim3A_217] : memref<512x32xf32, #tpu.memory_space<vmem>>[vector<16xi32>, vector<16xi32>], vector<16xf32>,
      %gather3A_219 = tpu.vector_load_idx %arg12[%add3A_167, %broadcast_in_dim3A_217] : memref<512x32xf32, #tpu.memory_space<vmem>>[vector<16xi32>, vector<16xi32>], vector<16xf32>,
      %mul3A_220 = arith.mulf %gather3A_218, %gather3A_219 : vector<16xf32>
      %add3A_221 = arith.addf %add3A_215, %mul3A_220 : vector<16xf32>
      %broadcast_in_dim3A_222 = arith.constant 9 : i32
      %broadcast_in_dim3A_223 = vector.broadcast %broadcast_in_dim3A_222 : i32 to vector<16xi32>
      %gather3A_224 = tpu.vector_load_idx %arg11[%add3A_167, %broadcast_in_dim3A_223] : memref<512x32xf32, #tpu.memory_space<vmem>>[vector<16xi32>, vector<16xi32>], vector<16xf32>,
      %gather3A_225 = tpu.vector_load_idx %arg12[%add3A_167, %broadcast_in_dim3A_223] : memref<512x32xf32, #tpu.memory_space<vmem>>[vector<16xi32>, vector<16xi32>], vector<16xf32>,
      %mul3A_226 = arith.mulf %gather3A_224, %gather3A_225 : vector<16xf32>
      %add3A_227 = arith.addf %add3A_221, %mul3A_226 : vector<16xf32>
      %broadcast_in_dim3A_228 = arith.constant 10 : i32
      %broadcast_in_dim3A_229 = vector.broadcast %broadcast_in_dim3A_228 : i32 to vector<16xi32>
      %gather3A_230 = tpu.vector_load_idx %arg11[%add3A_167, %broadcast_in_dim3A_229] : memref<512x32xf32, #tpu.memory_space<vmem>>[vector<16xi32>, vector<16xi32>], vector<16xf32>,
      %gather3A_231 = tpu.vector_load_idx %arg12[%add3A_167, %broadcast_in_dim3A_229] : memref<512x32xf32, #tpu.memory_space<vmem>>[vector<16xi32>, vector<16xi32>], vector<16xf32>,
      %mul3A_232 = arith.mulf %gather3A_230, %gather3A_231 : vector<16xf32>
      %add3A_233 = arith.addf %add3A_227, %mul3A_232 : vector<16xf32>
      %broadcast_in_dim3A_234 = arith.constant 11 : i32
      %broadcast_in_dim3A_235 = vector.broadcast %broadcast_in_dim3A_234 : i32 to vector<16xi32>
      %gather3A_236 = tpu.vector_load_idx %arg11[%add3A_167, %broadcast_in_dim3A_235] : memref<512x32xf32, #tpu.memory_space<vmem>>[vector<16xi32>, vector<16xi32>], vector<16xf32>,
      %gather3A_237 = tpu.vector_load_idx %arg12[%add3A_167, %broadcast_in_dim3A_235] : memref<512x32xf32, #tpu.memory_space<vmem>>[vector<16xi32>, vector<16xi32>], vector<16xf32>,
      %mul3A_238 = arith.mulf %gather3A_236, %gather3A_237 : vector<16xf32>
      %add3A_239 = arith.addf %add3A_233, %mul3A_238 : vector<16xf32>
      %broadcast_in_dim3A_240 = arith.constant 12 : i32
      %broadcast_in_dim3A_241 = vector.broadcast %broadcast_in_dim3A_240 : i32 to vector<16xi32>
      %gather3A_242 = tpu.vector_load_idx %arg11[%add3A_167, %broadcast_in_dim3A_241] : memref<512x32xf32, #tpu.memory_space<vmem>>[vector<16xi32>, vector<16xi32>], vector<16xf32>,
      %gather3A_243 = tpu.vector_load_idx %arg12[%add3A_167, %broadcast_in_dim3A_241] : memref<512x32xf32, #tpu.memory_space<vmem>>[vector<16xi32>, vector<16xi32>], vector<16xf32>,
      %mul3A_244 = arith.mulf %gather3A_242, %gather3A_243 : vector<16xf32>
      %add3A_245 = arith.addf %add3A_239, %mul3A_244 : vector<16xf32>
      %broadcast_in_dim3A_246 = arith.constant 13 : i32
      %broadcast_in_dim3A_247 = vector.broadcast %broadcast_in_dim3A_246 : i32 to vector<16xi32>
      %gather3A_248 = tpu.vector_load_idx %arg11[%add3A_167, %broadcast_in_dim3A_247] : memref<512x32xf32, #tpu.memory_space<vmem>>[vector<16xi32>, vector<16xi32>], vector<16xf32>,
      %gather3A_249 = tpu.vector_load_idx %arg12[%add3A_167, %broadcast_in_dim3A_247] : memref<512x32xf32, #tpu.memory_space<vmem>>[vector<16xi32>, vector<16xi32>], vector<16xf32>,
      %mul3A_250 = arith.mulf %gather3A_248, %gather3A_249 : vector<16xf32>
      %add3A_251 = arith.addf %add3A_245, %mul3A_250 : vector<16xf32>
      %broadcast_in_dim3A_252 = arith.constant 14 : i32
      %broadcast_in_dim3A_253 = vector.broadcast %broadcast_in_dim3A_252 : i32 to vector<16xi32>
      %gather3A_254 = tpu.vector_load_idx %arg11[%add3A_167, %broadcast_in_dim3A_253] : memref<512x32xf32, #tpu.memory_space<vmem>>[vector<16xi32>, vector<16xi32>], vector<16xf32>,
      %gather3A_255 = tpu.vector_load_idx %arg12[%add3A_167, %broadcast_in_dim3A_253] : memref<512x32xf32, #tpu.memory_space<vmem>>[vector<16xi32>, vector<16xi32>], vector<16xf32>,
      %mul3A_256 = arith.mulf %gather3A_254, %gather3A_255 : vector<16xf32>
      %add3A_257 = arith.addf %add3A_251, %mul3A_256 : vector<16xf32>
      %broadcast_in_dim3A_258 = arith.constant 15 : i32
      %broadcast_in_dim3A_259 = vector.broadcast %broadcast_in_dim3A_258 : i32 to vector<16xi32>
      %gather3A_260 = tpu.vector_load_idx %arg11[%add3A_167, %broadcast_in_dim3A_259] : memref<512x32xf32, #tpu.memory_space<vmem>>[vector<16xi32>, vector<16xi32>], vector<16xf32>,
      %gather3A_261 = tpu.vector_load_idx %arg12[%add3A_167, %broadcast_in_dim3A_259] : memref<512x32xf32, #tpu.memory_space<vmem>>[vector<16xi32>, vector<16xi32>], vector<16xf32>,
      %mul3A_262 = arith.mulf %gather3A_260, %gather3A_261 : vector<16xf32>
      %add3A_263 = arith.addf %add3A_257, %mul3A_262 : vector<16xf32>
      %broadcast_in_dim3A_264 = arith.constant 16 : i32
      %broadcast_in_dim3A_265 = vector.broadcast %broadcast_in_dim3A_264 : i32 to vector<16xi32>
      %gather3A_266 = tpu.vector_load_idx %arg11[%add3A_167, %broadcast_in_dim3A_265] : memref<512x32xf32, #tpu.memory_space<vmem>>[vector<16xi32>, vector<16xi32>], vector<16xf32>,
      %gather3A_267 = tpu.vector_load_idx %arg12[%add3A_167, %broadcast_in_dim3A_265] : memref<512x32xf32, #tpu.memory_space<vmem>>[vector<16xi32>, vector<16xi32>], vector<16xf32>,
      %mul3A_268 = arith.mulf %gather3A_266, %gather3A_267 : vector<16xf32>
      %add3A_269 = arith.addf %add3A_263, %mul3A_268 : vector<16xf32>
      %broadcast_in_dim3A_270 = arith.constant 17 : i32
      %broadcast_in_dim3A_271 = vector.broadcast %broadcast_in_dim3A_270 : i32 to vector<16xi32>
      %gather3A_272 = tpu.vector_load_idx %arg11[%add3A_167, %broadcast_in_dim3A_271] : memref<512x32xf32, #tpu.memory_space<vmem>>[vector<16xi32>, vector<16xi32>], vector<16xf32>,
      %gather3A_273 = tpu.vector_load_idx %arg12[%add3A_167, %broadcast_in_dim3A_271] : memref<512x32xf32, #tpu.memory_space<vmem>>[vector<16xi32>, vector<16xi32>], vector<16xf32>,
      %mul3A_274 = arith.mulf %gather3A_272, %gather3A_273 : vector<16xf32>
      %add3A_275 = arith.addf %add3A_269, %mul3A_274 : vector<16xf32>
      %broadcast_in_dim3A_276 = arith.constant 18 : i32
      %broadcast_in_dim3A_277 = vector.broadcast %broadcast_in_dim3A_276 : i32 to vector<16xi32>
      %gather3A_278 = tpu.vector_load_idx %arg11[%add3A_167, %broadcast_in_dim3A_277] : memref<512x32xf32, #tpu.memory_space<vmem>>[vector<16xi32>, vector<16xi32>], vector<16xf32>,
      %gather3A_279 = tpu.vector_load_idx %arg12[%add3A_167, %broadcast_in_dim3A_277] : memref<512x32xf32, #tpu.memory_space<vmem>>[vector<16xi32>, vector<16xi32>], vector<16xf32>,
      %mul3A_280 = arith.mulf %gather3A_278, %gather3A_279 : vector<16xf32>
      %add3A_281 = arith.addf %add3A_275, %mul3A_280 : vector<16xf32>
      %broadcast_in_dim3A_282 = arith.constant 19 : i32
      %broadcast_in_dim3A_283 = vector.broadcast %broadcast_in_dim3A_282 : i32 to vector<16xi32>
      %gather3A_284 = tpu.vector_load_idx %arg11[%add3A_167, %broadcast_in_dim3A_283] : memref<512x32xf32, #tpu.memory_space<vmem>>[vector<16xi32>, vector<16xi32>], vector<16xf32>,
      %gather3A_285 = tpu.vector_load_idx %arg12[%add3A_167, %broadcast_in_dim3A_283] : memref<512x32xf32, #tpu.memory_space<vmem>>[vector<16xi32>, vector<16xi32>], vector<16xf32>,
      %mul3A_286 = arith.mulf %gather3A_284, %gather3A_285 : vector<16xf32>
      %add3A_287 = arith.addf %add3A_281, %mul3A_286 : vector<16xf32>
      %broadcast_in_dim3A_288 = arith.constant 20 : i32
      %broadcast_in_dim3A_289 = vector.broadcast %broadcast_in_dim3A_288 : i32 to vector<16xi32>
      %gather3A_290 = tpu.vector_load_idx %arg11[%add3A_167, %broadcast_in_dim3A_289] : memref<512x32xf32, #tpu.memory_space<vmem>>[vector<16xi32>, vector<16xi32>], vector<16xf32>,
      %gather3A_291 = tpu.vector_load_idx %arg12[%add3A_167, %broadcast_in_dim3A_289] : memref<512x32xf32, #tpu.memory_space<vmem>>[vector<16xi32>, vector<16xi32>], vector<16xf32>,
      %mul3A_292 = arith.mulf %gather3A_290, %gather3A_291 : vector<16xf32>
      %add3A_293 = arith.addf %add3A_287, %mul3A_292 : vector<16xf32>
      %broadcast_in_dim3A_294 = arith.constant 21 : i32
      %broadcast_in_dim3A_295 = vector.broadcast %broadcast_in_dim3A_294 : i32 to vector<16xi32>
      %gather3A_296 = tpu.vector_load_idx %arg11[%add3A_167, %broadcast_in_dim3A_295] : memref<512x32xf32, #tpu.memory_space<vmem>>[vector<16xi32>, vector<16xi32>], vector<16xf32>,
      %gather3A_297 = tpu.vector_load_idx %arg12[%add3A_167, %broadcast_in_dim3A_295] : memref<512x32xf32, #tpu.memory_space<vmem>>[vector<16xi32>, vector<16xi32>], vector<16xf32>,
      %mul3A_298 = arith.mulf %gather3A_296, %gather3A_297 : vector<16xf32>
      %add3A_299 = arith.addf %add3A_293, %mul3A_298 : vector<16xf32>
      %broadcast_in_dim3A_300 = arith.constant 22 : i32
      %broadcast_in_dim3A_301 = vector.broadcast %broadcast_in_dim3A_300 : i32 to vector<16xi32>
      %gather3A_302 = tpu.vector_load_idx %arg11[%add3A_167, %broadcast_in_dim3A_301] : memref<512x32xf32, #tpu.memory_space<vmem>>[vector<16xi32>, vector<16xi32>], vector<16xf32>,
      %gather3A_303 = tpu.vector_load_idx %arg12[%add3A_167, %broadcast_in_dim3A_301] : memref<512x32xf32, #tpu.memory_space<vmem>>[vector<16xi32>, vector<16xi32>], vector<16xf32>,
      %mul3A_304 = arith.mulf %gather3A_302, %gather3A_303 : vector<16xf32>
      %add3A_305 = arith.addf %add3A_299, %mul3A_304 : vector<16xf32>
      %broadcast_in_dim3A_306 = arith.constant 23 : i32
      %broadcast_in_dim3A_307 = vector.broadcast %broadcast_in_dim3A_306 : i32 to vector<16xi32>
      %gather3A_308 = tpu.vector_load_idx %arg11[%add3A_167, %broadcast_in_dim3A_307] : memref<512x32xf32, #tpu.memory_space<vmem>>[vector<16xi32>, vector<16xi32>], vector<16xf32>,
      %gather3A_309 = tpu.vector_load_idx %arg12[%add3A_167, %broadcast_in_dim3A_307] : memref<512x32xf32, #tpu.memory_space<vmem>>[vector<16xi32>, vector<16xi32>], vector<16xf32>,
      %mul3A_310 = arith.mulf %gather3A_308, %gather3A_309 : vector<16xf32>
      %add3A_311 = arith.addf %add3A_305, %mul3A_310 : vector<16xf32>
      %broadcast_in_dim3A_312 = arith.constant 24 : i32
      %broadcast_in_dim3A_313 = vector.broadcast %broadcast_in_dim3A_312 : i32 to vector<16xi32>
      %gather3A_314 = tpu.vector_load_idx %arg11[%add3A_167, %broadcast_in_dim3A_313] : memref<512x32xf32, #tpu.memory_space<vmem>>[vector<16xi32>, vector<16xi32>], vector<16xf32>,
      %gather3A_315 = tpu.vector_load_idx %arg12[%add3A_167, %broadcast_in_dim3A_313] : memref<512x32xf32, #tpu.memory_space<vmem>>[vector<16xi32>, vector<16xi32>], vector<16xf32>,
      %mul3A_316 = arith.mulf %gather3A_314, %gather3A_315 : vector<16xf32>
      %add3A_317 = arith.addf %add3A_311, %mul3A_316 : vector<16xf32>
      %broadcast_in_dim3A_318 = arith.constant 25 : i32
      %broadcast_in_dim3A_319 = vector.broadcast %broadcast_in_dim3A_318 : i32 to vector<16xi32>
      %gather3A_320 = tpu.vector_load_idx %arg11[%add3A_167, %broadcast_in_dim3A_319] : memref<512x32xf32, #tpu.memory_space<vmem>>[vector<16xi32>, vector<16xi32>], vector<16xf32>,
      %gather3A_321 = tpu.vector_load_idx %arg12[%add3A_167, %broadcast_in_dim3A_319] : memref<512x32xf32, #tpu.memory_space<vmem>>[vector<16xi32>, vector<16xi32>], vector<16xf32>,
      %mul3A_322 = arith.mulf %gather3A_320, %gather3A_321 : vector<16xf32>
      %add3A_323 = arith.addf %add3A_317, %mul3A_322 : vector<16xf32>
      %broadcast_in_dim3A_324 = arith.constant 26 : i32
      %broadcast_in_dim3A_325 = vector.broadcast %broadcast_in_dim3A_324 : i32 to vector<16xi32>
      %gather3A_326 = tpu.vector_load_idx %arg11[%add3A_167, %broadcast_in_dim3A_325] : memref<512x32xf32, #tpu.memory_space<vmem>>[vector<16xi32>, vector<16xi32>], vector<16xf32>,
      %gather3A_327 = tpu.vector_load_idx %arg12[%add3A_167, %broadcast_in_dim3A_325] : memref<512x32xf32, #tpu.memory_space<vmem>>[vector<16xi32>, vector<16xi32>], vector<16xf32>,
      %mul3A_328 = arith.mulf %gather3A_326, %gather3A_327 : vector<16xf32>
      %add3A_329 = arith.addf %add3A_323, %mul3A_328 : vector<16xf32>
      %broadcast_in_dim3A_330 = arith.constant 27 : i32
      %broadcast_in_dim3A_331 = vector.broadcast %broadcast_in_dim3A_330 : i32 to vector<16xi32>
      %gather3A_332 = tpu.vector_load_idx %arg11[%add3A_167, %broadcast_in_dim3A_331] : memref<512x32xf32, #tpu.memory_space<vmem>>[vector<16xi32>, vector<16xi32>], vector<16xf32>,
      %gather3A_333 = tpu.vector_load_idx %arg12[%add3A_167, %broadcast_in_dim3A_331] : memref<512x32xf32, #tpu.memory_space<vmem>>[vector<16xi32>, vector<16xi32>], vector<16xf32>,
      %mul3A_334 = arith.mulf %gather3A_332, %gather3A_333 : vector<16xf32>
      %add3A_335 = arith.addf %add3A_329, %mul3A_334 : vector<16xf32>
      %broadcast_in_dim3A_336 = arith.constant 28 : i32
      %broadcast_in_dim3A_337 = vector.broadcast %broadcast_in_dim3A_336 : i32 to vector<16xi32>
      %gather3A_338 = tpu.vector_load_idx %arg11[%add3A_167, %broadcast_in_dim3A_337] : memref<512x32xf32, #tpu.memory_space<vmem>>[vector<16xi32>, vector<16xi32>], vector<16xf32>,
      %gather3A_339 = tpu.vector_load_idx %arg12[%add3A_167, %broadcast_in_dim3A_337] : memref<512x32xf32, #tpu.memory_space<vmem>>[vector<16xi32>, vector<16xi32>], vector<16xf32>,
      %mul3A_340 = arith.mulf %gather3A_338, %gather3A_339 : vector<16xf32>
      %add3A_341 = arith.addf %add3A_335, %mul3A_340 : vector<16xf32>
      %broadcast_in_dim3A_342 = arith.constant 29 : i32
      %broadcast_in_dim3A_343 = vector.broadcast %broadcast_in_dim3A_342 : i32 to vector<16xi32>
      %gather3A_344 = tpu.vector_load_idx %arg11[%add3A_167, %broadcast_in_dim3A_343] : memref<512x32xf32, #tpu.memory_space<vmem>>[vector<16xi32>, vector<16xi32>], vector<16xf32>,
      %gather3A_345 = tpu.vector_load_idx %arg12[%add3A_167, %broadcast_in_dim3A_343] : memref<512x32xf32, #tpu.memory_space<vmem>>[vector<16xi32>, vector<16xi32>], vector<16xf32>,
      %mul3A_346 = arith.mulf %gather3A_344, %gather3A_345 : vector<16xf32>
      %add3A_347 = arith.addf %add3A_341, %mul3A_346 : vector<16xf32>
      %broadcast_in_dim3A_348 = arith.constant 30 : i32
      %broadcast_in_dim3A_349 = vector.broadcast %broadcast_in_dim3A_348 : i32 to vector<16xi32>
      %gather3A_350 = tpu.vector_load_idx %arg11[%add3A_167, %broadcast_in_dim3A_349] : memref<512x32xf32, #tpu.memory_space<vmem>>[vector<16xi32>, vector<16xi32>], vector<16xf32>,
      %gather3A_351 = tpu.vector_load_idx %arg12[%add3A_167, %broadcast_in_dim3A_349] : memref<512x32xf32, #tpu.memory_space<vmem>>[vector<16xi32>, vector<16xi32>], vector<16xf32>,
      %mul3A_352 = arith.mulf %gather3A_350, %gather3A_351 : vector<16xf32>
      %add3A_353 = arith.addf %add3A_347, %mul3A_352 : vector<16xf32>
      %broadcast_in_dim3A_354 = arith.constant 31 : i32
      %broadcast_in_dim3A_355 = vector.broadcast %broadcast_in_dim3A_354 : i32 to vector<16xi32>
      %gather3A_356 = tpu.vector_load_idx %arg11[%add3A_167, %broadcast_in_dim3A_355] : memref<512x32xf32, #tpu.memory_space<vmem>>[vector<16xi32>, vector<16xi32>], vector<16xf32>,
      %gather3A_357 = tpu.vector_load_idx %arg12[%add3A_167, %broadcast_in_dim3A_355] : memref<512x32xf32, #tpu.memory_space<vmem>>[vector<16xi32>, vector<16xi32>], vector<16xf32>,
      %mul3A_358 = arith.mulf %gather3A_356, %gather3A_357 : vector<16xf32>
      %add3A_359 = arith.addf %add3A_353, %mul3A_358 : vector<16xf32>
      %mul3A_360 = arith.mulf %add3A_359, %get3A_73 : vector<16xf32>
      %add3A_361 = arith.addf %mul3A_360, %get3A_75 : vector<16xf32>
      %neg3A = arith.constant 0.000000e+00 : f32
      %neg3A_362 = vector.broadcast %neg3A : f32 to vector<16xf32>
      %neg3A_363 = arith.subf %neg3A_362, %add3A_361 : vector<16xf32>
      %exp3A = math.exp %neg3A_363 : vector<16xf32>
      %add3A_364 = arith.constant 1.000000e+00 : f32
      %add3A_365 = vector.broadcast %add3A_364 : f32 to vector<16xf32>
      %add3A_366 = arith.addf %add3A_365, %exp3A : vector<16xf32>
      %div3A = arith.constant 1.000000e+00 : f32
      %div3A_367 = vector.broadcast %div3A : f32 to vector<16xf32>
      %div3A_368 = arith.divf %div3A_367, %add3A_366 : vector<16xf32>
      %mul3A_369 = arith.constant 16 : i32
      %mul3A_370 = arith.muli %scan3A_163, %mul3A_369 : i32
      %swap3A = arith.index_cast %mul3A_370 : i32 to index
      %swap3A_371 = tpu.vector_load %arg13[%swap3A] {strides = array<i32>} : memref<512xf32, #tpu.memory_space<vmem>>, vector<16xf32>,
      tpu.vector_store %arg13[%swap3A], %div3A_368 {strides = array<i32>} : memref<512xf32, #tpu.memory_space<vmem>>, vector<16xf32>,
      %scan3A_372 = arith.constant 1 : i32
      %scan3A_373 = arith.addi %scan3A_163, %scan3A_372 : i32
      %mul3A_374 = arith.constant 16 : i32
      %mul3A_375 = arith.muli %scan3A_373, %mul3A_374 : i32
      %add3A_376 = vector.broadcast %mul3A_375 : i32 to vector<16xi32>
      %add3A_377 = arith.addi %add3A_376, %iota3A : vector<16xi32>
      %broadcast_in_dim3A_378 = arith.constant 0.000000e+00 : f32
      %broadcast_in_dim3A_379 = vector.broadcast %broadcast_in_dim3A_378 : f32 to vector<16xf32>
      %broadcast_in_dim3A_380 = arith.constant 0 : i32
      %broadcast_in_dim3A_381 = vector.broadcast %broadcast_in_dim3A_380 : i32 to vector<16xi32>
      %gather3A_382 = tpu.vector_load_idx %arg11[%add3A_377, %broadcast_in_dim3A_381] : memref<512x32xf32, #tpu.memory_space<vmem>>[vector<16xi32>, vector<16xi32>], vector<16xf32>,
      %gather3A_383 = tpu.vector_load_idx %arg12[%add3A_377, %broadcast_in_dim3A_381] : memref<512x32xf32, #tpu.memory_space<vmem>>[vector<16xi32>, vector<16xi32>], vector<16xf32>,
      %mul3A_384 = arith.mulf %gather3A_382, %gather3A_383 : vector<16xf32>
      %add3A_385 = arith.addf %broadcast_in_dim3A_379, %mul3A_384 : vector<16xf32>
      %broadcast_in_dim3A_386 = arith.constant 1 : i32
      %broadcast_in_dim3A_387 = vector.broadcast %broadcast_in_dim3A_386 : i32 to vector<16xi32>
      %gather3A_388 = tpu.vector_load_idx %arg11[%add3A_377, %broadcast_in_dim3A_387] : memref<512x32xf32, #tpu.memory_space<vmem>>[vector<16xi32>, vector<16xi32>], vector<16xf32>,
      %gather3A_389 = tpu.vector_load_idx %arg12[%add3A_377, %broadcast_in_dim3A_387] : memref<512x32xf32, #tpu.memory_space<vmem>>[vector<16xi32>, vector<16xi32>], vector<16xf32>,
      %mul3A_390 = arith.mulf %gather3A_388, %gather3A_389 : vector<16xf32>
      %add3A_391 = arith.addf %add3A_385, %mul3A_390 : vector<16xf32>
      %broadcast_in_dim3A_392 = arith.constant 2 : i32
      %broadcast_in_dim3A_393 = vector.broadcast %broadcast_in_dim3A_392 : i32 to vector<16xi32>
      %gather3A_394 = tpu.vector_load_idx %arg11[%add3A_377, %broadcast_in_dim3A_393] : memref<512x32xf32, #tpu.memory_space<vmem>>[vector<16xi32>, vector<16xi32>], vector<16xf32>,
      %gather3A_395 = tpu.vector_load_idx %arg12[%add3A_377, %broadcast_in_dim3A_393] : memref<512x32xf32, #tpu.memory_space<vmem>>[vector<16xi32>, vector<16xi32>], vector<16xf32>,
      %mul3A_396 = arith.mulf %gather3A_394, %gather3A_395 : vector<16xf32>
      %add3A_397 = arith.addf %add3A_391, %mul3A_396 : vector<16xf32>
      %broadcast_in_dim3A_398 = arith.constant 3 : i32
      %broadcast_in_dim3A_399 = vector.broadcast %broadcast_in_dim3A_398 : i32 to vector<16xi32>
      %gather3A_400 = tpu.vector_load_idx %arg11[%add3A_377, %broadcast_in_dim3A_399] : memref<512x32xf32, #tpu.memory_space<vmem>>[vector<16xi32>, vector<16xi32>], vector<16xf32>,
      %gather3A_401 = tpu.vector_load_idx %arg12[%add3A_377, %broadcast_in_dim3A_399] : memref<512x32xf32, #tpu.memory_space<vmem>>[vector<16xi32>, vector<16xi32>], vector<16xf32>,
      %mul3A_402 = arith.mulf %gather3A_400, %gather3A_401 : vector<16xf32>
      %add3A_403 = arith.addf %add3A_397, %mul3A_402 : vector<16xf32>
      %broadcast_in_dim3A_404 = arith.constant 4 : i32
      %broadcast_in_dim3A_405 = vector.broadcast %broadcast_in_dim3A_404 : i32 to vector<16xi32>
      %gather3A_406 = tpu.vector_load_idx %arg11[%add3A_377, %broadcast_in_dim3A_405] : memref<512x32xf32, #tpu.memory_space<vmem>>[vector<16xi32>, vector<16xi32>], vector<16xf32>,
      %gather3A_407 = tpu.vector_load_idx %arg12[%add3A_377, %broadcast_in_dim3A_405] : memref<512x32xf32, #tpu.memory_space<vmem>>[vector<16xi32>, vector<16xi32>], vector<16xf32>,
      %mul3A_408 = arith.mulf %gather3A_406, %gather3A_407 : vector<16xf32>
      %add3A_409 = arith.addf %add3A_403, %mul3A_408 : vector<16xf32>
      %broadcast_in_dim3A_410 = arith.constant 5 : i32
      %broadcast_in_dim3A_411 = vector.broadcast %broadcast_in_dim3A_410 : i32 to vector<16xi32>
      %gather3A_412 = tpu.vector_load_idx %arg11[%add3A_377, %broadcast_in_dim3A_411] : memref<512x32xf32, #tpu.memory_space<vmem>>[vector<16xi32>, vector<16xi32>], vector<16xf32>,
      %gather3A_413 = tpu.vector_load_idx %arg12[%add3A_377, %broadcast_in_dim3A_411] : memref<512x32xf32, #tpu.memory_space<vmem>>[vector<16xi32>, vector<16xi32>], vector<16xf32>,
      %mul3A_414 = arith.mulf %gather3A_412, %gather3A_413 : vector<16xf32>
      %add3A_415 = arith.addf %add3A_409, %mul3A_414 : vector<16xf32>
      %broadcast_in_dim3A_416 = arith.constant 6 : i32
      %broadcast_in_dim3A_417 = vector.broadcast %broadcast_in_dim3A_416 : i32 to vector<16xi32>
      %gather3A_418 = tpu.vector_load_idx %arg11[%add3A_377, %broadcast_in_dim3A_417] : memref<512x32xf32, #tpu.memory_space<vmem>>[vector<16xi32>, vector<16xi32>], vector<16xf32>,
      %gather3A_419 = tpu.vector_load_idx %arg12[%add3A_377, %broadcast_in_dim3A_417] : memref<512x32xf32, #tpu.memory_space<vmem>>[vector<16xi32>, vector<16xi32>], vector<16xf32>,
      %mul3A_420 = arith.mulf %gather3A_418, %gather3A_419 : vector<16xf32>
      %add3A_421 = arith.addf %add3A_415, %mul3A_420 : vector<16xf32>
      %broadcast_in_dim3A_422 = arith.constant 7 : i32
      %broadcast_in_dim3A_423 = vector.broadcast %broadcast_in_dim3A_422 : i32 to vector<16xi32>
      %gather3A_424 = tpu.vector_load_idx %arg11[%add3A_377, %broadcast_in_dim3A_423] : memref<512x32xf32, #tpu.memory_space<vmem>>[vector<16xi32>, vector<16xi32>], vector<16xf32>,
      %gather3A_425 = tpu.vector_load_idx %arg12[%add3A_377, %broadcast_in_dim3A_423] : memref<512x32xf32, #tpu.memory_space<vmem>>[vector<16xi32>, vector<16xi32>], vector<16xf32>,
      %mul3A_426 = arith.mulf %gather3A_424, %gather3A_425 : vector<16xf32>
      %add3A_427 = arith.addf %add3A_421, %mul3A_426 : vector<16xf32>
      %broadcast_in_dim3A_428 = arith.constant 8 : i32
      %broadcast_in_dim3A_429 = vector.broadcast %broadcast_in_dim3A_428 : i32 to vector<16xi32>
      %gather3A_430 = tpu.vector_load_idx %arg11[%add3A_377, %broadcast_in_dim3A_429] : memref<512x32xf32, #tpu.memory_space<vmem>>[vector<16xi32>, vector<16xi32>], vector<16xf32>,
      %gather3A_431 = tpu.vector_load_idx %arg12[%add3A_377, %broadcast_in_dim3A_429] : memref<512x32xf32, #tpu.memory_space<vmem>>[vector<16xi32>, vector<16xi32>], vector<16xf32>,
      %mul3A_432 = arith.mulf %gather3A_430, %gather3A_431 : vector<16xf32>
      %add3A_433 = arith.addf %add3A_427, %mul3A_432 : vector<16xf32>
      %broadcast_in_dim3A_434 = arith.constant 9 : i32
      %broadcast_in_dim3A_435 = vector.broadcast %broadcast_in_dim3A_434 : i32 to vector<16xi32>
      %gather3A_436 = tpu.vector_load_idx %arg11[%add3A_377, %broadcast_in_dim3A_435] : memref<512x32xf32, #tpu.memory_space<vmem>>[vector<16xi32>, vector<16xi32>], vector<16xf32>,
      %gather3A_437 = tpu.vector_load_idx %arg12[%add3A_377, %broadcast_in_dim3A_435] : memref<512x32xf32, #tpu.memory_space<vmem>>[vector<16xi32>, vector<16xi32>], vector<16xf32>,
      %mul3A_438 = arith.mulf %gather3A_436, %gather3A_437 : vector<16xf32>
      %add3A_439 = arith.addf %add3A_433, %mul3A_438 : vector<16xf32>
      %broadcast_in_dim3A_440 = arith.constant 10 : i32
      %broadcast_in_dim3A_441 = vector.broadcast %broadcast_in_dim3A_440 : i32 to vector<16xi32>
      %gather3A_442 = tpu.vector_load_idx %arg11[%add3A_377, %broadcast_in_dim3A_441] : memref<512x32xf32, #tpu.memory_space<vmem>>[vector<16xi32>, vector<16xi32>], vector<16xf32>,
      %gather3A_443 = tpu.vector_load_idx %arg12[%add3A_377, %broadcast_in_dim3A_441] : memref<512x32xf32, #tpu.memory_space<vmem>>[vector<16xi32>, vector<16xi32>], vector<16xf32>,
      %mul3A_444 = arith.mulf %gather3A_442, %gather3A_443 : vector<16xf32>
      %add3A_445 = arith.addf %add3A_439, %mul3A_444 : vector<16xf32>
      %broadcast_in_dim3A_446 = arith.constant 11 : i32
      %broadcast_in_dim3A_447 = vector.broadcast %broadcast_in_dim3A_446 : i32 to vector<16xi32>
      %gather3A_448 = tpu.vector_load_idx %arg11[%add3A_377, %broadcast_in_dim3A_447] : memref<512x32xf32, #tpu.memory_space<vmem>>[vector<16xi32>, vector<16xi32>], vector<16xf32>,
      %gather3A_449 = tpu.vector_load_idx %arg12[%add3A_377, %broadcast_in_dim3A_447] : memref<512x32xf32, #tpu.memory_space<vmem>>[vector<16xi32>, vector<16xi32>], vector<16xf32>,
      %mul3A_450 = arith.mulf %gather3A_448, %gather3A_449 : vector<16xf32>
      %add3A_451 = arith.addf %add3A_445, %mul3A_450 : vector<16xf32>
      %broadcast_in_dim3A_452 = arith.constant 12 : i32
      %broadcast_in_dim3A_453 = vector.broadcast %broadcast_in_dim3A_452 : i32 to vector<16xi32>
      %gather3A_454 = tpu.vector_load_idx %arg11[%add3A_377, %broadcast_in_dim3A_453] : memref<512x32xf32, #tpu.memory_space<vmem>>[vector<16xi32>, vector<16xi32>], vector<16xf32>,
      %gather3A_455 = tpu.vector_load_idx %arg12[%add3A_377, %broadcast_in_dim3A_453] : memref<512x32xf32, #tpu.memory_space<vmem>>[vector<16xi32>, vector<16xi32>], vector<16xf32>,
      %mul3A_456 = arith.mulf %gather3A_454, %gather3A_455 : vector<16xf32>
      %add3A_457 = arith.addf %add3A_451, %mul3A_456 : vector<16xf32>
      %broadcast_in_dim3A_458 = arith.constant 13 : i32
      %broadcast_in_dim3A_459 = vector.broadcast %broadcast_in_dim3A_458 : i32 to vector<16xi32>
      %gather3A_460 = tpu.vector_load_idx %arg11[%add3A_377, %broadcast_in_dim3A_459] : memref<512x32xf32, #tpu.memory_space<vmem>>[vector<16xi32>, vector<16xi32>], vector<16xf32>,
      %gather3A_461 = tpu.vector_load_idx %arg12[%add3A_377, %broadcast_in_dim3A_459] : memref<512x32xf32, #tpu.memory_space<vmem>>[vector<16xi32>, vector<16xi32>], vector<16xf32>,
      %mul3A_462 = arith.mulf %gather3A_460, %gather3A_461 : vector<16xf32>
      %add3A_463 = arith.addf %add3A_457, %mul3A_462 : vector<16xf32>
      %broadcast_in_dim3A_464 = arith.constant 14 : i32
      %broadcast_in_dim3A_465 = vector.broadcast %broadcast_in_dim3A_464 : i32 to vector<16xi32>
      %gather3A_466 = tpu.vector_load_idx %arg11[%add3A_377, %broadcast_in_dim3A_465] : memref<512x32xf32, #tpu.memory_space<vmem>>[vector<16xi32>, vector<16xi32>], vector<16xf32>,
      %gather3A_467 = tpu.vector_load_idx %arg12[%add3A_377, %broadcast_in_dim3A_465] : memref<512x32xf32, #tpu.memory_space<vmem>>[vector<16xi32>, vector<16xi32>], vector<16xf32>,
      %mul3A_468 = arith.mulf %gather3A_466, %gather3A_467 : vector<16xf32>
      %add3A_469 = arith.addf %add3A_463, %mul3A_468 : vector<16xf32>
      %broadcast_in_dim3A_470 = arith.constant 15 : i32
      %broadcast_in_dim3A_471 = vector.broadcast %broadcast_in_dim3A_470 : i32 to vector<16xi32>
      %gather3A_472 = tpu.vector_load_idx %arg11[%add3A_377, %broadcast_in_dim3A_471] : memref<512x32xf32, #tpu.memory_space<vmem>>[vector<16xi32>, vector<16xi32>], vector<16xf32>,
      %gather3A_473 = tpu.vector_load_idx %arg12[%add3A_377, %broadcast_in_dim3A_471] : memref<512x32xf32, #tpu.memory_space<vmem>>[vector<16xi32>, vector<16xi32>], vector<16xf32>,
      %mul3A_474 = arith.mulf %gather3A_472, %gather3A_473 : vector<16xf32>
      %add3A_475 = arith.addf %add3A_469, %mul3A_474 : vector<16xf32>
      %broadcast_in_dim3A_476 = arith.constant 16 : i32
      %broadcast_in_dim3A_477 = vector.broadcast %broadcast_in_dim3A_476 : i32 to vector<16xi32>
      %gather3A_478 = tpu.vector_load_idx %arg11[%add3A_377, %broadcast_in_dim3A_477] : memref<512x32xf32, #tpu.memory_space<vmem>>[vector<16xi32>, vector<16xi32>], vector<16xf32>,
      %gather3A_479 = tpu.vector_load_idx %arg12[%add3A_377, %broadcast_in_dim3A_477] : memref<512x32xf32, #tpu.memory_space<vmem>>[vector<16xi32>, vector<16xi32>], vector<16xf32>,
      %mul3A_480 = arith.mulf %gather3A_478, %gather3A_479 : vector<16xf32>
      %add3A_481 = arith.addf %add3A_475, %mul3A_480 : vector<16xf32>
      %broadcast_in_dim3A_482 = arith.constant 17 : i32
      %broadcast_in_dim3A_483 = vector.broadcast %broadcast_in_dim3A_482 : i32 to vector<16xi32>
      %gather3A_484 = tpu.vector_load_idx %arg11[%add3A_377, %broadcast_in_dim3A_483] : memref<512x32xf32, #tpu.memory_space<vmem>>[vector<16xi32>, vector<16xi32>], vector<16xf32>,
      %gather3A_485 = tpu.vector_load_idx %arg12[%add3A_377, %broadcast_in_dim3A_483] : memref<512x32xf32, #tpu.memory_space<vmem>>[vector<16xi32>, vector<16xi32>], vector<16xf32>,
      %mul3A_486 = arith.mulf %gather3A_484, %gather3A_485 : vector<16xf32>
      %add3A_487 = arith.addf %add3A_481, %mul3A_486 : vector<16xf32>
      %broadcast_in_dim3A_488 = arith.constant 18 : i32
      %broadcast_in_dim3A_489 = vector.broadcast %broadcast_in_dim3A_488 : i32 to vector<16xi32>
      %gather3A_490 = tpu.vector_load_idx %arg11[%add3A_377, %broadcast_in_dim3A_489] : memref<512x32xf32, #tpu.memory_space<vmem>>[vector<16xi32>, vector<16xi32>], vector<16xf32>,
      %gather3A_491 = tpu.vector_load_idx %arg12[%add3A_377, %broadcast_in_dim3A_489] : memref<512x32xf32, #tpu.memory_space<vmem>>[vector<16xi32>, vector<16xi32>], vector<16xf32>,
      %mul3A_492 = arith.mulf %gather3A_490, %gather3A_491 : vector<16xf32>
      %add3A_493 = arith.addf %add3A_487, %mul3A_492 : vector<16xf32>
      %broadcast_in_dim3A_494 = arith.constant 19 : i32
      %broadcast_in_dim3A_495 = vector.broadcast %broadcast_in_dim3A_494 : i32 to vector<16xi32>
      %gather3A_496 = tpu.vector_load_idx %arg11[%add3A_377, %broadcast_in_dim3A_495] : memref<512x32xf32, #tpu.memory_space<vmem>>[vector<16xi32>, vector<16xi32>], vector<16xf32>,
      %gather3A_497 = tpu.vector_load_idx %arg12[%add3A_377, %broadcast_in_dim3A_495] : memref<512x32xf32, #tpu.memory_space<vmem>>[vector<16xi32>, vector<16xi32>], vector<16xf32>,
      %mul3A_498 = arith.mulf %gather3A_496, %gather3A_497 : vector<16xf32>
      %add3A_499 = arith.addf %add3A_493, %mul3A_498 : vector<16xf32>
      %broadcast_in_dim3A_500 = arith.constant 20 : i32
      %broadcast_in_dim3A_501 = vector.broadcast %broadcast_in_dim3A_500 : i32 to vector<16xi32>
      %gather3A_502 = tpu.vector_load_idx %arg11[%add3A_377, %broadcast_in_dim3A_501] : memref<512x32xf32, #tpu.memory_space<vmem>>[vector<16xi32>, vector<16xi32>], vector<16xf32>,
      %gather3A_503 = tpu.vector_load_idx %arg12[%add3A_377, %broadcast_in_dim3A_501] : memref<512x32xf32, #tpu.memory_space<vmem>>[vector<16xi32>, vector<16xi32>], vector<16xf32>,
      %mul3A_504 = arith.mulf %gather3A_502, %gather3A_503 : vector<16xf32>
      %add3A_505 = arith.addf %add3A_499, %mul3A_504 : vector<16xf32>
      %broadcast_in_dim3A_506 = arith.constant 21 : i32
      %broadcast_in_dim3A_507 = vector.broadcast %broadcast_in_dim3A_506 : i32 to vector<16xi32>
      %gather3A_508 = tpu.vector_load_idx %arg11[%add3A_377, %broadcast_in_dim3A_507] : memref<512x32xf32, #tpu.memory_space<vmem>>[vector<16xi32>, vector<16xi32>], vector<16xf32>,
      %gather3A_509 = tpu.vector_load_idx %arg12[%add3A_377, %broadcast_in_dim3A_507] : memref<512x32xf32, #tpu.memory_space<vmem>>[vector<16xi32>, vector<16xi32>], vector<16xf32>,
      %mul3A_510 = arith.mulf %gather3A_508, %gather3A_509 : vector<16xf32>
      %add3A_511 = arith.addf %add3A_505, %mul3A_510 : vector<16xf32>
      %broadcast_in_dim3A_512 = arith.constant 22 : i32
      %broadcast_in_dim3A_513 = vector.broadcast %broadcast_in_dim3A_512 : i32 to vector<16xi32>
      %gather3A_514 = tpu.vector_load_idx %arg11[%add3A_377, %broadcast_in_dim3A_513] : memref<512x32xf32, #tpu.memory_space<vmem>>[vector<16xi32>, vector<16xi32>], vector<16xf32>,
      %gather3A_515 = tpu.vector_load_idx %arg12[%add3A_377, %broadcast_in_dim3A_513] : memref<512x32xf32, #tpu.memory_space<vmem>>[vector<16xi32>, vector<16xi32>], vector<16xf32>,
      %mul3A_516 = arith.mulf %gather3A_514, %gather3A_515 : vector<16xf32>
      %add3A_517 = arith.addf %add3A_511, %mul3A_516 : vector<16xf32>
      %broadcast_in_dim3A_518 = arith.constant 23 : i32
      %broadcast_in_dim3A_519 = vector.broadcast %broadcast_in_dim3A_518 : i32 to vector<16xi32>
      %gather3A_520 = tpu.vector_load_idx %arg11[%add3A_377, %broadcast_in_dim3A_519] : memref<512x32xf32, #tpu.memory_space<vmem>>[vector<16xi32>, vector<16xi32>], vector<16xf32>,
      %gather3A_521 = tpu.vector_load_idx %arg12[%add3A_377, %broadcast_in_dim3A_519] : memref<512x32xf32, #tpu.memory_space<vmem>>[vector<16xi32>, vector<16xi32>], vector<16xf32>,
      %mul3A_522 = arith.mulf %gather3A_520, %gather3A_521 : vector<16xf32>
      %add3A_523 = arith.addf %add3A_517, %mul3A_522 : vector<16xf32>
      %broadcast_in_dim3A_524 = arith.constant 24 : i32
      %broadcast_in_dim3A_525 = vector.broadcast %broadcast_in_dim3A_524 : i32 to vector<16xi32>
      %gather3A_526 = tpu.vector_load_idx %arg11[%add3A_377, %broadcast_in_dim3A_525] : memref<512x32xf32, #tpu.memory_space<vmem>>[vector<16xi32>, vector<16xi32>], vector<16xf32>,
      %gather3A_527 = tpu.vector_load_idx %arg12[%add3A_377, %broadcast_in_dim3A_525] : memref<512x32xf32, #tpu.memory_space<vmem>>[vector<16xi32>, vector<16xi32>], vector<16xf32>,
      %mul3A_528 = arith.mulf %gather3A_526, %gather3A_527 : vector<16xf32>
      %add3A_529 = arith.addf %add3A_523, %mul3A_528 : vector<16xf32>
      %broadcast_in_dim3A_530 = arith.constant 25 : i32
      %broadcast_in_dim3A_531 = vector.broadcast %broadcast_in_dim3A_530 : i32 to vector<16xi32>
      %gather3A_532 = tpu.vector_load_idx %arg11[%add3A_377, %broadcast_in_dim3A_531] : memref<512x32xf32, #tpu.memory_space<vmem>>[vector<16xi32>, vector<16xi32>], vector<16xf32>,
      %gather3A_533 = tpu.vector_load_idx %arg12[%add3A_377, %broadcast_in_dim3A_531] : memref<512x32xf32, #tpu.memory_space<vmem>>[vector<16xi32>, vector<16xi32>], vector<16xf32>,
      %mul3A_534 = arith.mulf %gather3A_532, %gather3A_533 : vector<16xf32>
      %add3A_535 = arith.addf %add3A_529, %mul3A_534 : vector<16xf32>
      %broadcast_in_dim3A_536 = arith.constant 26 : i32
      %broadcast_in_dim3A_537 = vector.broadcast %broadcast_in_dim3A_536 : i32 to vector<16xi32>
      %gather3A_538 = tpu.vector_load_idx %arg11[%add3A_377, %broadcast_in_dim3A_537] : memref<512x32xf32, #tpu.memory_space<vmem>>[vector<16xi32>, vector<16xi32>], vector<16xf32>,
      %gather3A_539 = tpu.vector_load_idx %arg12[%add3A_377, %broadcast_in_dim3A_537] : memref<512x32xf32, #tpu.memory_space<vmem>>[vector<16xi32>, vector<16xi32>], vector<16xf32>,
      %mul3A_540 = arith.mulf %gather3A_538, %gather3A_539 : vector<16xf32>
      %add3A_541 = arith.addf %add3A_535, %mul3A_540 : vector<16xf32>
      %broadcast_in_dim3A_542 = arith.constant 27 : i32
      %broadcast_in_dim3A_543 = vector.broadcast %broadcast_in_dim3A_542 : i32 to vector<16xi32>
      %gather3A_544 = tpu.vector_load_idx %arg11[%add3A_377, %broadcast_in_dim3A_543] : memref<512x32xf32, #tpu.memory_space<vmem>>[vector<16xi32>, vector<16xi32>], vector<16xf32>,
      %gather3A_545 = tpu.vector_load_idx %arg12[%add3A_377, %broadcast_in_dim3A_543] : memref<512x32xf32, #tpu.memory_space<vmem>>[vector<16xi32>, vector<16xi32>], vector<16xf32>,
      %mul3A_546 = arith.mulf %gather3A_544, %gather3A_545 : vector<16xf32>
      %add3A_547 = arith.addf %add3A_541, %mul3A_546 : vector<16xf32>
      %broadcast_in_dim3A_548 = arith.constant 28 : i32
      %broadcast_in_dim3A_549 = vector.broadcast %broadcast_in_dim3A_548 : i32 to vector<16xi32>
      %gather3A_550 = tpu.vector_load_idx %arg11[%add3A_377, %broadcast_in_dim3A_549] : memref<512x32xf32, #tpu.memory_space<vmem>>[vector<16xi32>, vector<16xi32>], vector<16xf32>,
      %gather3A_551 = tpu.vector_load_idx %arg12[%add3A_377, %broadcast_in_dim3A_549] : memref<512x32xf32, #tpu.memory_space<vmem>>[vector<16xi32>, vector<16xi32>], vector<16xf32>,
      %mul3A_552 = arith.mulf %gather3A_550, %gather3A_551 : vector<16xf32>
      %add3A_553 = arith.addf %add3A_547, %mul3A_552 : vector<16xf32>
      %broadcast_in_dim3A_554 = arith.constant 29 : i32
      %broadcast_in_dim3A_555 = vector.broadcast %broadcast_in_dim3A_554 : i32 to vector<16xi32>
      %gather3A_556 = tpu.vector_load_idx %arg11[%add3A_377, %broadcast_in_dim3A_555] : memref<512x32xf32, #tpu.memory_space<vmem>>[vector<16xi32>, vector<16xi32>], vector<16xf32>,
      %gather3A_557 = tpu.vector_load_idx %arg12[%add3A_377, %broadcast_in_dim3A_555] : memref<512x32xf32, #tpu.memory_space<vmem>>[vector<16xi32>, vector<16xi32>], vector<16xf32>,
      %mul3A_558 = arith.mulf %gather3A_556, %gather3A_557 : vector<16xf32>
      %add3A_559 = arith.addf %add3A_553, %mul3A_558 : vector<16xf32>
      %broadcast_in_dim3A_560 = arith.constant 30 : i32
      %broadcast_in_dim3A_561 = vector.broadcast %broadcast_in_dim3A_560 : i32 to vector<16xi32>
      %gather3A_562 = tpu.vector_load_idx %arg11[%add3A_377, %broadcast_in_dim3A_561] : memref<512x32xf32, #tpu.memory_space<vmem>>[vector<16xi32>, vector<16xi32>], vector<16xf32>,
      %gather3A_563 = tpu.vector_load_idx %arg12[%add3A_377, %broadcast_in_dim3A_561] : memref<512x32xf32, #tpu.memory_space<vmem>>[vector<16xi32>, vector<16xi32>], vector<16xf32>,
      %mul3A_564 = arith.mulf %gather3A_562, %gather3A_563 : vector<16xf32>
      %add3A_565 = arith.addf %add3A_559, %mul3A_564 : vector<16xf32>
      %broadcast_in_dim3A_566 = arith.constant 31 : i32
      %broadcast_in_dim3A_567 = vector.broadcast %broadcast_in_dim3A_566 : i32 to vector<16xi32>
      %gather3A_568 = tpu.vector_load_idx %arg11[%add3A_377, %broadcast_in_dim3A_567] : memref<512x32xf32, #tpu.memory_space<vmem>>[vector<16xi32>, vector<16xi32>], vector<16xf32>,
      %gather3A_569 = tpu.vector_load_idx %arg12[%add3A_377, %broadcast_in_dim3A_567] : memref<512x32xf32, #tpu.memory_space<vmem>>[vector<16xi32>, vector<16xi32>], vector<16xf32>,
      %mul3A_570 = arith.mulf %gather3A_568, %gather3A_569 : vector<16xf32>
      %add3A_571 = arith.addf %add3A_565, %mul3A_570 : vector<16xf32>
      %mul3A_572 = arith.mulf %add3A_571, %get3A_73 : vector<16xf32>
      %add3A_573 = arith.addf %mul3A_572, %get3A_75 : vector<16xf32>
      %neg3A_574 = arith.constant 0.000000e+00 : f32
      %neg3A_575 = vector.broadcast %neg3A_574 : f32 to vector<16xf32>
      %neg3A_576 = arith.subf %neg3A_575, %add3A_573 : vector<16xf32>
      %exp3A_577 = math.exp %neg3A_576 : vector<16xf32>
      %add3A_578 = arith.constant 1.000000e+00 : f32
      %add3A_579 = vector.broadcast %add3A_578 : f32 to vector<16xf32>
      %add3A_580 = arith.addf %add3A_579, %exp3A_577 : vector<16xf32>
      %div3A_581 = arith.constant 1.000000e+00 : f32
      %div3A_582 = vector.broadcast %div3A_581 : f32 to vector<16xf32>
      %div3A_583 = arith.divf %div3A_582, %add3A_580 : vector<16xf32>
      %mul3A_584 = arith.constant 16 : i32
      %mul3A_585 = arith.muli %scan3A_373, %mul3A_584 : i32
      %swap3A_586 = arith.index_cast %mul3A_585 : i32 to index
      %swap3A_587 = tpu.vector_load %arg13[%swap3A_586] {strides = array<i32>} : memref<512xf32, #tpu.memory_space<vmem>>, vector<16xf32>,
      tpu.vector_store %arg13[%swap3A_586], %div3A_583 {strides = array<i32>} : memref<512xf32, #tpu.memory_space<vmem>>, vector<16xf32>,
    }
    %scan3A_118 = arith.constant 8 : i32
    %dma_wait3A_119 = arith.constant 256 : i32
    %dma_wait3A_120 = arith.constant 0 : i32
    %dma_wait3A_121 = tpu.memref_slice %arg11[%dma_wait3A_119, %dma_wait3A_120] : memref<512x32xf32, #tpu.memory_space<vmem>> -> memref<128x32xf32, #tpu.memory_space<vmem>>
    %dma_wait3A_122 = arith.constant 256 : i32
    %dma_wait3A_123 = tpu.memref_slice %arg9[%dma_wait3A_122] : memref<512xi32, #tpu.memory_space<vmem>> -> memref<128xi32, #tpu.memory_space<vmem>>
    %dma_wait3A_124 = arith.constant 0 : i32
    %dma_wait3A_125 = arith.constant 0 : i32
    %dma_wait3A_126 = tpu.memref_slice %arg4[%dma_wait3A_124, %dma_wait3A_125] : memref<100000x32xf32, #tpu.memory_space<hbm>> -> memref<100000x32xf32, #tpu.memory_space<hbm>>
    tpu.wait_indirect_dma semaphore(%arg16 : memref<!tpu.dma_semaphore, #tpu.memory_space<semaphore_mem>>) src(%dma_wait3A_126 : memref<100000x32xf32, #tpu.memory_space<hbm>>) dst(%dma_wait3A_121 : memref<128x32xf32, #tpu.memory_space<vmem>>)
    %dma_wait3A_127 = arith.constant 256 : i32
    %dma_wait3A_128 = arith.constant 0 : i32
    %dma_wait3A_129 = tpu.memref_slice %arg12[%dma_wait3A_127, %dma_wait3A_128] : memref<512x32xf32, #tpu.memory_space<vmem>> -> memref<128x32xf32, #tpu.memory_space<vmem>>
    %dma_wait3A_130 = arith.constant 256 : i32
    %dma_wait3A_131 = tpu.memref_slice %arg10[%dma_wait3A_130] : memref<512xi32, #tpu.memory_space<vmem>> -> memref<128xi32, #tpu.memory_space<vmem>>
    %dma_wait3A_132 = arith.constant 0 : i32
    %dma_wait3A_133 = arith.constant 0 : i32
    %dma_wait3A_134 = tpu.memref_slice %arg5[%dma_wait3A_132, %dma_wait3A_133] : memref<100000x32xf32, #tpu.memory_space<hbm>> -> memref<100000x32xf32, #tpu.memory_space<hbm>>
    tpu.wait_indirect_dma semaphore(%arg16 : memref<!tpu.dma_semaphore, #tpu.memory_space<semaphore_mem>>) src(%dma_wait3A_134 : memref<100000x32xf32, #tpu.memory_space<hbm>>) dst(%dma_wait3A_129 : memref<128x32xf32, #tpu.memory_space<vmem>>)
    %scan3A_135 = arith.constant 0 : i32
    %scan3A_136 = arith.constant 16 : i32
    %scan3A_137 = arith.constant 8 : i32
    %scan3A_138 = arith.addi %scan3A_136, %scan3A_137 : i32
    %scan3A_139 = arith.constant 2 : i32
    scf.for %scan3A_163 = %scan3A_136 to %scan3A_138 step %scan3A_139  : i32 {
      %mul3A_164 = arith.constant 16 : i32
      %mul3A_165 = arith.muli %scan3A_163, %mul3A_164 : i32
      %add3A_166 = vector.broadcast %mul3A_165 : i32 to vector<16xi32>
      %add3A_167 = arith.addi %add3A_166, %iota3A : vector<16xi32>
      %broadcast_in_dim3A = arith.constant 0.000000e+00 : f32
      %broadcast_in_dim3A_168 = vector.broadcast %broadcast_in_dim3A : f32 to vector<16xf32>
      %broadcast_in_dim3A_169 = arith.constant 0 : i32
      %broadcast_in_dim3A_170 = vector.broadcast %broadcast_in_dim3A_169 : i32 to vector<16xi32>
      %gather3A = tpu.vector_load_idx %arg11[%add3A_167, %broadcast_in_dim3A_170] : memref<512x32xf32, #tpu.memory_space<vmem>>[vector<16xi32>, vector<16xi32>], vector<16xf32>,
      %gather3A_171 = tpu.vector_load_idx %arg12[%add3A_167, %broadcast_in_dim3A_170] : memref<512x32xf32, #tpu.memory_space<vmem>>[vector<16xi32>, vector<16xi32>], vector<16xf32>,
      %mul3A_172 = arith.mulf %gather3A, %gather3A_171 : vector<16xf32>
      %add3A_173 = arith.addf %broadcast_in_dim3A_168, %mul3A_172 : vector<16xf32>
      %broadcast_in_dim3A_174 = arith.constant 1 : i32
      %broadcast_in_dim3A_175 = vector.broadcast %broadcast_in_dim3A_174 : i32 to vector<16xi32>
      %gather3A_176 = tpu.vector_load_idx %arg11[%add3A_167, %broadcast_in_dim3A_175] : memref<512x32xf32, #tpu.memory_space<vmem>>[vector<16xi32>, vector<16xi32>], vector<16xf32>,
      %gather3A_177 = tpu.vector_load_idx %arg12[%add3A_167, %broadcast_in_dim3A_175] : memref<512x32xf32, #tpu.memory_space<vmem>>[vector<16xi32>, vector<16xi32>], vector<16xf32>,
      %mul3A_178 = arith.mulf %gather3A_176, %gather3A_177 : vector<16xf32>
      %add3A_179 = arith.addf %add3A_173, %mul3A_178 : vector<16xf32>
      %broadcast_in_dim3A_180 = arith.constant 2 : i32
      %broadcast_in_dim3A_181 = vector.broadcast %broadcast_in_dim3A_180 : i32 to vector<16xi32>
      %gather3A_182 = tpu.vector_load_idx %arg11[%add3A_167, %broadcast_in_dim3A_181] : memref<512x32xf32, #tpu.memory_space<vmem>>[vector<16xi32>, vector<16xi32>], vector<16xf32>,
      %gather3A_183 = tpu.vector_load_idx %arg12[%add3A_167, %broadcast_in_dim3A_181] : memref<512x32xf32, #tpu.memory_space<vmem>>[vector<16xi32>, vector<16xi32>], vector<16xf32>,
      %mul3A_184 = arith.mulf %gather3A_182, %gather3A_183 : vector<16xf32>
      %add3A_185 = arith.addf %add3A_179, %mul3A_184 : vector<16xf32>
      %broadcast_in_dim3A_186 = arith.constant 3 : i32
      %broadcast_in_dim3A_187 = vector.broadcast %broadcast_in_dim3A_186 : i32 to vector<16xi32>
      %gather3A_188 = tpu.vector_load_idx %arg11[%add3A_167, %broadcast_in_dim3A_187] : memref<512x32xf32, #tpu.memory_space<vmem>>[vector<16xi32>, vector<16xi32>], vector<16xf32>,
      %gather3A_189 = tpu.vector_load_idx %arg12[%add3A_167, %broadcast_in_dim3A_187] : memref<512x32xf32, #tpu.memory_space<vmem>>[vector<16xi32>, vector<16xi32>], vector<16xf32>,
      %mul3A_190 = arith.mulf %gather3A_188, %gather3A_189 : vector<16xf32>
      %add3A_191 = arith.addf %add3A_185, %mul3A_190 : vector<16xf32>
      %broadcast_in_dim3A_192 = arith.constant 4 : i32
      %broadcast_in_dim3A_193 = vector.broadcast %broadcast_in_dim3A_192 : i32 to vector<16xi32>
      %gather3A_194 = tpu.vector_load_idx %arg11[%add3A_167, %broadcast_in_dim3A_193] : memref<512x32xf32, #tpu.memory_space<vmem>>[vector<16xi32>, vector<16xi32>], vector<16xf32>,
      %gather3A_195 = tpu.vector_load_idx %arg12[%add3A_167, %broadcast_in_dim3A_193] : memref<512x32xf32, #tpu.memory_space<vmem>>[vector<16xi32>, vector<16xi32>], vector<16xf32>,
      %mul3A_196 = arith.mulf %gather3A_194, %gather3A_195 : vector<16xf32>
      %add3A_197 = arith.addf %add3A_191, %mul3A_196 : vector<16xf32>
      %broadcast_in_dim3A_198 = arith.constant 5 : i32
      %broadcast_in_dim3A_199 = vector.broadcast %broadcast_in_dim3A_198 : i32 to vector<16xi32>
      %gather3A_200 = tpu.vector_load_idx %arg11[%add3A_167, %broadcast_in_dim3A_199] : memref<512x32xf32, #tpu.memory_space<vmem>>[vector<16xi32>, vector<16xi32>], vector<16xf32>,
      %gather3A_201 = tpu.vector_load_idx %arg12[%add3A_167, %broadcast_in_dim3A_199] : memref<512x32xf32, #tpu.memory_space<vmem>>[vector<16xi32>, vector<16xi32>], vector<16xf32>,
      %mul3A_202 = arith.mulf %gather3A_200, %gather3A_201 : vector<16xf32>
      %add3A_203 = arith.addf %add3A_197, %mul3A_202 : vector<16xf32>
      %broadcast_in_dim3A_204 = arith.constant 6 : i32
      %broadcast_in_dim3A_205 = vector.broadcast %broadcast_in_dim3A_204 : i32 to vector<16xi32>
      %gather3A_206 = tpu.vector_load_idx %arg11[%add3A_167, %broadcast_in_dim3A_205] : memref<512x32xf32, #tpu.memory_space<vmem>>[vector<16xi32>, vector<16xi32>], vector<16xf32>,
      %gather3A_207 = tpu.vector_load_idx %arg12[%add3A_167, %broadcast_in_dim3A_205] : memref<512x32xf32, #tpu.memory_space<vmem>>[vector<16xi32>, vector<16xi32>], vector<16xf32>,
      %mul3A_208 = arith.mulf %gather3A_206, %gather3A_207 : vector<16xf32>
      %add3A_209 = arith.addf %add3A_203, %mul3A_208 : vector<16xf32>
      %broadcast_in_dim3A_210 = arith.constant 7 : i32
      %broadcast_in_dim3A_211 = vector.broadcast %broadcast_in_dim3A_210 : i32 to vector<16xi32>
      %gather3A_212 = tpu.vector_load_idx %arg11[%add3A_167, %broadcast_in_dim3A_211] : memref<512x32xf32, #tpu.memory_space<vmem>>[vector<16xi32>, vector<16xi32>], vector<16xf32>,
      %gather3A_213 = tpu.vector_load_idx %arg12[%add3A_167, %broadcast_in_dim3A_211] : memref<512x32xf32, #tpu.memory_space<vmem>>[vector<16xi32>, vector<16xi32>], vector<16xf32>,
      %mul3A_214 = arith.mulf %gather3A_212, %gather3A_213 : vector<16xf32>
      %add3A_215 = arith.addf %add3A_209, %mul3A_214 : vector<16xf32>
      %broadcast_in_dim3A_216 = arith.constant 8 : i32
      %broadcast_in_dim3A_217 = vector.broadcast %broadcast_in_dim3A_216 : i32 to vector<16xi32>
      %gather3A_218 = tpu.vector_load_idx %arg11[%add3A_167, %broadcast_in_dim3A_217] : memref<512x32xf32, #tpu.memory_space<vmem>>[vector<16xi32>, vector<16xi32>], vector<16xf32>,
      %gather3A_219 = tpu.vector_load_idx %arg12[%add3A_167, %broadcast_in_dim3A_217] : memref<512x32xf32, #tpu.memory_space<vmem>>[vector<16xi32>, vector<16xi32>], vector<16xf32>,
      %mul3A_220 = arith.mulf %gather3A_218, %gather3A_219 : vector<16xf32>
      %add3A_221 = arith.addf %add3A_215, %mul3A_220 : vector<16xf32>
      %broadcast_in_dim3A_222 = arith.constant 9 : i32
      %broadcast_in_dim3A_223 = vector.broadcast %broadcast_in_dim3A_222 : i32 to vector<16xi32>
      %gather3A_224 = tpu.vector_load_idx %arg11[%add3A_167, %broadcast_in_dim3A_223] : memref<512x32xf32, #tpu.memory_space<vmem>>[vector<16xi32>, vector<16xi32>], vector<16xf32>,
      %gather3A_225 = tpu.vector_load_idx %arg12[%add3A_167, %broadcast_in_dim3A_223] : memref<512x32xf32, #tpu.memory_space<vmem>>[vector<16xi32>, vector<16xi32>], vector<16xf32>,
      %mul3A_226 = arith.mulf %gather3A_224, %gather3A_225 : vector<16xf32>
      %add3A_227 = arith.addf %add3A_221, %mul3A_226 : vector<16xf32>
      %broadcast_in_dim3A_228 = arith.constant 10 : i32
      %broadcast_in_dim3A_229 = vector.broadcast %broadcast_in_dim3A_228 : i32 to vector<16xi32>
      %gather3A_230 = tpu.vector_load_idx %arg11[%add3A_167, %broadcast_in_dim3A_229] : memref<512x32xf32, #tpu.memory_space<vmem>>[vector<16xi32>, vector<16xi32>], vector<16xf32>,
      %gather3A_231 = tpu.vector_load_idx %arg12[%add3A_167, %broadcast_in_dim3A_229] : memref<512x32xf32, #tpu.memory_space<vmem>>[vector<16xi32>, vector<16xi32>], vector<16xf32>,
      %mul3A_232 = arith.mulf %gather3A_230, %gather3A_231 : vector<16xf32>
      %add3A_233 = arith.addf %add3A_227, %mul3A_232 : vector<16xf32>
      %broadcast_in_dim3A_234 = arith.constant 11 : i32
      %broadcast_in_dim3A_235 = vector.broadcast %broadcast_in_dim3A_234 : i32 to vector<16xi32>
      %gather3A_236 = tpu.vector_load_idx %arg11[%add3A_167, %broadcast_in_dim3A_235] : memref<512x32xf32, #tpu.memory_space<vmem>>[vector<16xi32>, vector<16xi32>], vector<16xf32>,
      %gather3A_237 = tpu.vector_load_idx %arg12[%add3A_167, %broadcast_in_dim3A_235] : memref<512x32xf32, #tpu.memory_space<vmem>>[vector<16xi32>, vector<16xi32>], vector<16xf32>,
      %mul3A_238 = arith.mulf %gather3A_236, %gather3A_237 : vector<16xf32>
      %add3A_239 = arith.addf %add3A_233, %mul3A_238 : vector<16xf32>
      %broadcast_in_dim3A_240 = arith.constant 12 : i32
      %broadcast_in_dim3A_241 = vector.broadcast %broadcast_in_dim3A_240 : i32 to vector<16xi32>
      %gather3A_242 = tpu.vector_load_idx %arg11[%add3A_167, %broadcast_in_dim3A_241] : memref<512x32xf32, #tpu.memory_space<vmem>>[vector<16xi32>, vector<16xi32>], vector<16xf32>,
      %gather3A_243 = tpu.vector_load_idx %arg12[%add3A_167, %broadcast_in_dim3A_241] : memref<512x32xf32, #tpu.memory_space<vmem>>[vector<16xi32>, vector<16xi32>], vector<16xf32>,
      %mul3A_244 = arith.mulf %gather3A_242, %gather3A_243 : vector<16xf32>
      %add3A_245 = arith.addf %add3A_239, %mul3A_244 : vector<16xf32>
      %broadcast_in_dim3A_246 = arith.constant 13 : i32
      %broadcast_in_dim3A_247 = vector.broadcast %broadcast_in_dim3A_246 : i32 to vector<16xi32>
      %gather3A_248 = tpu.vector_load_idx %arg11[%add3A_167, %broadcast_in_dim3A_247] : memref<512x32xf32, #tpu.memory_space<vmem>>[vector<16xi32>, vector<16xi32>], vector<16xf32>,
      %gather3A_249 = tpu.vector_load_idx %arg12[%add3A_167, %broadcast_in_dim3A_247] : memref<512x32xf32, #tpu.memory_space<vmem>>[vector<16xi32>, vector<16xi32>], vector<16xf32>,
      %mul3A_250 = arith.mulf %gather3A_248, %gather3A_249 : vector<16xf32>
      %add3A_251 = arith.addf %add3A_245, %mul3A_250 : vector<16xf32>
      %broadcast_in_dim3A_252 = arith.constant 14 : i32
      %broadcast_in_dim3A_253 = vector.broadcast %broadcast_in_dim3A_252 : i32 to vector<16xi32>
      %gather3A_254 = tpu.vector_load_idx %arg11[%add3A_167, %broadcast_in_dim3A_253] : memref<512x32xf32, #tpu.memory_space<vmem>>[vector<16xi32>, vector<16xi32>], vector<16xf32>,
      %gather3A_255 = tpu.vector_load_idx %arg12[%add3A_167, %broadcast_in_dim3A_253] : memref<512x32xf32, #tpu.memory_space<vmem>>[vector<16xi32>, vector<16xi32>], vector<16xf32>,
      %mul3A_256 = arith.mulf %gather3A_254, %gather3A_255 : vector<16xf32>
      %add3A_257 = arith.addf %add3A_251, %mul3A_256 : vector<16xf32>
      %broadcast_in_dim3A_258 = arith.constant 15 : i32
      %broadcast_in_dim3A_259 = vector.broadcast %broadcast_in_dim3A_258 : i32 to vector<16xi32>
      %gather3A_260 = tpu.vector_load_idx %arg11[%add3A_167, %broadcast_in_dim3A_259] : memref<512x32xf32, #tpu.memory_space<vmem>>[vector<16xi32>, vector<16xi32>], vector<16xf32>,
      %gather3A_261 = tpu.vector_load_idx %arg12[%add3A_167, %broadcast_in_dim3A_259] : memref<512x32xf32, #tpu.memory_space<vmem>>[vector<16xi32>, vector<16xi32>], vector<16xf32>,
      %mul3A_262 = arith.mulf %gather3A_260, %gather3A_261 : vector<16xf32>
      %add3A_263 = arith.addf %add3A_257, %mul3A_262 : vector<16xf32>
      %broadcast_in_dim3A_264 = arith.constant 16 : i32
      %broadcast_in_dim3A_265 = vector.broadcast %broadcast_in_dim3A_264 : i32 to vector<16xi32>
      %gather3A_266 = tpu.vector_load_idx %arg11[%add3A_167, %broadcast_in_dim3A_265] : memref<512x32xf32, #tpu.memory_space<vmem>>[vector<16xi32>, vector<16xi32>], vector<16xf32>,
      %gather3A_267 = tpu.vector_load_idx %arg12[%add3A_167, %broadcast_in_dim3A_265] : memref<512x32xf32, #tpu.memory_space<vmem>>[vector<16xi32>, vector<16xi32>], vector<16xf32>,
      %mul3A_268 = arith.mulf %gather3A_266, %gather3A_267 : vector<16xf32>
      %add3A_269 = arith.addf %add3A_263, %mul3A_268 : vector<16xf32>
      %broadcast_in_dim3A_270 = arith.constant 17 : i32
      %broadcast_in_dim3A_271 = vector.broadcast %broadcast_in_dim3A_270 : i32 to vector<16xi32>
      %gather3A_272 = tpu.vector_load_idx %arg11[%add3A_167, %broadcast_in_dim3A_271] : memref<512x32xf32, #tpu.memory_space<vmem>>[vector<16xi32>, vector<16xi32>], vector<16xf32>,
      %gather3A_273 = tpu.vector_load_idx %arg12[%add3A_167, %broadcast_in_dim3A_271] : memref<512x32xf32, #tpu.memory_space<vmem>>[vector<16xi32>, vector<16xi32>], vector<16xf32>,
      %mul3A_274 = arith.mulf %gather3A_272, %gather3A_273 : vector<16xf32>
      %add3A_275 = arith.addf %add3A_269, %mul3A_274 : vector<16xf32>
      %broadcast_in_dim3A_276 = arith.constant 18 : i32
      %broadcast_in_dim3A_277 = vector.broadcast %broadcast_in_dim3A_276 : i32 to vector<16xi32>
      %gather3A_278 = tpu.vector_load_idx %arg11[%add3A_167, %broadcast_in_dim3A_277] : memref<512x32xf32, #tpu.memory_space<vmem>>[vector<16xi32>, vector<16xi32>], vector<16xf32>,
      %gather3A_279 = tpu.vector_load_idx %arg12[%add3A_167, %broadcast_in_dim3A_277] : memref<512x32xf32, #tpu.memory_space<vmem>>[vector<16xi32>, vector<16xi32>], vector<16xf32>,
      %mul3A_280 = arith.mulf %gather3A_278, %gather3A_279 : vector<16xf32>
      %add3A_281 = arith.addf %add3A_275, %mul3A_280 : vector<16xf32>
      %broadcast_in_dim3A_282 = arith.constant 19 : i32
      %broadcast_in_dim3A_283 = vector.broadcast %broadcast_in_dim3A_282 : i32 to vector<16xi32>
      %gather3A_284 = tpu.vector_load_idx %arg11[%add3A_167, %broadcast_in_dim3A_283] : memref<512x32xf32, #tpu.memory_space<vmem>>[vector<16xi32>, vector<16xi32>], vector<16xf32>,
      %gather3A_285 = tpu.vector_load_idx %arg12[%add3A_167, %broadcast_in_dim3A_283] : memref<512x32xf32, #tpu.memory_space<vmem>>[vector<16xi32>, vector<16xi32>], vector<16xf32>,
      %mul3A_286 = arith.mulf %gather3A_284, %gather3A_285 : vector<16xf32>
      %add3A_287 = arith.addf %add3A_281, %mul3A_286 : vector<16xf32>
      %broadcast_in_dim3A_288 = arith.constant 20 : i32
      %broadcast_in_dim3A_289 = vector.broadcast %broadcast_in_dim3A_288 : i32 to vector<16xi32>
      %gather3A_290 = tpu.vector_load_idx %arg11[%add3A_167, %broadcast_in_dim3A_289] : memref<512x32xf32, #tpu.memory_space<vmem>>[vector<16xi32>, vector<16xi32>], vector<16xf32>,
      %gather3A_291 = tpu.vector_load_idx %arg12[%add3A_167, %broadcast_in_dim3A_289] : memref<512x32xf32, #tpu.memory_space<vmem>>[vector<16xi32>, vector<16xi32>], vector<16xf32>,
      %mul3A_292 = arith.mulf %gather3A_290, %gather3A_291 : vector<16xf32>
      %add3A_293 = arith.addf %add3A_287, %mul3A_292 : vector<16xf32>
      %broadcast_in_dim3A_294 = arith.constant 21 : i32
      %broadcast_in_dim3A_295 = vector.broadcast %broadcast_in_dim3A_294 : i32 to vector<16xi32>
      %gather3A_296 = tpu.vector_load_idx %arg11[%add3A_167, %broadcast_in_dim3A_295] : memref<512x32xf32, #tpu.memory_space<vmem>>[vector<16xi32>, vector<16xi32>], vector<16xf32>,
      %gather3A_297 = tpu.vector_load_idx %arg12[%add3A_167, %broadcast_in_dim3A_295] : memref<512x32xf32, #tpu.memory_space<vmem>>[vector<16xi32>, vector<16xi32>], vector<16xf32>,
      %mul3A_298 = arith.mulf %gather3A_296, %gather3A_297 : vector<16xf32>
      %add3A_299 = arith.addf %add3A_293, %mul3A_298 : vector<16xf32>
      %broadcast_in_dim3A_300 = arith.constant 22 : i32
      %broadcast_in_dim3A_301 = vector.broadcast %broadcast_in_dim3A_300 : i32 to vector<16xi32>
      %gather3A_302 = tpu.vector_load_idx %arg11[%add3A_167, %broadcast_in_dim3A_301] : memref<512x32xf32, #tpu.memory_space<vmem>>[vector<16xi32>, vector<16xi32>], vector<16xf32>,
      %gather3A_303 = tpu.vector_load_idx %arg12[%add3A_167, %broadcast_in_dim3A_301] : memref<512x32xf32, #tpu.memory_space<vmem>>[vector<16xi32>, vector<16xi32>], vector<16xf32>,
      %mul3A_304 = arith.mulf %gather3A_302, %gather3A_303 : vector<16xf32>
      %add3A_305 = arith.addf %add3A_299, %mul3A_304 : vector<16xf32>
      %broadcast_in_dim3A_306 = arith.constant 23 : i32
      %broadcast_in_dim3A_307 = vector.broadcast %broadcast_in_dim3A_306 : i32 to vector<16xi32>
      %gather3A_308 = tpu.vector_load_idx %arg11[%add3A_167, %broadcast_in_dim3A_307] : memref<512x32xf32, #tpu.memory_space<vmem>>[vector<16xi32>, vector<16xi32>], vector<16xf32>,
      %gather3A_309 = tpu.vector_load_idx %arg12[%add3A_167, %broadcast_in_dim3A_307] : memref<512x32xf32, #tpu.memory_space<vmem>>[vector<16xi32>, vector<16xi32>], vector<16xf32>,
      %mul3A_310 = arith.mulf %gather3A_308, %gather3A_309 : vector<16xf32>
      %add3A_311 = arith.addf %add3A_305, %mul3A_310 : vector<16xf32>
      %broadcast_in_dim3A_312 = arith.constant 24 : i32
      %broadcast_in_dim3A_313 = vector.broadcast %broadcast_in_dim3A_312 : i32 to vector<16xi32>
      %gather3A_314 = tpu.vector_load_idx %arg11[%add3A_167, %broadcast_in_dim3A_313] : memref<512x32xf32, #tpu.memory_space<vmem>>[vector<16xi32>, vector<16xi32>], vector<16xf32>,
      %gather3A_315 = tpu.vector_load_idx %arg12[%add3A_167, %broadcast_in_dim3A_313] : memref<512x32xf32, #tpu.memory_space<vmem>>[vector<16xi32>, vector<16xi32>], vector<16xf32>,
      %mul3A_316 = arith.mulf %gather3A_314, %gather3A_315 : vector<16xf32>
      %add3A_317 = arith.addf %add3A_311, %mul3A_316 : vector<16xf32>
      %broadcast_in_dim3A_318 = arith.constant 25 : i32
      %broadcast_in_dim3A_319 = vector.broadcast %broadcast_in_dim3A_318 : i32 to vector<16xi32>
      %gather3A_320 = tpu.vector_load_idx %arg11[%add3A_167, %broadcast_in_dim3A_319] : memref<512x32xf32, #tpu.memory_space<vmem>>[vector<16xi32>, vector<16xi32>], vector<16xf32>,
      %gather3A_321 = tpu.vector_load_idx %arg12[%add3A_167, %broadcast_in_dim3A_319] : memref<512x32xf32, #tpu.memory_space<vmem>>[vector<16xi32>, vector<16xi32>], vector<16xf32>,
      %mul3A_322 = arith.mulf %gather3A_320, %gather3A_321 : vector<16xf32>
      %add3A_323 = arith.addf %add3A_317, %mul3A_322 : vector<16xf32>
      %broadcast_in_dim3A_324 = arith.constant 26 : i32
      %broadcast_in_dim3A_325 = vector.broadcast %broadcast_in_dim3A_324 : i32 to vector<16xi32>
      %gather3A_326 = tpu.vector_load_idx %arg11[%add3A_167, %broadcast_in_dim3A_325] : memref<512x32xf32, #tpu.memory_space<vmem>>[vector<16xi32>, vector<16xi32>], vector<16xf32>,
      %gather3A_327 = tpu.vector_load_idx %arg12[%add3A_167, %broadcast_in_dim3A_325] : memref<512x32xf32, #tpu.memory_space<vmem>>[vector<16xi32>, vector<16xi32>], vector<16xf32>,
      %mul3A_328 = arith.mulf %gather3A_326, %gather3A_327 : vector<16xf32>
      %add3A_329 = arith.addf %add3A_323, %mul3A_328 : vector<16xf32>
      %broadcast_in_dim3A_330 = arith.constant 27 : i32
      %broadcast_in_dim3A_331 = vector.broadcast %broadcast_in_dim3A_330 : i32 to vector<16xi32>
      %gather3A_332 = tpu.vector_load_idx %arg11[%add3A_167, %broadcast_in_dim3A_331] : memref<512x32xf32, #tpu.memory_space<vmem>>[vector<16xi32>, vector<16xi32>], vector<16xf32>,
      %gather3A_333 = tpu.vector_load_idx %arg12[%add3A_167, %broadcast_in_dim3A_331] : memref<512x32xf32, #tpu.memory_space<vmem>>[vector<16xi32>, vector<16xi32>], vector<16xf32>,
      %mul3A_334 = arith.mulf %gather3A_332, %gather3A_333 : vector<16xf32>
      %add3A_335 = arith.addf %add3A_329, %mul3A_334 : vector<16xf32>
      %broadcast_in_dim3A_336 = arith.constant 28 : i32
      %broadcast_in_dim3A_337 = vector.broadcast %broadcast_in_dim3A_336 : i32 to vector<16xi32>
      %gather3A_338 = tpu.vector_load_idx %arg11[%add3A_167, %broadcast_in_dim3A_337] : memref<512x32xf32, #tpu.memory_space<vmem>>[vector<16xi32>, vector<16xi32>], vector<16xf32>,
      %gather3A_339 = tpu.vector_load_idx %arg12[%add3A_167, %broadcast_in_dim3A_337] : memref<512x32xf32, #tpu.memory_space<vmem>>[vector<16xi32>, vector<16xi32>], vector<16xf32>,
      %mul3A_340 = arith.mulf %gather3A_338, %gather3A_339 : vector<16xf32>
      %add3A_341 = arith.addf %add3A_335, %mul3A_340 : vector<16xf32>
      %broadcast_in_dim3A_342 = arith.constant 29 : i32
      %broadcast_in_dim3A_343 = vector.broadcast %broadcast_in_dim3A_342 : i32 to vector<16xi32>
      %gather3A_344 = tpu.vector_load_idx %arg11[%add3A_167, %broadcast_in_dim3A_343] : memref<512x32xf32, #tpu.memory_space<vmem>>[vector<16xi32>, vector<16xi32>], vector<16xf32>,
      %gather3A_345 = tpu.vector_load_idx %arg12[%add3A_167, %broadcast_in_dim3A_343] : memref<512x32xf32, #tpu.memory_space<vmem>>[vector<16xi32>, vector<16xi32>], vector<16xf32>,
      %mul3A_346 = arith.mulf %gather3A_344, %gather3A_345 : vector<16xf32>
      %add3A_347 = arith.addf %add3A_341, %mul3A_346 : vector<16xf32>
      %broadcast_in_dim3A_348 = arith.constant 30 : i32
      %broadcast_in_dim3A_349 = vector.broadcast %broadcast_in_dim3A_348 : i32 to vector<16xi32>
      %gather3A_350 = tpu.vector_load_idx %arg11[%add3A_167, %broadcast_in_dim3A_349] : memref<512x32xf32, #tpu.memory_space<vmem>>[vector<16xi32>, vector<16xi32>], vector<16xf32>,
      %gather3A_351 = tpu.vector_load_idx %arg12[%add3A_167, %broadcast_in_dim3A_349] : memref<512x32xf32, #tpu.memory_space<vmem>>[vector<16xi32>, vector<16xi32>], vector<16xf32>,
      %mul3A_352 = arith.mulf %gather3A_350, %gather3A_351 : vector<16xf32>
      %add3A_353 = arith.addf %add3A_347, %mul3A_352 : vector<16xf32>
      %broadcast_in_dim3A_354 = arith.constant 31 : i32
      %broadcast_in_dim3A_355 = vector.broadcast %broadcast_in_dim3A_354 : i32 to vector<16xi32>
      %gather3A_356 = tpu.vector_load_idx %arg11[%add3A_167, %broadcast_in_dim3A_355] : memref<512x32xf32, #tpu.memory_space<vmem>>[vector<16xi32>, vector<16xi32>], vector<16xf32>,
      %gather3A_357 = tpu.vector_load_idx %arg12[%add3A_167, %broadcast_in_dim3A_355] : memref<512x32xf32, #tpu.memory_space<vmem>>[vector<16xi32>, vector<16xi32>], vector<16xf32>,
      %mul3A_358 = arith.mulf %gather3A_356, %gather3A_357 : vector<16xf32>
      %add3A_359 = arith.addf %add3A_353, %mul3A_358 : vector<16xf32>
      %mul3A_360 = arith.mulf %add3A_359, %get3A_73 : vector<16xf32>
      %add3A_361 = arith.addf %mul3A_360, %get3A_75 : vector<16xf32>
      %neg3A = arith.constant 0.000000e+00 : f32
      %neg3A_362 = vector.broadcast %neg3A : f32 to vector<16xf32>
      %neg3A_363 = arith.subf %neg3A_362, %add3A_361 : vector<16xf32>
      %exp3A = math.exp %neg3A_363 : vector<16xf32>
      %add3A_364 = arith.constant 1.000000e+00 : f32
      %add3A_365 = vector.broadcast %add3A_364 : f32 to vector<16xf32>
      %add3A_366 = arith.addf %add3A_365, %exp3A : vector<16xf32>
      %div3A = arith.constant 1.000000e+00 : f32
      %div3A_367 = vector.broadcast %div3A : f32 to vector<16xf32>
      %div3A_368 = arith.divf %div3A_367, %add3A_366 : vector<16xf32>
      %mul3A_369 = arith.constant 16 : i32
      %mul3A_370 = arith.muli %scan3A_163, %mul3A_369 : i32
      %swap3A = arith.index_cast %mul3A_370 : i32 to index
      %swap3A_371 = tpu.vector_load %arg13[%swap3A] {strides = array<i32>} : memref<512xf32, #tpu.memory_space<vmem>>, vector<16xf32>,
      tpu.vector_store %arg13[%swap3A], %div3A_368 {strides = array<i32>} : memref<512xf32, #tpu.memory_space<vmem>>, vector<16xf32>,
      %scan3A_372 = arith.constant 1 : i32
      %scan3A_373 = arith.addi %scan3A_163, %scan3A_372 : i32
      %mul3A_374 = arith.constant 16 : i32
      %mul3A_375 = arith.muli %scan3A_373, %mul3A_374 : i32
      %add3A_376 = vector.broadcast %mul3A_375 : i32 to vector<16xi32>
      %add3A_377 = arith.addi %add3A_376, %iota3A : vector<16xi32>
      %broadcast_in_dim3A_378 = arith.constant 0.000000e+00 : f32
      %broadcast_in_dim3A_379 = vector.broadcast %broadcast_in_dim3A_378 : f32 to vector<16xf32>
      %broadcast_in_dim3A_380 = arith.constant 0 : i32
      %broadcast_in_dim3A_381 = vector.broadcast %broadcast_in_dim3A_380 : i32 to vector<16xi32>
      %gather3A_382 = tpu.vector_load_idx %arg11[%add3A_377, %broadcast_in_dim3A_381] : memref<512x32xf32, #tpu.memory_space<vmem>>[vector<16xi32>, vector<16xi32>], vector<16xf32>,
      %gather3A_383 = tpu.vector_load_idx %arg12[%add3A_377, %broadcast_in_dim3A_381] : memref<512x32xf32, #tpu.memory_space<vmem>>[vector<16xi32>, vector<16xi32>], vector<16xf32>,
      %mul3A_384 = arith.mulf %gather3A_382, %gather3A_383 : vector<16xf32>
      %add3A_385 = arith.addf %broadcast_in_dim3A_379, %mul3A_384 : vector<16xf32>
      %broadcast_in_dim3A_386 = arith.constant 1 : i32
      %broadcast_in_dim3A_387 = vector.broadcast %broadcast_in_dim3A_386 : i32 to vector<16xi32>
      %gather3A_388 = tpu.vector_load_idx %arg11[%add3A_377, %broadcast_in_dim3A_387] : memref<512x32xf32, #tpu.memory_space<vmem>>[vector<16xi32>, vector<16xi32>], vector<16xf32>,
      %gather3A_389 = tpu.vector_load_idx %arg12[%add3A_377, %broadcast_in_dim3A_387] : memref<512x32xf32, #tpu.memory_space<vmem>>[vector<16xi32>, vector<16xi32>], vector<16xf32>,
      %mul3A_390 = arith.mulf %gather3A_388, %gather3A_389 : vector<16xf32>
      %add3A_391 = arith.addf %add3A_385, %mul3A_390 : vector<16xf32>
      %broadcast_in_dim3A_392 = arith.constant 2 : i32
      %broadcast_in_dim3A_393 = vector.broadcast %broadcast_in_dim3A_392 : i32 to vector<16xi32>
      %gather3A_394 = tpu.vector_load_idx %arg11[%add3A_377, %broadcast_in_dim3A_393] : memref<512x32xf32, #tpu.memory_space<vmem>>[vector<16xi32>, vector<16xi32>], vector<16xf32>,
      %gather3A_395 = tpu.vector_load_idx %arg12[%add3A_377, %broadcast_in_dim3A_393] : memref<512x32xf32, #tpu.memory_space<vmem>>[vector<16xi32>, vector<16xi32>], vector<16xf32>,
      %mul3A_396 = arith.mulf %gather3A_394, %gather3A_395 : vector<16xf32>
      %add3A_397 = arith.addf %add3A_391, %mul3A_396 : vector<16xf32>
      %broadcast_in_dim3A_398 = arith.constant 3 : i32
      %broadcast_in_dim3A_399 = vector.broadcast %broadcast_in_dim3A_398 : i32 to vector<16xi32>
      %gather3A_400 = tpu.vector_load_idx %arg11[%add3A_377, %broadcast_in_dim3A_399] : memref<512x32xf32, #tpu.memory_space<vmem>>[vector<16xi32>, vector<16xi32>], vector<16xf32>,
      %gather3A_401 = tpu.vector_load_idx %arg12[%add3A_377, %broadcast_in_dim3A_399] : memref<512x32xf32, #tpu.memory_space<vmem>>[vector<16xi32>, vector<16xi32>], vector<16xf32>,
      %mul3A_402 = arith.mulf %gather3A_400, %gather3A_401 : vector<16xf32>
      %add3A_403 = arith.addf %add3A_397, %mul3A_402 : vector<16xf32>
      %broadcast_in_dim3A_404 = arith.constant 4 : i32
      %broadcast_in_dim3A_405 = vector.broadcast %broadcast_in_dim3A_404 : i32 to vector<16xi32>
      %gather3A_406 = tpu.vector_load_idx %arg11[%add3A_377, %broadcast_in_dim3A_405] : memref<512x32xf32, #tpu.memory_space<vmem>>[vector<16xi32>, vector<16xi32>], vector<16xf32>,
      %gather3A_407 = tpu.vector_load_idx %arg12[%add3A_377, %broadcast_in_dim3A_405] : memref<512x32xf32, #tpu.memory_space<vmem>>[vector<16xi32>, vector<16xi32>], vector<16xf32>,
      %mul3A_408 = arith.mulf %gather3A_406, %gather3A_407 : vector<16xf32>
      %add3A_409 = arith.addf %add3A_403, %mul3A_408 : vector<16xf32>
      %broadcast_in_dim3A_410 = arith.constant 5 : i32
      %broadcast_in_dim3A_411 = vector.broadcast %broadcast_in_dim3A_410 : i32 to vector<16xi32>
      %gather3A_412 = tpu.vector_load_idx %arg11[%add3A_377, %broadcast_in_dim3A_411] : memref<512x32xf32, #tpu.memory_space<vmem>>[vector<16xi32>, vector<16xi32>], vector<16xf32>,
      %gather3A_413 = tpu.vector_load_idx %arg12[%add3A_377, %broadcast_in_dim3A_411] : memref<512x32xf32, #tpu.memory_space<vmem>>[vector<16xi32>, vector<16xi32>], vector<16xf32>,
      %mul3A_414 = arith.mulf %gather3A_412, %gather3A_413 : vector<16xf32>
      %add3A_415 = arith.addf %add3A_409, %mul3A_414 : vector<16xf32>
      %broadcast_in_dim3A_416 = arith.constant 6 : i32
      %broadcast_in_dim3A_417 = vector.broadcast %broadcast_in_dim3A_416 : i32 to vector<16xi32>
      %gather3A_418 = tpu.vector_load_idx %arg11[%add3A_377, %broadcast_in_dim3A_417] : memref<512x32xf32, #tpu.memory_space<vmem>>[vector<16xi32>, vector<16xi32>], vector<16xf32>,
      %gather3A_419 = tpu.vector_load_idx %arg12[%add3A_377, %broadcast_in_dim3A_417] : memref<512x32xf32, #tpu.memory_space<vmem>>[vector<16xi32>, vector<16xi32>], vector<16xf32>,
      %mul3A_420 = arith.mulf %gather3A_418, %gather3A_419 : vector<16xf32>
      %add3A_421 = arith.addf %add3A_415, %mul3A_420 : vector<16xf32>
      %broadcast_in_dim3A_422 = arith.constant 7 : i32
      %broadcast_in_dim3A_423 = vector.broadcast %broadcast_in_dim3A_422 : i32 to vector<16xi32>
      %gather3A_424 = tpu.vector_load_idx %arg11[%add3A_377, %broadcast_in_dim3A_423] : memref<512x32xf32, #tpu.memory_space<vmem>>[vector<16xi32>, vector<16xi32>], vector<16xf32>,
      %gather3A_425 = tpu.vector_load_idx %arg12[%add3A_377, %broadcast_in_dim3A_423] : memref<512x32xf32, #tpu.memory_space<vmem>>[vector<16xi32>, vector<16xi32>], vector<16xf32>,
      %mul3A_426 = arith.mulf %gather3A_424, %gather3A_425 : vector<16xf32>
      %add3A_427 = arith.addf %add3A_421, %mul3A_426 : vector<16xf32>
      %broadcast_in_dim3A_428 = arith.constant 8 : i32
      %broadcast_in_dim3A_429 = vector.broadcast %broadcast_in_dim3A_428 : i32 to vector<16xi32>
      %gather3A_430 = tpu.vector_load_idx %arg11[%add3A_377, %broadcast_in_dim3A_429] : memref<512x32xf32, #tpu.memory_space<vmem>>[vector<16xi32>, vector<16xi32>], vector<16xf32>,
      %gather3A_431 = tpu.vector_load_idx %arg12[%add3A_377, %broadcast_in_dim3A_429] : memref<512x32xf32, #tpu.memory_space<vmem>>[vector<16xi32>, vector<16xi32>], vector<16xf32>,
      %mul3A_432 = arith.mulf %gather3A_430, %gather3A_431 : vector<16xf32>
      %add3A_433 = arith.addf %add3A_427, %mul3A_432 : vector<16xf32>
      %broadcast_in_dim3A_434 = arith.constant 9 : i32
      %broadcast_in_dim3A_435 = vector.broadcast %broadcast_in_dim3A_434 : i32 to vector<16xi32>
      %gather3A_436 = tpu.vector_load_idx %arg11[%add3A_377, %broadcast_in_dim3A_435] : memref<512x32xf32, #tpu.memory_space<vmem>>[vector<16xi32>, vector<16xi32>], vector<16xf32>,
      %gather3A_437 = tpu.vector_load_idx %arg12[%add3A_377, %broadcast_in_dim3A_435] : memref<512x32xf32, #tpu.memory_space<vmem>>[vector<16xi32>, vector<16xi32>], vector<16xf32>,
      %mul3A_438 = arith.mulf %gather3A_436, %gather3A_437 : vector<16xf32>
      %add3A_439 = arith.addf %add3A_433, %mul3A_438 : vector<16xf32>
      %broadcast_in_dim3A_440 = arith.constant 10 : i32
      %broadcast_in_dim3A_441 = vector.broadcast %broadcast_in_dim3A_440 : i32 to vector<16xi32>
      %gather3A_442 = tpu.vector_load_idx %arg11[%add3A_377, %broadcast_in_dim3A_441] : memref<512x32xf32, #tpu.memory_space<vmem>>[vector<16xi32>, vector<16xi32>], vector<16xf32>,
      %gather3A_443 = tpu.vector_load_idx %arg12[%add3A_377, %broadcast_in_dim3A_441] : memref<512x32xf32, #tpu.memory_space<vmem>>[vector<16xi32>, vector<16xi32>], vector<16xf32>,
      %mul3A_444 = arith.mulf %gather3A_442, %gather3A_443 : vector<16xf32>
      %add3A_445 = arith.addf %add3A_439, %mul3A_444 : vector<16xf32>
      %broadcast_in_dim3A_446 = arith.constant 11 : i32
      %broadcast_in_dim3A_447 = vector.broadcast %broadcast_in_dim3A_446 : i32 to vector<16xi32>
      %gather3A_448 = tpu.vector_load_idx %arg11[%add3A_377, %broadcast_in_dim3A_447] : memref<512x32xf32, #tpu.memory_space<vmem>>[vector<16xi32>, vector<16xi32>], vector<16xf32>,
      %gather3A_449 = tpu.vector_load_idx %arg12[%add3A_377, %broadcast_in_dim3A_447] : memref<512x32xf32, #tpu.memory_space<vmem>>[vector<16xi32>, vector<16xi32>], vector<16xf32>,
      %mul3A_450 = arith.mulf %gather3A_448, %gather3A_449 : vector<16xf32>
      %add3A_451 = arith.addf %add3A_445, %mul3A_450 : vector<16xf32>
      %broadcast_in_dim3A_452 = arith.constant 12 : i32
      %broadcast_in_dim3A_453 = vector.broadcast %broadcast_in_dim3A_452 : i32 to vector<16xi32>
      %gather3A_454 = tpu.vector_load_idx %arg11[%add3A_377, %broadcast_in_dim3A_453] : memref<512x32xf32, #tpu.memory_space<vmem>>[vector<16xi32>, vector<16xi32>], vector<16xf32>,
      %gather3A_455 = tpu.vector_load_idx %arg12[%add3A_377, %broadcast_in_dim3A_453] : memref<512x32xf32, #tpu.memory_space<vmem>>[vector<16xi32>, vector<16xi32>], vector<16xf32>,
      %mul3A_456 = arith.mulf %gather3A_454, %gather3A_455 : vector<16xf32>
      %add3A_457 = arith.addf %add3A_451, %mul3A_456 : vector<16xf32>
      %broadcast_in_dim3A_458 = arith.constant 13 : i32
      %broadcast_in_dim3A_459 = vector.broadcast %broadcast_in_dim3A_458 : i32 to vector<16xi32>
      %gather3A_460 = tpu.vector_load_idx %arg11[%add3A_377, %broadcast_in_dim3A_459] : memref<512x32xf32, #tpu.memory_space<vmem>>[vector<16xi32>, vector<16xi32>], vector<16xf32>,
      %gather3A_461 = tpu.vector_load_idx %arg12[%add3A_377, %broadcast_in_dim3A_459] : memref<512x32xf32, #tpu.memory_space<vmem>>[vector<16xi32>, vector<16xi32>], vector<16xf32>,
      %mul3A_462 = arith.mulf %gather3A_460, %gather3A_461 : vector<16xf32>
      %add3A_463 = arith.addf %add3A_457, %mul3A_462 : vector<16xf32>
      %broadcast_in_dim3A_464 = arith.constant 14 : i32
      %broadcast_in_dim3A_465 = vector.broadcast %broadcast_in_dim3A_464 : i32 to vector<16xi32>
      %gather3A_466 = tpu.vector_load_idx %arg11[%add3A_377, %broadcast_in_dim3A_465] : memref<512x32xf32, #tpu.memory_space<vmem>>[vector<16xi32>, vector<16xi32>], vector<16xf32>,
      %gather3A_467 = tpu.vector_load_idx %arg12[%add3A_377, %broadcast_in_dim3A_465] : memref<512x32xf32, #tpu.memory_space<vmem>>[vector<16xi32>, vector<16xi32>], vector<16xf32>,
      %mul3A_468 = arith.mulf %gather3A_466, %gather3A_467 : vector<16xf32>
      %add3A_469 = arith.addf %add3A_463, %mul3A_468 : vector<16xf32>
      %broadcast_in_dim3A_470 = arith.constant 15 : i32
      %broadcast_in_dim3A_471 = vector.broadcast %broadcast_in_dim3A_470 : i32 to vector<16xi32>
      %gather3A_472 = tpu.vector_load_idx %arg11[%add3A_377, %broadcast_in_dim3A_471] : memref<512x32xf32, #tpu.memory_space<vmem>>[vector<16xi32>, vector<16xi32>], vector<16xf32>,
      %gather3A_473 = tpu.vector_load_idx %arg12[%add3A_377, %broadcast_in_dim3A_471] : memref<512x32xf32, #tpu.memory_space<vmem>>[vector<16xi32>, vector<16xi32>], vector<16xf32>,
      %mul3A_474 = arith.mulf %gather3A_472, %gather3A_473 : vector<16xf32>
      %add3A_475 = arith.addf %add3A_469, %mul3A_474 : vector<16xf32>
      %broadcast_in_dim3A_476 = arith.constant 16 : i32
      %broadcast_in_dim3A_477 = vector.broadcast %broadcast_in_dim3A_476 : i32 to vector<16xi32>
      %gather3A_478 = tpu.vector_load_idx %arg11[%add3A_377, %broadcast_in_dim3A_477] : memref<512x32xf32, #tpu.memory_space<vmem>>[vector<16xi32>, vector<16xi32>], vector<16xf32>,
      %gather3A_479 = tpu.vector_load_idx %arg12[%add3A_377, %broadcast_in_dim3A_477] : memref<512x32xf32, #tpu.memory_space<vmem>>[vector<16xi32>, vector<16xi32>], vector<16xf32>,
      %mul3A_480 = arith.mulf %gather3A_478, %gather3A_479 : vector<16xf32>
      %add3A_481 = arith.addf %add3A_475, %mul3A_480 : vector<16xf32>
      %broadcast_in_dim3A_482 = arith.constant 17 : i32
      %broadcast_in_dim3A_483 = vector.broadcast %broadcast_in_dim3A_482 : i32 to vector<16xi32>
      %gather3A_484 = tpu.vector_load_idx %arg11[%add3A_377, %broadcast_in_dim3A_483] : memref<512x32xf32, #tpu.memory_space<vmem>>[vector<16xi32>, vector<16xi32>], vector<16xf32>,
      %gather3A_485 = tpu.vector_load_idx %arg12[%add3A_377, %broadcast_in_dim3A_483] : memref<512x32xf32, #tpu.memory_space<vmem>>[vector<16xi32>, vector<16xi32>], vector<16xf32>,
      %mul3A_486 = arith.mulf %gather3A_484, %gather3A_485 : vector<16xf32>
      %add3A_487 = arith.addf %add3A_481, %mul3A_486 : vector<16xf32>
      %broadcast_in_dim3A_488 = arith.constant 18 : i32
      %broadcast_in_dim3A_489 = vector.broadcast %broadcast_in_dim3A_488 : i32 to vector<16xi32>
      %gather3A_490 = tpu.vector_load_idx %arg11[%add3A_377, %broadcast_in_dim3A_489] : memref<512x32xf32, #tpu.memory_space<vmem>>[vector<16xi32>, vector<16xi32>], vector<16xf32>,
      %gather3A_491 = tpu.vector_load_idx %arg12[%add3A_377, %broadcast_in_dim3A_489] : memref<512x32xf32, #tpu.memory_space<vmem>>[vector<16xi32>, vector<16xi32>], vector<16xf32>,
      %mul3A_492 = arith.mulf %gather3A_490, %gather3A_491 : vector<16xf32>
      %add3A_493 = arith.addf %add3A_487, %mul3A_492 : vector<16xf32>
      %broadcast_in_dim3A_494 = arith.constant 19 : i32
      %broadcast_in_dim3A_495 = vector.broadcast %broadcast_in_dim3A_494 : i32 to vector<16xi32>
      %gather3A_496 = tpu.vector_load_idx %arg11[%add3A_377, %broadcast_in_dim3A_495] : memref<512x32xf32, #tpu.memory_space<vmem>>[vector<16xi32>, vector<16xi32>], vector<16xf32>,
      %gather3A_497 = tpu.vector_load_idx %arg12[%add3A_377, %broadcast_in_dim3A_495] : memref<512x32xf32, #tpu.memory_space<vmem>>[vector<16xi32>, vector<16xi32>], vector<16xf32>,
      %mul3A_498 = arith.mulf %gather3A_496, %gather3A_497 : vector<16xf32>
      %add3A_499 = arith.addf %add3A_493, %mul3A_498 : vector<16xf32>
      %broadcast_in_dim3A_500 = arith.constant 20 : i32
      %broadcast_in_dim3A_501 = vector.broadcast %broadcast_in_dim3A_500 : i32 to vector<16xi32>
      %gather3A_502 = tpu.vector_load_idx %arg11[%add3A_377, %broadcast_in_dim3A_501] : memref<512x32xf32, #tpu.memory_space<vmem>>[vector<16xi32>, vector<16xi32>], vector<16xf32>,
      %gather3A_503 = tpu.vector_load_idx %arg12[%add3A_377, %broadcast_in_dim3A_501] : memref<512x32xf32, #tpu.memory_space<vmem>>[vector<16xi32>, vector<16xi32>], vector<16xf32>,
      %mul3A_504 = arith.mulf %gather3A_502, %gather3A_503 : vector<16xf32>
      %add3A_505 = arith.addf %add3A_499, %mul3A_504 : vector<16xf32>
      %broadcast_in_dim3A_506 = arith.constant 21 : i32
      %broadcast_in_dim3A_507 = vector.broadcast %broadcast_in_dim3A_506 : i32 to vector<16xi32>
      %gather3A_508 = tpu.vector_load_idx %arg11[%add3A_377, %broadcast_in_dim3A_507] : memref<512x32xf32, #tpu.memory_space<vmem>>[vector<16xi32>, vector<16xi32>], vector<16xf32>,
      %gather3A_509 = tpu.vector_load_idx %arg12[%add3A_377, %broadcast_in_dim3A_507] : memref<512x32xf32, #tpu.memory_space<vmem>>[vector<16xi32>, vector<16xi32>], vector<16xf32>,
      %mul3A_510 = arith.mulf %gather3A_508, %gather3A_509 : vector<16xf32>
      %add3A_511 = arith.addf %add3A_505, %mul3A_510 : vector<16xf32>
      %broadcast_in_dim3A_512 = arith.constant 22 : i32
      %broadcast_in_dim3A_513 = vector.broadcast %broadcast_in_dim3A_512 : i32 to vector<16xi32>
      %gather3A_514 = tpu.vector_load_idx %arg11[%add3A_377, %broadcast_in_dim3A_513] : memref<512x32xf32, #tpu.memory_space<vmem>>[vector<16xi32>, vector<16xi32>], vector<16xf32>,
      %gather3A_515 = tpu.vector_load_idx %arg12[%add3A_377, %broadcast_in_dim3A_513] : memref<512x32xf32, #tpu.memory_space<vmem>>[vector<16xi32>, vector<16xi32>], vector<16xf32>,
      %mul3A_516 = arith.mulf %gather3A_514, %gather3A_515 : vector<16xf32>
      %add3A_517 = arith.addf %add3A_511, %mul3A_516 : vector<16xf32>
      %broadcast_in_dim3A_518 = arith.constant 23 : i32
      %broadcast_in_dim3A_519 = vector.broadcast %broadcast_in_dim3A_518 : i32 to vector<16xi32>
      %gather3A_520 = tpu.vector_load_idx %arg11[%add3A_377, %broadcast_in_dim3A_519] : memref<512x32xf32, #tpu.memory_space<vmem>>[vector<16xi32>, vector<16xi32>], vector<16xf32>,
      %gather3A_521 = tpu.vector_load_idx %arg12[%add3A_377, %broadcast_in_dim3A_519] : memref<512x32xf32, #tpu.memory_space<vmem>>[vector<16xi32>, vector<16xi32>], vector<16xf32>,
      %mul3A_522 = arith.mulf %gather3A_520, %gather3A_521 : vector<16xf32>
      %add3A_523 = arith.addf %add3A_517, %mul3A_522 : vector<16xf32>
      %broadcast_in_dim3A_524 = arith.constant 24 : i32
      %broadcast_in_dim3A_525 = vector.broadcast %broadcast_in_dim3A_524 : i32 to vector<16xi32>
      %gather3A_526 = tpu.vector_load_idx %arg11[%add3A_377, %broadcast_in_dim3A_525] : memref<512x32xf32, #tpu.memory_space<vmem>>[vector<16xi32>, vector<16xi32>], vector<16xf32>,
      %gather3A_527 = tpu.vector_load_idx %arg12[%add3A_377, %broadcast_in_dim3A_525] : memref<512x32xf32, #tpu.memory_space<vmem>>[vector<16xi32>, vector<16xi32>], vector<16xf32>,
      %mul3A_528 = arith.mulf %gather3A_526, %gather3A_527 : vector<16xf32>
      %add3A_529 = arith.addf %add3A_523, %mul3A_528 : vector<16xf32>
      %broadcast_in_dim3A_530 = arith.constant 25 : i32
      %broadcast_in_dim3A_531 = vector.broadcast %broadcast_in_dim3A_530 : i32 to vector<16xi32>
      %gather3A_532 = tpu.vector_load_idx %arg11[%add3A_377, %broadcast_in_dim3A_531] : memref<512x32xf32, #tpu.memory_space<vmem>>[vector<16xi32>, vector<16xi32>], vector<16xf32>,
      %gather3A_533 = tpu.vector_load_idx %arg12[%add3A_377, %broadcast_in_dim3A_531] : memref<512x32xf32, #tpu.memory_space<vmem>>[vector<16xi32>, vector<16xi32>], vector<16xf32>,
      %mul3A_534 = arith.mulf %gather3A_532, %gather3A_533 : vector<16xf32>
      %add3A_535 = arith.addf %add3A_529, %mul3A_534 : vector<16xf32>
      %broadcast_in_dim3A_536 = arith.constant 26 : i32
      %broadcast_in_dim3A_537 = vector.broadcast %broadcast_in_dim3A_536 : i32 to vector<16xi32>
      %gather3A_538 = tpu.vector_load_idx %arg11[%add3A_377, %broadcast_in_dim3A_537] : memref<512x32xf32, #tpu.memory_space<vmem>>[vector<16xi32>, vector<16xi32>], vector<16xf32>,
      %gather3A_539 = tpu.vector_load_idx %arg12[%add3A_377, %broadcast_in_dim3A_537] : memref<512x32xf32, #tpu.memory_space<vmem>>[vector<16xi32>, vector<16xi32>], vector<16xf32>,
      %mul3A_540 = arith.mulf %gather3A_538, %gather3A_539 : vector<16xf32>
      %add3A_541 = arith.addf %add3A_535, %mul3A_540 : vector<16xf32>
      %broadcast_in_dim3A_542 = arith.constant 27 : i32
      %broadcast_in_dim3A_543 = vector.broadcast %broadcast_in_dim3A_542 : i32 to vector<16xi32>
      %gather3A_544 = tpu.vector_load_idx %arg11[%add3A_377, %broadcast_in_dim3A_543] : memref<512x32xf32, #tpu.memory_space<vmem>>[vector<16xi32>, vector<16xi32>], vector<16xf32>,
      %gather3A_545 = tpu.vector_load_idx %arg12[%add3A_377, %broadcast_in_dim3A_543] : memref<512x32xf32, #tpu.memory_space<vmem>>[vector<16xi32>, vector<16xi32>], vector<16xf32>,
      %mul3A_546 = arith.mulf %gather3A_544, %gather3A_545 : vector<16xf32>
      %add3A_547 = arith.addf %add3A_541, %mul3A_546 : vector<16xf32>
      %broadcast_in_dim3A_548 = arith.constant 28 : i32
      %broadcast_in_dim3A_549 = vector.broadcast %broadcast_in_dim3A_548 : i32 to vector<16xi32>
      %gather3A_550 = tpu.vector_load_idx %arg11[%add3A_377, %broadcast_in_dim3A_549] : memref<512x32xf32, #tpu.memory_space<vmem>>[vector<16xi32>, vector<16xi32>], vector<16xf32>,
      %gather3A_551 = tpu.vector_load_idx %arg12[%add3A_377, %broadcast_in_dim3A_549] : memref<512x32xf32, #tpu.memory_space<vmem>>[vector<16xi32>, vector<16xi32>], vector<16xf32>,
      %mul3A_552 = arith.mulf %gather3A_550, %gather3A_551 : vector<16xf32>
      %add3A_553 = arith.addf %add3A_547, %mul3A_552 : vector<16xf32>
      %broadcast_in_dim3A_554 = arith.constant 29 : i32
      %broadcast_in_dim3A_555 = vector.broadcast %broadcast_in_dim3A_554 : i32 to vector<16xi32>
      %gather3A_556 = tpu.vector_load_idx %arg11[%add3A_377, %broadcast_in_dim3A_555] : memref<512x32xf32, #tpu.memory_space<vmem>>[vector<16xi32>, vector<16xi32>], vector<16xf32>,
      %gather3A_557 = tpu.vector_load_idx %arg12[%add3A_377, %broadcast_in_dim3A_555] : memref<512x32xf32, #tpu.memory_space<vmem>>[vector<16xi32>, vector<16xi32>], vector<16xf32>,
      %mul3A_558 = arith.mulf %gather3A_556, %gather3A_557 : vector<16xf32>
      %add3A_559 = arith.addf %add3A_553, %mul3A_558 : vector<16xf32>
      %broadcast_in_dim3A_560 = arith.constant 30 : i32
      %broadcast_in_dim3A_561 = vector.broadcast %broadcast_in_dim3A_560 : i32 to vector<16xi32>
      %gather3A_562 = tpu.vector_load_idx %arg11[%add3A_377, %broadcast_in_dim3A_561] : memref<512x32xf32, #tpu.memory_space<vmem>>[vector<16xi32>, vector<16xi32>], vector<16xf32>,
      %gather3A_563 = tpu.vector_load_idx %arg12[%add3A_377, %broadcast_in_dim3A_561] : memref<512x32xf32, #tpu.memory_space<vmem>>[vector<16xi32>, vector<16xi32>], vector<16xf32>,
      %mul3A_564 = arith.mulf %gather3A_562, %gather3A_563 : vector<16xf32>
      %add3A_565 = arith.addf %add3A_559, %mul3A_564 : vector<16xf32>
      %broadcast_in_dim3A_566 = arith.constant 31 : i32
      %broadcast_in_dim3A_567 = vector.broadcast %broadcast_in_dim3A_566 : i32 to vector<16xi32>
      %gather3A_568 = tpu.vector_load_idx %arg11[%add3A_377, %broadcast_in_dim3A_567] : memref<512x32xf32, #tpu.memory_space<vmem>>[vector<16xi32>, vector<16xi32>], vector<16xf32>,
      %gather3A_569 = tpu.vector_load_idx %arg12[%add3A_377, %broadcast_in_dim3A_567] : memref<512x32xf32, #tpu.memory_space<vmem>>[vector<16xi32>, vector<16xi32>], vector<16xf32>,
      %mul3A_570 = arith.mulf %gather3A_568, %gather3A_569 : vector<16xf32>
      %add3A_571 = arith.addf %add3A_565, %mul3A_570 : vector<16xf32>
      %mul3A_572 = arith.mulf %add3A_571, %get3A_73 : vector<16xf32>
      %add3A_573 = arith.addf %mul3A_572, %get3A_75 : vector<16xf32>
      %neg3A_574 = arith.constant 0.000000e+00 : f32
      %neg3A_575 = vector.broadcast %neg3A_574 : f32 to vector<16xf32>
      %neg3A_576 = arith.subf %neg3A_575, %add3A_573 : vector<16xf32>
      %exp3A_577 = math.exp %neg3A_576 : vector<16xf32>
      %add3A_578 = arith.constant 1.000000e+00 : f32
      %add3A_579 = vector.broadcast %add3A_578 : f32 to vector<16xf32>
      %add3A_580 = arith.addf %add3A_579, %exp3A_577 : vector<16xf32>
      %div3A_581 = arith.constant 1.000000e+00 : f32
      %div3A_582 = vector.broadcast %div3A_581 : f32 to vector<16xf32>
      %div3A_583 = arith.divf %div3A_582, %add3A_580 : vector<16xf32>
      %mul3A_584 = arith.constant 16 : i32
      %mul3A_585 = arith.muli %scan3A_373, %mul3A_584 : i32
      %swap3A_586 = arith.index_cast %mul3A_585 : i32 to index
      %swap3A_587 = tpu.vector_load %arg13[%swap3A_586] {strides = array<i32>} : memref<512xf32, #tpu.memory_space<vmem>>, vector<16xf32>,
      tpu.vector_store %arg13[%swap3A_586], %div3A_583 {strides = array<i32>} : memref<512xf32, #tpu.memory_space<vmem>>, vector<16xf32>,
    }
    %scan3A_140 = arith.constant 8 : i32
    %dma_wait3A_141 = arith.constant 384 : i32
    %dma_wait3A_142 = arith.constant 0 : i32
    %dma_wait3A_143 = tpu.memref_slice %arg11[%dma_wait3A_141, %dma_wait3A_142] : memref<512x32xf32, #tpu.memory_space<vmem>> -> memref<128x32xf32, #tpu.memory_space<vmem>>
    %dma_wait3A_144 = arith.constant 384 : i32
    %dma_wait3A_145 = tpu.memref_slice %arg9[%dma_wait3A_144] : memref<512xi32, #tpu.memory_space<vmem>> -> memref<128xi32, #tpu.memory_space<vmem>>
    %dma_wait3A_146 = arith.constant 0 : i32
    %dma_wait3A_147 = arith.constant 0 : i32
    %dma_wait3A_148 = tpu.memref_slice %arg4[%dma_wait3A_146, %dma_wait3A_147] : memref<100000x32xf32, #tpu.memory_space<hbm>> -> memref<100000x32xf32, #tpu.memory_space<hbm>>
    tpu.wait_indirect_dma semaphore(%arg16 : memref<!tpu.dma_semaphore, #tpu.memory_space<semaphore_mem>>) src(%dma_wait3A_148 : memref<100000x32xf32, #tpu.memory_space<hbm>>) dst(%dma_wait3A_143 : memref<128x32xf32, #tpu.memory_space<vmem>>)
    %dma_wait3A_149 = arith.constant 384 : i32
    %dma_wait3A_150 = arith.constant 0 : i32
    %dma_wait3A_151 = tpu.memref_slice %arg12[%dma_wait3A_149, %dma_wait3A_150] : memref<512x32xf32, #tpu.memory_space<vmem>> -> memref<128x32xf32, #tpu.memory_space<vmem>>
    %dma_wait3A_152 = arith.constant 384 : i32
    %dma_wait3A_153 = tpu.memref_slice %arg10[%dma_wait3A_152] : memref<512xi32, #tpu.memory_space<vmem>> -> memref<128xi32, #tpu.memory_space<vmem>>
    %dma_wait3A_154 = arith.constant 0 : i32
    %dma_wait3A_155 = arith.constant 0 : i32
    %dma_wait3A_156 = tpu.memref_slice %arg5[%dma_wait3A_154, %dma_wait3A_155] : memref<100000x32xf32, #tpu.memory_space<hbm>> -> memref<100000x32xf32, #tpu.memory_space<hbm>>
    tpu.wait_indirect_dma semaphore(%arg16 : memref<!tpu.dma_semaphore, #tpu.memory_space<semaphore_mem>>) src(%dma_wait3A_156 : memref<100000x32xf32, #tpu.memory_space<hbm>>) dst(%dma_wait3A_151 : memref<128x32xf32, #tpu.memory_space<vmem>>)
    %scan3A_157 = arith.constant 0 : i32
    %scan3A_158 = arith.constant 24 : i32
    %scan3A_159 = arith.constant 8 : i32
    %scan3A_160 = arith.addi %scan3A_158, %scan3A_159 : i32
    %scan3A_161 = arith.constant 2 : i32
    scf.for %scan3A_163 = %scan3A_158 to %scan3A_160 step %scan3A_161  : i32 {
      %mul3A_164 = arith.constant 16 : i32
      %mul3A_165 = arith.muli %scan3A_163, %mul3A_164 : i32
      %add3A_166 = vector.broadcast %mul3A_165 : i32 to vector<16xi32>
      %add3A_167 = arith.addi %add3A_166, %iota3A : vector<16xi32>
      %broadcast_in_dim3A = arith.constant 0.000000e+00 : f32
      %broadcast_in_dim3A_168 = vector.broadcast %broadcast_in_dim3A : f32 to vector<16xf32>
      %broadcast_in_dim3A_169 = arith.constant 0 : i32
      %broadcast_in_dim3A_170 = vector.broadcast %broadcast_in_dim3A_169 : i32 to vector<16xi32>
      %gather3A = tpu.vector_load_idx %arg11[%add3A_167, %broadcast_in_dim3A_170] : memref<512x32xf32, #tpu.memory_space<vmem>>[vector<16xi32>, vector<16xi32>], vector<16xf32>,
      %gather3A_171 = tpu.vector_load_idx %arg12[%add3A_167, %broadcast_in_dim3A_170] : memref<512x32xf32, #tpu.memory_space<vmem>>[vector<16xi32>, vector<16xi32>], vector<16xf32>,
      %mul3A_172 = arith.mulf %gather3A, %gather3A_171 : vector<16xf32>
      %add3A_173 = arith.addf %broadcast_in_dim3A_168, %mul3A_172 : vector<16xf32>
      %broadcast_in_dim3A_174 = arith.constant 1 : i32
      %broadcast_in_dim3A_175 = vector.broadcast %broadcast_in_dim3A_174 : i32 to vector<16xi32>
      %gather3A_176 = tpu.vector_load_idx %arg11[%add3A_167, %broadcast_in_dim3A_175] : memref<512x32xf32, #tpu.memory_space<vmem>>[vector<16xi32>, vector<16xi32>], vector<16xf32>,
      %gather3A_177 = tpu.vector_load_idx %arg12[%add3A_167, %broadcast_in_dim3A_175] : memref<512x32xf32, #tpu.memory_space<vmem>>[vector<16xi32>, vector<16xi32>], vector<16xf32>,
      %mul3A_178 = arith.mulf %gather3A_176, %gather3A_177 : vector<16xf32>
      %add3A_179 = arith.addf %add3A_173, %mul3A_178 : vector<16xf32>
      %broadcast_in_dim3A_180 = arith.constant 2 : i32
      %broadcast_in_dim3A_181 = vector.broadcast %broadcast_in_dim3A_180 : i32 to vector<16xi32>
      %gather3A_182 = tpu.vector_load_idx %arg11[%add3A_167, %broadcast_in_dim3A_181] : memref<512x32xf32, #tpu.memory_space<vmem>>[vector<16xi32>, vector<16xi32>], vector<16xf32>,
      %gather3A_183 = tpu.vector_load_idx %arg12[%add3A_167, %broadcast_in_dim3A_181] : memref<512x32xf32, #tpu.memory_space<vmem>>[vector<16xi32>, vector<16xi32>], vector<16xf32>,
      %mul3A_184 = arith.mulf %gather3A_182, %gather3A_183 : vector<16xf32>
      %add3A_185 = arith.addf %add3A_179, %mul3A_184 : vector<16xf32>
      %broadcast_in_dim3A_186 = arith.constant 3 : i32
      %broadcast_in_dim3A_187 = vector.broadcast %broadcast_in_dim3A_186 : i32 to vector<16xi32>
      %gather3A_188 = tpu.vector_load_idx %arg11[%add3A_167, %broadcast_in_dim3A_187] : memref<512x32xf32, #tpu.memory_space<vmem>>[vector<16xi32>, vector<16xi32>], vector<16xf32>,
      %gather3A_189 = tpu.vector_load_idx %arg12[%add3A_167, %broadcast_in_dim3A_187] : memref<512x32xf32, #tpu.memory_space<vmem>>[vector<16xi32>, vector<16xi32>], vector<16xf32>,
      %mul3A_190 = arith.mulf %gather3A_188, %gather3A_189 : vector<16xf32>
      %add3A_191 = arith.addf %add3A_185, %mul3A_190 : vector<16xf32>
      %broadcast_in_dim3A_192 = arith.constant 4 : i32
      %broadcast_in_dim3A_193 = vector.broadcast %broadcast_in_dim3A_192 : i32 to vector<16xi32>
      %gather3A_194 = tpu.vector_load_idx %arg11[%add3A_167, %broadcast_in_dim3A_193] : memref<512x32xf32, #tpu.memory_space<vmem>>[vector<16xi32>, vector<16xi32>], vector<16xf32>,
      %gather3A_195 = tpu.vector_load_idx %arg12[%add3A_167, %broadcast_in_dim3A_193] : memref<512x32xf32, #tpu.memory_space<vmem>>[vector<16xi32>, vector<16xi32>], vector<16xf32>,
      %mul3A_196 = arith.mulf %gather3A_194, %gather3A_195 : vector<16xf32>
      %add3A_197 = arith.addf %add3A_191, %mul3A_196 : vector<16xf32>
      %broadcast_in_dim3A_198 = arith.constant 5 : i32
      %broadcast_in_dim3A_199 = vector.broadcast %broadcast_in_dim3A_198 : i32 to vector<16xi32>
      %gather3A_200 = tpu.vector_load_idx %arg11[%add3A_167, %broadcast_in_dim3A_199] : memref<512x32xf32, #tpu.memory_space<vmem>>[vector<16xi32>, vector<16xi32>], vector<16xf32>,
      %gather3A_201 = tpu.vector_load_idx %arg12[%add3A_167, %broadcast_in_dim3A_199] : memref<512x32xf32, #tpu.memory_space<vmem>>[vector<16xi32>, vector<16xi32>], vector<16xf32>,
      %mul3A_202 = arith.mulf %gather3A_200, %gather3A_201 : vector<16xf32>
      %add3A_203 = arith.addf %add3A_197, %mul3A_202 : vector<16xf32>
      %broadcast_in_dim3A_204 = arith.constant 6 : i32
      %broadcast_in_dim3A_205 = vector.broadcast %broadcast_in_dim3A_204 : i32 to vector<16xi32>
      %gather3A_206 = tpu.vector_load_idx %arg11[%add3A_167, %broadcast_in_dim3A_205] : memref<512x32xf32, #tpu.memory_space<vmem>>[vector<16xi32>, vector<16xi32>], vector<16xf32>,
      %gather3A_207 = tpu.vector_load_idx %arg12[%add3A_167, %broadcast_in_dim3A_205] : memref<512x32xf32, #tpu.memory_space<vmem>>[vector<16xi32>, vector<16xi32>], vector<16xf32>,
      %mul3A_208 = arith.mulf %gather3A_206, %gather3A_207 : vector<16xf32>
      %add3A_209 = arith.addf %add3A_203, %mul3A_208 : vector<16xf32>
      %broadcast_in_dim3A_210 = arith.constant 7 : i32
      %broadcast_in_dim3A_211 = vector.broadcast %broadcast_in_dim3A_210 : i32 to vector<16xi32>
      %gather3A_212 = tpu.vector_load_idx %arg11[%add3A_167, %broadcast_in_dim3A_211] : memref<512x32xf32, #tpu.memory_space<vmem>>[vector<16xi32>, vector<16xi32>], vector<16xf32>,
      %gather3A_213 = tpu.vector_load_idx %arg12[%add3A_167, %broadcast_in_dim3A_211] : memref<512x32xf32, #tpu.memory_space<vmem>>[vector<16xi32>, vector<16xi32>], vector<16xf32>,
      %mul3A_214 = arith.mulf %gather3A_212, %gather3A_213 : vector<16xf32>
      %add3A_215 = arith.addf %add3A_209, %mul3A_214 : vector<16xf32>
      %broadcast_in_dim3A_216 = arith.constant 8 : i32
      %broadcast_in_dim3A_217 = vector.broadcast %broadcast_in_dim3A_216 : i32 to vector<16xi32>
      %gather3A_218 = tpu.vector_load_idx %arg11[%add3A_167, %broadcast_in_dim3A_217] : memref<512x32xf32, #tpu.memory_space<vmem>>[vector<16xi32>, vector<16xi32>], vector<16xf32>,
      %gather3A_219 = tpu.vector_load_idx %arg12[%add3A_167, %broadcast_in_dim3A_217] : memref<512x32xf32, #tpu.memory_space<vmem>>[vector<16xi32>, vector<16xi32>], vector<16xf32>,
      %mul3A_220 = arith.mulf %gather3A_218, %gather3A_219 : vector<16xf32>
      %add3A_221 = arith.addf %add3A_215, %mul3A_220 : vector<16xf32>
      %broadcast_in_dim3A_222 = arith.constant 9 : i32
      %broadcast_in_dim3A_223 = vector.broadcast %broadcast_in_dim3A_222 : i32 to vector<16xi32>
      %gather3A_224 = tpu.vector_load_idx %arg11[%add3A_167, %broadcast_in_dim3A_223] : memref<512x32xf32, #tpu.memory_space<vmem>>[vector<16xi32>, vector<16xi32>], vector<16xf32>,
      %gather3A_225 = tpu.vector_load_idx %arg12[%add3A_167, %broadcast_in_dim3A_223] : memref<512x32xf32, #tpu.memory_space<vmem>>[vector<16xi32>, vector<16xi32>], vector<16xf32>,
      %mul3A_226 = arith.mulf %gather3A_224, %gather3A_225 : vector<16xf32>
      %add3A_227 = arith.addf %add3A_221, %mul3A_226 : vector<16xf32>
      %broadcast_in_dim3A_228 = arith.constant 10 : i32
      %broadcast_in_dim3A_229 = vector.broadcast %broadcast_in_dim3A_228 : i32 to vector<16xi32>
      %gather3A_230 = tpu.vector_load_idx %arg11[%add3A_167, %broadcast_in_dim3A_229] : memref<512x32xf32, #tpu.memory_space<vmem>>[vector<16xi32>, vector<16xi32>], vector<16xf32>,
      %gather3A_231 = tpu.vector_load_idx %arg12[%add3A_167, %broadcast_in_dim3A_229] : memref<512x32xf32, #tpu.memory_space<vmem>>[vector<16xi32>, vector<16xi32>], vector<16xf32>,
      %mul3A_232 = arith.mulf %gather3A_230, %gather3A_231 : vector<16xf32>
      %add3A_233 = arith.addf %add3A_227, %mul3A_232 : vector<16xf32>
      %broadcast_in_dim3A_234 = arith.constant 11 : i32
      %broadcast_in_dim3A_235 = vector.broadcast %broadcast_in_dim3A_234 : i32 to vector<16xi32>
      %gather3A_236 = tpu.vector_load_idx %arg11[%add3A_167, %broadcast_in_dim3A_235] : memref<512x32xf32, #tpu.memory_space<vmem>>[vector<16xi32>, vector<16xi32>], vector<16xf32>,
      %gather3A_237 = tpu.vector_load_idx %arg12[%add3A_167, %broadcast_in_dim3A_235] : memref<512x32xf32, #tpu.memory_space<vmem>>[vector<16xi32>, vector<16xi32>], vector<16xf32>,
      %mul3A_238 = arith.mulf %gather3A_236, %gather3A_237 : vector<16xf32>
      %add3A_239 = arith.addf %add3A_233, %mul3A_238 : vector<16xf32>
      %broadcast_in_dim3A_240 = arith.constant 12 : i32
      %broadcast_in_dim3A_241 = vector.broadcast %broadcast_in_dim3A_240 : i32 to vector<16xi32>
      %gather3A_242 = tpu.vector_load_idx %arg11[%add3A_167, %broadcast_in_dim3A_241] : memref<512x32xf32, #tpu.memory_space<vmem>>[vector<16xi32>, vector<16xi32>], vector<16xf32>,
      %gather3A_243 = tpu.vector_load_idx %arg12[%add3A_167, %broadcast_in_dim3A_241] : memref<512x32xf32, #tpu.memory_space<vmem>>[vector<16xi32>, vector<16xi32>], vector<16xf32>,
      %mul3A_244 = arith.mulf %gather3A_242, %gather3A_243 : vector<16xf32>
      %add3A_245 = arith.addf %add3A_239, %mul3A_244 : vector<16xf32>
      %broadcast_in_dim3A_246 = arith.constant 13 : i32
      %broadcast_in_dim3A_247 = vector.broadcast %broadcast_in_dim3A_246 : i32 to vector<16xi32>
      %gather3A_248 = tpu.vector_load_idx %arg11[%add3A_167, %broadcast_in_dim3A_247] : memref<512x32xf32, #tpu.memory_space<vmem>>[vector<16xi32>, vector<16xi32>], vector<16xf32>,
      %gather3A_249 = tpu.vector_load_idx %arg12[%add3A_167, %broadcast_in_dim3A_247] : memref<512x32xf32, #tpu.memory_space<vmem>>[vector<16xi32>, vector<16xi32>], vector<16xf32>,
      %mul3A_250 = arith.mulf %gather3A_248, %gather3A_249 : vector<16xf32>
      %add3A_251 = arith.addf %add3A_245, %mul3A_250 : vector<16xf32>
      %broadcast_in_dim3A_252 = arith.constant 14 : i32
      %broadcast_in_dim3A_253 = vector.broadcast %broadcast_in_dim3A_252 : i32 to vector<16xi32>
      %gather3A_254 = tpu.vector_load_idx %arg11[%add3A_167, %broadcast_in_dim3A_253] : memref<512x32xf32, #tpu.memory_space<vmem>>[vector<16xi32>, vector<16xi32>], vector<16xf32>,
      %gather3A_255 = tpu.vector_load_idx %arg12[%add3A_167, %broadcast_in_dim3A_253] : memref<512x32xf32, #tpu.memory_space<vmem>>[vector<16xi32>, vector<16xi32>], vector<16xf32>,
      %mul3A_256 = arith.mulf %gather3A_254, %gather3A_255 : vector<16xf32>
      %add3A_257 = arith.addf %add3A_251, %mul3A_256 : vector<16xf32>
      %broadcast_in_dim3A_258 = arith.constant 15 : i32
      %broadcast_in_dim3A_259 = vector.broadcast %broadcast_in_dim3A_258 : i32 to vector<16xi32>
      %gather3A_260 = tpu.vector_load_idx %arg11[%add3A_167, %broadcast_in_dim3A_259] : memref<512x32xf32, #tpu.memory_space<vmem>>[vector<16xi32>, vector<16xi32>], vector<16xf32>,
      %gather3A_261 = tpu.vector_load_idx %arg12[%add3A_167, %broadcast_in_dim3A_259] : memref<512x32xf32, #tpu.memory_space<vmem>>[vector<16xi32>, vector<16xi32>], vector<16xf32>,
      %mul3A_262 = arith.mulf %gather3A_260, %gather3A_261 : vector<16xf32>
      %add3A_263 = arith.addf %add3A_257, %mul3A_262 : vector<16xf32>
      %broadcast_in_dim3A_264 = arith.constant 16 : i32
      %broadcast_in_dim3A_265 = vector.broadcast %broadcast_in_dim3A_264 : i32 to vector<16xi32>
      %gather3A_266 = tpu.vector_load_idx %arg11[%add3A_167, %broadcast_in_dim3A_265] : memref<512x32xf32, #tpu.memory_space<vmem>>[vector<16xi32>, vector<16xi32>], vector<16xf32>,
      %gather3A_267 = tpu.vector_load_idx %arg12[%add3A_167, %broadcast_in_dim3A_265] : memref<512x32xf32, #tpu.memory_space<vmem>>[vector<16xi32>, vector<16xi32>], vector<16xf32>,
      %mul3A_268 = arith.mulf %gather3A_266, %gather3A_267 : vector<16xf32>
      %add3A_269 = arith.addf %add3A_263, %mul3A_268 : vector<16xf32>
      %broadcast_in_dim3A_270 = arith.constant 17 : i32
      %broadcast_in_dim3A_271 = vector.broadcast %broadcast_in_dim3A_270 : i32 to vector<16xi32>
      %gather3A_272 = tpu.vector_load_idx %arg11[%add3A_167, %broadcast_in_dim3A_271] : memref<512x32xf32, #tpu.memory_space<vmem>>[vector<16xi32>, vector<16xi32>], vector<16xf32>,
      %gather3A_273 = tpu.vector_load_idx %arg12[%add3A_167, %broadcast_in_dim3A_271] : memref<512x32xf32, #tpu.memory_space<vmem>>[vector<16xi32>, vector<16xi32>], vector<16xf32>,
      %mul3A_274 = arith.mulf %gather3A_272, %gather3A_273 : vector<16xf32>
      %add3A_275 = arith.addf %add3A_269, %mul3A_274 : vector<16xf32>
      %broadcast_in_dim3A_276 = arith.constant 18 : i32
      %broadcast_in_dim3A_277 = vector.broadcast %broadcast_in_dim3A_276 : i32 to vector<16xi32>
      %gather3A_278 = tpu.vector_load_idx %arg11[%add3A_167, %broadcast_in_dim3A_277] : memref<512x32xf32, #tpu.memory_space<vmem>>[vector<16xi32>, vector<16xi32>], vector<16xf32>,
      %gather3A_279 = tpu.vector_load_idx %arg12[%add3A_167, %broadcast_in_dim3A_277] : memref<512x32xf32, #tpu.memory_space<vmem>>[vector<16xi32>, vector<16xi32>], vector<16xf32>,
      %mul3A_280 = arith.mulf %gather3A_278, %gather3A_279 : vector<16xf32>
      %add3A_281 = arith.addf %add3A_275, %mul3A_280 : vector<16xf32>
      %broadcast_in_dim3A_282 = arith.constant 19 : i32
      %broadcast_in_dim3A_283 = vector.broadcast %broadcast_in_dim3A_282 : i32 to vector<16xi32>
      %gather3A_284 = tpu.vector_load_idx %arg11[%add3A_167, %broadcast_in_dim3A_283] : memref<512x32xf32, #tpu.memory_space<vmem>>[vector<16xi32>, vector<16xi32>], vector<16xf32>,
      %gather3A_285 = tpu.vector_load_idx %arg12[%add3A_167, %broadcast_in_dim3A_283] : memref<512x32xf32, #tpu.memory_space<vmem>>[vector<16xi32>, vector<16xi32>], vector<16xf32>,
      %mul3A_286 = arith.mulf %gather3A_284, %gather3A_285 : vector<16xf32>
      %add3A_287 = arith.addf %add3A_281, %mul3A_286 : vector<16xf32>
      %broadcast_in_dim3A_288 = arith.constant 20 : i32
      %broadcast_in_dim3A_289 = vector.broadcast %broadcast_in_dim3A_288 : i32 to vector<16xi32>
      %gather3A_290 = tpu.vector_load_idx %arg11[%add3A_167, %broadcast_in_dim3A_289] : memref<512x32xf32, #tpu.memory_space<vmem>>[vector<16xi32>, vector<16xi32>], vector<16xf32>,
      %gather3A_291 = tpu.vector_load_idx %arg12[%add3A_167, %broadcast_in_dim3A_289] : memref<512x32xf32, #tpu.memory_space<vmem>>[vector<16xi32>, vector<16xi32>], vector<16xf32>,
      %mul3A_292 = arith.mulf %gather3A_290, %gather3A_291 : vector<16xf32>
      %add3A_293 = arith.addf %add3A_287, %mul3A_292 : vector<16xf32>
      %broadcast_in_dim3A_294 = arith.constant 21 : i32
      %broadcast_in_dim3A_295 = vector.broadcast %broadcast_in_dim3A_294 : i32 to vector<16xi32>
      %gather3A_296 = tpu.vector_load_idx %arg11[%add3A_167, %broadcast_in_dim3A_295] : memref<512x32xf32, #tpu.memory_space<vmem>>[vector<16xi32>, vector<16xi32>], vector<16xf32>,
      %gather3A_297 = tpu.vector_load_idx %arg12[%add3A_167, %broadcast_in_dim3A_295] : memref<512x32xf32, #tpu.memory_space<vmem>>[vector<16xi32>, vector<16xi32>], vector<16xf32>,
      %mul3A_298 = arith.mulf %gather3A_296, %gather3A_297 : vector<16xf32>
      %add3A_299 = arith.addf %add3A_293, %mul3A_298 : vector<16xf32>
      %broadcast_in_dim3A_300 = arith.constant 22 : i32
      %broadcast_in_dim3A_301 = vector.broadcast %broadcast_in_dim3A_300 : i32 to vector<16xi32>
      %gather3A_302 = tpu.vector_load_idx %arg11[%add3A_167, %broadcast_in_dim3A_301] : memref<512x32xf32, #tpu.memory_space<vmem>>[vector<16xi32>, vector<16xi32>], vector<16xf32>,
      %gather3A_303 = tpu.vector_load_idx %arg12[%add3A_167, %broadcast_in_dim3A_301] : memref<512x32xf32, #tpu.memory_space<vmem>>[vector<16xi32>, vector<16xi32>], vector<16xf32>,
      %mul3A_304 = arith.mulf %gather3A_302, %gather3A_303 : vector<16xf32>
      %add3A_305 = arith.addf %add3A_299, %mul3A_304 : vector<16xf32>
      %broadcast_in_dim3A_306 = arith.constant 23 : i32
      %broadcast_in_dim3A_307 = vector.broadcast %broadcast_in_dim3A_306 : i32 to vector<16xi32>
      %gather3A_308 = tpu.vector_load_idx %arg11[%add3A_167, %broadcast_in_dim3A_307] : memref<512x32xf32, #tpu.memory_space<vmem>>[vector<16xi32>, vector<16xi32>], vector<16xf32>,
      %gather3A_309 = tpu.vector_load_idx %arg12[%add3A_167, %broadcast_in_dim3A_307] : memref<512x32xf32, #tpu.memory_space<vmem>>[vector<16xi32>, vector<16xi32>], vector<16xf32>,
      %mul3A_310 = arith.mulf %gather3A_308, %gather3A_309 : vector<16xf32>
      %add3A_311 = arith.addf %add3A_305, %mul3A_310 : vector<16xf32>
      %broadcast_in_dim3A_312 = arith.constant 24 : i32
      %broadcast_in_dim3A_313 = vector.broadcast %broadcast_in_dim3A_312 : i32 to vector<16xi32>
      %gather3A_314 = tpu.vector_load_idx %arg11[%add3A_167, %broadcast_in_dim3A_313] : memref<512x32xf32, #tpu.memory_space<vmem>>[vector<16xi32>, vector<16xi32>], vector<16xf32>,
      %gather3A_315 = tpu.vector_load_idx %arg12[%add3A_167, %broadcast_in_dim3A_313] : memref<512x32xf32, #tpu.memory_space<vmem>>[vector<16xi32>, vector<16xi32>], vector<16xf32>,
      %mul3A_316 = arith.mulf %gather3A_314, %gather3A_315 : vector<16xf32>
      %add3A_317 = arith.addf %add3A_311, %mul3A_316 : vector<16xf32>
      %broadcast_in_dim3A_318 = arith.constant 25 : i32
      %broadcast_in_dim3A_319 = vector.broadcast %broadcast_in_dim3A_318 : i32 to vector<16xi32>
      %gather3A_320 = tpu.vector_load_idx %arg11[%add3A_167, %broadcast_in_dim3A_319] : memref<512x32xf32, #tpu.memory_space<vmem>>[vector<16xi32>, vector<16xi32>], vector<16xf32>,
      %gather3A_321 = tpu.vector_load_idx %arg12[%add3A_167, %broadcast_in_dim3A_319] : memref<512x32xf32, #tpu.memory_space<vmem>>[vector<16xi32>, vector<16xi32>], vector<16xf32>,
      %mul3A_322 = arith.mulf %gather3A_320, %gather3A_321 : vector<16xf32>
      %add3A_323 = arith.addf %add3A_317, %mul3A_322 : vector<16xf32>
      %broadcast_in_dim3A_324 = arith.constant 26 : i32
      %broadcast_in_dim3A_325 = vector.broadcast %broadcast_in_dim3A_324 : i32 to vector<16xi32>
      %gather3A_326 = tpu.vector_load_idx %arg11[%add3A_167, %broadcast_in_dim3A_325] : memref<512x32xf32, #tpu.memory_space<vmem>>[vector<16xi32>, vector<16xi32>], vector<16xf32>,
      %gather3A_327 = tpu.vector_load_idx %arg12[%add3A_167, %broadcast_in_dim3A_325] : memref<512x32xf32, #tpu.memory_space<vmem>>[vector<16xi32>, vector<16xi32>], vector<16xf32>,
      %mul3A_328 = arith.mulf %gather3A_326, %gather3A_327 : vector<16xf32>
      %add3A_329 = arith.addf %add3A_323, %mul3A_328 : vector<16xf32>
      %broadcast_in_dim3A_330 = arith.constant 27 : i32
      %broadcast_in_dim3A_331 = vector.broadcast %broadcast_in_dim3A_330 : i32 to vector<16xi32>
      %gather3A_332 = tpu.vector_load_idx %arg11[%add3A_167, %broadcast_in_dim3A_331] : memref<512x32xf32, #tpu.memory_space<vmem>>[vector<16xi32>, vector<16xi32>], vector<16xf32>,
      %gather3A_333 = tpu.vector_load_idx %arg12[%add3A_167, %broadcast_in_dim3A_331] : memref<512x32xf32, #tpu.memory_space<vmem>>[vector<16xi32>, vector<16xi32>], vector<16xf32>,
      %mul3A_334 = arith.mulf %gather3A_332, %gather3A_333 : vector<16xf32>
      %add3A_335 = arith.addf %add3A_329, %mul3A_334 : vector<16xf32>
      %broadcast_in_dim3A_336 = arith.constant 28 : i32
      %broadcast_in_dim3A_337 = vector.broadcast %broadcast_in_dim3A_336 : i32 to vector<16xi32>
      %gather3A_338 = tpu.vector_load_idx %arg11[%add3A_167, %broadcast_in_dim3A_337] : memref<512x32xf32, #tpu.memory_space<vmem>>[vector<16xi32>, vector<16xi32>], vector<16xf32>,
      %gather3A_339 = tpu.vector_load_idx %arg12[%add3A_167, %broadcast_in_dim3A_337] : memref<512x32xf32, #tpu.memory_space<vmem>>[vector<16xi32>, vector<16xi32>], vector<16xf32>,
      %mul3A_340 = arith.mulf %gather3A_338, %gather3A_339 : vector<16xf32>
      %add3A_341 = arith.addf %add3A_335, %mul3A_340 : vector<16xf32>
      %broadcast_in_dim3A_342 = arith.constant 29 : i32
      %broadcast_in_dim3A_343 = vector.broadcast %broadcast_in_dim3A_342 : i32 to vector<16xi32>
      %gather3A_344 = tpu.vector_load_idx %arg11[%add3A_167, %broadcast_in_dim3A_343] : memref<512x32xf32, #tpu.memory_space<vmem>>[vector<16xi32>, vector<16xi32>], vector<16xf32>,
      %gather3A_345 = tpu.vector_load_idx %arg12[%add3A_167, %broadcast_in_dim3A_343] : memref<512x32xf32, #tpu.memory_space<vmem>>[vector<16xi32>, vector<16xi32>], vector<16xf32>,
      %mul3A_346 = arith.mulf %gather3A_344, %gather3A_345 : vector<16xf32>
      %add3A_347 = arith.addf %add3A_341, %mul3A_346 : vector<16xf32>
      %broadcast_in_dim3A_348 = arith.constant 30 : i32
      %broadcast_in_dim3A_349 = vector.broadcast %broadcast_in_dim3A_348 : i32 to vector<16xi32>
      %gather3A_350 = tpu.vector_load_idx %arg11[%add3A_167, %broadcast_in_dim3A_349] : memref<512x32xf32, #tpu.memory_space<vmem>>[vector<16xi32>, vector<16xi32>], vector<16xf32>,
      %gather3A_351 = tpu.vector_load_idx %arg12[%add3A_167, %broadcast_in_dim3A_349] : memref<512x32xf32, #tpu.memory_space<vmem>>[vector<16xi32>, vector<16xi32>], vector<16xf32>,
      %mul3A_352 = arith.mulf %gather3A_350, %gather3A_351 : vector<16xf32>
      %add3A_353 = arith.addf %add3A_347, %mul3A_352 : vector<16xf32>
      %broadcast_in_dim3A_354 = arith.constant 31 : i32
      %broadcast_in_dim3A_355 = vector.broadcast %broadcast_in_dim3A_354 : i32 to vector<16xi32>
      %gather3A_356 = tpu.vector_load_idx %arg11[%add3A_167, %broadcast_in_dim3A_355] : memref<512x32xf32, #tpu.memory_space<vmem>>[vector<16xi32>, vector<16xi32>], vector<16xf32>,
      %gather3A_357 = tpu.vector_load_idx %arg12[%add3A_167, %broadcast_in_dim3A_355] : memref<512x32xf32, #tpu.memory_space<vmem>>[vector<16xi32>, vector<16xi32>], vector<16xf32>,
      %mul3A_358 = arith.mulf %gather3A_356, %gather3A_357 : vector<16xf32>
      %add3A_359 = arith.addf %add3A_353, %mul3A_358 : vector<16xf32>
      %mul3A_360 = arith.mulf %add3A_359, %get3A_73 : vector<16xf32>
      %add3A_361 = arith.addf %mul3A_360, %get3A_75 : vector<16xf32>
      %neg3A = arith.constant 0.000000e+00 : f32
      %neg3A_362 = vector.broadcast %neg3A : f32 to vector<16xf32>
      %neg3A_363 = arith.subf %neg3A_362, %add3A_361 : vector<16xf32>
      %exp3A = math.exp %neg3A_363 : vector<16xf32>
      %add3A_364 = arith.constant 1.000000e+00 : f32
      %add3A_365 = vector.broadcast %add3A_364 : f32 to vector<16xf32>
      %add3A_366 = arith.addf %add3A_365, %exp3A : vector<16xf32>
      %div3A = arith.constant 1.000000e+00 : f32
      %div3A_367 = vector.broadcast %div3A : f32 to vector<16xf32>
      %div3A_368 = arith.divf %div3A_367, %add3A_366 : vector<16xf32>
      %mul3A_369 = arith.constant 16 : i32
      %mul3A_370 = arith.muli %scan3A_163, %mul3A_369 : i32
      %swap3A = arith.index_cast %mul3A_370 : i32 to index
      %swap3A_371 = tpu.vector_load %arg13[%swap3A] {strides = array<i32>} : memref<512xf32, #tpu.memory_space<vmem>>, vector<16xf32>,
      tpu.vector_store %arg13[%swap3A], %div3A_368 {strides = array<i32>} : memref<512xf32, #tpu.memory_space<vmem>>, vector<16xf32>,
      %scan3A_372 = arith.constant 1 : i32
      %scan3A_373 = arith.addi %scan3A_163, %scan3A_372 : i32
      %mul3A_374 = arith.constant 16 : i32
      %mul3A_375 = arith.muli %scan3A_373, %mul3A_374 : i32
      %add3A_376 = vector.broadcast %mul3A_375 : i32 to vector<16xi32>
      %add3A_377 = arith.addi %add3A_376, %iota3A : vector<16xi32>
      %broadcast_in_dim3A_378 = arith.constant 0.000000e+00 : f32
      %broadcast_in_dim3A_379 = vector.broadcast %broadcast_in_dim3A_378 : f32 to vector<16xf32>
      %broadcast_in_dim3A_380 = arith.constant 0 : i32
      %broadcast_in_dim3A_381 = vector.broadcast %broadcast_in_dim3A_380 : i32 to vector<16xi32>
      %gather3A_382 = tpu.vector_load_idx %arg11[%add3A_377, %broadcast_in_dim3A_381] : memref<512x32xf32, #tpu.memory_space<vmem>>[vector<16xi32>, vector<16xi32>], vector<16xf32>,
      %gather3A_383 = tpu.vector_load_idx %arg12[%add3A_377, %broadcast_in_dim3A_381] : memref<512x32xf32, #tpu.memory_space<vmem>>[vector<16xi32>, vector<16xi32>], vector<16xf32>,
      %mul3A_384 = arith.mulf %gather3A_382, %gather3A_383 : vector<16xf32>
      %add3A_385 = arith.addf %broadcast_in_dim3A_379, %mul3A_384 : vector<16xf32>
      %broadcast_in_dim3A_386 = arith.constant 1 : i32
      %broadcast_in_dim3A_387 = vector.broadcast %broadcast_in_dim3A_386 : i32 to vector<16xi32>
      %gather3A_388 = tpu.vector_load_idx %arg11[%add3A_377, %broadcast_in_dim3A_387] : memref<512x32xf32, #tpu.memory_space<vmem>>[vector<16xi32>, vector<16xi32>], vector<16xf32>,
      %gather3A_389 = tpu.vector_load_idx %arg12[%add3A_377, %broadcast_in_dim3A_387] : memref<512x32xf32, #tpu.memory_space<vmem>>[vector<16xi32>, vector<16xi32>], vector<16xf32>,
      %mul3A_390 = arith.mulf %gather3A_388, %gather3A_389 : vector<16xf32>
      %add3A_391 = arith.addf %add3A_385, %mul3A_390 : vector<16xf32>
      %broadcast_in_dim3A_392 = arith.constant 2 : i32
      %broadcast_in_dim3A_393 = vector.broadcast %broadcast_in_dim3A_392 : i32 to vector<16xi32>
      %gather3A_394 = tpu.vector_load_idx %arg11[%add3A_377, %broadcast_in_dim3A_393] : memref<512x32xf32, #tpu.memory_space<vmem>>[vector<16xi32>, vector<16xi32>], vector<16xf32>,
      %gather3A_395 = tpu.vector_load_idx %arg12[%add3A_377, %broadcast_in_dim3A_393] : memref<512x32xf32, #tpu.memory_space<vmem>>[vector<16xi32>, vector<16xi32>], vector<16xf32>,
      %mul3A_396 = arith.mulf %gather3A_394, %gather3A_395 : vector<16xf32>
      %add3A_397 = arith.addf %add3A_391, %mul3A_396 : vector<16xf32>
      %broadcast_in_dim3A_398 = arith.constant 3 : i32
      %broadcast_in_dim3A_399 = vector.broadcast %broadcast_in_dim3A_398 : i32 to vector<16xi32>
      %gather3A_400 = tpu.vector_load_idx %arg11[%add3A_377, %broadcast_in_dim3A_399] : memref<512x32xf32, #tpu.memory_space<vmem>>[vector<16xi32>, vector<16xi32>], vector<16xf32>,
      %gather3A_401 = tpu.vector_load_idx %arg12[%add3A_377, %broadcast_in_dim3A_399] : memref<512x32xf32, #tpu.memory_space<vmem>>[vector<16xi32>, vector<16xi32>], vector<16xf32>,
      %mul3A_402 = arith.mulf %gather3A_400, %gather3A_401 : vector<16xf32>
      %add3A_403 = arith.addf %add3A_397, %mul3A_402 : vector<16xf32>
      %broadcast_in_dim3A_404 = arith.constant 4 : i32
      %broadcast_in_dim3A_405 = vector.broadcast %broadcast_in_dim3A_404 : i32 to vector<16xi32>
      %gather3A_406 = tpu.vector_load_idx %arg11[%add3A_377, %broadcast_in_dim3A_405] : memref<512x32xf32, #tpu.memory_space<vmem>>[vector<16xi32>, vector<16xi32>], vector<16xf32>,
      %gather3A_407 = tpu.vector_load_idx %arg12[%add3A_377, %broadcast_in_dim3A_405] : memref<512x32xf32, #tpu.memory_space<vmem>>[vector<16xi32>, vector<16xi32>], vector<16xf32>,
      %mul3A_408 = arith.mulf %gather3A_406, %gather3A_407 : vector<16xf32>
      %add3A_409 = arith.addf %add3A_403, %mul3A_408 : vector<16xf32>
      %broadcast_in_dim3A_410 = arith.constant 5 : i32
      %broadcast_in_dim3A_411 = vector.broadcast %broadcast_in_dim3A_410 : i32 to vector<16xi32>
      %gather3A_412 = tpu.vector_load_idx %arg11[%add3A_377, %broadcast_in_dim3A_411] : memref<512x32xf32, #tpu.memory_space<vmem>>[vector<16xi32>, vector<16xi32>], vector<16xf32>,
      %gather3A_413 = tpu.vector_load_idx %arg12[%add3A_377, %broadcast_in_dim3A_411] : memref<512x32xf32, #tpu.memory_space<vmem>>[vector<16xi32>, vector<16xi32>], vector<16xf32>,
      %mul3A_414 = arith.mulf %gather3A_412, %gather3A_413 : vector<16xf32>
      %add3A_415 = arith.addf %add3A_409, %mul3A_414 : vector<16xf32>
      %broadcast_in_dim3A_416 = arith.constant 6 : i32
      %broadcast_in_dim3A_417 = vector.broadcast %broadcast_in_dim3A_416 : i32 to vector<16xi32>
      %gather3A_418 = tpu.vector_load_idx %arg11[%add3A_377, %broadcast_in_dim3A_417] : memref<512x32xf32, #tpu.memory_space<vmem>>[vector<16xi32>, vector<16xi32>], vector<16xf32>,
      %gather3A_419 = tpu.vector_load_idx %arg12[%add3A_377, %broadcast_in_dim3A_417] : memref<512x32xf32, #tpu.memory_space<vmem>>[vector<16xi32>, vector<16xi32>], vector<16xf32>,
      %mul3A_420 = arith.mulf %gather3A_418, %gather3A_419 : vector<16xf32>
      %add3A_421 = arith.addf %add3A_415, %mul3A_420 : vector<16xf32>
      %broadcast_in_dim3A_422 = arith.constant 7 : i32
      %broadcast_in_dim3A_423 = vector.broadcast %broadcast_in_dim3A_422 : i32 to vector<16xi32>
      %gather3A_424 = tpu.vector_load_idx %arg11[%add3A_377, %broadcast_in_dim3A_423] : memref<512x32xf32, #tpu.memory_space<vmem>>[vector<16xi32>, vector<16xi32>], vector<16xf32>,
      %gather3A_425 = tpu.vector_load_idx %arg12[%add3A_377, %broadcast_in_dim3A_423] : memref<512x32xf32, #tpu.memory_space<vmem>>[vector<16xi32>, vector<16xi32>], vector<16xf32>,
      %mul3A_426 = arith.mulf %gather3A_424, %gather3A_425 : vector<16xf32>
      %add3A_427 = arith.addf %add3A_421, %mul3A_426 : vector<16xf32>
      %broadcast_in_dim3A_428 = arith.constant 8 : i32
      %broadcast_in_dim3A_429 = vector.broadcast %broadcast_in_dim3A_428 : i32 to vector<16xi32>
      %gather3A_430 = tpu.vector_load_idx %arg11[%add3A_377, %broadcast_in_dim3A_429] : memref<512x32xf32, #tpu.memory_space<vmem>>[vector<16xi32>, vector<16xi32>], vector<16xf32>,
      %gather3A_431 = tpu.vector_load_idx %arg12[%add3A_377, %broadcast_in_dim3A_429] : memref<512x32xf32, #tpu.memory_space<vmem>>[vector<16xi32>, vector<16xi32>], vector<16xf32>,
      %mul3A_432 = arith.mulf %gather3A_430, %gather3A_431 : vector<16xf32>
      %add3A_433 = arith.addf %add3A_427, %mul3A_432 : vector<16xf32>
      %broadcast_in_dim3A_434 = arith.constant 9 : i32
      %broadcast_in_dim3A_435 = vector.broadcast %broadcast_in_dim3A_434 : i32 to vector<16xi32>
      %gather3A_436 = tpu.vector_load_idx %arg11[%add3A_377, %broadcast_in_dim3A_435] : memref<512x32xf32, #tpu.memory_space<vmem>>[vector<16xi32>, vector<16xi32>], vector<16xf32>,
      %gather3A_437 = tpu.vector_load_idx %arg12[%add3A_377, %broadcast_in_dim3A_435] : memref<512x32xf32, #tpu.memory_space<vmem>>[vector<16xi32>, vector<16xi32>], vector<16xf32>,
      %mul3A_438 = arith.mulf %gather3A_436, %gather3A_437 : vector<16xf32>
      %add3A_439 = arith.addf %add3A_433, %mul3A_438 : vector<16xf32>
      %broadcast_in_dim3A_440 = arith.constant 10 : i32
      %broadcast_in_dim3A_441 = vector.broadcast %broadcast_in_dim3A_440 : i32 to vector<16xi32>
      %gather3A_442 = tpu.vector_load_idx %arg11[%add3A_377, %broadcast_in_dim3A_441] : memref<512x32xf32, #tpu.memory_space<vmem>>[vector<16xi32>, vector<16xi32>], vector<16xf32>,
      %gather3A_443 = tpu.vector_load_idx %arg12[%add3A_377, %broadcast_in_dim3A_441] : memref<512x32xf32, #tpu.memory_space<vmem>>[vector<16xi32>, vector<16xi32>], vector<16xf32>,
      %mul3A_444 = arith.mulf %gather3A_442, %gather3A_443 : vector<16xf32>
      %add3A_445 = arith.addf %add3A_439, %mul3A_444 : vector<16xf32>
      %broadcast_in_dim3A_446 = arith.constant 11 : i32
      %broadcast_in_dim3A_447 = vector.broadcast %broadcast_in_dim3A_446 : i32 to vector<16xi32>
      %gather3A_448 = tpu.vector_load_idx %arg11[%add3A_377, %broadcast_in_dim3A_447] : memref<512x32xf32, #tpu.memory_space<vmem>>[vector<16xi32>, vector<16xi32>], vector<16xf32>,
      %gather3A_449 = tpu.vector_load_idx %arg12[%add3A_377, %broadcast_in_dim3A_447] : memref<512x32xf32, #tpu.memory_space<vmem>>[vector<16xi32>, vector<16xi32>], vector<16xf32>,
      %mul3A_450 = arith.mulf %gather3A_448, %gather3A_449 : vector<16xf32>
      %add3A_451 = arith.addf %add3A_445, %mul3A_450 : vector<16xf32>
      %broadcast_in_dim3A_452 = arith.constant 12 : i32
      %broadcast_in_dim3A_453 = vector.broadcast %broadcast_in_dim3A_452 : i32 to vector<16xi32>
      %gather3A_454 = tpu.vector_load_idx %arg11[%add3A_377, %broadcast_in_dim3A_453] : memref<512x32xf32, #tpu.memory_space<vmem>>[vector<16xi32>, vector<16xi32>], vector<16xf32>,
      %gather3A_455 = tpu.vector_load_idx %arg12[%add3A_377, %broadcast_in_dim3A_453] : memref<512x32xf32, #tpu.memory_space<vmem>>[vector<16xi32>, vector<16xi32>], vector<16xf32>,
      %mul3A_456 = arith.mulf %gather3A_454, %gather3A_455 : vector<16xf32>
      %add3A_457 = arith.addf %add3A_451, %mul3A_456 : vector<16xf32>
      %broadcast_in_dim3A_458 = arith.constant 13 : i32
      %broadcast_in_dim3A_459 = vector.broadcast %broadcast_in_dim3A_458 : i32 to vector<16xi32>
      %gather3A_460 = tpu.vector_load_idx %arg11[%add3A_377, %broadcast_in_dim3A_459] : memref<512x32xf32, #tpu.memory_space<vmem>>[vector<16xi32>, vector<16xi32>], vector<16xf32>,
      %gather3A_461 = tpu.vector_load_idx %arg12[%add3A_377, %broadcast_in_dim3A_459] : memref<512x32xf32, #tpu.memory_space<vmem>>[vector<16xi32>, vector<16xi32>], vector<16xf32>,
      %mul3A_462 = arith.mulf %gather3A_460, %gather3A_461 : vector<16xf32>
      %add3A_463 = arith.addf %add3A_457, %mul3A_462 : vector<16xf32>
      %broadcast_in_dim3A_464 = arith.constant 14 : i32
      %broadcast_in_dim3A_465 = vector.broadcast %broadcast_in_dim3A_464 : i32 to vector<16xi32>
      %gather3A_466 = tpu.vector_load_idx %arg11[%add3A_377, %broadcast_in_dim3A_465] : memref<512x32xf32, #tpu.memory_space<vmem>>[vector<16xi32>, vector<16xi32>], vector<16xf32>,
      %gather3A_467 = tpu.vector_load_idx %arg12[%add3A_377, %broadcast_in_dim3A_465] : memref<512x32xf32, #tpu.memory_space<vmem>>[vector<16xi32>, vector<16xi32>], vector<16xf32>,
      %mul3A_468 = arith.mulf %gather3A_466, %gather3A_467 : vector<16xf32>
      %add3A_469 = arith.addf %add3A_463, %mul3A_468 : vector<16xf32>
      %broadcast_in_dim3A_470 = arith.constant 15 : i32
      %broadcast_in_dim3A_471 = vector.broadcast %broadcast_in_dim3A_470 : i32 to vector<16xi32>
      %gather3A_472 = tpu.vector_load_idx %arg11[%add3A_377, %broadcast_in_dim3A_471] : memref<512x32xf32, #tpu.memory_space<vmem>>[vector<16xi32>, vector<16xi32>], vector<16xf32>,
      %gather3A_473 = tpu.vector_load_idx %arg12[%add3A_377, %broadcast_in_dim3A_471] : memref<512x32xf32, #tpu.memory_space<vmem>>[vector<16xi32>, vector<16xi32>], vector<16xf32>,
      %mul3A_474 = arith.mulf %gather3A_472, %gather3A_473 : vector<16xf32>
      %add3A_475 = arith.addf %add3A_469, %mul3A_474 : vector<16xf32>
      %broadcast_in_dim3A_476 = arith.constant 16 : i32
      %broadcast_in_dim3A_477 = vector.broadcast %broadcast_in_dim3A_476 : i32 to vector<16xi32>
      %gather3A_478 = tpu.vector_load_idx %arg11[%add3A_377, %broadcast_in_dim3A_477] : memref<512x32xf32, #tpu.memory_space<vmem>>[vector<16xi32>, vector<16xi32>], vector<16xf32>,
      %gather3A_479 = tpu.vector_load_idx %arg12[%add3A_377, %broadcast_in_dim3A_477] : memref<512x32xf32, #tpu.memory_space<vmem>>[vector<16xi32>, vector<16xi32>], vector<16xf32>,
      %mul3A_480 = arith.mulf %gather3A_478, %gather3A_479 : vector<16xf32>
      %add3A_481 = arith.addf %add3A_475, %mul3A_480 : vector<16xf32>
      %broadcast_in_dim3A_482 = arith.constant 17 : i32
      %broadcast_in_dim3A_483 = vector.broadcast %broadcast_in_dim3A_482 : i32 to vector<16xi32>
      %gather3A_484 = tpu.vector_load_idx %arg11[%add3A_377, %broadcast_in_dim3A_483] : memref<512x32xf32, #tpu.memory_space<vmem>>[vector<16xi32>, vector<16xi32>], vector<16xf32>,
      %gather3A_485 = tpu.vector_load_idx %arg12[%add3A_377, %broadcast_in_dim3A_483] : memref<512x32xf32, #tpu.memory_space<vmem>>[vector<16xi32>, vector<16xi32>], vector<16xf32>,
      %mul3A_486 = arith.mulf %gather3A_484, %gather3A_485 : vector<16xf32>
      %add3A_487 = arith.addf %add3A_481, %mul3A_486 : vector<16xf32>
      %broadcast_in_dim3A_488 = arith.constant 18 : i32
      %broadcast_in_dim3A_489 = vector.broadcast %broadcast_in_dim3A_488 : i32 to vector<16xi32>
      %gather3A_490 = tpu.vector_load_idx %arg11[%add3A_377, %broadcast_in_dim3A_489] : memref<512x32xf32, #tpu.memory_space<vmem>>[vector<16xi32>, vector<16xi32>], vector<16xf32>,
      %gather3A_491 = tpu.vector_load_idx %arg12[%add3A_377, %broadcast_in_dim3A_489] : memref<512x32xf32, #tpu.memory_space<vmem>>[vector<16xi32>, vector<16xi32>], vector<16xf32>,
      %mul3A_492 = arith.mulf %gather3A_490, %gather3A_491 : vector<16xf32>
      %add3A_493 = arith.addf %add3A_487, %mul3A_492 : vector<16xf32>
      %broadcast_in_dim3A_494 = arith.constant 19 : i32
      %broadcast_in_dim3A_495 = vector.broadcast %broadcast_in_dim3A_494 : i32 to vector<16xi32>
      %gather3A_496 = tpu.vector_load_idx %arg11[%add3A_377, %broadcast_in_dim3A_495] : memref<512x32xf32, #tpu.memory_space<vmem>>[vector<16xi32>, vector<16xi32>], vector<16xf32>,
      %gather3A_497 = tpu.vector_load_idx %arg12[%add3A_377, %broadcast_in_dim3A_495] : memref<512x32xf32, #tpu.memory_space<vmem>>[vector<16xi32>, vector<16xi32>], vector<16xf32>,
      %mul3A_498 = arith.mulf %gather3A_496, %gather3A_497 : vector<16xf32>
      %add3A_499 = arith.addf %add3A_493, %mul3A_498 : vector<16xf32>
      %broadcast_in_dim3A_500 = arith.constant 20 : i32
      %broadcast_in_dim3A_501 = vector.broadcast %broadcast_in_dim3A_500 : i32 to vector<16xi32>
      %gather3A_502 = tpu.vector_load_idx %arg11[%add3A_377, %broadcast_in_dim3A_501] : memref<512x32xf32, #tpu.memory_space<vmem>>[vector<16xi32>, vector<16xi32>], vector<16xf32>,
      %gather3A_503 = tpu.vector_load_idx %arg12[%add3A_377, %broadcast_in_dim3A_501] : memref<512x32xf32, #tpu.memory_space<vmem>>[vector<16xi32>, vector<16xi32>], vector<16xf32>,
      %mul3A_504 = arith.mulf %gather3A_502, %gather3A_503 : vector<16xf32>
      %add3A_505 = arith.addf %add3A_499, %mul3A_504 : vector<16xf32>
      %broadcast_in_dim3A_506 = arith.constant 21 : i32
      %broadcast_in_dim3A_507 = vector.broadcast %broadcast_in_dim3A_506 : i32 to vector<16xi32>
      %gather3A_508 = tpu.vector_load_idx %arg11[%add3A_377, %broadcast_in_dim3A_507] : memref<512x32xf32, #tpu.memory_space<vmem>>[vector<16xi32>, vector<16xi32>], vector<16xf32>,
      %gather3A_509 = tpu.vector_load_idx %arg12[%add3A_377, %broadcast_in_dim3A_507] : memref<512x32xf32, #tpu.memory_space<vmem>>[vector<16xi32>, vector<16xi32>], vector<16xf32>,
      %mul3A_510 = arith.mulf %gather3A_508, %gather3A_509 : vector<16xf32>
      %add3A_511 = arith.addf %add3A_505, %mul3A_510 : vector<16xf32>
      %broadcast_in_dim3A_512 = arith.constant 22 : i32
      %broadcast_in_dim3A_513 = vector.broadcast %broadcast_in_dim3A_512 : i32 to vector<16xi32>
      %gather3A_514 = tpu.vector_load_idx %arg11[%add3A_377, %broadcast_in_dim3A_513] : memref<512x32xf32, #tpu.memory_space<vmem>>[vector<16xi32>, vector<16xi32>], vector<16xf32>,
      %gather3A_515 = tpu.vector_load_idx %arg12[%add3A_377, %broadcast_in_dim3A_513] : memref<512x32xf32, #tpu.memory_space<vmem>>[vector<16xi32>, vector<16xi32>], vector<16xf32>,
      %mul3A_516 = arith.mulf %gather3A_514, %gather3A_515 : vector<16xf32>
      %add3A_517 = arith.addf %add3A_511, %mul3A_516 : vector<16xf32>
      %broadcast_in_dim3A_518 = arith.constant 23 : i32
      %broadcast_in_dim3A_519 = vector.broadcast %broadcast_in_dim3A_518 : i32 to vector<16xi32>
      %gather3A_520 = tpu.vector_load_idx %arg11[%add3A_377, %broadcast_in_dim3A_519] : memref<512x32xf32, #tpu.memory_space<vmem>>[vector<16xi32>, vector<16xi32>], vector<16xf32>,
      %gather3A_521 = tpu.vector_load_idx %arg12[%add3A_377, %broadcast_in_dim3A_519] : memref<512x32xf32, #tpu.memory_space<vmem>>[vector<16xi32>, vector<16xi32>], vector<16xf32>,
      %mul3A_522 = arith.mulf %gather3A_520, %gather3A_521 : vector<16xf32>
      %add3A_523 = arith.addf %add3A_517, %mul3A_522 : vector<16xf32>
      %broadcast_in_dim3A_524 = arith.constant 24 : i32
      %broadcast_in_dim3A_525 = vector.broadcast %broadcast_in_dim3A_524 : i32 to vector<16xi32>
      %gather3A_526 = tpu.vector_load_idx %arg11[%add3A_377, %broadcast_in_dim3A_525] : memref<512x32xf32, #tpu.memory_space<vmem>>[vector<16xi32>, vector<16xi32>], vector<16xf32>,
      %gather3A_527 = tpu.vector_load_idx %arg12[%add3A_377, %broadcast_in_dim3A_525] : memref<512x32xf32, #tpu.memory_space<vmem>>[vector<16xi32>, vector<16xi32>], vector<16xf32>,
      %mul3A_528 = arith.mulf %gather3A_526, %gather3A_527 : vector<16xf32>
      %add3A_529 = arith.addf %add3A_523, %mul3A_528 : vector<16xf32>
      %broadcast_in_dim3A_530 = arith.constant 25 : i32
      %broadcast_in_dim3A_531 = vector.broadcast %broadcast_in_dim3A_530 : i32 to vector<16xi32>
      %gather3A_532 = tpu.vector_load_idx %arg11[%add3A_377, %broadcast_in_dim3A_531] : memref<512x32xf32, #tpu.memory_space<vmem>>[vector<16xi32>, vector<16xi32>], vector<16xf32>,
      %gather3A_533 = tpu.vector_load_idx %arg12[%add3A_377, %broadcast_in_dim3A_531] : memref<512x32xf32, #tpu.memory_space<vmem>>[vector<16xi32>, vector<16xi32>], vector<16xf32>,
      %mul3A_534 = arith.mulf %gather3A_532, %gather3A_533 : vector<16xf32>
      %add3A_535 = arith.addf %add3A_529, %mul3A_534 : vector<16xf32>
      %broadcast_in_dim3A_536 = arith.constant 26 : i32
      %broadcast_in_dim3A_537 = vector.broadcast %broadcast_in_dim3A_536 : i32 to vector<16xi32>
      %gather3A_538 = tpu.vector_load_idx %arg11[%add3A_377, %broadcast_in_dim3A_537] : memref<512x32xf32, #tpu.memory_space<vmem>>[vector<16xi32>, vector<16xi32>], vector<16xf32>,
      %gather3A_539 = tpu.vector_load_idx %arg12[%add3A_377, %broadcast_in_dim3A_537] : memref<512x32xf32, #tpu.memory_space<vmem>>[vector<16xi32>, vector<16xi32>], vector<16xf32>,
      %mul3A_540 = arith.mulf %gather3A_538, %gather3A_539 : vector<16xf32>
      %add3A_541 = arith.addf %add3A_535, %mul3A_540 : vector<16xf32>
      %broadcast_in_dim3A_542 = arith.constant 27 : i32
      %broadcast_in_dim3A_543 = vector.broadcast %broadcast_in_dim3A_542 : i32 to vector<16xi32>
      %gather3A_544 = tpu.vector_load_idx %arg11[%add3A_377, %broadcast_in_dim3A_543] : memref<512x32xf32, #tpu.memory_space<vmem>>[vector<16xi32>, vector<16xi32>], vector<16xf32>,
      %gather3A_545 = tpu.vector_load_idx %arg12[%add3A_377, %broadcast_in_dim3A_543] : memref<512x32xf32, #tpu.memory_space<vmem>>[vector<16xi32>, vector<16xi32>], vector<16xf32>,
      %mul3A_546 = arith.mulf %gather3A_544, %gather3A_545 : vector<16xf32>
      %add3A_547 = arith.addf %add3A_541, %mul3A_546 : vector<16xf32>
      %broadcast_in_dim3A_548 = arith.constant 28 : i32
      %broadcast_in_dim3A_549 = vector.broadcast %broadcast_in_dim3A_548 : i32 to vector<16xi32>
      %gather3A_550 = tpu.vector_load_idx %arg11[%add3A_377, %broadcast_in_dim3A_549] : memref<512x32xf32, #tpu.memory_space<vmem>>[vector<16xi32>, vector<16xi32>], vector<16xf32>,
      %gather3A_551 = tpu.vector_load_idx %arg12[%add3A_377, %broadcast_in_dim3A_549] : memref<512x32xf32, #tpu.memory_space<vmem>>[vector<16xi32>, vector<16xi32>], vector<16xf32>,
      %mul3A_552 = arith.mulf %gather3A_550, %gather3A_551 : vector<16xf32>
      %add3A_553 = arith.addf %add3A_547, %mul3A_552 : vector<16xf32>
      %broadcast_in_dim3A_554 = arith.constant 29 : i32
      %broadcast_in_dim3A_555 = vector.broadcast %broadcast_in_dim3A_554 : i32 to vector<16xi32>
      %gather3A_556 = tpu.vector_load_idx %arg11[%add3A_377, %broadcast_in_dim3A_555] : memref<512x32xf32, #tpu.memory_space<vmem>>[vector<16xi32>, vector<16xi32>], vector<16xf32>,
      %gather3A_557 = tpu.vector_load_idx %arg12[%add3A_377, %broadcast_in_dim3A_555] : memref<512x32xf32, #tpu.memory_space<vmem>>[vector<16xi32>, vector<16xi32>], vector<16xf32>,
      %mul3A_558 = arith.mulf %gather3A_556, %gather3A_557 : vector<16xf32>
      %add3A_559 = arith.addf %add3A_553, %mul3A_558 : vector<16xf32>
      %broadcast_in_dim3A_560 = arith.constant 30 : i32
      %broadcast_in_dim3A_561 = vector.broadcast %broadcast_in_dim3A_560 : i32 to vector<16xi32>
      %gather3A_562 = tpu.vector_load_idx %arg11[%add3A_377, %broadcast_in_dim3A_561] : memref<512x32xf32, #tpu.memory_space<vmem>>[vector<16xi32>, vector<16xi32>], vector<16xf32>,
      %gather3A_563 = tpu.vector_load_idx %arg12[%add3A_377, %broadcast_in_dim3A_561] : memref<512x32xf32, #tpu.memory_space<vmem>>[vector<16xi32>, vector<16xi32>], vector<16xf32>,
      %mul3A_564 = arith.mulf %gather3A_562, %gather3A_563 : vector<16xf32>
      %add3A_565 = arith.addf %add3A_559, %mul3A_564 : vector<16xf32>
      %broadcast_in_dim3A_566 = arith.constant 31 : i32
      %broadcast_in_dim3A_567 = vector.broadcast %broadcast_in_dim3A_566 : i32 to vector<16xi32>
      %gather3A_568 = tpu.vector_load_idx %arg11[%add3A_377, %broadcast_in_dim3A_567] : memref<512x32xf32, #tpu.memory_space<vmem>>[vector<16xi32>, vector<16xi32>], vector<16xf32>,
      %gather3A_569 = tpu.vector_load_idx %arg12[%add3A_377, %broadcast_in_dim3A_567] : memref<512x32xf32, #tpu.memory_space<vmem>>[vector<16xi32>, vector<16xi32>], vector<16xf32>,
      %mul3A_570 = arith.mulf %gather3A_568, %gather3A_569 : vector<16xf32>
      %add3A_571 = arith.addf %add3A_565, %mul3A_570 : vector<16xf32>
      %mul3A_572 = arith.mulf %add3A_571, %get3A_73 : vector<16xf32>
      %add3A_573 = arith.addf %mul3A_572, %get3A_75 : vector<16xf32>
      %neg3A_574 = arith.constant 0.000000e+00 : f32
      %neg3A_575 = vector.broadcast %neg3A_574 : f32 to vector<16xf32>
      %neg3A_576 = arith.subf %neg3A_575, %add3A_573 : vector<16xf32>
      %exp3A_577 = math.exp %neg3A_576 : vector<16xf32>
      %add3A_578 = arith.constant 1.000000e+00 : f32
      %add3A_579 = vector.broadcast %add3A_578 : f32 to vector<16xf32>
      %add3A_580 = arith.addf %add3A_579, %exp3A_577 : vector<16xf32>
      %div3A_581 = arith.constant 1.000000e+00 : f32
      %div3A_582 = vector.broadcast %div3A_581 : f32 to vector<16xf32>
      %div3A_583 = arith.divf %div3A_582, %add3A_580 : vector<16xf32>
      %mul3A_584 = arith.constant 16 : i32
      %mul3A_585 = arith.muli %scan3A_373, %mul3A_584 : i32
      %swap3A_586 = arith.index_cast %mul3A_585 : i32 to index
      %swap3A_587 = tpu.vector_load %arg13[%swap3A_586] {strides = array<i32>} : memref<512xf32, #tpu.memory_space<vmem>>, vector<16xf32>,
      tpu.vector_store %arg13[%swap3A_586], %div3A_583 {strides = array<i32>} : memref<512xf32, #tpu.memory_space<vmem>>, vector<16xf32>,
    }
    %scan3A_162 = arith.constant 8 : i32
    "tpu.region"() ({
      %run_scoped3A = tpu.sem_alloc : memref<!tpu.dma_semaphore, #tpu.memory_space<semaphore_mem>>
      %dma_start3A_163 = tpu.memref_slice %arg8[%mul3A_2] : memref<16384xf32, #tpu.memory_space<hbm>> -> memref<512xf32, #tpu.memory_space<hbm>>
      %dma_start3A_164 = tpu.memref_slice %arg8[%mul3A_2] : memref<16384xf32, #tpu.memory_space<hbm>> -> memref<512xf32, #tpu.memory_space<hbm>>
      tpu.enqueue_dma source(%arg13 : memref<512xf32, #tpu.memory_space<vmem>>) target(%dma_start3A_164 : memref<512xf32, #tpu.memory_space<hbm>>) target_semaphore(%run_scoped3A : memref<!tpu.dma_semaphore, #tpu.memory_space<semaphore_mem>>)
      %dma_wait3A_165 = tpu.memref_slice %arg8[%mul3A_2] : memref<16384xf32, #tpu.memory_space<hbm>> -> memref<512xf32, #tpu.memory_space<hbm>>
      %dma_wait3A_166 = tpu.memref_slice %arg8[%mul3A_2] : memref<16384xf32, #tpu.memory_space<hbm>> -> memref<512xf32, #tpu.memory_space<hbm>>
      tpu.wait_dma2 semaphore(%run_scoped3A : memref<!tpu.dma_semaphore, #tpu.memory_space<semaphore_mem>>) src(%arg13 : memref<512xf32, #tpu.memory_space<vmem>>) dst(%dma_wait3A_166 : memref<512xf32, #tpu.memory_space<hbm>>)
      tpu.yield
    }) : () -> ()
    return
  }
}

</mosaic_0001>

<sc_bundles>
// kernel: _sc_call.3.cloned.1.call-start
scs
__scs_entry_jumppad:
0x0: {  	(pc) =	sbr.rel $0x88, $3  }
0x1: {  	(tag) =	ssettag $0x0;
	lr =	simm.s32 $0x1  }
0x2: {  	[smem:$0x3F9B] =	sst lr;
	_ =	strace $0xD0000000  }
0x3: {  	_ = 	snop  }
0x4: {  	_ = 	snop  }
0x5: {  	_ = 	snop  }
0x6: {  	_ = 	snop  }
0x7: {  	_ = 	snop  }
__scs_overlays_trampoline_lowered:
0x8: {  	[smem:$0x3FAA] =	sst s0  }
0x9: {  	[smem:$0x3FAB] =	sst s1  }
0xa: {  	[smem:$0x3FAC] =	sst s2  }
0xb: {  	[smem:$0x3FAD] =	sst s3  }
0xc: {  	[smem:$0x3FAE] =	sst s4  }
0xd: {  	[smem:$0x3FAF] =	sst s5  }
0xe: {  	[smem:$0x3FB0] =	sst s6  }
0xf: {  	[smem:$0x3FB1] =	sst s7  }
0x10: {  	[smem:$0x3FB2] =	sst s8  }
0x11: {  	[smem:$0x3FB3] =	sst s9;
	s0 =	simm.s32 @!p0 $0x0  }
0x12: {  	s1 =	sld [smem:$0x3F99];
	s0 =	simm.s32 @p0 $0x1  }
0x13: {  	[smem:$0x3FB4] =	sst s0;
	s0 =	simm.s32 @!p1 $0x0  }
0x14: {  	s2 =	sld [smem:$0x3F98];
	s0 =	simm.s32 @p1 $0x1  }
0x15: {  	[smem:$0x3FB5] =	sst s0;
	s0 =	simm.s32 @!p2 $0x0  }
0x16: {  	s3 =	sld [smem:$0x3FDB];
	s0 =	simm.s32 @p2 $0x1  }
0x17: {  	s4 =	simm.s32 $0x1BF5;
	[smem:$0x3FB7] =	sst s0  }
0x18: {  	s0 =	sld [smem:$0x3F9A];
	_ =	swait.ge [sflag:s4], $0x0  }
0x19: {  	s7 =	sld [smem:$0x3F9B]  }
0x1a: {  	s8 =	sadd.s32 $0xFFFFE003, lr  }
0x1b: {  	s9 =	sadd.s32 $0xFFFFFEF7, lr;
	s5 =	simm.s32 $0xFFFFFFFF;
	p2 =	slt.u32 s8, $0xFFFFF086  }
0x1c: {  	p1 =	slt.u32 s9, $0xF7A;
	s5 =	simm.s32 @!p2 $0x0  }
0x1d: {  	s5 =	simm.s32 @p1 $0x1;
	p0 =	seq.s32 s7, s2  }
0x1e: {  	s7 =	smul.u32 @!p0 $0xF7A, s2;
	p2 =	seq.s32 @!p0 s5, $0x0  }
0x1f: {  	s9 =	smul.u32 $0xF7A, s1;
	s8 =	simm.s32 @!p0 $0x1BF5;
	p2 =	por !p2, p0  }
0x20: {  	[sflag:s8] =	ssyncset.s32 @!p0 $0xFFFFF086;
	s6 =	sadd.s32 @!p0 s3, s7;
	s7 =	simm.s32 @!p0 $0x108  }
0x21: {  	s3 =	sadd.s32 s3, s9;
	s6 =	sadd.s32 @!p0 $0x88, s6;
	s7 =	simm.s32 @p2 $0x1082  }
0x22: {  	[simem:s7], [sflag:s8] =	dma.local @!p0 [hbm:s6], $0xF7A  }
0x23: {  	s9 =	sor.u32 $0xD0000000, s2;
	s6 =	simm.s32 $0x108;
	_ =	swait.ge @!p0 [sflag:s8], $0x0  }
0x24: {  	s3 =	sadd.s32 $0x88, s3;
	s6 =	simm.s32 @!p1 $0x1082;
	[sflag:s4] =	ssyncset.s32 $0xFFFFF086  }
0x25: {  	[simem:s6], [sflag:s4] =	dma.local [hbm:s3], $0xF7A  }
0x26: {  	[smem:$0x3F9B] =	sst s1;
	(tag) =	ssettag s2;
	_ =	strace s9  }
0x27: {  	s1 =	sld [smem:$0x3FAB]  }
0x28: {  	s2 =	sld [smem:$0x3FAC]  }
0x29: {  	s4 =	sld [smem:$0x3FAE]  }
0x2a: {  	p0 =	seq.s32 s5, $0x0;
	s5 =	sld [smem:$0x3FAF]  }
0x2b: {  	s6 =	sld [smem:$0x3FB0]  }
0x2c: {  	s7 =	sld [smem:$0x3FB1]  }
0x2d: {  	s3 =	simm.s32 $0x108;
	s8 =	sld [smem:$0x3FB2]  }
0x2e: {  	s3 =	simm.s32 @!p0 $0x1082;
	s9 =	sld [smem:$0x3FB3]  }
0x2f: {  	lr =	sadd.s32 s0, s3;
	s0 =	sld [smem:$0x3FAA]  }
0x30: {  	s3 =	sld [smem:$0x3FAD]  }
0x31: {  	[smem:$0x3FB6] =	sst s10  }
0x32: {  	s10 =	sld [smem:$0x3FB4];
	_ =	sdelay $0x3  }
0x33: {  	p0 =	seq.s32 s10, $0x1;
	s10 =	sld [smem:$0x3FB6];
	_ =	sdelay $0x3  }
0x34: {  	[smem:$0x3FB6] =	sst s10  }
0x35: {  	s10 =	sld [smem:$0x3FB5];
	_ =	sdelay $0x3  }
0x36: {  	p1 =	seq.s32 s10, $0x1;
	s10 =	sld [smem:$0x3FB6];
	_ =	sdelay $0x3  }
0x37: {  	[smem:$0x3FB6] =	sst s10  }
0x38: {  	s10 =	sld [smem:$0x3FB7]  }
0x39: {  	_ = 	snop;
	(pc) =	sbr.ind lr, $3  }
0x3a: {  	_ = 	snop  }
0x3b: {  	_ = 	snop  }
0x3c: {  	p2 =	seq.s32 s10, $0x1;
	s10 =	sld [smem:$0x3FB6]  }
0x3d: {  	_ =	shalt  }
0x3e: {  	_ =	shalt  }
0x3f: {  	_ =	shalt  }
0x40: {  	_ =	shalt  }
0x41: {  	_ =	shalt  }
0x42: {  	_ =	shalt  }
0x43: {  	_ =	shalt  }
0x44: {  	_ =	shalt  }
0x45: {  	_ =	shalt  }
0x46: {  	_ =	shalt  }
0x47: {  	_ =	shalt  }
0x48: {  	_ =	shalt  }
0x49: {  	_ =	shalt  }
0x4a: {  	_ =	shalt  }
0x4b: {  	_ =	shalt  }
0x4c: {  	_ =	shalt  }
0x4d: {  	_ =	shalt  }
0x4e: {  	_ =	shalt  }
0x4f: {  	_ =	shalt  }
0x50: {  	_ =	shalt  }
0x51: {  	_ =	shalt  }
0x52: {  	_ =	shalt  }
0x53: {  	_ =	shalt  }
0x54: {  	_ =	shalt  }
0x55: {  	_ =	shalt  }
0x56: {  	_ =	shalt  }
0x57: {  	_ =	shalt  }
0x58: {  	_ =	shalt  }
0x59: {  	_ =	shalt  }
0x5a: {  	_ =	shalt  }
0x5b: {  	_ =	shalt  }
0x5c: {  	_ =	shalt  }
0x5d: {  	_ =	shalt  }
0x5e: {  	_ =	shalt  }
0x5f: {  	_ =	shalt  }
0x60: {  	_ =	shalt  }
0x61: {  	_ =	shalt  }
0x62: {  	_ =	shalt  }
0x63: {  	_ =	shalt  }
0x64: {  	_ =	shalt  }
0x65: {  	_ =	shalt  }
0x66: {  	_ =	shalt  }
0x67: {  	_ =	shalt  }
0x68: {  	_ =	shalt  }
0x69: {  	_ =	shalt  }
0x6a: {  	_ =	shalt  }
0x6b: {  	_ =	shalt  }
0x6c: {  	_ =	shalt  }
0x6d: {  	_ =	shalt  }
0x6e: {  	_ =	shalt  }
0x6f: {  	_ =	shalt  }
0x70: {  	_ =	shalt  }
0x71: {  	_ =	shalt  }
0x72: {  	_ =	shalt  }
0x73: {  	_ =	shalt  }
0x74: {  	_ =	shalt  }
0x75: {  	_ =	shalt  }
0x76: {  	_ =	shalt  }
0x77: {  	_ =	shalt  }
0x78: {  	_ =	shalt  }
0x79: {  	_ =	shalt  }
0x7a: {  	_ =	shalt  }
0x7b: {  	_ =	shalt  }
0x7c: {  	_ =	shalt  }
0x7d: {  	_ =	shalt  }
0x7e: {  	_ =	shalt  }
0x7f: {  	_ =	shalt  }
0x80: {  	_ =	shalt  }
0x81: {  	_ =	shalt  }
0x82: {  	_ =	shalt  }
0x83: {  	_ =	shalt  }
0x84: {  	_ =	shalt  }
0x85: {  	_ =	shalt  }
0x86: {  	_ =	shalt  }
0x87: {  	_ =	shalt  }
.Lfunc_end0:
.L_simem_size_0:
called_computation_lowered:
.L_overlay_start_0:
0x88: {  	s2 =	sld [smem:$0x3FD9]  }
0x89: {  	s3 =	sld [smem:$0x3FFE];
	_ =	sdelay $0x1  }
0x8a: {  	s1 =	srdreg.scid  }
0x8b: {  	s0 =	sand.u32 $0x1, s1  }
0x8c: {  	s17 =	sshll.u32 s0, $0xA;
	s2 =	sadd.s32 s3, s2  }
0x8d: {  	s2 =	sadd.s32 s2, s17  }
0x8e: {  	[smem:$0x3FC2] =	sst s2  }
0x8f: {  	_ = 	snop  }
0x90: {  	s2 =	sld [smem:$0x3FC9]  }
0x91: {  	s18 =	sld [smem:$0x3FC8]  }
0x92: {  	s4 =	sld [smem:$0x3FC5]  }
0x93: {  	s5 =	sld [smem:$0x3FC4]  }
0x94: {  	s6 =	sld [smem:$0x3FD0];
	(tm) =	ssettm $0x1  }
0x95: {  	s7 =	sld [smem:$0x3FFB];
	_ =	sdelay $0x3  }
0x96: {  	_ =	strace s7  }
0x97: {  	s7 =	sld [smem:$0x3FFC];
	_ =	sdelay $0x3  }
0x98: {  	_ =	strace s7  }
0x99: {  	s7 =	sld [smem:$0x3FFD];
	_ =	sdelay $0x3  }
0x9a: {  	_ =	strace s7  }
0x9b: {  	_ =	strace $0x8FFFFFFF  }
0x9c: {  	s19 =	sld [smem:$0x3FDB];
	_ =	sdelay $0x1  }
0x9d: {  	s8 =	simm.s32 $_scs_section_size  }
0x9e: {  	s9 =	simm.s32 $_size__tile_overlayer_lowered;
	s10 =	simm.s32 $_tile_overlayer_lowered  }
0x9f: {  	s22 =	simm.s32 $0x1BFF;
	s21 =	sshll.u32 s10, $0x1;
	s7 =	sadd.s32 s8, s19  }
0xa0: {  	s11 =	simm.s32 $0x0;
	s20 =	sshll.u32 s9, $0x1;
	s9 =	sadd.s32 s21, s7  }
0xa1: {  	[timem:s11], [sflag:s22] =	dma.local [hbm:s9], s20  }
0xa2: {  	_ =	swait.ge [sflag:s22], s20  }
0xa3: {  	s8 =	ssub.s32 $0x0, s20;
	[sflag:s22] =	ssyncset.done $0x0  }
0xa4: {  	[sflag:s22] =	ssyncadd.s32 s8;
	_ =	sdelay $0x1  }
0xa5: {  	s23 =	simm.s32 $0x1B8B  }
0xa6: {  	_ =	swait.ge [sflag:s23], $0x1  }
0xa7: {  	[sflag:s23] =	ssyncset.done $0x0  }
0xa8: {  	s25 =	simm.s32 $0x1B8E;
	s24 =	sld [smem:$0x3FFE];
	[sflag:s23] =	ssyncadd.s32 $0xFFFFFFFF  }
0xa9: {  	s26 =	simm.s32 $execute0_lowered;
	[smem:$0x3FD2] =	sst s25  }
0xaa: {  	s9 =	sshll.u32 s26, $0x1;
	_ =	strace $0x80000046;
	[dreg:$0x1] =	wrdreg $0xFFFFFFFF  }
0xab: {  	s28 =	simm.s32 $_size_execute0_lowered;
	s7 =	sadd.s32 s7, s9;
	[dreg:$0x0] =	wrdreg $0x0  }
0xac: {  	s9 =	sshll.u32 s28, $0x1;
	[dreg:$0x2] =	wrdreg s7  }
0xad: {  	[dreg:$0x3] =	wrdreg s9  }
0xae: {  	[dreg:$0x4] =	wrdreg $0xC0  }
0xaf: {  	_ =	task [dreg:s11], $0x5FFFF  }
0xb0: {  	[dreg:$0x1] =	wrdreg $0xFFFFFFFF  }
0xb1: {  	[dreg:$0x0] =	wrdreg $0x60  }
0xb2: {  	[dreg:$0x2] =	wrdreg s2  }
0xb3: {  	[dreg:$0x3] =	wrdreg s18  }
0xb4: {  	[dreg:$0x4] =	wrdreg s24  }
0xb5: {  	[dreg:$0x5] =	wrdreg s4  }
0xb6: {  	[dreg:$0x6] =	wrdreg s5  }
0xb7: {  	[dreg:$0x7] =	wrdreg s6  }
0xb8: {  	[dreg:$0x8] =	wrdreg $0x9  }
0xb9: {  	_ =	task.clear_ibuf [dreg:s11], $0x9FFFF;
	_ =	strace $0x90000046  }
0xba: {  	s29 =	simm.s32 $0x9;
	_ =	strace $0x80000048  }
0xbb: {  	_ =	swait.ge [sflag:s29], $0x1  }
0xbc: {  	[sflag:s29] =	ssyncadd.s32 $0xFFFFFFFF  }
0xbd: {  	_ =	strace $0x90000048  }
0xbe: {  	_ =	sfence  }
0xbf: {  	s30 =	sld [smem:$0x0];
	_ =	sdelay $0x2  }
0xc0: {  	s31 =	sshll.u32 s1, $0xD;
	s1 =	sshrl.u32 s1, $0x2  }
0xc1: {  	s3 =	sand.u32 $0x4000, s31;
	s1 =	sadd.s32 s1, s30  }
0xc2: {  	s0 =	sor.u32 s3, s0;
	s1 =	sshll.u32 s1, $0x11  }
0xc3: {  	s0 =	sor.u32 s1, s0  }
0xc4: {  	s0 =	sadd.s32 $0x8F2B, s0  }
0xc5: {  	[sflag:s0] =	ssyncadd.remote.s32 $0x1  }
0xc6: {  	_ =	sfence.sel $0xFFFF  }
0xc7: {  	[dreg:$0x0] =	wrdreg $0xFFFFFFFF;
	(pc) =	sbr.abs _section_cstart, $3  }
0xc8: {  	[dreg:$0x1] =	wrdreg $0xFFFFFFFF  }
0xc9: {  	_ =	task.clear_ibuf [dreg:s11], $0x2FFFF;
	_ =	strace $0x9FFFFFFF  }
0xca: {  	(tm) =	ssettm $0x7FFFFFFF  }
0xcb: {  	_ =	shalt  }
tec
execute0_lowered:
.L_overlay_start_1:
0x0: {  	(tag) =	ssettag $0x1  }
0x1: {  	s0 =	rddreg [dreg:$0x0]  }
0x2: {  	s1 =	rddreg [dreg:$0x1]  }
0x3: {  	s2 =	rddreg [dreg:$0x2]  }
0x4: {  	s4 =	rddreg [dreg:$0x5];
	s3 =	simm.s32 $0x0  }
0x5: {  	s6 =	srdreg.scid;
	s8 =	stileid.u32;
	s11 =	simm.s32 $0x200  }
0x6: {  	s13 =	simm.s32 $0x3;
	s15 =	simm.s32 $0x2;
	s16 =	simm.s32 $0x80  }
0x7: {  	s17 =	simm.s32 $0x400;
	s18 =	simm.s32 $0x4400;
	s20 =	simm.s32 $0x280  }
0x8: {  	s21 =	simm.s32 $0x5400;
	s22 =	simm.s32 $0x100;
	s23 =	simm.s32 $0x2400  }
0x9: {  	s24 =	simm.s32 $0x300;
	s25 =	simm.s32 $0x6400;
	s28 =	simm.s32 $0x3400  }
0xa: {  	s29 =	simm.s32 $0x380;
	s30 =	simm.s32 $0x7400;
	s31 =	simm.s32 $0x1  }
0xb: {  	[smem:$0x7FF] =	sst s3;
	s5 =	sadd.s32 $0x187E00, s2;
	s6 =	sand.u32 $0x1, s6  }
0xc: {  	s8 =	sshll.u32 s8, $0x7;
	s7 =	ssub.s32 $0x2, s6;
	s9 =	sshll.u32 s6, $0x6  }
0xd: {  	_ =	strace $0x80000047;
	s26 =	sshrl.u32 s7, $0x1;
	s9 =	sor.u32 s9, s8  }
0xe: {  	s6 =	sadd.s32 $0x1E9A00, s2;
	s2 =	ssub.s32 s7, s26;
	s7 =	sadd.s32 s0, s9  }
0xf: {  	v0 =	vlaneseq.u32;
	s8 =	sadd.s32 s1, s9;
	s9 =	sadd.s32 s4, s9;
	s26 =	simm.s32 $0x180  }
0x10: {  	v0 =	vmul.u32 $0x20, v0;
	s0 =	simm.s32 $0x8400;
	s4 =	simm.s32 $0x0;
	s10 =	smax.u32 s2, $0x1  }
.LBB2_1:
0x11: {  	[tilespmem:s3], [sflag:$0x2] =	stream.linear.gather [hbm4b:s7+s3], $0x200, $0x38;
	[tilespmem:$0x8620] =	vst v63  }
0x12: {  	_ = 	snop  }
0x13: {  	[tilespmem:s11], [sflag:$0x2] =	stream.linear.gather [hbm4b:s8+s3], $0x200, $0x38;
	[tilespmem:$0x8620] =	vst v63  }
0x14: {  	s1 =	rddreg [dreg:$0x3];
	s2 =	simm.s32 $0x8600  }
0x15: {  	[tilespmem:s2], [sflag:$0x3] =	stream.linear.gather [hbm4b:s1+s3], $0x10, $0x38;
	[tilespmem:$0x8620] =	vst v63  }
0x16: {  	_ =	swait.ge [sflag:s13], $0x10  }
0x17: {  	[sflag:s13] =	ssyncset.done $0x0  }
0x18: {  	[sflag:s13] =	ssyncadd.s32 $0xFFFFFFF0  }
0x19: {  	s19 =	simm.s32 $0x8610;
	s14 =	rddreg [dreg:$0x4]  }
0x1a: {  	[tilespmem:s19], [sflag:$0x3] =	stream.linear.gather [hbm4b:s14+s3], $0x10, $0x38;
	[tilespmem:$0x8620] =	vst v63  }
0x1b: {  	_ =	swait.ge [sflag:s13], $0x10  }
0x1c: {  	[sflag:s13] =	ssyncset.done $0x0  }
0x1d: {  	[sflag:s13] =	ssyncadd.s32 $0xFFFFFFF0  }
0x1e: {  	_ =	swait.ge [sflag:s15], $0x200  }
0x1f: {  	[sflag:s15] =	ssyncset.done $0x0  }
0x20: {  	[sflag:s15] =	ssyncadd.s32 $0xFFFFFE00  }
0x21: {  	_ =	swait.ge [sflag:s15], $0x200  }
0x22: {  	[sflag:s15] =	ssyncset.done $0x0  }
0x23: {  	[sflag:s15] =	ssyncadd.s32 $0xFFFFFE00  }
0x24: {  	[tilespmem:s17], [sflag:$0x1] =	stream.indirect.gather [hbm4b:s5+s16], $0x20, s3, s16, $0xb8;
	[tilespmem:$0x8620] =	vst v63  }
0x25: {  	_ = 	snop  }
0x26: {  	[tilespmem:s18], [sflag:$0x1] =	stream.indirect.gather [hbm4b:s6+s16], $0x20, s11, s16, $0xb8;
	[tilespmem:$0x8620] =	vst v63  }
0x27: {  	s2 =	simm.s32 $0x1400  }
0x28: {  	[tilespmem:s2], [sflag:$0x1] =	stream.indirect.gather [hbm4b:s5+s16], $0x20, s16, s16, $0xb8;
	[tilespmem:$0x8620] =	vst v63  }
0x29: {  	_ = 	snop  }
0x2a: {  	[tilespmem:s21], [sflag:$0x1] =	stream.indirect.gather [hbm4b:s6+s16], $0x20, s20, s16, $0xb8;
	[tilespmem:$0x8620] =	vst v63  }
0x2b: {  	_ = 	snop  }
0x2c: {  	[tilespmem:s23], [sflag:$0x1] =	stream.indirect.gather [hbm4b:s5+s16], $0x20, s22, s16, $0xb8;
	[tilespmem:$0x8620] =	vst v63  }
0x2d: {  	_ = 	snop  }
0x2e: {  	[tilespmem:s25], [sflag:$0x1] =	stream.indirect.gather [hbm4b:s6+s16], $0x20, s24, s16, $0xb8;
	[tilespmem:$0x8620] =	vst v63  }
0x2f: {  	_ = 	snop  }
0x30: {  	[tilespmem:s28], [sflag:$0x1] =	stream.indirect.gather [hbm4b:s5+s16], $0x20, s26, s16, $0xb8;
	[tilespmem:$0x8620] =	vst v63  }
0x31: {  	s12 =	simm.s32 $0x0  }
0x32: {  	[tilespmem:s30], [sflag:$0x1] =	stream.indirect.gather [hbm4b:s6+s16], $0x20, s29, s16, $0xb8;
	[tilespmem:$0x8620] =	vst v63  }
0x33: {  	v3 =	vmov s12;
	v1 =	vld [tilespmem:$0x8600]  }
0x34: {  	v3 =	vshll.u32 v3, $0x5;
	v2 =	vld [tilespmem:$0x8610];
	_ =	swait.ge [sflag:s31], $0x1000  }
0x35: {  	v3 =	vor.u32 v0, v3;
	[sflag:s31] =	ssyncset.done $0x0  }
0x36: {  	[sflag:s31] =	ssyncadd.s32 $0xFFFFF000  }
0x37: {  	v4 =	vor.u32 $0x1, v3;
	_ =	swait.ge [sflag:s31], $0x1000  }
0x38: {  	[sflag:s31] =	ssyncset.done $0x0  }
0x39: {  	v5 =	vor.u32 $0x2, v3;
	[sflag:s31] =	ssyncadd.s32 $0xFFFFF000  }
0x3a: {  	v6 =	vld.idx.msk [tilespmem:v3+s18+$0x0], $0xffff  }
0x3b: {  	v7 =	vor.u32 $0x3, v3;
	v8 =	vld.idx.msk [tilespmem:v3+s17+$0x0], $0xffff  }
0x3c: {  	v9 =	vld.idx.msk [tilespmem:v4+s17+$0x0], $0xffff  }
0x3d: {  	v10 =	vor.u32 $0x4, v3;
	v4 =	vld.idx.msk [tilespmem:v4+s18+$0x0], $0xffff  }
0x3e: {  	v11 =	vld.idx.msk [tilespmem:v5+s17+$0x0], $0xffff  }
0x3f: {  	v12 =	vor.u32 $0x5, v3;
	v5 =	vld.idx.msk [tilespmem:v5+s18+$0x0], $0xffff  }
0x40: {  	v13 =	vld.idx.msk [tilespmem:v7+s17+$0x0], $0xffff;
	v6 =	vmul.f32 v6, v8  }
0x41: {  	v38 =	vor.u32 $0x6, v3;
	v7 =	vld.idx.msk [tilespmem:v7+s18+$0x0], $0xffff  }
0x42: {  	v14 =	vld.idx.msk [tilespmem:v10+s17+$0x0], $0xffff;
	v4 =	vmul.f32 v4, v9;
	v6 =	vadd.f32 $0.0e+00, v6  }
0x43: {  	v40 =	vor.u32 $0x7, v3;
	v39 =	vld.idx.msk [tilespmem:v10+s18+$0x0], $0xffff  }
0x44: {  	v41 =	vld.idx.msk [tilespmem:v12+s18+$0x0], $0xffff;
	v5 =	vmul.f32 v5, v11;
	v4 =	vadd.f32 v4, v6  }
0x45: {  	v43 =	vor.u32 $0x8, v3;
	v42 =	vld.idx.msk [tilespmem:v12+s17+$0x0], $0xffff  }
0x46: {  	v44 =	vld.idx.msk [tilespmem:v38+s18+$0x0], $0xffff;
	v7 =	vmul.f32 v7, v13;
	v4 =	vadd.f32 v5, v4  }
0x47: {  	v45 =	vor.u32 $0x9, v3;
	v5 =	vld.idx.msk [tilespmem:v38+s17+$0x0], $0xffff  }
0x48: {  	v15 =	vld.idx.msk [tilespmem:v40+s18+$0x0], $0xffff;
	v46 =	vmul.f32 v39, v14;
	v4 =	vadd.f32 v7, v4  }
0x49: {  	v48 =	vor.u32 $0xA, v3;
	v47 =	vld.idx.msk [tilespmem:v40+s17+$0x0], $0xffff  }
0x4a: {  	v49 =	vld.idx.msk [tilespmem:v43+s18+$0x0], $0xffff;
	v6 =	vmul.f32 v41, v42;
	v4 =	vadd.f32 v46, v4  }
0x4b: {  	v51 =	vor.u32 $0xB, v3;
	v50 =	vld.idx.msk [tilespmem:v43+s17+$0x0], $0xffff  }
0x4c: {  	v52 =	vld.idx.msk [tilespmem:v45+s18+$0x0], $0xffff;
	v5 =	vmul.f32 v44, v5;
	v4 =	vadd.f32 v6, v4  }
0x4d: {  	v54 =	vor.u32 $0xC, v3;
	v53 =	vld.idx.msk [tilespmem:v45+s17+$0x0], $0xffff  }
0x4e: {  	v55 =	vld.idx.msk [tilespmem:v48+s18+$0x0], $0xffff;
	v4 =	vadd.f32 v5, v4;
	v5 =	vmul.f32 v15, v47  }
0x4f: {  	v57 =	vor.u32 $0xD, v3;
	v56 =	vld.idx.msk [tilespmem:v48+s17+$0x0], $0xffff  }
0x50: {  	v58 =	vld.idx.msk [tilespmem:v51+s18+$0x0], $0xffff;
	v4 =	vadd.f32 v5, v4;
	v5 =	vmul.f32 v49, v50  }
0x51: {  	v60 =	vor.u32 $0xE, v3;
	v59 =	vld.idx.msk [tilespmem:v51+s17+$0x0], $0xffff  }
0x52: {  	v61 =	vld.idx.msk [tilespmem:v54+s18+$0x0], $0xffff;
	v4 =	vadd.f32 v5, v4;
	v5 =	vmul.f32 v52, v53  }
0x53: {  	v63 =	vor.u32 $0xF, v3;
	v62 =	vld.idx.msk [tilespmem:v54+s17+$0x0], $0xffff  }
0x54: {  	v18 =	vld.idx.msk [tilespmem:v57+s18+$0x0], $0xffff;
	v4 =	vadd.f32 v5, v4;
	v5 =	vmul.f32 v55, v56  }
0x55: {  	v20 =	vor.u32 $0x10, v3;
	v19 =	vld.idx.msk [tilespmem:v57+s17+$0x0], $0xffff  }
0x56: {  	v21 =	vld.idx.msk [tilespmem:v60+s18+$0x0], $0xffff;
	v4 =	vadd.f32 v5, v4;
	v5 =	vmul.f32 v58, v59  }
0x57: {  	v23 =	vor.u32 $0x11, v3;
	v22 =	vld.idx.msk [tilespmem:v60+s17+$0x0], $0xffff  }
0x58: {  	v24 =	vld.idx.msk [tilespmem:v63+s18+$0x0], $0xffff;
	v4 =	vadd.f32 v5, v4;
	v5 =	vmul.f32 v61, v62  }
0x59: {  	v26 =	vor.u32 $0x12, v3;
	v25 =	vld.idx.msk [tilespmem:v63+s17+$0x0], $0xffff  }
0x5a: {  	v27 =	vld.idx.msk [tilespmem:v20+s18+$0x0], $0xffff;
	v4 =	vadd.f32 v5, v4;
	v5 =	vmul.f32 v18, v19  }
0x5b: {  	v29 =	vor.u32 $0x13, v3;
	v28 =	vld.idx.msk [tilespmem:v20+s17+$0x0], $0xffff  }
0x5c: {  	v30 =	vld.idx.msk [tilespmem:v23+s18+$0x0], $0xffff;
	v4 =	vadd.f32 v5, v4;
	v5 =	vmul.f32 v21, v22  }
0x5d: {  	v32 =	vor.u32 $0x14, v3;
	v31 =	vld.idx.msk [tilespmem:v23+s17+$0x0], $0xffff  }
0x5e: {  	v33 =	vld.idx.msk [tilespmem:v26+s18+$0x0], $0xffff;
	v4 =	vadd.f32 v5, v4;
	v5 =	vmul.f32 v24, v25  }
0x5f: {  	v35 =	vor.u32 $0x15, v3;
	v34 =	vld.idx.msk [tilespmem:v26+s17+$0x0], $0xffff  }
0x60: {  	v36 =	vld.idx.msk [tilespmem:v29+s18+$0x0], $0xffff;
	v4 =	vadd.f32 v5, v4;
	v5 =	vmul.f32 v27, v28  }
0x61: {  	v37 =	vld.idx.msk [tilespmem:v29+s17+$0x0], $0xffff;
	v38 =	vor.u32 $0x16, v3  }
0x62: {  	v40 =	vld.idx.msk [tilespmem:v32+s17+$0x0], $0xffff;
	v4 =	vadd.f32 v5, v4;
	v5 =	vmul.f32 v30, v31  }
0x63: {  	v39 =	vld.idx.msk [tilespmem:v32+s18+$0x0], $0xffff;
	v41 =	vor.u32 $0x17, v3  }
0x64: {  	v43 =	vld.idx.msk [tilespmem:v35+s17+$0x0], $0xffff;
	v4 =	vadd.f32 v5, v4;
	v5 =	vmul.f32 v33, v34  }
0x65: {  	v42 =	vld.idx.msk [tilespmem:v35+s18+$0x0], $0xffff;
	v44 =	vor.u32 $0x18, v3  }
0x66: {  	v45 =	vld.idx.msk [tilespmem:v38+s18+$0x0], $0xffff;
	v4 =	vadd.f32 v5, v4;
	v5 =	vmul.f32 v36, v37  }
0x67: {  	v46 =	vld.idx.msk [tilespmem:v38+s17+$0x0], $0xffff;
	v47 =	vor.u32 $0x19, v3  }
0x68: {  	v48 =	vld.idx.msk [tilespmem:v41+s18+$0x0], $0xffff;
	v4 =	vadd.f32 v5, v4;
	v5 =	vmul.f32 v39, v40  }
0x69: {  	v49 =	vld.idx.msk [tilespmem:v41+s17+$0x0], $0xffff;
	v50 =	vor.u32 $0x1A, v3  }
0x6a: {  	v51 =	vld.idx.msk [tilespmem:v44+s18+$0x0], $0xffff;
	v4 =	vadd.f32 v5, v4;
	v5 =	vmul.f32 v42, v43  }
0x6b: {  	v52 =	vld.idx.msk [tilespmem:v44+s17+$0x0], $0xffff;
	v53 =	vor.u32 $0x1B, v3  }
0x6c: {  	v54 =	vld.idx.msk [tilespmem:v47+s18+$0x0], $0xffff;
	v4 =	vadd.f32 v5, v4;
	v5 =	vmul.f32 v45, v46  }
0x6d: {  	v55 =	vld.idx.msk [tilespmem:v47+s17+$0x0], $0xffff;
	v56 =	vor.u32 $0x1C, v3  }
0x6e: {  	v57 =	vld.idx.msk [tilespmem:v50+s18+$0x0], $0xffff;
	v4 =	vadd.f32 v5, v4;
	v5 =	vmul.f32 v48, v49  }
0x6f: {  	v58 =	vld.idx.msk [tilespmem:v50+s17+$0x0], $0xffff;
	v59 =	vor.u32 $0x1D, v3  }
0x70: {  	v60 =	vld.idx.msk [tilespmem:v53+s18+$0x0], $0xffff;
	v4 =	vadd.f32 v5, v4;
	v5 =	vmul.f32 v51, v52  }
0x71: {  	v61 =	vld.idx.msk [tilespmem:v53+s17+$0x0], $0xffff;
	v62 =	vor.u32 $0x1E, v3  }
0x72: {  	v63 =	vld.idx.msk [tilespmem:v56+s18+$0x0], $0xffff;
	v4 =	vadd.f32 v5, v4;
	v5 =	vmul.f32 v54, v55  }
0x73: {  	v3 =	vor.u32 $0x1F, v3;
	v12 =	vld.idx.msk [tilespmem:v56+s17+$0x0], $0xffff  }
0x74: {  	v16 =	vld.idx.msk [tilespmem:v59+s18+$0x0], $0xffff;
	v4 =	vadd.f32 v5, v4;
	v5 =	vmul.f32 v57, v58  }
0x75: {  	v17 =	vld.idx.msk [tilespmem:v59+s17+$0x0], $0xffff  }
0x76: {  	v18 =	vld.idx.msk [tilespmem:v62+s18+$0x0], $0xffff;
	v4 =	vadd.f32 v5, v4;
	v5 =	vmul.f32 v60, v61  }
0x77: {  	v19 =	vld.idx.msk [tilespmem:v62+s17+$0x0], $0xffff  }
0x78: {  	v20 =	vld.idx.msk [tilespmem:v3+s18+$0x0], $0xffff;
	v4 =	vadd.f32 v5, v4;
	v5 =	vmul.f32 v63, v12  }
0x79: {  	v3 =	vld.idx.msk [tilespmem:v3+s17+$0x0], $0xffff  }
0x7a: {  	v4 =	vadd.f32 v5, v4;
	v5 =	vmul.f32 v16, v17;
	_ =	sdelay $0x1  }
0x7b: {  	v4 =	vadd.f32 v5, v4;
	v5 =	vmul.f32 v18, v19;
	_ =	sdelay $0x1  }
0x7c: {  	v3 =	vmul.f32 v20, v3;
	v4 =	vadd.f32 v5, v4;
	_ =	sdelay $0x1  }
0x7d: {  	v3 =	vadd.f32 v3, v4;
	_ =	sdelay $0x1  }
0x7e: {  	v3 =	vmul.f32 v3, v1;
	_ =	sdelay $0x1  }
0x7f: {  	v3 =	vadd.f32 v3, v2;
	_ =	sdelay $0x1  }
0x80: {  	v3 =	vsub.f32 $0.0e+00, v3;
	_ =	sdelay $0x1  }
0x81: {  	v3 =	vmul.f32 $1.442695020e+00, v3;
	_ =	sdelay $0x1  }
0x82: {  	(erf) = vpow2.f32 v3;
	_ =	sdelay $0x8  }
0x83: {  	v3 =	vpop (erf)  }
0x84: {  	v3 =	vadd.f32 $1.000000000e+00, v3;
	_ =	sdelay $0x1  }
0x85: {  	(erf) = vrcp.f32 v3;
	_ =	sdelay $0x2  }
0x86: {  	s14 =	simm.s32 $0x10  }
0x87: {  	v3 =	vmov s14  }
0x88: {  	v3 =	vshll.u32 v3, $0x5  }
0x89: {  	v3 =	vor.u32 v0, v3;
	_ =	sdelay $0x1  }
0x8a: {  	v4 =	vor.u32 $0x1, v3  }
0x8b: {  	s1 =	simm.s32 $0x8410;
	v5 =	vpop (erf)  }
0x8c: {  	[tilespmem:s1+$0xFFFFFFF0] =	vst v5;
	v5 =	vor.u32 $0x2, v3  }
0x8d: {  	v21 =	vld.idx.msk [tilespmem:v3+s17+$0x0], $0xffff  }
0x8e: {  	v23 =	vor.u32 $0x3, v3;
	v22 =	vld.idx.msk [tilespmem:v3+s18+$0x0], $0xffff  }
0x8f: {  	v24 =	vld.idx.msk [tilespmem:v4+s18+$0x0], $0xffff  }
0x90: {  	v25 =	vor.u32 $0x4, v3;
	v4 =	vld.idx.msk [tilespmem:v4+s17+$0x0], $0xffff  }
0x91: {  	v26 =	vld.idx.msk [tilespmem:v5+s18+$0x0], $0xffff  }
0x92: {  	v27 =	vor.u32 $0x5, v3;
	v5 =	vld.idx.msk [tilespmem:v5+s17+$0x0], $0xffff  }
0x93: {  	v28 =	vld.idx.msk [tilespmem:v23+s18+$0x0], $0xffff;
	v6 =	vmul.f32 v22, v21  }
0x94: {  	v30 =	vor.u32 $0x6, v3;
	v29 =	vld.idx.msk [tilespmem:v23+s17+$0x0], $0xffff  }
0x95: {  	v31 =	vld.idx.msk [tilespmem:v25+s18+$0x0], $0xffff;
	v4 =	vmul.f32 v24, v4;
	v6 =	vadd.f32 $0.0e+00, v6  }
0x96: {  	v33 =	vor.u32 $0x7, v3;
	v32 =	vld.idx.msk [tilespmem:v25+s17+$0x0], $0xffff  }
0x97: {  	v34 =	vld.idx.msk [tilespmem:v27+s18+$0x0], $0xffff;
	v4 =	vadd.f32 v4, v6;
	v5 =	vmul.f32 v26, v5  }
0x98: {  	v36 =	vor.u32 $0x8, v3;
	v35 =	vld.idx.msk [tilespmem:v27+s17+$0x0], $0xffff  }
0x99: {  	v37 =	vld.idx.msk [tilespmem:v30+s18+$0x0], $0xffff;
	v4 =	vadd.f32 v5, v4;
	v5 =	vmul.f32 v28, v29  }
0x9a: {  	v39 =	vor.u32 $0x9, v3;
	v38 =	vld.idx.msk [tilespmem:v30+s17+$0x0], $0xffff  }
0x9b: {  	v40 =	vld.idx.msk [tilespmem:v33+s18+$0x0], $0xffff;
	v4 =	vadd.f32 v5, v4;
	v5 =	vmul.f32 v31, v32  }
0x9c: {  	v42 =	vor.u32 $0xA, v3;
	v41 =	vld.idx.msk [tilespmem:v33+s17+$0x0], $0xffff  }
0x9d: {  	v43 =	vld.idx.msk [tilespmem:v36+s18+$0x0], $0xffff;
	v4 =	vadd.f32 v5, v4;
	v5 =	vmul.f32 v34, v35  }
0x9e: {  	v45 =	vor.u32 $0xB, v3;
	v44 =	vld.idx.msk [tilespmem:v36+s17+$0x0], $0xffff  }
0x9f: {  	v46 =	vld.idx.msk [tilespmem:v39+s18+$0x0], $0xffff;
	v4 =	vadd.f32 v5, v4;
	v5 =	vmul.f32 v37, v38  }
0xa0: {  	v48 =	vor.u32 $0xC, v3;
	v47 =	vld.idx.msk [tilespmem:v39+s17+$0x0], $0xffff  }
0xa1: {  	v49 =	vld.idx.msk [tilespmem:v42+s18+$0x0], $0xffff;
	v4 =	vadd.f32 v5, v4;
	v5 =	vmul.f32 v40, v41  }
0xa2: {  	v51 =	vor.u32 $0xD, v3;
	v50 =	vld.idx.msk [tilespmem:v42+s17+$0x0], $0xffff  }
0xa3: {  	v52 =	vld.idx.msk [tilespmem:v45+s18+$0x0], $0xffff;
	v4 =	vadd.f32 v5, v4;
	v5 =	vmul.f32 v43, v44  }
0xa4: {  	v54 =	vor.u32 $0xE, v3;
	v53 =	vld.idx.msk [tilespmem:v45+s17+$0x0], $0xffff  }
0xa5: {  	v55 =	vld.idx.msk [tilespmem:v48+s18+$0x0], $0xffff;
	v4 =	vadd.f32 v5, v4;
	v5 =	vmul.f32 v46, v47  }
0xa6: {  	v57 =	vor.u32 $0xF, v3;
	v56 =	vld.idx.msk [tilespmem:v48+s17+$0x0], $0xffff  }
0xa7: {  	v58 =	vld.idx.msk [tilespmem:v51+s18+$0x0], $0xffff;
	v4 =	vadd.f32 v5, v4;
	v5 =	vmul.f32 v49, v50  }
0xa8: {  	v60 =	vor.u32 $0x10, v3;
	v59 =	vld.idx.msk [tilespmem:v51+s17+$0x0], $0xffff  }
0xa9: {  	v61 =	vld.idx.msk [tilespmem:v54+s18+$0x0], $0xffff;
	v4 =	vadd.f32 v5, v4;
	v5 =	vmul.f32 v52, v53  }
0xaa: {  	v63 =	vor.u32 $0x11, v3;
	v62 =	vld.idx.msk [tilespmem:v54+s17+$0x0], $0xffff  }
0xab: {  	v18 =	vld.idx.msk [tilespmem:v57+s18+$0x0], $0xffff;
	v4 =	vadd.f32 v5, v4;
	v5 =	vmul.f32 v55, v56  }
0xac: {  	v20 =	vor.u32 $0x12, v3;
	v19 =	vld.idx.msk [tilespmem:v57+s17+$0x0], $0xffff  }
0xad: {  	v21 =	vld.idx.msk [tilespmem:v60+s18+$0x0], $0xffff;
	v4 =	vadd.f32 v5, v4;
	v5 =	vmul.f32 v58, v59  }
0xae: {  	v23 =	vor.u32 $0x13, v3;
	v22 =	vld.idx.msk [tilespmem:v60+s17+$0x0], $0xffff  }
0xaf: {  	v25 =	vld.idx.msk [tilespmem:v63+s17+$0x0], $0xffff;
	v4 =	vadd.f32 v5, v4;
	v5 =	vmul.f32 v61, v62  }
0xb0: {  	v24 =	vld.idx.msk [tilespmem:v63+s18+$0x0], $0xffff;
	v26 =	vor.u32 $0x14, v3  }
0xb1: {  	v27 =	vld.idx.msk [tilespmem:v20+s18+$0x0], $0xffff;
	v4 =	vadd.f32 v5, v4;
	v5 =	vmul.f32 v18, v19  }
0xb2: {  	v28 =	vld.idx.msk [tilespmem:v20+s17+$0x0], $0xffff;
	v29 =	vor.u32 $0x15, v3  }
0xb3: {  	v30 =	vld.idx.msk [tilespmem:v23+s18+$0x0], $0xffff;
	v4 =	vadd.f32 v5, v4;
	v5 =	vmul.f32 v21, v22  }
0xb4: {  	v31 =	vld.idx.msk [tilespmem:v23+s17+$0x0], $0xffff;
	v32 =	vor.u32 $0x16, v3  }
0xb5: {  	v33 =	vld.idx.msk [tilespmem:v26+s18+$0x0], $0xffff;
	v4 =	vadd.f32 v5, v4;
	v5 =	vmul.f32 v24, v25  }
0xb6: {  	v34 =	vld.idx.msk [tilespmem:v26+s17+$0x0], $0xffff;
	v35 =	vor.u32 $0x17, v3  }
0xb7: {  	v36 =	vld.idx.msk [tilespmem:v29+s18+$0x0], $0xffff;
	v4 =	vadd.f32 v5, v4;
	v5 =	vmul.f32 v27, v28  }
0xb8: {  	v37 =	vld.idx.msk [tilespmem:v29+s17+$0x0], $0xffff;
	v38 =	vor.u32 $0x18, v3  }
0xb9: {  	v39 =	vld.idx.msk [tilespmem:v32+s18+$0x0], $0xffff;
	v4 =	vadd.f32 v5, v4;
	v5 =	vmul.f32 v30, v31  }
0xba: {  	v40 =	vld.idx.msk [tilespmem:v32+s17+$0x0], $0xffff;
	v41 =	vor.u32 $0x19, v3  }
0xbb: {  	v42 =	vld.idx.msk [tilespmem:v35+s18+$0x0], $0xffff;
	v4 =	vadd.f32 v5, v4;
	v5 =	vmul.f32 v33, v34  }
0xbc: {  	v43 =	vld.idx.msk [tilespmem:v35+s17+$0x0], $0xffff;
	v44 =	vor.u32 $0x1A, v3  }
0xbd: {  	v45 =	vld.idx.msk [tilespmem:v38+s18+$0x0], $0xffff;
	v4 =	vadd.f32 v5, v4;
	v5 =	vmul.f32 v36, v37  }
0xbe: {  	v46 =	vld.idx.msk [tilespmem:v38+s17+$0x0], $0xffff;
	v47 =	vor.u32 $0x1B, v3  }
0xbf: {  	v48 =	vld.idx.msk [tilespmem:v41+s18+$0x0], $0xffff;
	v4 =	vadd.f32 v5, v4;
	v5 =	vmul.f32 v39, v40  }
0xc0: {  	v49 =	vld.idx.msk [tilespmem:v41+s17+$0x0], $0xffff;
	v50 =	vor.u32 $0x1C, v3  }
0xc1: {  	v51 =	vld.idx.msk [tilespmem:v44+s18+$0x0], $0xffff;
	v4 =	vadd.f32 v5, v4;
	v5 =	vmul.f32 v42, v43  }
0xc2: {  	v52 =	vld.idx.msk [tilespmem:v44+s17+$0x0], $0xffff;
	v53 =	vor.u32 $0x1D, v3  }
0xc3: {  	v54 =	vld.idx.msk [tilespmem:v47+s18+$0x0], $0xffff;
	v4 =	vadd.f32 v5, v4;
	v5 =	vmul.f32 v45, v46  }
0xc4: {  	v55 =	vld.idx.msk [tilespmem:v47+s17+$0x0], $0xffff;
	v56 =	vor.u32 $0x1E, v3  }
0xc5: {  	v57 =	vld.idx.msk [tilespmem:v50+s18+$0x0], $0xffff;
	v4 =	vadd.f32 v5, v4;
	v5 =	vmul.f32 v48, v49  }
0xc6: {  	v3 =	vor.u32 $0x1F, v3;
	v58 =	vld.idx.msk [tilespmem:v50+s17+$0x0], $0xffff  }
0xc7: {  	v59 =	vld.idx.msk [tilespmem:v53+s18+$0x0], $0xffff;
	v4 =	vadd.f32 v5, v4;
	v5 =	vmul.f32 v51, v52  }
0xc8: {  	v60 =	vld.idx.msk [tilespmem:v53+s17+$0x0], $0xffff  }
0xc9: {  	v61 =	vld.idx.msk [tilespmem:v56+s18+$0x0], $0xffff;
	v4 =	vadd.f32 v5, v4;
	v5 =	vmul.f32 v54, v55  }
0xca: {  	v62 =	vld.idx.msk [tilespmem:v56+s17+$0x0], $0xffff  }
0xcb: {  	v63 =	vld.idx.msk [tilespmem:v3+s18+$0x0], $0xffff;
	v4 =	vadd.f32 v5, v4;
	v5 =	vmul.f32 v57, v58  }
0xcc: {  	v3 =	vld.idx.msk [tilespmem:v3+s17+$0x0], $0xffff  }
0xcd: {  	v4 =	vadd.f32 v5, v4;
	v5 =	vmul.f32 v59, v60;
	_ =	sdelay $0x1  }
0xce: {  	v4 =	vadd.f32 v5, v4;
	v5 =	vmul.f32 v61, v62;
	_ =	sdelay $0x1  }
0xcf: {  	v3 =	vmul.f32 v63, v3;
	v4 =	vadd.f32 v5, v4;
	_ =	sdelay $0x1  }
0xd0: {  	v3 =	vadd.f32 v3, v4;
	_ =	sdelay $0x1  }
0xd1: {  	v3 =	vmul.f32 v3, v1;
	_ =	sdelay $0x1  }
0xd2: {  	v3 =	vadd.f32 v3, v2;
	_ =	sdelay $0x1  }
0xd3: {  	v3 =	vsub.f32 $0.0e+00, v3;
	_ =	sdelay $0x1  }
0xd4: {  	v3 =	vmul.f32 $1.442695020e+00, v3;
	_ =	sdelay $0x1  }
0xd5: {  	(erf) = vpow2.f32 v3;
	_ =	sdelay $0x8  }
0xd6: {  	v3 =	vpop (erf)  }
0xd7: {  	v3 =	vadd.f32 $1.000000000e+00, v3;
	_ =	sdelay $0x1  }
0xd8: {  	(erf) = vrcp.f32 v3  }
0xd9: {  	s19 =	simm.s32 $0x20  }
0xda: {  	v4 =	vmov s19  }
0xdb: {  	v4 =	vshll.u32 v4, $0x5  }
0xdc: {  	s12 =	simm.s32 $0x2;
	s2 =	simm.s32 $0x30;
	s14 =	simm.s32 $0x8410;
	v3 =	vor.u32 v0, v4  }
.LBB2_2:
0xdd: {  	s12 =	sadd.s32 $0x2, s12;
	s1 =	sadd.s32 $0x20, s1  }
0xde: {  	v4 =	vor.u32 $0x1, v3;
	p0 =	slt.u32 s12, $0x6;
	_ =	sdelay $0x2  }
0xdf: {  	v5 =	vor.u32 $0x2, v3;
	v6 =	vpop (erf)  }
0xe0: {  	[tilespmem:s14+$0x0] =	vst v6;
	s14 =	smov.u32 s1  }
0xe1: {  	v6 =	vld.idx.msk [tilespmem:v3+s18+$0x0], $0xffff  }
0xe2: {  	v8 =	vor.u32 $0x3, v3;
	v7 =	vld.idx.msk [tilespmem:v4+s17+$0x0], $0xffff  }
0xe3: {  	v9 =	vld.idx.msk [tilespmem:v3+s17+$0x0], $0xffff  }
0xe4: {  	v4 =	vld.idx.msk [tilespmem:v4+s18+$0x0], $0xffff  }
0xe5: {  	v11 =	vor.u32 $0x4, v3;
	v10 =	vld.idx.msk [tilespmem:v5+s17+$0x0], $0xffff  }
0xe6: {  	v5 =	vld.idx.msk [tilespmem:v5+s18+$0x0], $0xffff  }
0xe7: {  	v13 =	vor.u32 $0x5, v3;
	v12 =	vld.idx.msk [tilespmem:v8+s17+$0x0], $0xffff  }
0xe8: {  	v8 =	vld.idx.msk [tilespmem:v8+s18+$0x0], $0xffff  }
0xe9: {  	v6 =	vmul.f32 v6, v9;
	v9 =	vor.u32 $0x6, v3  }
0xea: {  	v14 =	vld.idx.msk [tilespmem:v11+s17+$0x0], $0xffff  }
0xeb: {  	v4 =	vmul.f32 v4, v7;
	v6 =	vadd.f32 $0.0e+00, v6;
	v7 =	vld.idx.msk [tilespmem:v11+s18+$0x0], $0xffff;
	v11 =	vor.u32 $0x7, v3  }
0xec: {  	v5 =	vmul.f32 v5, v10;
	v10 =	vld.idx.msk [tilespmem:v13+s18+$0x0], $0xffff  }
0xed: {  	v4 =	vadd.f32 v4, v6;
	v6 =	vld.idx.msk [tilespmem:v13+s17+$0x0], $0xffff;
	v13 =	vor.u32 $0x8, v3  }
0xee: {  	v8 =	vmul.f32 v8, v12;
	v12 =	vld.idx.msk [tilespmem:v9+s18+$0x0], $0xffff  }
0xef: {  	v4 =	vadd.f32 v5, v4;
	v5 =	vld.idx.msk [tilespmem:v9+s17+$0x0], $0xffff;
	v9 =	vor.u32 $0x9, v3  }
0xf0: {  	v15 =	vld.idx.msk [tilespmem:v11+s18+$0x0], $0xffff  }
0xf1: {  	v4 =	vadd.f32 v8, v4;
	v7 =	vmul.f32 v7, v14;
	v8 =	vld.idx.msk [tilespmem:v11+s17+$0x0], $0xffff;
	v11 =	vor.u32 $0xA, v3  }
0xf2: {  	v14 =	vld.idx.msk [tilespmem:v13+s18+$0x0], $0xffff  }
0xf3: {  	v4 =	vadd.f32 v7, v4;
	v6 =	vmul.f32 v10, v6;
	v10 =	vor.u32 $0xB, v3;
	v7 =	vld.idx.msk [tilespmem:v13+s17+$0x0], $0xffff  }
0xf4: {  	v13 =	vld.idx.msk [tilespmem:v9+s18+$0x0], $0xffff  }
0xf5: {  	v4 =	vadd.f32 v6, v4;
	v5 =	vmul.f32 v12, v5;
	v6 =	vld.idx.msk [tilespmem:v9+s17+$0x0], $0xffff;
	v9 =	vor.u32 $0xC, v3  }
0xf6: {  	v12 =	vld.idx.msk [tilespmem:v11+s18+$0x0], $0xffff  }
0xf7: {  	v4 =	vadd.f32 v5, v4;
	v5 =	vmul.f32 v15, v8;
	v8 =	vld.idx.msk [tilespmem:v11+s17+$0x0], $0xffff;
	v11 =	vor.u32 $0xD, v3  }
0xf8: {  	v15 =	vld.idx.msk [tilespmem:v10+s18+$0x0], $0xffff  }
0xf9: {  	v4 =	vadd.f32 v5, v4;
	v5 =	vmul.f32 v14, v7;
	v7 =	vld.idx.msk [tilespmem:v10+s17+$0x0], $0xffff;
	v10 =	vor.u32 $0xE, v3  }
0xfa: {  	v14 =	vld.idx.msk [tilespmem:v9+s18+$0x0], $0xffff  }
0xfb: {  	v4 =	vadd.f32 v5, v4;
	v5 =	vmul.f32 v13, v6;
	v6 =	vld.idx.msk [tilespmem:v9+s17+$0x0], $0xffff;
	v9 =	vor.u32 $0xF, v3  }
0xfc: {  	v13 =	vld.idx.msk [tilespmem:v11+s18+$0x0], $0xffff  }
0xfd: {  	v4 =	vadd.f32 v5, v4;
	v5 =	vmul.f32 v12, v8;
	v8 =	vld.idx.msk [tilespmem:v11+s17+$0x0], $0xffff;
	v11 =	vor.u32 $0x10, v3  }
0xfe: {  	v12 =	vld.idx.msk [tilespmem:v10+s18+$0x0], $0xffff  }
0xff: {  	v4 =	vadd.f32 v5, v4;
	v5 =	vmul.f32 v15, v7;
	v7 =	vld.idx.msk [tilespmem:v10+s17+$0x0], $0xffff;
	v10 =	vor.u32 $0x11, v3  }
0x100: {  	v15 =	vld.idx.msk [tilespmem:v9+s18+$0x0], $0xffff  }
0x101: {  	v4 =	vadd.f32 v5, v4;
	v5 =	vmul.f32 v14, v6;
	v6 =	vld.idx.msk [tilespmem:v9+s17+$0x0], $0xffff;
	v9 =	vor.u32 $0x12, v3  }
0x102: {  	v14 =	vld.idx.msk [tilespmem:v11+s18+$0x0], $0xffff  }
0x103: {  	v4 =	vadd.f32 v5, v4;
	v5 =	vmul.f32 v13, v8;
	v8 =	vld.idx.msk [tilespmem:v11+s17+$0x0], $0xffff;
	v11 =	vor.u32 $0x13, v3  }
0x104: {  	v13 =	vld.idx.msk [tilespmem:v10+s18+$0x0], $0xffff  }
0x105: {  	v4 =	vadd.f32 v5, v4;
	v5 =	vmul.f32 v12, v7;
	v7 =	vld.idx.msk [tilespmem:v10+s17+$0x0], $0xffff;
	v10 =	vor.u32 $0x14, v3  }
0x106: {  	v12 =	vld.idx.msk [tilespmem:v9+s18+$0x0], $0xffff  }
0x107: {  	v4 =	vadd.f32 v5, v4;
	v5 =	vmul.f32 v15, v6;
	v6 =	vld.idx.msk [tilespmem:v9+s17+$0x0], $0xffff;
	v9 =	vor.u32 $0x15, v3  }
0x108: {  	v15 =	vld.idx.msk [tilespmem:v11+s18+$0x0], $0xffff  }
0x109: {  	v4 =	vadd.f32 v5, v4;
	v5 =	vmul.f32 v14, v8;
	v8 =	vld.idx.msk [tilespmem:v11+s17+$0x0], $0xffff;
	v11 =	vor.u32 $0x16, v3  }
0x10a: {  	v14 =	vld.idx.msk [tilespmem:v10+s18+$0x0], $0xffff  }
0x10b: {  	v4 =	vadd.f32 v5, v4;
	v5 =	vmul.f32 v13, v7;
	v7 =	vld.idx.msk [tilespmem:v10+s17+$0x0], $0xffff;
	v10 =	vor.u32 $0x17, v3  }
0x10c: {  	v13 =	vld.idx.msk [tilespmem:v9+s18+$0x0], $0xffff  }
0x10d: {  	v4 =	vadd.f32 v5, v4;
	v5 =	vmul.f32 v12, v6;
	v6 =	vld.idx.msk [tilespmem:v9+s17+$0x0], $0xffff;
	v9 =	vor.u32 $0x18, v3  }
0x10e: {  	v12 =	vld.idx.msk [tilespmem:v11+s18+$0x0], $0xffff  }
0x10f: {  	v4 =	vadd.f32 v5, v4;
	v5 =	vmul.f32 v15, v8;
	v8 =	vld.idx.msk [tilespmem:v11+s17+$0x0], $0xffff;
	v11 =	vor.u32 $0x19, v3  }
0x110: {  	v15 =	vld.idx.msk [tilespmem:v10+s18+$0x0], $0xffff  }
0x111: {  	v4 =	vadd.f32 v5, v4;
	v5 =	vmul.f32 v14, v7;
	v7 =	vld.idx.msk [tilespmem:v10+s17+$0x0], $0xffff;
	v10 =	vor.u32 $0x1A, v3  }
0x112: {  	v14 =	vld.idx.msk [tilespmem:v9+s18+$0x0], $0xffff  }
0x113: {  	v4 =	vadd.f32 v5, v4;
	v5 =	vmul.f32 v13, v6;
	v6 =	vld.idx.msk [tilespmem:v9+s17+$0x0], $0xffff;
	v9 =	vor.u32 $0x1B, v3  }
0x114: {  	v13 =	vld.idx.msk [tilespmem:v11+s18+$0x0], $0xffff  }
0x115: {  	v4 =	vadd.f32 v5, v4;
	v5 =	vmul.f32 v12, v8;
	v8 =	vld.idx.msk [tilespmem:v11+s17+$0x0], $0xffff;
	v11 =	vor.u32 $0x1C, v3  }
0x116: {  	v12 =	vld.idx.msk [tilespmem:v10+s18+$0x0], $0xffff  }
0x117: {  	v4 =	vadd.f32 v5, v4;
	v5 =	vmul.f32 v15, v7;
	v7 =	vld.idx.msk [tilespmem:v10+s17+$0x0], $0xffff;
	v10 =	vor.u32 $0x1D, v3  }
0x118: {  	v15 =	vld.idx.msk [tilespmem:v9+s18+$0x0], $0xffff  }
0x119: {  	v4 =	vadd.f32 v5, v4;
	v5 =	vmul.f32 v14, v6;
	v6 =	vld.idx.msk [tilespmem:v9+s17+$0x0], $0xffff;
	v9 =	vor.u32 $0x1E, v3  }
0x11a: {  	v14 =	vld.idx.msk [tilespmem:v11+s18+$0x0], $0xffff  }
0x11b: {  	v3 =	vor.u32 $0x1F, v3;
	v4 =	vadd.f32 v5, v4;
	v5 =	vmul.f32 v13, v8;
	v8 =	vld.idx.msk [tilespmem:v11+s17+$0x0], $0xffff  }
0x11c: {  	v11 =	vld.idx.msk [tilespmem:v10+s18+$0x0], $0xffff  }
0x11d: {  	v4 =	vadd.f32 v5, v4;
	v5 =	vmul.f32 v12, v7;
	v7 =	vld.idx.msk [tilespmem:v10+s17+$0x0], $0xffff  }
0x11e: {  	v10 =	vld.idx.msk [tilespmem:v9+s18+$0x0], $0xffff  }
0x11f: {  	v4 =	vadd.f32 v5, v4;
	v5 =	vmul.f32 v15, v6;
	v6 =	vld.idx.msk [tilespmem:v9+s17+$0x0], $0xffff  }
0x120: {  	v9 =	vld.idx.msk [tilespmem:v3+s18+$0x0], $0xffff  }
0x121: {  	v4 =	vadd.f32 v5, v4;
	v5 =	vmul.f32 v14, v8;
	v3 =	vld.idx.msk [tilespmem:v3+s17+$0x0], $0xffff;
	_ =	sdelay $0x1  }
0x122: {  	v4 =	vadd.f32 v5, v4;
	v5 =	vmul.f32 v11, v7;
	_ =	sdelay $0x1  }
0x123: {  	v4 =	vadd.f32 v5, v4;
	v5 =	vmul.f32 v10, v6;
	_ =	sdelay $0x1  }
0x124: {  	v4 =	vadd.f32 v5, v4;
	v3 =	vmul.f32 v9, v3;
	_ =	sdelay $0x1  }
0x125: {  	v3 =	vadd.f32 v3, v4;
	_ =	sdelay $0x1  }
0x126: {  	v3 =	vmul.f32 v3, v1;
	_ =	sdelay $0x1  }
0x127: {  	v3 =	vadd.f32 v3, v2;
	_ =	sdelay $0x1  }
0x128: {  	v3 =	vsub.f32 $0.0e+00, v3;
	_ =	sdelay $0x1  }
0x129: {  	v3 =	vmul.f32 $1.442695020e+00, v3;
	_ =	sdelay $0x1  }
0x12a: {  	(erf) = vpow2.f32 v3;
	_ =	sdelay $0x8  }
0x12b: {  	v3 =	vpop (erf)  }
0x12c: {  	v3 =	vadd.f32 $1.000000000e+00, v3;
	_ =	sdelay $0x1  }
0x12d: {  	(erf) = vrcp.f32 v3;
	_ =	sdelay $0x3  }
0x12e: {  	v3 =	vmov s2  }
0x12f: {  	v3 =	vshll.u32 v3, $0x5  }
0x130: {  	v3 =	vor.u32 v0, v3;
	_ =	sdelay $0x1  }
0x131: {  	v4 =	vor.u32 $0x1, v3  }
0x132: {  	v5 =	vpop (erf)  }
0x133: {  	[tilespmem:s1+$0xFFFFFFF0] =	vst v5;
	v5 =	vor.u32 $0x2, v3  }
0x134: {  	v6 =	vld.idx.msk [tilespmem:v3+s17+$0x0], $0xffff  }
0x135: {  	v8 =	vor.u32 $0x3, v3;
	v7 =	vld.idx.msk [tilespmem:v3+s18+$0x0], $0xffff  }
0x136: {  	v9 =	vld.idx.msk [tilespmem:v4+s18+$0x0], $0xffff  }
0x137: {  	v10 =	vor.u32 $0x4, v3;
	v4 =	vld.idx.msk [tilespmem:v4+s17+$0x0], $0xffff  }
0x138: {  	v11 =	vld.idx.msk [tilespmem:v5+s18+$0x0], $0xffff  }
0x139: {  	v12 =	vor.u32 $0x5, v3;
	v5 =	vld.idx.msk [tilespmem:v5+s17+$0x0], $0xffff  }
0x13a: {  	v13 =	vld.idx.msk [tilespmem:v8+s18+$0x0], $0xffff  }
0x13b: {  	v6 =	vmul.f32 v7, v6;
	v7 =	vld.idx.msk [tilespmem:v8+s17+$0x0], $0xffff;
	v8 =	vor.u32 $0x6, v3  }
0x13c: {  	v14 =	vld.idx.msk [tilespmem:v10+s18+$0x0], $0xffff  }
0x13d: {  	v6 =	vadd.f32 $0.0e+00, v6;
	v4 =	vmul.f32 v9, v4;
	v9 =	vld.idx.msk [tilespmem:v10+s17+$0x0], $0xffff;
	v10 =	vor.u32 $0x7, v3  }
0x13e: {  	v15 =	vld.idx.msk [tilespmem:v12+s18+$0x0], $0xffff  }
0x13f: {  	v4 =	vadd.f32 v4, v6;
	v5 =	vmul.f32 v11, v5;
	v11 =	vor.u32 $0x8, v3;
	v6 =	vld.idx.msk [tilespmem:v12+s17+$0x0], $0xffff  }
0x140: {  	v12 =	vld.idx.msk [tilespmem:v8+s18+$0x0], $0xffff  }
0x141: {  	v4 =	vadd.f32 v5, v4;
	v5 =	vmul.f32 v13, v7;
	v7 =	vld.idx.msk [tilespmem:v8+s17+$0x0], $0xffff;
	v8 =	vor.u32 $0x9, v3  }
0x142: {  	v13 =	vld.idx.msk [tilespmem:v10+s18+$0x0], $0xffff  }
0x143: {  	v4 =	vadd.f32 v5, v4;
	v5 =	vmul.f32 v14, v9;
	v9 =	vld.idx.msk [tilespmem:v10+s17+$0x0], $0xffff;
	v10 =	vor.u32 $0xA, v3  }
0x144: {  	v14 =	vld.idx.msk [tilespmem:v11+s18+$0x0], $0xffff  }
0x145: {  	v4 =	vadd.f32 v5, v4;
	v5 =	vmul.f32 v15, v6;
	v6 =	vld.idx.msk [tilespmem:v11+s17+$0x0], $0xffff;
	v11 =	vor.u32 $0xB, v3  }
0x146: {  	v15 =	vld.idx.msk [tilespmem:v8+s18+$0x0], $0xffff  }
0x147: {  	v4 =	vadd.f32 v5, v4;
	v5 =	vmul.f32 v12, v7;
	v7 =	vld.idx.msk [tilespmem:v8+s17+$0x0], $0xffff;
	v8 =	vor.u32 $0xC, v3  }
0x148: {  	v12 =	vld.idx.msk [tilespmem:v10+s18+$0x0], $0xffff  }
0x149: {  	v4 =	vadd.f32 v5, v4;
	v5 =	vmul.f32 v13, v9;
	v9 =	vld.idx.msk [tilespmem:v10+s17+$0x0], $0xffff;
	v10 =	vor.u32 $0xD, v3  }
0x14a: {  	v13 =	vld.idx.msk [tilespmem:v11+s18+$0x0], $0xffff  }
0x14b: {  	v4 =	vadd.f32 v5, v4;
	v5 =	vmul.f32 v14, v6;
	v6 =	vld.idx.msk [tilespmem:v11+s17+$0x0], $0xffff;
	v11 =	vor.u32 $0xE, v3  }
0x14c: {  	v14 =	vld.idx.msk [tilespmem:v8+s18+$0x0], $0xffff  }
0x14d: {  	v4 =	vadd.f32 v5, v4;
	v5 =	vmul.f32 v15, v7;
	v7 =	vld.idx.msk [tilespmem:v8+s17+$0x0], $0xffff;
	v8 =	vor.u32 $0xF, v3  }
0x14e: {  	v15 =	vld.idx.msk [tilespmem:v10+s18+$0x0], $0xffff  }
0x14f: {  	v4 =	vadd.f32 v5, v4;
	v5 =	vmul.f32 v12, v9;
	v9 =	vld.idx.msk [tilespmem:v10+s17+$0x0], $0xffff;
	v10 =	vor.u32 $0x10, v3  }
0x150: {  	v12 =	vld.idx.msk [tilespmem:v11+s18+$0x0], $0xffff  }
0x151: {  	v4 =	vadd.f32 v5, v4;
	v5 =	vmul.f32 v13, v6;
	v6 =	vld.idx.msk [tilespmem:v11+s17+$0x0], $0xffff;
	v11 =	vor.u32 $0x11, v3  }
0x152: {  	v13 =	vld.idx.msk [tilespmem:v8+s18+$0x0], $0xffff  }
0x153: {  	v4 =	vadd.f32 v5, v4;
	v5 =	vmul.f32 v14, v7;
	v7 =	vld.idx.msk [tilespmem:v8+s17+$0x0], $0xffff;
	v8 =	vor.u32 $0x12, v3  }
0x154: {  	v14 =	vld.idx.msk [tilespmem:v10+s18+$0x0], $0xffff  }
0x155: {  	v4 =	vadd.f32 v5, v4;
	v5 =	vmul.f32 v15, v9;
	v9 =	vld.idx.msk [tilespmem:v10+s17+$0x0], $0xffff;
	v10 =	vor.u32 $0x13, v3  }
0x156: {  	v15 =	vld.idx.msk [tilespmem:v11+s18+$0x0], $0xffff  }
0x157: {  	v4 =	vadd.f32 v5, v4;
	v5 =	vmul.f32 v12, v6;
	v6 =	vld.idx.msk [tilespmem:v11+s17+$0x0], $0xffff;
	v11 =	vor.u32 $0x14, v3  }
0x158: {  	v12 =	vld.idx.msk [tilespmem:v8+s18+$0x0], $0xffff  }
0x159: {  	v4 =	vadd.f32 v5, v4;
	v5 =	vmul.f32 v13, v7;
	v7 =	vld.idx.msk [tilespmem:v8+s17+$0x0], $0xffff;
	v8 =	vor.u32 $0x15, v3  }
0x15a: {  	v13 =	vld.idx.msk [tilespmem:v10+s18+$0x0], $0xffff  }
0x15b: {  	v4 =	vadd.f32 v5, v4;
	v5 =	vmul.f32 v14, v9;
	v9 =	vld.idx.msk [tilespmem:v10+s17+$0x0], $0xffff;
	v10 =	vor.u32 $0x16, v3  }
0x15c: {  	v14 =	vld.idx.msk [tilespmem:v11+s18+$0x0], $0xffff  }
0x15d: {  	v4 =	vadd.f32 v5, v4;
	v5 =	vmul.f32 v15, v6;
	v6 =	vld.idx.msk [tilespmem:v11+s17+$0x0], $0xffff;
	v11 =	vor.u32 $0x17, v3  }
0x15e: {  	v15 =	vld.idx.msk [tilespmem:v8+s18+$0x0], $0xffff  }
0x15f: {  	v4 =	vadd.f32 v5, v4;
	v5 =	vmul.f32 v12, v7;
	v7 =	vld.idx.msk [tilespmem:v8+s17+$0x0], $0xffff;
	v8 =	vor.u32 $0x18, v3  }
0x160: {  	v12 =	vld.idx.msk [tilespmem:v10+s18+$0x0], $0xffff  }
0x161: {  	v4 =	vadd.f32 v5, v4;
	v5 =	vmul.f32 v13, v9;
	v9 =	vld.idx.msk [tilespmem:v10+s17+$0x0], $0xffff;
	v10 =	vor.u32 $0x19, v3  }
0x162: {  	v13 =	vld.idx.msk [tilespmem:v11+s18+$0x0], $0xffff  }
0x163: {  	v4 =	vadd.f32 v5, v4;
	v5 =	vmul.f32 v14, v6;
	v6 =	vld.idx.msk [tilespmem:v11+s17+$0x0], $0xffff;
	v11 =	vor.u32 $0x1A, v3  }
0x164: {  	v14 =	vld.idx.msk [tilespmem:v8+s18+$0x0], $0xffff  }
0x165: {  	v4 =	vadd.f32 v5, v4;
	v5 =	vmul.f32 v15, v7;
	v7 =	vld.idx.msk [tilespmem:v8+s17+$0x0], $0xffff;
	v8 =	vor.u32 $0x1B, v3  }
0x166: {  	v15 =	vld.idx.msk [tilespmem:v10+s18+$0x0], $0xffff  }
0x167: {  	v4 =	vadd.f32 v5, v4;
	v5 =	vmul.f32 v12, v9;
	v9 =	vld.idx.msk [tilespmem:v10+s17+$0x0], $0xffff;
	v10 =	vor.u32 $0x1C, v3  }
0x168: {  	v12 =	vld.idx.msk [tilespmem:v11+s18+$0x0], $0xffff  }
0x169: {  	v4 =	vadd.f32 v5, v4;
	v5 =	vmul.f32 v13, v6;
	v6 =	vld.idx.msk [tilespmem:v11+s17+$0x0], $0xffff;
	v11 =	vor.u32 $0x1D, v3  }
0x16a: {  	v13 =	vld.idx.msk [tilespmem:v8+s18+$0x0], $0xffff  }
0x16b: {  	v4 =	vadd.f32 v5, v4;
	v5 =	vmul.f32 v14, v7;
	v7 =	vld.idx.msk [tilespmem:v8+s17+$0x0], $0xffff;
	v8 =	vor.u32 $0x1E, v3  }
0x16c: {  	v14 =	vld.idx.msk [tilespmem:v10+s18+$0x0], $0xffff  }
0x16d: {  	v3 =	vor.u32 $0x1F, v3;
	v4 =	vadd.f32 v5, v4;
	v5 =	vmul.f32 v15, v9;
	v9 =	vld.idx.msk [tilespmem:v10+s17+$0x0], $0xffff  }
0x16e: {  	v10 =	vld.idx.msk [tilespmem:v11+s18+$0x0], $0xffff  }
0x16f: {  	v4 =	vadd.f32 v5, v4;
	v5 =	vmul.f32 v12, v6;
	v6 =	vld.idx.msk [tilespmem:v11+s17+$0x0], $0xffff  }
0x170: {  	v11 =	vld.idx.msk [tilespmem:v8+s18+$0x0], $0xffff  }
0x171: {  	v4 =	vadd.f32 v5, v4;
	v5 =	vmul.f32 v13, v7;
	v7 =	vld.idx.msk [tilespmem:v8+s17+$0x0], $0xffff  }
0x172: {  	v8 =	vld.idx.msk [tilespmem:v3+s18+$0x0], $0xffff  }
0x173: {  	v4 =	vadd.f32 v5, v4;
	v5 =	vmul.f32 v14, v9;
	v3 =	vld.idx.msk [tilespmem:v3+s17+$0x0], $0xffff;
	_ =	sdelay $0x1  }
0x174: {  	v4 =	vadd.f32 v5, v4;
	v5 =	vmul.f32 v10, v6;
	_ =	sdelay $0x1  }
0x175: {  	v4 =	vadd.f32 v5, v4;
	v5 =	vmul.f32 v11, v7;
	_ =	sdelay $0x1  }
0x176: {  	v4 =	vadd.f32 v5, v4;
	v3 =	vmul.f32 v8, v3;
	_ =	sdelay $0x1  }
0x177: {  	v3 =	vadd.f32 v3, v4;
	_ =	sdelay $0x1  }
0x178: {  	v3 =	vmul.f32 v3, v1;
	_ =	sdelay $0x1  }
0x179: {  	v3 =	vadd.f32 v3, v2;
	_ =	sdelay $0x1  }
0x17a: {  	v3 =	vsub.f32 $0.0e+00, v3;
	_ =	sdelay $0x1  }
0x17b: {  	v3 =	vmul.f32 $1.442695020e+00, v3;
	_ =	sdelay $0x1  }
0x17c: {  	(erf) = vpow2.f32 v3;
	_ =	sdelay $0x8  }
0x17d: {  	v3 =	vpop (erf)  }
0x17e: {  	v3 =	vadd.f32 $1.000000000e+00, v3;
	_ =	sdelay $0x1  }
.Ltmp0:
0x17f: {  	s2 =	sadd.s32 $0x20, s2;
	(erf) = vrcp.f32 v3;
	(pc) =	sbr.rel @p0 .LBB2_2-.Ltmp0, $4  }
0x180: {  	s19 =	sadd.s32 $0xFFFFFFF0, s2  }
0x181: {  	v3 =	vmov s19  }
0x182: {  	v3 =	vshll.u32 v3, $0x5  }
0x183: {  	v3 =	vor.u32 v0, v3  }
0x184: {  	_ =	sdelay $0x2  }
0x185: {  	v4 =	vor.u32 $0x1, v3  }
0x186: {  	v5 =	vpop (erf)  }
0x187: {  	v6 =	vor.u32 $0x2, v3;
	[tilespmem:s14+$0x0] =	vst v5  }
0x188: {  	v5 =	vld.idx.msk [tilespmem:v3+s18+$0x0], $0xffff  }
0x189: {  	v7 =	vor.u32 $0x3, v3;
	v8 =	vld.idx.msk [tilespmem:v3+s17+$0x0], $0xffff  }
0x18a: {  	v9 =	vld.idx.msk [tilespmem:v4+s17+$0x0], $0xffff  }
0x18b: {  	v10 =	vor.u32 $0x4, v3;
	v4 =	vld.idx.msk [tilespmem:v4+s18+$0x0], $0xffff  }
0x18c: {  	v11 =	vld.idx.msk [tilespmem:v6+s17+$0x0], $0xffff  }
0x18d: {  	v12 =	vor.u32 $0x5, v3;
	v6 =	vld.idx.msk [tilespmem:v6+s18+$0x0], $0xffff  }
0x18e: {  	v13 =	vld.idx.msk [tilespmem:v7+s17+$0x0], $0xffff;
	v5 =	vmul.f32 v5, v8  }
0x18f: {  	v47 =	vor.u32 $0x6, v3;
	v7 =	vld.idx.msk [tilespmem:v7+s18+$0x0], $0xffff  }
0x190: {  	v14 =	vld.idx.msk [tilespmem:v10+s17+$0x0], $0xffff;
	v4 =	vmul.f32 v4, v9;
	v5 =	vadd.f32 $0.0e+00, v5  }
0x191: {  	v49 =	vor.u32 $0x7, v3;
	v48 =	vld.idx.msk [tilespmem:v10+s18+$0x0], $0xffff  }
0x192: {  	v50 =	vld.idx.msk [tilespmem:v12+s18+$0x0], $0xffff;
	v6 =	vmul.f32 v6, v11;
	v4 =	vadd.f32 v4, v5  }
0x193: {  	v51 =	vor.u32 $0x8, v3;
	v5 =	vld.idx.msk [tilespmem:v12+s17+$0x0], $0xffff  }
0x194: {  	v52 =	vld.idx.msk [tilespmem:v47+s18+$0x0], $0xffff;
	v7 =	vmul.f32 v7, v13;
	v4 =	vadd.f32 v6, v4  }
0x195: {  	v54 =	vor.u32 $0x9, v3;
	v53 =	vld.idx.msk [tilespmem:v47+s17+$0x0], $0xffff  }
0x196: {  	v15 =	vld.idx.msk [tilespmem:v49+s18+$0x0], $0xffff;
	v55 =	vmul.f32 v48, v14;
	v4 =	vadd.f32 v7, v4  }
0x197: {  	v57 =	vor.u32 $0xA, v3;
	v56 =	vld.idx.msk [tilespmem:v49+s17+$0x0], $0xffff  }
0x198: {  	v58 =	vld.idx.msk [tilespmem:v51+s18+$0x0], $0xffff;
	v5 =	vmul.f32 v50, v5;
	v4 =	vadd.f32 v55, v4  }
0x199: {  	v60 =	vor.u32 $0xB, v3;
	v59 =	vld.idx.msk [tilespmem:v51+s17+$0x0], $0xffff  }
0x19a: {  	v61 =	vld.idx.msk [tilespmem:v54+s18+$0x0], $0xffff;
	v4 =	vadd.f32 v5, v4;
	v5 =	vmul.f32 v52, v53  }
0x19b: {  	v63 =	vor.u32 $0xC, v3;
	v62 =	vld.idx.msk [tilespmem:v54+s17+$0x0], $0xffff  }
0x19c: {  	v18 =	vld.idx.msk [tilespmem:v57+s18+$0x0], $0xffff;
	v4 =	vadd.f32 v5, v4;
	v5 =	vmul.f32 v15, v56  }
0x19d: {  	v20 =	vor.u32 $0xD, v3;
	v19 =	vld.idx.msk [tilespmem:v57+s17+$0x0], $0xffff  }
0x19e: {  	v21 =	vld.idx.msk [tilespmem:v60+s18+$0x0], $0xffff;
	v4 =	vadd.f32 v5, v4;
	v5 =	vmul.f32 v58, v59  }
0x19f: {  	v23 =	vor.u32 $0xE, v3;
	v22 =	vld.idx.msk [tilespmem:v60+s17+$0x0], $0xffff  }
0x1a0: {  	v24 =	vld.idx.msk [tilespmem:v63+s18+$0x0], $0xffff;
	v4 =	vadd.f32 v5, v4;
	v5 =	vmul.f32 v61, v62  }
0x1a1: {  	v26 =	vor.u32 $0xF, v3;
	v25 =	vld.idx.msk [tilespmem:v63+s17+$0x0], $0xffff  }
0x1a2: {  	v27 =	vld.idx.msk [tilespmem:v20+s18+$0x0], $0xffff;
	v4 =	vadd.f32 v5, v4;
	v5 =	vmul.f32 v18, v19  }
0x1a3: {  	v29 =	vor.u32 $0x10, v3;
	v28 =	vld.idx.msk [tilespmem:v20+s17+$0x0], $0xffff  }
0x1a4: {  	v30 =	vld.idx.msk [tilespmem:v23+s18+$0x0], $0xffff;
	v4 =	vadd.f32 v5, v4;
	v5 =	vmul.f32 v21, v22  }
0x1a5: {  	v32 =	vor.u32 $0x11, v3;
	v31 =	vld.idx.msk [tilespmem:v23+s17+$0x0], $0xffff  }
0x1a6: {  	v33 =	vld.idx.msk [tilespmem:v26+s18+$0x0], $0xffff;
	v4 =	vadd.f32 v5, v4;
	v5 =	vmul.f32 v24, v25  }
0x1a7: {  	v35 =	vor.u32 $0x12, v3;
	v34 =	vld.idx.msk [tilespmem:v26+s17+$0x0], $0xffff  }
0x1a8: {  	v36 =	vld.idx.msk [tilespmem:v29+s18+$0x0], $0xffff;
	v4 =	vadd.f32 v5, v4;
	v5 =	vmul.f32 v27, v28  }
0x1a9: {  	v38 =	vor.u32 $0x13, v3;
	v37 =	vld.idx.msk [tilespmem:v29+s17+$0x0], $0xffff  }
0x1aa: {  	v39 =	vld.idx.msk [tilespmem:v32+s18+$0x0], $0xffff;
	v4 =	vadd.f32 v5, v4;
	v5 =	vmul.f32 v30, v31  }
0x1ab: {  	v41 =	vor.u32 $0x14, v3;
	v40 =	vld.idx.msk [tilespmem:v32+s17+$0x0], $0xffff  }
0x1ac: {  	v42 =	vld.idx.msk [tilespmem:v35+s18+$0x0], $0xffff;
	v4 =	vadd.f32 v5, v4;
	v5 =	vmul.f32 v33, v34  }
0x1ad: {  	v44 =	vor.u32 $0x15, v3;
	v43 =	vld.idx.msk [tilespmem:v35+s17+$0x0], $0xffff  }
0x1ae: {  	v45 =	vld.idx.msk [tilespmem:v38+s18+$0x0], $0xffff;
	v4 =	vadd.f32 v5, v4;
	v5 =	vmul.f32 v36, v37  }
0x1af: {  	v46 =	vld.idx.msk [tilespmem:v38+s17+$0x0], $0xffff;
	v47 =	vor.u32 $0x16, v3  }
0x1b0: {  	v49 =	vld.idx.msk [tilespmem:v41+s17+$0x0], $0xffff;
	v4 =	vadd.f32 v5, v4;
	v5 =	vmul.f32 v39, v40  }
0x1b1: {  	v48 =	vld.idx.msk [tilespmem:v41+s18+$0x0], $0xffff;
	v50 =	vor.u32 $0x17, v3  }
0x1b2: {  	v51 =	vld.idx.msk [tilespmem:v44+s18+$0x0], $0xffff;
	v4 =	vadd.f32 v5, v4;
	v5 =	vmul.f32 v42, v43  }
0x1b3: {  	v52 =	vld.idx.msk [tilespmem:v44+s17+$0x0], $0xffff;
	v53 =	vor.u32 $0x18, v3  }
0x1b4: {  	v54 =	vld.idx.msk [tilespmem:v47+s18+$0x0], $0xffff;
	v4 =	vadd.f32 v5, v4;
	v5 =	vmul.f32 v45, v46  }
0x1b5: {  	v55 =	vld.idx.msk [tilespmem:v47+s17+$0x0], $0xffff;
	v56 =	vor.u32 $0x19, v3  }
0x1b6: {  	v57 =	vld.idx.msk [tilespmem:v50+s18+$0x0], $0xffff;
	v4 =	vadd.f32 v5, v4;
	v5 =	vmul.f32 v48, v49  }
0x1b7: {  	v58 =	vld.idx.msk [tilespmem:v50+s17+$0x0], $0xffff;
	v59 =	vor.u32 $0x1A, v3  }
0x1b8: {  	v60 =	vld.idx.msk [tilespmem:v53+s18+$0x0], $0xffff;
	v4 =	vadd.f32 v5, v4;
	v5 =	vmul.f32 v51, v52  }
0x1b9: {  	v61 =	vld.idx.msk [tilespmem:v53+s17+$0x0], $0xffff;
	v62 =	vor.u32 $0x1B, v3  }
0x1ba: {  	v63 =	vld.idx.msk [tilespmem:v56+s18+$0x0], $0xffff;
	v4 =	vadd.f32 v5, v4;
	v5 =	vmul.f32 v54, v55  }
0x1bb: {  	v18 =	vld.idx.msk [tilespmem:v56+s17+$0x0], $0xffff;
	v19 =	vor.u32 $0x1C, v3  }
0x1bc: {  	v20 =	vld.idx.msk [tilespmem:v59+s18+$0x0], $0xffff;
	v4 =	vadd.f32 v5, v4;
	v5 =	vmul.f32 v57, v58  }
0x1bd: {  	v21 =	vld.idx.msk [tilespmem:v59+s17+$0x0], $0xffff;
	v22 =	vor.u32 $0x1D, v3  }
0x1be: {  	v23 =	vld.idx.msk [tilespmem:v62+s18+$0x0], $0xffff;
	v4 =	vadd.f32 v5, v4;
	v5 =	vmul.f32 v60, v61  }
0x1bf: {  	v24 =	vld.idx.msk [tilespmem:v62+s17+$0x0], $0xffff;
	v25 =	vor.u32 $0x1E, v3  }
0x1c0: {  	v26 =	vld.idx.msk [tilespmem:v19+s18+$0x0], $0xffff;
	v4 =	vadd.f32 v5, v4;
	v5 =	vmul.f32 v63, v18  }
0x1c1: {  	v3 =	vor.u32 $0x1F, v3;
	v27 =	vld.idx.msk [tilespmem:v19+s17+$0x0], $0xffff  }
0x1c2: {  	v28 =	vld.idx.msk [tilespmem:v22+s18+$0x0], $0xffff;
	v4 =	vadd.f32 v5, v4;
	v5 =	vmul.f32 v20, v21  }
0x1c3: {  	v29 =	vld.idx.msk [tilespmem:v22+s17+$0x0], $0xffff  }
0x1c4: {  	v30 =	vld.idx.msk [tilespmem:v25+s18+$0x0], $0xffff;
	v4 =	vadd.f32 v5, v4;
	v5 =	vmul.f32 v23, v24  }
0x1c5: {  	v31 =	vld.idx.msk [tilespmem:v25+s17+$0x0], $0xffff  }
0x1c6: {  	v32 =	vld.idx.msk [tilespmem:v3+s18+$0x0], $0xffff;
	v4 =	vadd.f32 v5, v4;
	v5 =	vmul.f32 v26, v27  }
0x1c7: {  	v3 =	vld.idx.msk [tilespmem:v3+s17+$0x0], $0xffff  }
0x1c8: {  	v4 =	vadd.f32 v5, v4;
	v5 =	vmul.f32 v28, v29;
	_ =	sdelay $0x1  }
0x1c9: {  	v4 =	vadd.f32 v5, v4;
	v5 =	vmul.f32 v30, v31;
	_ =	sdelay $0x1  }
0x1ca: {  	v3 =	vmul.f32 v32, v3;
	v4 =	vadd.f32 v5, v4;
	_ =	sdelay $0x1  }
0x1cb: {  	v3 =	vadd.f32 v3, v4;
	_ =	sdelay $0x1  }
0x1cc: {  	v3 =	vmul.f32 v3, v1;
	_ =	sdelay $0x1  }
0x1cd: {  	v3 =	vadd.f32 v3, v2;
	_ =	sdelay $0x1  }
0x1ce: {  	v3 =	vsub.f32 $0.0e+00, v3;
	_ =	sdelay $0x1  }
0x1cf: {  	v3 =	vmul.f32 $1.442695020e+00, v3;
	_ =	sdelay $0x1  }
0x1d0: {  	(erf) = vpow2.f32 v3;
	_ =	sdelay $0x8  }
0x1d1: {  	v3 =	vpop (erf)  }
0x1d2: {  	v3 =	vadd.f32 $1.000000000e+00, v3;
	_ =	sdelay $0x1  }
0x1d3: {  	(erf) = vrcp.f32 v3;
	_ =	sdelay $0x3  }
0x1d4: {  	v3 =	vmov s2  }
0x1d5: {  	v3 =	vshll.u32 v3, $0x5  }
0x1d6: {  	v3 =	vor.u32 v0, v3;
	_ =	sdelay $0x1  }
0x1d7: {  	v4 =	vor.u32 $0x1, v3  }
0x1d8: {  	s1 =	sadd.s32 $0x20, s1;
	v5 =	vpop (erf)  }
0x1d9: {  	[tilespmem:s1+$0xFFFFFFF0] =	vst v5;
	v5 =	vor.u32 $0x2, v3  }
0x1da: {  	v33 =	vld.idx.msk [tilespmem:v3+s17+$0x0], $0xffff  }
0x1db: {  	v35 =	vor.u32 $0x3, v3;
	v34 =	vld.idx.msk [tilespmem:v3+s18+$0x0], $0xffff  }
0x1dc: {  	v36 =	vld.idx.msk [tilespmem:v4+s18+$0x0], $0xffff  }
0x1dd: {  	v37 =	vor.u32 $0x4, v3;
	v4 =	vld.idx.msk [tilespmem:v4+s17+$0x0], $0xffff  }
0x1de: {  	v38 =	vld.idx.msk [tilespmem:v5+s18+$0x0], $0xffff  }
0x1df: {  	v39 =	vor.u32 $0x5, v3;
	v5 =	vld.idx.msk [tilespmem:v5+s17+$0x0], $0xffff  }
0x1e0: {  	v40 =	vld.idx.msk [tilespmem:v35+s18+$0x0], $0xffff;
	v6 =	vmul.f32 v34, v33  }
0x1e1: {  	v42 =	vor.u32 $0x6, v3;
	v41 =	vld.idx.msk [tilespmem:v35+s17+$0x0], $0xffff  }
0x1e2: {  	v43 =	vld.idx.msk [tilespmem:v37+s18+$0x0], $0xffff;
	v4 =	vmul.f32 v36, v4;
	v6 =	vadd.f32 $0.0e+00, v6  }
0x1e3: {  	v45 =	vor.u32 $0x7, v3;
	v44 =	vld.idx.msk [tilespmem:v37+s17+$0x0], $0xffff  }
0x1e4: {  	v46 =	vld.idx.msk [tilespmem:v39+s18+$0x0], $0xffff;
	v4 =	vadd.f32 v4, v6;
	v5 =	vmul.f32 v38, v5  }
0x1e5: {  	v48 =	vor.u32 $0x8, v3;
	v47 =	vld.idx.msk [tilespmem:v39+s17+$0x0], $0xffff  }
0x1e6: {  	v49 =	vld.idx.msk [tilespmem:v42+s18+$0x0], $0xffff;
	v4 =	vadd.f32 v5, v4;
	v5 =	vmul.f32 v40, v41  }
0x1e7: {  	v51 =	vor.u32 $0x9, v3;
	v50 =	vld.idx.msk [tilespmem:v42+s17+$0x0], $0xffff  }
0x1e8: {  	v52 =	vld.idx.msk [tilespmem:v45+s18+$0x0], $0xffff;
	v4 =	vadd.f32 v5, v4;
	v5 =	vmul.f32 v43, v44  }
0x1e9: {  	v54 =	vor.u32 $0xA, v3;
	v53 =	vld.idx.msk [tilespmem:v45+s17+$0x0], $0xffff  }
0x1ea: {  	v55 =	vld.idx.msk [tilespmem:v48+s18+$0x0], $0xffff;
	v4 =	vadd.f32 v5, v4;
	v5 =	vmul.f32 v46, v47  }
0x1eb: {  	v57 =	vor.u32 $0xB, v3;
	v56 =	vld.idx.msk [tilespmem:v48+s17+$0x0], $0xffff  }
0x1ec: {  	v58 =	vld.idx.msk [tilespmem:v51+s18+$0x0], $0xffff;
	v4 =	vadd.f32 v5, v4;
	v5 =	vmul.f32 v49, v50  }
0x1ed: {  	v60 =	vor.u32 $0xC, v3;
	v59 =	vld.idx.msk [tilespmem:v51+s17+$0x0], $0xffff  }
0x1ee: {  	v61 =	vld.idx.msk [tilespmem:v54+s18+$0x0], $0xffff;
	v4 =	vadd.f32 v5, v4;
	v5 =	vmul.f32 v52, v53  }
0x1ef: {  	v63 =	vor.u32 $0xD, v3;
	v62 =	vld.idx.msk [tilespmem:v54+s17+$0x0], $0xffff  }
0x1f0: {  	v18 =	vld.idx.msk [tilespmem:v57+s18+$0x0], $0xffff;
	v4 =	vadd.f32 v5, v4;
	v5 =	vmul.f32 v55, v56  }
0x1f1: {  	v20 =	vor.u32 $0xE, v3;
	v19 =	vld.idx.msk [tilespmem:v57+s17+$0x0], $0xffff  }
0x1f2: {  	v21 =	vld.idx.msk [tilespmem:v60+s18+$0x0], $0xffff;
	v4 =	vadd.f32 v5, v4;
	v5 =	vmul.f32 v58, v59  }
0x1f3: {  	v23 =	vor.u32 $0xF, v3;
	v22 =	vld.idx.msk [tilespmem:v60+s17+$0x0], $0xffff  }
0x1f4: {  	v24 =	vld.idx.msk [tilespmem:v63+s18+$0x0], $0xffff;
	v4 =	vadd.f32 v5, v4;
	v5 =	vmul.f32 v61, v62  }
0x1f5: {  	v26 =	vor.u32 $0x10, v3;
	v25 =	vld.idx.msk [tilespmem:v63+s17+$0x0], $0xffff  }
0x1f6: {  	v27 =	vld.idx.msk [tilespmem:v20+s18+$0x0], $0xffff;
	v4 =	vadd.f32 v5, v4;
	v5 =	vmul.f32 v18, v19  }
0x1f7: {  	v29 =	vor.u32 $0x11, v3;
	v28 =	vld.idx.msk [tilespmem:v20+s17+$0x0], $0xffff  }
0x1f8: {  	v30 =	vld.idx.msk [tilespmem:v23+s18+$0x0], $0xffff;
	v4 =	vadd.f32 v5, v4;
	v5 =	vmul.f32 v21, v22  }
0x1f9: {  	v32 =	vor.u32 $0x12, v3;
	v31 =	vld.idx.msk [tilespmem:v23+s17+$0x0], $0xffff  }
0x1fa: {  	v33 =	vld.idx.msk [tilespmem:v26+s18+$0x0], $0xffff;
	v4 =	vadd.f32 v5, v4;
	v5 =	vmul.f32 v24, v25  }
0x1fb: {  	v35 =	vor.u32 $0x13, v3;
	v34 =	vld.idx.msk [tilespmem:v26+s17+$0x0], $0xffff  }
0x1fc: {  	v37 =	vld.idx.msk [tilespmem:v29+s17+$0x0], $0xffff;
	v4 =	vadd.f32 v5, v4;
	v5 =	vmul.f32 v27, v28  }
0x1fd: {  	v36 =	vld.idx.msk [tilespmem:v29+s18+$0x0], $0xffff;
	v38 =	vor.u32 $0x14, v3  }
0x1fe: {  	v39 =	vld.idx.msk [tilespmem:v32+s18+$0x0], $0xffff;
	v4 =	vadd.f32 v5, v4;
	v5 =	vmul.f32 v30, v31  }
0x1ff: {  	v40 =	vld.idx.msk [tilespmem:v32+s17+$0x0], $0xffff;
	v41 =	vor.u32 $0x15, v3  }
0x200: {  	v42 =	vld.idx.msk [tilespmem:v35+s18+$0x0], $0xffff;
	v4 =	vadd.f32 v5, v4;
	v5 =	vmul.f32 v33, v34  }
0x201: {  	v43 =	vld.idx.msk [tilespmem:v35+s17+$0x0], $0xffff;
	v44 =	vor.u32 $0x16, v3  }
0x202: {  	v45 =	vld.idx.msk [tilespmem:v38+s18+$0x0], $0xffff;
	v4 =	vadd.f32 v5, v4;
	v5 =	vmul.f32 v36, v37  }
0x203: {  	v46 =	vld.idx.msk [tilespmem:v38+s17+$0x0], $0xffff;
	v47 =	vor.u32 $0x17, v3  }
0x204: {  	v48 =	vld.idx.msk [tilespmem:v41+s18+$0x0], $0xffff;
	v4 =	vadd.f32 v5, v4;
	v5 =	vmul.f32 v39, v40  }
0x205: {  	v49 =	vld.idx.msk [tilespmem:v41+s17+$0x0], $0xffff;
	v50 =	vor.u32 $0x18, v3  }
0x206: {  	v51 =	vld.idx.msk [tilespmem:v44+s18+$0x0], $0xffff;
	v4 =	vadd.f32 v5, v4;
	v5 =	vmul.f32 v42, v43  }
0x207: {  	v52 =	vld.idx.msk [tilespmem:v44+s17+$0x0], $0xffff;
	v53 =	vor.u32 $0x19, v3  }
0x208: {  	v54 =	vld.idx.msk [tilespmem:v47+s18+$0x0], $0xffff;
	v4 =	vadd.f32 v5, v4;
	v5 =	vmul.f32 v45, v46  }
0x209: {  	v55 =	vld.idx.msk [tilespmem:v47+s17+$0x0], $0xffff;
	v56 =	vor.u32 $0x1A, v3  }
0x20a: {  	v57 =	vld.idx.msk [tilespmem:v50+s18+$0x0], $0xffff;
	v4 =	vadd.f32 v5, v4;
	v5 =	vmul.f32 v48, v49  }
0x20b: {  	v58 =	vld.idx.msk [tilespmem:v50+s17+$0x0], $0xffff;
	v59 =	vor.u32 $0x1B, v3  }
0x20c: {  	v60 =	vld.idx.msk [tilespmem:v53+s18+$0x0], $0xffff;
	v4 =	vadd.f32 v5, v4;
	v5 =	vmul.f32 v51, v52  }
0x20d: {  	v61 =	vld.idx.msk [tilespmem:v53+s17+$0x0], $0xffff;
	v62 =	vor.u32 $0x1C, v3  }
0x20e: {  	v63 =	vld.idx.msk [tilespmem:v56+s18+$0x0], $0xffff;
	v4 =	vadd.f32 v5, v4;
	v5 =	vmul.f32 v54, v55  }
0x20f: {  	v17 =	vor.u32 $0x1D, v3;
	v16 =	vld.idx.msk [tilespmem:v56+s17+$0x0], $0xffff  }
0x210: {  	v18 =	vld.idx.msk [tilespmem:v59+s18+$0x0], $0xffff;
	v4 =	vadd.f32 v5, v4;
	v5 =	vmul.f32 v57, v58  }
0x211: {  	v20 =	vor.u32 $0x1E, v3;
	v19 =	vld.idx.msk [tilespmem:v59+s17+$0x0], $0xffff  }
0x212: {  	v21 =	vld.idx.msk [tilespmem:v62+s18+$0x0], $0xffff;
	v4 =	vadd.f32 v5, v4;
	v5 =	vmul.f32 v60, v61  }
0x213: {  	v3 =	vor.u32 $0x1F, v3;
	v22 =	vld.idx.msk [tilespmem:v62+s17+$0x0], $0xffff  }
0x214: {  	v23 =	vld.idx.msk [tilespmem:v17+s18+$0x0], $0xffff;
	v4 =	vadd.f32 v5, v4;
	v5 =	vmul.f32 v63, v16  }
0x215: {  	v24 =	vld.idx.msk [tilespmem:v17+s17+$0x0], $0xffff  }
0x216: {  	v26 =	vld.idx.msk [tilespmem:v20+s17+$0x0], $0xffff;
	v4 =	vadd.f32 v5, v4;
	v5 =	vmul.f32 v18, v19  }
0x217: {  	v25 =	vld.idx.msk [tilespmem:v20+s18+$0x0], $0xffff  }
0x218: {  	v27 =	vld.idx.msk [tilespmem:v3+s18+$0x0], $0xffff;
	v4 =	vadd.f32 v5, v4;
	v5 =	vmul.f32 v21, v22  }
0x219: {  	v3 =	vld.idx.msk [tilespmem:v3+s17+$0x0], $0xffff  }
0x21a: {  	v4 =	vadd.f32 v5, v4;
	v5 =	vmul.f32 v23, v24;
	_ =	sdelay $0x1  }
0x21b: {  	v4 =	vadd.f32 v5, v4;
	v5 =	vmul.f32 v25, v26;
	_ =	sdelay $0x1  }
0x21c: {  	v3 =	vmul.f32 v27, v3;
	v4 =	vadd.f32 v5, v4;
	_ =	sdelay $0x1  }
0x21d: {  	v3 =	vadd.f32 v3, v4;
	_ =	sdelay $0x1  }
0x21e: {  	v3 =	vmul.f32 v3, v1;
	_ =	sdelay $0x1  }
0x21f: {  	v3 =	vadd.f32 v3, v2;
	_ =	sdelay $0x1  }
0x220: {  	v3 =	vsub.f32 $0.0e+00, v3;
	_ =	sdelay $0x1  }
0x221: {  	v3 =	vmul.f32 $1.442695020e+00, v3;
	_ =	sdelay $0x1  }
0x222: {  	(erf) = vpow2.f32 v3;
	_ =	sdelay $0x8  }
0x223: {  	v3 =	vpop (erf)  }
0x224: {  	v3 =	vadd.f32 $1.000000000e+00, v3;
	_ =	sdelay $0x1  }
0x225: {  	(erf) = vrcp.f32 v3;
	_ =	sdelay $0x8  }
0x226: {  	s12 =	simm.s32 $0x80;
	v3 =	vpop (erf)  }
0x227: {  	[tilespmem:s1+$0x0] =	vst v3;
	v3 =	vmov s12  }
0x228: {  	_ =	swait.ge [sflag:s31], $0x1000;
	v3 =	vshll.u32 v3, $0x5  }
0x229: {  	[sflag:s31] =	ssyncset.done $0x0;
	v3 =	vor.u32 v0, v3  }
0x22a: {  	[sflag:s31] =	ssyncadd.s32 $0xFFFFF000  }
0x22b: {  	v4 =	vor.u32 $0x1, v3;
	_ =	swait.ge [sflag:s31], $0x1000  }
0x22c: {  	[sflag:s31] =	ssyncset.done $0x0  }
0x22d: {  	v5 =	vor.u32 $0x2, v3;
	[sflag:s31] =	ssyncadd.s32 $0xFFFFF000  }
0x22e: {  	v28 =	vld.idx.msk [tilespmem:v3+s18+$0x0], $0xffff  }
0x22f: {  	v29 =	vor.u32 $0x3, v3;
	v30 =	vld.idx.msk [tilespmem:v3+s17+$0x0], $0xffff  }
0x230: {  	v31 =	vld.idx.msk [tilespmem:v4+s17+$0x0], $0xffff  }
0x231: {  	v32 =	vor.u32 $0x4, v3;
	v4 =	vld.idx.msk [tilespmem:v4+s18+$0x0], $0xffff  }
0x232: {  	v33 =	vld.idx.msk [tilespmem:v5+s17+$0x0], $0xffff  }
0x233: {  	v34 =	vor.u32 $0x5, v3;
	v5 =	vld.idx.msk [tilespmem:v5+s18+$0x0], $0xffff  }
0x234: {  	v35 =	vld.idx.msk [tilespmem:v29+s17+$0x0], $0xffff;
	v6 =	vmul.f32 v28, v30  }
0x235: {  	v36 =	vor.u32 $0x6, v3;
	v7 =	vld.idx.msk [tilespmem:v29+s18+$0x0], $0xffff  }
0x236: {  	v37 =	vld.idx.msk [tilespmem:v32+s17+$0x0], $0xffff;
	v4 =	vmul.f32 v4, v31;
	v6 =	vadd.f32 $0.0e+00, v6  }
0x237: {  	v39 =	vor.u32 $0x7, v3;
	v38 =	vld.idx.msk [tilespmem:v32+s18+$0x0], $0xffff  }
0x238: {  	v40 =	vld.idx.msk [tilespmem:v34+s18+$0x0], $0xffff;
	v5 =	vmul.f32 v5, v33;
	v4 =	vadd.f32 v4, v6  }
0x239: {  	v42 =	vor.u32 $0x8, v3;
	v41 =	vld.idx.msk [tilespmem:v34+s17+$0x0], $0xffff  }
0x23a: {  	v43 =	vld.idx.msk [tilespmem:v36+s18+$0x0], $0xffff;
	v7 =	vmul.f32 v7, v35;
	v4 =	vadd.f32 v5, v4  }
0x23b: {  	v44 =	vor.u32 $0x9, v3;
	v5 =	vld.idx.msk [tilespmem:v36+s17+$0x0], $0xffff  }
0x23c: {  	v45 =	vld.idx.msk [tilespmem:v39+s18+$0x0], $0xffff;
	v46 =	vmul.f32 v38, v37;
	v4 =	vadd.f32 v7, v4  }
0x23d: {  	v48 =	vor.u32 $0xA, v3;
	v47 =	vld.idx.msk [tilespmem:v39+s17+$0x0], $0xffff  }
0x23e: {  	v49 =	vld.idx.msk [tilespmem:v42+s18+$0x0], $0xffff;
	v6 =	vmul.f32 v40, v41;
	v4 =	vadd.f32 v46, v4  }
0x23f: {  	v51 =	vor.u32 $0xB, v3;
	v50 =	vld.idx.msk [tilespmem:v42+s17+$0x0], $0xffff  }
0x240: {  	v52 =	vld.idx.msk [tilespmem:v44+s18+$0x0], $0xffff;
	v5 =	vmul.f32 v43, v5;
	v4 =	vadd.f32 v6, v4  }
0x241: {  	v54 =	vor.u32 $0xC, v3;
	v53 =	vld.idx.msk [tilespmem:v44+s17+$0x0], $0xffff  }
0x242: {  	v55 =	vld.idx.msk [tilespmem:v48+s18+$0x0], $0xffff;
	v4 =	vadd.f32 v5, v4;
	v5 =	vmul.f32 v45, v47  }
0x243: {  	v57 =	vor.u32 $0xD, v3;
	v56 =	vld.idx.msk [tilespmem:v48+s17+$0x0], $0xffff  }
0x244: {  	v58 =	vld.idx.msk [tilespmem:v51+s18+$0x0], $0xffff;
	v4 =	vadd.f32 v5, v4;
	v5 =	vmul.f32 v49, v50  }
0x245: {  	v60 =	vor.u32 $0xE, v3;
	v59 =	vld.idx.msk [tilespmem:v51+s17+$0x0], $0xffff  }
0x246: {  	v61 =	vld.idx.msk [tilespmem:v54+s18+$0x0], $0xffff;
	v4 =	vadd.f32 v5, v4;
	v5 =	vmul.f32 v52, v53  }
0x247: {  	v63 =	vor.u32 $0xF, v3;
	v62 =	vld.idx.msk [tilespmem:v54+s17+$0x0], $0xffff  }
0x248: {  	v18 =	vld.idx.msk [tilespmem:v57+s18+$0x0], $0xffff;
	v4 =	vadd.f32 v5, v4;
	v5 =	vmul.f32 v55, v56  }
0x249: {  	v20 =	vor.u32 $0x10, v3;
	v19 =	vld.idx.msk [tilespmem:v57+s17+$0x0], $0xffff  }
0x24a: {  	v21 =	vld.idx.msk [tilespmem:v60+s18+$0x0], $0xffff;
	v4 =	vadd.f32 v5, v4;
	v5 =	vmul.f32 v58, v59  }
0x24b: {  	v23 =	vor.u32 $0x11, v3;
	v22 =	vld.idx.msk [tilespmem:v60+s17+$0x0], $0xffff  }
0x24c: {  	v24 =	vld.idx.msk [tilespmem:v63+s18+$0x0], $0xffff;
	v4 =	vadd.f32 v5, v4;
	v5 =	vmul.f32 v61, v62  }
0x24d: {  	v26 =	vor.u32 $0x12, v3;
	v25 =	vld.idx.msk [tilespmem:v63+s17+$0x0], $0xffff  }
0x24e: {  	v27 =	vld.idx.msk [tilespmem:v20+s18+$0x0], $0xffff;
	v4 =	vadd.f32 v5, v4;
	v5 =	vmul.f32 v18, v19  }
0x24f: {  	v29 =	vor.u32 $0x13, v3;
	v28 =	vld.idx.msk [tilespmem:v20+s17+$0x0], $0xffff  }
0x250: {  	v30 =	vld.idx.msk [tilespmem:v23+s18+$0x0], $0xffff;
	v4 =	vadd.f32 v5, v4;
	v5 =	vmul.f32 v21, v22  }
0x251: {  	v32 =	vor.u32 $0x14, v3;
	v31 =	vld.idx.msk [tilespmem:v23+s17+$0x0], $0xffff  }
0x252: {  	v34 =	vld.idx.msk [tilespmem:v26+s17+$0x0], $0xffff;
	v4 =	vadd.f32 v5, v4;
	v5 =	vmul.f32 v24, v25  }
0x253: {  	v33 =	vld.idx.msk [tilespmem:v26+s18+$0x0], $0xffff;
	v35 =	vor.u32 $0x15, v3  }
0x254: {  	v37 =	vld.idx.msk [tilespmem:v29+s17+$0x0], $0xffff;
	v4 =	vadd.f32 v5, v4;
	v5 =	vmul.f32 v27, v28  }
0x255: {  	v38 =	vor.u32 $0x16, v3;
	v36 =	vld.idx.msk [tilespmem:v29+s18+$0x0], $0xffff  }
0x256: {  	v39 =	vld.idx.msk [tilespmem:v32+s18+$0x0], $0xffff;
	v4 =	vadd.f32 v5, v4;
	v5 =	vmul.f32 v30, v31  }
0x257: {  	v40 =	vld.idx.msk [tilespmem:v32+s17+$0x0], $0xffff;
	v41 =	vor.u32 $0x17, v3  }
0x258: {  	v42 =	vld.idx.msk [tilespmem:v35+s18+$0x0], $0xffff;
	v4 =	vadd.f32 v5, v4;
	v5 =	vmul.f32 v33, v34  }
0x259: {  	v44 =	vor.u32 $0x18, v3;
	v43 =	vld.idx.msk [tilespmem:v35+s17+$0x0], $0xffff  }
0x25a: {  	v46 =	vld.idx.msk [tilespmem:v38+s17+$0x0], $0xffff;
	v4 =	vadd.f32 v5, v4;
	v5 =	vmul.f32 v36, v37  }
0x25b: {  	v45 =	vld.idx.msk [tilespmem:v38+s18+$0x0], $0xffff;
	v47 =	vor.u32 $0x19, v3  }
0x25c: {  	v48 =	vld.idx.msk [tilespmem:v41+s18+$0x0], $0xffff;
	v4 =	vadd.f32 v5, v4;
	v5 =	vmul.f32 v39, v40  }
0x25d: {  	v49 =	vld.idx.msk [tilespmem:v41+s17+$0x0], $0xffff;
	v50 =	vor.u32 $0x1A, v3  }
0x25e: {  	v51 =	vld.idx.msk [tilespmem:v44+s18+$0x0], $0xffff;
	v4 =	vadd.f32 v5, v4;
	v5 =	vmul.f32 v42, v43  }
0x25f: {  	v52 =	vld.idx.msk [tilespmem:v44+s17+$0x0], $0xffff;
	v53 =	vor.u32 $0x1B, v3  }
0x260: {  	v54 =	vld.idx.msk [tilespmem:v47+s18+$0x0], $0xffff;
	v4 =	vadd.f32 v5, v4;
	v5 =	vmul.f32 v45, v46  }
0x261: {  	v55 =	vld.idx.msk [tilespmem:v47+s17+$0x0], $0xffff;
	v56 =	vor.u32 $0x1C, v3  }
0x262: {  	v57 =	vld.idx.msk [tilespmem:v50+s18+$0x0], $0xffff;
	v4 =	vadd.f32 v5, v4;
	v5 =	vmul.f32 v48, v49  }
0x263: {  	v58 =	vld.idx.msk [tilespmem:v50+s17+$0x0], $0xffff;
	v59 =	vor.u32 $0x1D, v3  }
0x264: {  	v60 =	vld.idx.msk [tilespmem:v53+s18+$0x0], $0xffff;
	v4 =	vadd.f32 v5, v4;
	v5 =	vmul.f32 v51, v52  }
0x265: {  	v61 =	vld.idx.msk [tilespmem:v53+s17+$0x0], $0xffff;
	v62 =	vor.u32 $0x1E, v3  }
0x266: {  	v63 =	vld.idx.msk [tilespmem:v56+s18+$0x0], $0xffff;
	v4 =	vadd.f32 v5, v4;
	v5 =	vmul.f32 v54, v55  }
0x267: {  	v3 =	vor.u32 $0x1F, v3;
	v12 =	vld.idx.msk [tilespmem:v56+s17+$0x0], $0xffff  }
0x268: {  	v16 =	vld.idx.msk [tilespmem:v59+s18+$0x0], $0xffff;
	v4 =	vadd.f32 v5, v4;
	v5 =	vmul.f32 v57, v58  }
0x269: {  	v17 =	vld.idx.msk [tilespmem:v59+s17+$0x0], $0xffff  }
0x26a: {  	v18 =	vld.idx.msk [tilespmem:v62+s18+$0x0], $0xffff;
	v4 =	vadd.f32 v5, v4;
	v5 =	vmul.f32 v60, v61  }
0x26b: {  	v19 =	vld.idx.msk [tilespmem:v62+s17+$0x0], $0xffff  }
0x26c: {  	v20 =	vld.idx.msk [tilespmem:v3+s18+$0x0], $0xffff;
	v4 =	vadd.f32 v5, v4;
	v5 =	vmul.f32 v63, v12  }
0x26d: {  	v3 =	vld.idx.msk [tilespmem:v3+s17+$0x0], $0xffff  }
0x26e: {  	v4 =	vadd.f32 v5, v4;
	v5 =	vmul.f32 v16, v17;
	_ =	sdelay $0x1  }
0x26f: {  	v4 =	vadd.f32 v5, v4;
	v5 =	vmul.f32 v18, v19;
	_ =	sdelay $0x1  }
0x270: {  	v3 =	vmul.f32 v20, v3;
	v4 =	vadd.f32 v5, v4;
	_ =	sdelay $0x1  }
0x271: {  	v3 =	vadd.f32 v3, v4;
	_ =	sdelay $0x1  }
0x272: {  	v3 =	vmul.f32 v3, v1;
	_ =	sdelay $0x1  }
0x273: {  	v3 =	vadd.f32 v3, v2;
	_ =	sdelay $0x1  }
0x274: {  	v3 =	vsub.f32 $0.0e+00, v3;
	_ =	sdelay $0x1  }
0x275: {  	v3 =	vmul.f32 $1.442695020e+00, v3;
	_ =	sdelay $0x1  }
0x276: {  	(erf) = vpow2.f32 v3;
	_ =	sdelay $0x8  }
0x277: {  	v3 =	vpop (erf)  }
0x278: {  	v3 =	vadd.f32 $1.000000000e+00, v3;
	_ =	sdelay $0x1  }
0x279: {  	(erf) = vrcp.f32 v3;
	_ =	sdelay $0x2  }
0x27a: {  	s14 =	simm.s32 $0x90  }
0x27b: {  	v3 =	vmov s14  }
0x27c: {  	v3 =	vshll.u32 v3, $0x5  }
0x27d: {  	v3 =	vor.u32 v0, v3;
	_ =	sdelay $0x1  }
0x27e: {  	v4 =	vor.u32 $0x1, v3  }
0x27f: {  	s1 =	simm.s32 $0x8490;
	v5 =	vpop (erf)  }
0x280: {  	[tilespmem:s1+$0xFFFFFFF0] =	vst v5;
	v5 =	vor.u32 $0x2, v3  }
0x281: {  	v21 =	vld.idx.msk [tilespmem:v3+s17+$0x0], $0xffff  }
0x282: {  	v23 =	vor.u32 $0x3, v3;
	v22 =	vld.idx.msk [tilespmem:v3+s18+$0x0], $0xffff  }
0x283: {  	v24 =	vld.idx.msk [tilespmem:v4+s18+$0x0], $0xffff  }
0x284: {  	v25 =	vor.u32 $0x4, v3;
	v4 =	vld.idx.msk [tilespmem:v4+s17+$0x0], $0xffff  }
0x285: {  	v26 =	vld.idx.msk [tilespmem:v5+s18+$0x0], $0xffff  }
0x286: {  	v27 =	vor.u32 $0x5, v3;
	v5 =	vld.idx.msk [tilespmem:v5+s17+$0x0], $0xffff  }
0x287: {  	v28 =	vld.idx.msk [tilespmem:v23+s18+$0x0], $0xffff;
	v6 =	vmul.f32 v22, v21  }
0x288: {  	v30 =	vor.u32 $0x6, v3;
	v29 =	vld.idx.msk [tilespmem:v23+s17+$0x0], $0xffff  }
0x289: {  	v31 =	vld.idx.msk [tilespmem:v25+s18+$0x0], $0xffff;
	v4 =	vmul.f32 v24, v4;
	v6 =	vadd.f32 $0.0e+00, v6  }
0x28a: {  	v33 =	vor.u32 $0x7, v3;
	v32 =	vld.idx.msk [tilespmem:v25+s17+$0x0], $0xffff  }
0x28b: {  	v34 =	vld.idx.msk [tilespmem:v27+s18+$0x0], $0xffff;
	v4 =	vadd.f32 v4, v6;
	v5 =	vmul.f32 v26, v5  }
0x28c: {  	v36 =	vor.u32 $0x8, v3;
	v35 =	vld.idx.msk [tilespmem:v27+s17+$0x0], $0xffff  }
0x28d: {  	v37 =	vld.idx.msk [tilespmem:v30+s18+$0x0], $0xffff;
	v4 =	vadd.f32 v5, v4;
	v5 =	vmul.f32 v28, v29  }
0x28e: {  	v39 =	vor.u32 $0x9, v3;
	v38 =	vld.idx.msk [tilespmem:v30+s17+$0x0], $0xffff  }
0x28f: {  	v40 =	vld.idx.msk [tilespmem:v33+s18+$0x0], $0xffff;
	v4 =	vadd.f32 v5, v4;
	v5 =	vmul.f32 v31, v32  }
0x290: {  	v42 =	vor.u32 $0xA, v3;
	v41 =	vld.idx.msk [tilespmem:v33+s17+$0x0], $0xffff  }
0x291: {  	v43 =	vld.idx.msk [tilespmem:v36+s18+$0x0], $0xffff;
	v4 =	vadd.f32 v5, v4;
	v5 =	vmul.f32 v34, v35  }
0x292: {  	v45 =	vor.u32 $0xB, v3;
	v44 =	vld.idx.msk [tilespmem:v36+s17+$0x0], $0xffff  }
0x293: {  	v46 =	vld.idx.msk [tilespmem:v39+s18+$0x0], $0xffff;
	v4 =	vadd.f32 v5, v4;
	v5 =	vmul.f32 v37, v38  }
0x294: {  	v48 =	vor.u32 $0xC, v3;
	v47 =	vld.idx.msk [tilespmem:v39+s17+$0x0], $0xffff  }
0x295: {  	v49 =	vld.idx.msk [tilespmem:v42+s18+$0x0], $0xffff;
	v4 =	vadd.f32 v5, v4;
	v5 =	vmul.f32 v40, v41  }
0x296: {  	v51 =	vor.u32 $0xD, v3;
	v50 =	vld.idx.msk [tilespmem:v42+s17+$0x0], $0xffff  }
0x297: {  	v52 =	vld.idx.msk [tilespmem:v45+s18+$0x0], $0xffff;
	v4 =	vadd.f32 v5, v4;
	v5 =	vmul.f32 v43, v44  }
0x298: {  	v54 =	vor.u32 $0xE, v3;
	v53 =	vld.idx.msk [tilespmem:v45+s17+$0x0], $0xffff  }
0x299: {  	v55 =	vld.idx.msk [tilespmem:v48+s18+$0x0], $0xffff;
	v4 =	vadd.f32 v5, v4;
	v5 =	vmul.f32 v46, v47  }
0x29a: {  	v57 =	vor.u32 $0xF, v3;
	v56 =	vld.idx.msk [tilespmem:v48+s17+$0x0], $0xffff  }
0x29b: {  	v58 =	vld.idx.msk [tilespmem:v51+s18+$0x0], $0xffff;
	v4 =	vadd.f32 v5, v4;
	v5 =	vmul.f32 v49, v50  }
0x29c: {  	v60 =	vor.u32 $0x10, v3;
	v59 =	vld.idx.msk [tilespmem:v51+s17+$0x0], $0xffff  }
0x29d: {  	v61 =	vld.idx.msk [tilespmem:v54+s18+$0x0], $0xffff;
	v4 =	vadd.f32 v5, v4;
	v5 =	vmul.f32 v52, v53  }
0x29e: {  	v63 =	vor.u32 $0x11, v3;
	v62 =	vld.idx.msk [tilespmem:v54+s17+$0x0], $0xffff  }
0x29f: {  	v18 =	vld.idx.msk [tilespmem:v57+s18+$0x0], $0xffff;
	v4 =	vadd.f32 v5, v4;
	v5 =	vmul.f32 v55, v56  }
0x2a0: {  	v20 =	vor.u32 $0x12, v3;
	v19 =	vld.idx.msk [tilespmem:v57+s17+$0x0], $0xffff  }
0x2a1: {  	v21 =	vld.idx.msk [tilespmem:v60+s18+$0x0], $0xffff;
	v4 =	vadd.f32 v5, v4;
	v5 =	vmul.f32 v58, v59  }
0x2a2: {  	v23 =	vor.u32 $0x13, v3;
	v22 =	vld.idx.msk [tilespmem:v60+s17+$0x0], $0xffff  }
0x2a3: {  	v25 =	vld.idx.msk [tilespmem:v63+s17+$0x0], $0xffff;
	v4 =	vadd.f32 v5, v4;
	v5 =	vmul.f32 v61, v62  }
0x2a4: {  	v24 =	vld.idx.msk [tilespmem:v63+s18+$0x0], $0xffff;
	v26 =	vor.u32 $0x14, v3  }
0x2a5: {  	v27 =	vld.idx.msk [tilespmem:v20+s18+$0x0], $0xffff;
	v4 =	vadd.f32 v5, v4;
	v5 =	vmul.f32 v18, v19  }
0x2a6: {  	v28 =	vld.idx.msk [tilespmem:v20+s17+$0x0], $0xffff;
	v29 =	vor.u32 $0x15, v3  }
0x2a7: {  	v30 =	vld.idx.msk [tilespmem:v23+s18+$0x0], $0xffff;
	v4 =	vadd.f32 v5, v4;
	v5 =	vmul.f32 v21, v22  }
0x2a8: {  	v31 =	vld.idx.msk [tilespmem:v23+s17+$0x0], $0xffff;
	v32 =	vor.u32 $0x16, v3  }
0x2a9: {  	v33 =	vld.idx.msk [tilespmem:v26+s18+$0x0], $0xffff;
	v4 =	vadd.f32 v5, v4;
	v5 =	vmul.f32 v24, v25  }
0x2aa: {  	v34 =	vld.idx.msk [tilespmem:v26+s17+$0x0], $0xffff;
	v35 =	vor.u32 $0x17, v3  }
0x2ab: {  	v36 =	vld.idx.msk [tilespmem:v29+s18+$0x0], $0xffff;
	v4 =	vadd.f32 v5, v4;
	v5 =	vmul.f32 v27, v28  }
0x2ac: {  	v37 =	vld.idx.msk [tilespmem:v29+s17+$0x0], $0xffff;
	v38 =	vor.u32 $0x18, v3  }
0x2ad: {  	v39 =	vld.idx.msk [tilespmem:v32+s18+$0x0], $0xffff;
	v4 =	vadd.f32 v5, v4;
	v5 =	vmul.f32 v30, v31  }
0x2ae: {  	v40 =	vld.idx.msk [tilespmem:v32+s17+$0x0], $0xffff;
	v41 =	vor.u32 $0x19, v3  }
0x2af: {  	v42 =	vld.idx.msk [tilespmem:v35+s18+$0x0], $0xffff;
	v4 =	vadd.f32 v5, v4;
	v5 =	vmul.f32 v33, v34  }
0x2b0: {  	v43 =	vld.idx.msk [tilespmem:v35+s17+$0x0], $0xffff;
	v44 =	vor.u32 $0x1A, v3  }
0x2b1: {  	v45 =	vld.idx.msk [tilespmem:v38+s18+$0x0], $0xffff;
	v4 =	vadd.f32 v5, v4;
	v5 =	vmul.f32 v36, v37  }
0x2b2: {  	v46 =	vld.idx.msk [tilespmem:v38+s17+$0x0], $0xffff;
	v47 =	vor.u32 $0x1B, v3  }
0x2b3: {  	v48 =	vld.idx.msk [tilespmem:v41+s18+$0x0], $0xffff;
	v4 =	vadd.f32 v5, v4;
	v5 =	vmul.f32 v39, v40  }
0x2b4: {  	v49 =	vld.idx.msk [tilespmem:v41+s17+$0x0], $0xffff;
	v50 =	vor.u32 $0x1C, v3  }
0x2b5: {  	v51 =	vld.idx.msk [tilespmem:v44+s18+$0x0], $0xffff;
	v4 =	vadd.f32 v5, v4;
	v5 =	vmul.f32 v42, v43  }
0x2b6: {  	v52 =	vld.idx.msk [tilespmem:v44+s17+$0x0], $0xffff;
	v53 =	vor.u32 $0x1D, v3  }
0x2b7: {  	v54 =	vld.idx.msk [tilespmem:v47+s18+$0x0], $0xffff;
	v4 =	vadd.f32 v5, v4;
	v5 =	vmul.f32 v45, v46  }
0x2b8: {  	v55 =	vld.idx.msk [tilespmem:v47+s17+$0x0], $0xffff;
	v56 =	vor.u32 $0x1E, v3  }
0x2b9: {  	v57 =	vld.idx.msk [tilespmem:v50+s18+$0x0], $0xffff;
	v4 =	vadd.f32 v5, v4;
	v5 =	vmul.f32 v48, v49  }
0x2ba: {  	v3 =	vor.u32 $0x1F, v3;
	v58 =	vld.idx.msk [tilespmem:v50+s17+$0x0], $0xffff  }
0x2bb: {  	v59 =	vld.idx.msk [tilespmem:v53+s18+$0x0], $0xffff;
	v4 =	vadd.f32 v5, v4;
	v5 =	vmul.f32 v51, v52  }
0x2bc: {  	v60 =	vld.idx.msk [tilespmem:v53+s17+$0x0], $0xffff  }
0x2bd: {  	v61 =	vld.idx.msk [tilespmem:v56+s18+$0x0], $0xffff;
	v4 =	vadd.f32 v5, v4;
	v5 =	vmul.f32 v54, v55  }
0x2be: {  	v62 =	vld.idx.msk [tilespmem:v56+s17+$0x0], $0xffff  }
0x2bf: {  	v63 =	vld.idx.msk [tilespmem:v3+s18+$0x0], $0xffff;
	v4 =	vadd.f32 v5, v4;
	v5 =	vmul.f32 v57, v58  }
0x2c0: {  	v3 =	vld.idx.msk [tilespmem:v3+s17+$0x0], $0xffff  }
0x2c1: {  	v4 =	vadd.f32 v5, v4;
	v5 =	vmul.f32 v59, v60;
	_ =	sdelay $0x1  }
0x2c2: {  	v4 =	vadd.f32 v5, v4;
	v5 =	vmul.f32 v61, v62;
	_ =	sdelay $0x1  }
0x2c3: {  	v3 =	vmul.f32 v63, v3;
	v4 =	vadd.f32 v5, v4;
	_ =	sdelay $0x1  }
0x2c4: {  	v3 =	vadd.f32 v3, v4;
	_ =	sdelay $0x1  }
0x2c5: {  	v3 =	vmul.f32 v3, v1;
	_ =	sdelay $0x1  }
0x2c6: {  	v3 =	vadd.f32 v3, v2;
	_ =	sdelay $0x1  }
0x2c7: {  	v3 =	vsub.f32 $0.0e+00, v3;
	_ =	sdelay $0x1  }
0x2c8: {  	v3 =	vmul.f32 $1.442695020e+00, v3;
	_ =	sdelay $0x1  }
0x2c9: {  	(erf) = vpow2.f32 v3;
	_ =	sdelay $0x8  }
0x2ca: {  	v3 =	vpop (erf)  }
0x2cb: {  	v3 =	vadd.f32 $1.000000000e+00, v3;
	_ =	sdelay $0x1  }
0x2cc: {  	(erf) = vrcp.f32 v3  }
0x2cd: {  	s19 =	simm.s32 $0xA0  }
0x2ce: {  	v4 =	vmov s19  }
0x2cf: {  	v4 =	vshll.u32 v4, $0x5  }
0x2d0: {  	s2 =	simm.s32 $0xB0;
	s12 =	simm.s32 $0xA;
	s14 =	simm.s32 $0x8490;
	v3 =	vor.u32 v0, v4  }
.LBB2_4:
0x2d1: {  	s12 =	sadd.s32 $0x2, s12;
	s1 =	sadd.s32 $0x20, s1  }
0x2d2: {  	v4 =	vor.u32 $0x1, v3;
	p0 =	slt.u32 s12, $0xE;
	_ =	sdelay $0x2  }
0x2d3: {  	v5 =	vor.u32 $0x2, v3;
	v6 =	vpop (erf)  }
0x2d4: {  	[tilespmem:s14+$0x0] =	vst v6;
	s14 =	smov.u32 s1  }
0x2d5: {  	v6 =	vld.idx.msk [tilespmem:v3+s18+$0x0], $0xffff  }
0x2d6: {  	v8 =	vor.u32 $0x3, v3;
	v7 =	vld.idx.msk [tilespmem:v4+s17+$0x0], $0xffff  }
0x2d7: {  	v9 =	vld.idx.msk [tilespmem:v3+s17+$0x0], $0xffff  }
0x2d8: {  	v4 =	vld.idx.msk [tilespmem:v4+s18+$0x0], $0xffff  }
0x2d9: {  	v11 =	vor.u32 $0x4, v3;
	v10 =	vld.idx.msk [tilespmem:v5+s17+$0x0], $0xffff  }
0x2da: {  	v5 =	vld.idx.msk [tilespmem:v5+s18+$0x0], $0xffff  }
0x2db: {  	v13 =	vor.u32 $0x5, v3;
	v12 =	vld.idx.msk [tilespmem:v8+s17+$0x0], $0xffff  }
0x2dc: {  	v8 =	vld.idx.msk [tilespmem:v8+s18+$0x0], $0xffff  }
0x2dd: {  	v6 =	vmul.f32 v6, v9;
	v9 =	vor.u32 $0x6, v3  }
0x2de: {  	v14 =	vld.idx.msk [tilespmem:v11+s17+$0x0], $0xffff  }
0x2df: {  	v4 =	vmul.f32 v4, v7;
	v6 =	vadd.f32 $0.0e+00, v6;
	v7 =	vld.idx.msk [tilespmem:v11+s18+$0x0], $0xffff;
	v11 =	vor.u32 $0x7, v3  }
0x2e0: {  	v5 =	vmul.f32 v5, v10;
	v10 =	vld.idx.msk [tilespmem:v13+s18+$0x0], $0xffff  }
0x2e1: {  	v4 =	vadd.f32 v4, v6;
	v6 =	vld.idx.msk [tilespmem:v13+s17+$0x0], $0xffff;
	v13 =	vor.u32 $0x8, v3  }
0x2e2: {  	v8 =	vmul.f32 v8, v12;
	v12 =	vld.idx.msk [tilespmem:v9+s18+$0x0], $0xffff  }
0x2e3: {  	v4 =	vadd.f32 v5, v4;
	v5 =	vld.idx.msk [tilespmem:v9+s17+$0x0], $0xffff;
	v9 =	vor.u32 $0x9, v3  }
0x2e4: {  	v15 =	vld.idx.msk [tilespmem:v11+s18+$0x0], $0xffff  }
0x2e5: {  	v4 =	vadd.f32 v8, v4;
	v7 =	vmul.f32 v7, v14;
	v8 =	vld.idx.msk [tilespmem:v11+s17+$0x0], $0xffff;
	v11 =	vor.u32 $0xA, v3  }
0x2e6: {  	v14 =	vld.idx.msk [tilespmem:v13+s18+$0x0], $0xffff  }
0x2e7: {  	v4 =	vadd.f32 v7, v4;
	v6 =	vmul.f32 v10, v6;
	v10 =	vor.u32 $0xB, v3;
	v7 =	vld.idx.msk [tilespmem:v13+s17+$0x0], $0xffff  }
0x2e8: {  	v13 =	vld.idx.msk [tilespmem:v9+s18+$0x0], $0xffff  }
0x2e9: {  	v4 =	vadd.f32 v6, v4;
	v5 =	vmul.f32 v12, v5;
	v6 =	vld.idx.msk [tilespmem:v9+s17+$0x0], $0xffff;
	v9 =	vor.u32 $0xC, v3  }
0x2ea: {  	v12 =	vld.idx.msk [tilespmem:v11+s18+$0x0], $0xffff  }
0x2eb: {  	v4 =	vadd.f32 v5, v4;
	v5 =	vmul.f32 v15, v8;
	v8 =	vld.idx.msk [tilespmem:v11+s17+$0x0], $0xffff;
	v11 =	vor.u32 $0xD, v3  }
0x2ec: {  	v15 =	vld.idx.msk [tilespmem:v10+s18+$0x0], $0xffff  }
0x2ed: {  	v4 =	vadd.f32 v5, v4;
	v5 =	vmul.f32 v14, v7;
	v7 =	vld.idx.msk [tilespmem:v10+s17+$0x0], $0xffff;
	v10 =	vor.u32 $0xE, v3  }
0x2ee: {  	v14 =	vld.idx.msk [tilespmem:v9+s18+$0x0], $0xffff  }
0x2ef: {  	v4 =	vadd.f32 v5, v4;
	v5 =	vmul.f32 v13, v6;
	v6 =	vld.idx.msk [tilespmem:v9+s17+$0x0], $0xffff;
	v9 =	vor.u32 $0xF, v3  }
0x2f0: {  	v13 =	vld.idx.msk [tilespmem:v11+s18+$0x0], $0xffff  }
0x2f1: {  	v4 =	vadd.f32 v5, v4;
	v5 =	vmul.f32 v12, v8;
	v8 =	vld.idx.msk [tilespmem:v11+s17+$0x0], $0xffff;
	v11 =	vor.u32 $0x10, v3  }
0x2f2: {  	v12 =	vld.idx.msk [tilespmem:v10+s18+$0x0], $0xffff  }
0x2f3: {  	v4 =	vadd.f32 v5, v4;
	v5 =	vmul.f32 v15, v7;
	v7 =	vld.idx.msk [tilespmem:v10+s17+$0x0], $0xffff;
	v10 =	vor.u32 $0x11, v3  }
0x2f4: {  	v15 =	vld.idx.msk [tilespmem:v9+s18+$0x0], $0xffff  }
0x2f5: {  	v4 =	vadd.f32 v5, v4;
	v5 =	vmul.f32 v14, v6;
	v6 =	vld.idx.msk [tilespmem:v9+s17+$0x0], $0xffff;
	v9 =	vor.u32 $0x12, v3  }
0x2f6: {  	v14 =	vld.idx.msk [tilespmem:v11+s18+$0x0], $0xffff  }
0x2f7: {  	v4 =	vadd.f32 v5, v4;
	v5 =	vmul.f32 v13, v8;
	v8 =	vld.idx.msk [tilespmem:v11+s17+$0x0], $0xffff;
	v11 =	vor.u32 $0x13, v3  }
0x2f8: {  	v13 =	vld.idx.msk [tilespmem:v10+s18+$0x0], $0xffff  }
0x2f9: {  	v4 =	vadd.f32 v5, v4;
	v5 =	vmul.f32 v12, v7;
	v7 =	vld.idx.msk [tilespmem:v10+s17+$0x0], $0xffff;
	v10 =	vor.u32 $0x14, v3  }
0x2fa: {  	v12 =	vld.idx.msk [tilespmem:v9+s18+$0x0], $0xffff  }
0x2fb: {  	v4 =	vadd.f32 v5, v4;
	v5 =	vmul.f32 v15, v6;
	v6 =	vld.idx.msk [tilespmem:v9+s17+$0x0], $0xffff;
	v9 =	vor.u32 $0x15, v3  }
0x2fc: {  	v15 =	vld.idx.msk [tilespmem:v11+s18+$0x0], $0xffff  }
0x2fd: {  	v4 =	vadd.f32 v5, v4;
	v5 =	vmul.f32 v14, v8;
	v8 =	vld.idx.msk [tilespmem:v11+s17+$0x0], $0xffff;
	v11 =	vor.u32 $0x16, v3  }
0x2fe: {  	v14 =	vld.idx.msk [tilespmem:v10+s18+$0x0], $0xffff  }
0x2ff: {  	v4 =	vadd.f32 v5, v4;
	v5 =	vmul.f32 v13, v7;
	v7 =	vld.idx.msk [tilespmem:v10+s17+$0x0], $0xffff;
	v10 =	vor.u32 $0x17, v3  }
0x300: {  	v13 =	vld.idx.msk [tilespmem:v9+s18+$0x0], $0xffff  }
0x301: {  	v4 =	vadd.f32 v5, v4;
	v5 =	vmul.f32 v12, v6;
	v6 =	vld.idx.msk [tilespmem:v9+s17+$0x0], $0xffff;
	v9 =	vor.u32 $0x18, v3  }
0x302: {  	v12 =	vld.idx.msk [tilespmem:v11+s18+$0x0], $0xffff  }
0x303: {  	v4 =	vadd.f32 v5, v4;
	v5 =	vmul.f32 v15, v8;
	v8 =	vld.idx.msk [tilespmem:v11+s17+$0x0], $0xffff;
	v11 =	vor.u32 $0x19, v3  }
0x304: {  	v15 =	vld.idx.msk [tilespmem:v10+s18+$0x0], $0xffff  }
0x305: {  	v4 =	vadd.f32 v5, v4;
	v5 =	vmul.f32 v14, v7;
	v7 =	vld.idx.msk [tilespmem:v10+s17+$0x0], $0xffff;
	v10 =	vor.u32 $0x1A, v3  }
0x306: {  	v14 =	vld.idx.msk [tilespmem:v9+s18+$0x0], $0xffff  }
0x307: {  	v4 =	vadd.f32 v5, v4;
	v5 =	vmul.f32 v13, v6;
	v6 =	vld.idx.msk [tilespmem:v9+s17+$0x0], $0xffff;
	v9 =	vor.u32 $0x1B, v3  }
0x308: {  	v13 =	vld.idx.msk [tilespmem:v11+s18+$0x0], $0xffff  }
0x309: {  	v4 =	vadd.f32 v5, v4;
	v5 =	vmul.f32 v12, v8;
	v8 =	vld.idx.msk [tilespmem:v11+s17+$0x0], $0xffff;
	v11 =	vor.u32 $0x1C, v3  }
0x30a: {  	v12 =	vld.idx.msk [tilespmem:v10+s18+$0x0], $0xffff  }
0x30b: {  	v4 =	vadd.f32 v5, v4;
	v5 =	vmul.f32 v15, v7;
	v7 =	vld.idx.msk [tilespmem:v10+s17+$0x0], $0xffff;
	v10 =	vor.u32 $0x1D, v3  }
0x30c: {  	v15 =	vld.idx.msk [tilespmem:v9+s18+$0x0], $0xffff  }
0x30d: {  	v4 =	vadd.f32 v5, v4;
	v5 =	vmul.f32 v14, v6;
	v6 =	vld.idx.msk [tilespmem:v9+s17+$0x0], $0xffff;
	v9 =	vor.u32 $0x1E, v3  }
0x30e: {  	v14 =	vld.idx.msk [tilespmem:v11+s18+$0x0], $0xffff  }
0x30f: {  	v3 =	vor.u32 $0x1F, v3;
	v4 =	vadd.f32 v5, v4;
	v5 =	vmul.f32 v13, v8;
	v8 =	vld.idx.msk [tilespmem:v11+s17+$0x0], $0xffff  }
0x310: {  	v11 =	vld.idx.msk [tilespmem:v10+s18+$0x0], $0xffff  }
0x311: {  	v4 =	vadd.f32 v5, v4;
	v5 =	vmul.f32 v12, v7;
	v7 =	vld.idx.msk [tilespmem:v10+s17+$0x0], $0xffff  }
0x312: {  	v10 =	vld.idx.msk [tilespmem:v9+s18+$0x0], $0xffff  }
0x313: {  	v4 =	vadd.f32 v5, v4;
	v5 =	vmul.f32 v15, v6;
	v6 =	vld.idx.msk [tilespmem:v9+s17+$0x0], $0xffff  }
0x314: {  	v9 =	vld.idx.msk [tilespmem:v3+s18+$0x0], $0xffff  }
0x315: {  	v4 =	vadd.f32 v5, v4;
	v5 =	vmul.f32 v14, v8;
	v3 =	vld.idx.msk [tilespmem:v3+s17+$0x0], $0xffff;
	_ =	sdelay $0x1  }
0x316: {  	v4 =	vadd.f32 v5, v4;
	v5 =	vmul.f32 v11, v7;
	_ =	sdelay $0x1  }
0x317: {  	v4 =	vadd.f32 v5, v4;
	v5 =	vmul.f32 v10, v6;
	_ =	sdelay $0x1  }
0x318: {  	v4 =	vadd.f32 v5, v4;
	v3 =	vmul.f32 v9, v3;
	_ =	sdelay $0x1  }
0x319: {  	v3 =	vadd.f32 v3, v4;
	_ =	sdelay $0x1  }
0x31a: {  	v3 =	vmul.f32 v3, v1;
	_ =	sdelay $0x1  }
0x31b: {  	v3 =	vadd.f32 v3, v2;
	_ =	sdelay $0x1  }
0x31c: {  	v3 =	vsub.f32 $0.0e+00, v3;
	_ =	sdelay $0x1  }
0x31d: {  	v3 =	vmul.f32 $1.442695020e+00, v3;
	_ =	sdelay $0x1  }
0x31e: {  	(erf) = vpow2.f32 v3;
	_ =	sdelay $0x8  }
0x31f: {  	v3 =	vpop (erf)  }
0x320: {  	v3 =	vadd.f32 $1.000000000e+00, v3;
	_ =	sdelay $0x1  }
0x321: {  	(erf) = vrcp.f32 v3;
	_ =	sdelay $0x3  }
0x322: {  	v3 =	vmov s2  }
0x323: {  	v3 =	vshll.u32 v3, $0x5  }
0x324: {  	v3 =	vor.u32 v0, v3;
	_ =	sdelay $0x1  }
0x325: {  	v4 =	vor.u32 $0x1, v3  }
0x326: {  	v5 =	vpop (erf)  }
0x327: {  	[tilespmem:s1+$0xFFFFFFF0] =	vst v5;
	v5 =	vor.u32 $0x2, v3  }
0x328: {  	v6 =	vld.idx.msk [tilespmem:v3+s17+$0x0], $0xffff  }
0x329: {  	v8 =	vor.u32 $0x3, v3;
	v7 =	vld.idx.msk [tilespmem:v3+s18+$0x0], $0xffff  }
0x32a: {  	v9 =	vld.idx.msk [tilespmem:v4+s18+$0x0], $0xffff  }
0x32b: {  	v10 =	vor.u32 $0x4, v3;
	v4 =	vld.idx.msk [tilespmem:v4+s17+$0x0], $0xffff  }
0x32c: {  	v11 =	vld.idx.msk [tilespmem:v5+s18+$0x0], $0xffff  }
0x32d: {  	v12 =	vor.u32 $0x5, v3;
	v5 =	vld.idx.msk [tilespmem:v5+s17+$0x0], $0xffff  }
0x32e: {  	v13 =	vld.idx.msk [tilespmem:v8+s18+$0x0], $0xffff  }
0x32f: {  	v6 =	vmul.f32 v7, v6;
	v7 =	vld.idx.msk [tilespmem:v8+s17+$0x0], $0xffff;
	v8 =	vor.u32 $0x6, v3  }
0x330: {  	v14 =	vld.idx.msk [tilespmem:v10+s18+$0x0], $0xffff  }
0x331: {  	v6 =	vadd.f32 $0.0e+00, v6;
	v4 =	vmul.f32 v9, v4;
	v9 =	vld.idx.msk [tilespmem:v10+s17+$0x0], $0xffff;
	v10 =	vor.u32 $0x7, v3  }
0x332: {  	v15 =	vld.idx.msk [tilespmem:v12+s18+$0x0], $0xffff  }
0x333: {  	v4 =	vadd.f32 v4, v6;
	v5 =	vmul.f32 v11, v5;
	v11 =	vor.u32 $0x8, v3;
	v6 =	vld.idx.msk [tilespmem:v12+s17+$0x0], $0xffff  }
0x334: {  	v12 =	vld.idx.msk [tilespmem:v8+s18+$0x0], $0xffff  }
0x335: {  	v4 =	vadd.f32 v5, v4;
	v5 =	vmul.f32 v13, v7;
	v7 =	vld.idx.msk [tilespmem:v8+s17+$0x0], $0xffff;
	v8 =	vor.u32 $0x9, v3  }
0x336: {  	v13 =	vld.idx.msk [tilespmem:v10+s18+$0x0], $0xffff  }
0x337: {  	v4 =	vadd.f32 v5, v4;
	v5 =	vmul.f32 v14, v9;
	v9 =	vld.idx.msk [tilespmem:v10+s17+$0x0], $0xffff;
	v10 =	vor.u32 $0xA, v3  }
0x338: {  	v14 =	vld.idx.msk [tilespmem:v11+s18+$0x0], $0xffff  }
0x339: {  	v4 =	vadd.f32 v5, v4;
	v5 =	vmul.f32 v15, v6;
	v6 =	vld.idx.msk [tilespmem:v11+s17+$0x0], $0xffff;
	v11 =	vor.u32 $0xB, v3  }
0x33a: {  	v15 =	vld.idx.msk [tilespmem:v8+s18+$0x0], $0xffff  }
0x33b: {  	v4 =	vadd.f32 v5, v4;
	v5 =	vmul.f32 v12, v7;
	v7 =	vld.idx.msk [tilespmem:v8+s17+$0x0], $0xffff;
	v8 =	vor.u32 $0xC, v3  }
0x33c: {  	v12 =	vld.idx.msk [tilespmem:v10+s18+$0x0], $0xffff  }
0x33d: {  	v4 =	vadd.f32 v5, v4;
	v5 =	vmul.f32 v13, v9;
	v9 =	vld.idx.msk [tilespmem:v10+s17+$0x0], $0xffff;
	v10 =	vor.u32 $0xD, v3  }
0x33e: {  	v13 =	vld.idx.msk [tilespmem:v11+s18+$0x0], $0xffff  }
0x33f: {  	v4 =	vadd.f32 v5, v4;
	v5 =	vmul.f32 v14, v6;
	v6 =	vld.idx.msk [tilespmem:v11+s17+$0x0], $0xffff;
	v11 =	vor.u32 $0xE, v3  }
0x340: {  	v14 =	vld.idx.msk [tilespmem:v8+s18+$0x0], $0xffff  }
0x341: {  	v4 =	vadd.f32 v5, v4;
	v5 =	vmul.f32 v15, v7;
	v7 =	vld.idx.msk [tilespmem:v8+s17+$0x0], $0xffff;
	v8 =	vor.u32 $0xF, v3  }
0x342: {  	v15 =	vld.idx.msk [tilespmem:v10+s18+$0x0], $0xffff  }
0x343: {  	v4 =	vadd.f32 v5, v4;
	v5 =	vmul.f32 v12, v9;
	v9 =	vld.idx.msk [tilespmem:v10+s17+$0x0], $0xffff;
	v10 =	vor.u32 $0x10, v3  }
0x344: {  	v12 =	vld.idx.msk [tilespmem:v11+s18+$0x0], $0xffff  }
0x345: {  	v4 =	vadd.f32 v5, v4;
	v5 =	vmul.f32 v13, v6;
	v6 =	vld.idx.msk [tilespmem:v11+s17+$0x0], $0xffff;
	v11 =	vor.u32 $0x11, v3  }
0x346: {  	v13 =	vld.idx.msk [tilespmem:v8+s18+$0x0], $0xffff  }
0x347: {  	v4 =	vadd.f32 v5, v4;
	v5 =	vmul.f32 v14, v7;
	v7 =	vld.idx.msk [tilespmem:v8+s17+$0x0], $0xffff;
	v8 =	vor.u32 $0x12, v3  }
0x348: {  	v14 =	vld.idx.msk [tilespmem:v10+s18+$0x0], $0xffff  }
0x349: {  	v4 =	vadd.f32 v5, v4;
	v5 =	vmul.f32 v15, v9;
	v9 =	vld.idx.msk [tilespmem:v10+s17+$0x0], $0xffff;
	v10 =	vor.u32 $0x13, v3  }
0x34a: {  	v15 =	vld.idx.msk [tilespmem:v11+s18+$0x0], $0xffff  }
0x34b: {  	v4 =	vadd.f32 v5, v4;
	v5 =	vmul.f32 v12, v6;
	v6 =	vld.idx.msk [tilespmem:v11+s17+$0x0], $0xffff;
	v11 =	vor.u32 $0x14, v3  }
0x34c: {  	v12 =	vld.idx.msk [tilespmem:v8+s18+$0x0], $0xffff  }
0x34d: {  	v4 =	vadd.f32 v5, v4;
	v5 =	vmul.f32 v13, v7;
	v7 =	vld.idx.msk [tilespmem:v8+s17+$0x0], $0xffff;
	v8 =	vor.u32 $0x15, v3  }
0x34e: {  	v13 =	vld.idx.msk [tilespmem:v10+s18+$0x0], $0xffff  }
0x34f: {  	v4 =	vadd.f32 v5, v4;
	v5 =	vmul.f32 v14, v9;
	v9 =	vld.idx.msk [tilespmem:v10+s17+$0x0], $0xffff;
	v10 =	vor.u32 $0x16, v3  }
0x350: {  	v14 =	vld.idx.msk [tilespmem:v11+s18+$0x0], $0xffff  }
0x351: {  	v4 =	vadd.f32 v5, v4;
	v5 =	vmul.f32 v15, v6;
	v6 =	vld.idx.msk [tilespmem:v11+s17+$0x0], $0xffff;
	v11 =	vor.u32 $0x17, v3  }
0x352: {  	v15 =	vld.idx.msk [tilespmem:v8+s18+$0x0], $0xffff  }
0x353: {  	v4 =	vadd.f32 v5, v4;
	v5 =	vmul.f32 v12, v7;
	v7 =	vld.idx.msk [tilespmem:v8+s17+$0x0], $0xffff;
	v8 =	vor.u32 $0x18, v3  }
0x354: {  	v12 =	vld.idx.msk [tilespmem:v10+s18+$0x0], $0xffff  }
0x355: {  	v4 =	vadd.f32 v5, v4;
	v5 =	vmul.f32 v13, v9;
	v9 =	vld.idx.msk [tilespmem:v10+s17+$0x0], $0xffff;
	v10 =	vor.u32 $0x19, v3  }
0x356: {  	v13 =	vld.idx.msk [tilespmem:v11+s18+$0x0], $0xffff  }
0x357: {  	v4 =	vadd.f32 v5, v4;
	v5 =	vmul.f32 v14, v6;
	v6 =	vld.idx.msk [tilespmem:v11+s17+$0x0], $0xffff;
	v11 =	vor.u32 $0x1A, v3  }
0x358: {  	v14 =	vld.idx.msk [tilespmem:v8+s18+$0x0], $0xffff  }
0x359: {  	v4 =	vadd.f32 v5, v4;
	v5 =	vmul.f32 v15, v7;
	v7 =	vld.idx.msk [tilespmem:v8+s17+$0x0], $0xffff;
	v8 =	vor.u32 $0x1B, v3  }
0x35a: {  	v15 =	vld.idx.msk [tilespmem:v10+s18+$0x0], $0xffff  }
0x35b: {  	v4 =	vadd.f32 v5, v4;
	v5 =	vmul.f32 v12, v9;
	v9 =	vld.idx.msk [tilespmem:v10+s17+$0x0], $0xffff;
	v10 =	vor.u32 $0x1C, v3  }
0x35c: {  	v12 =	vld.idx.msk [tilespmem:v11+s18+$0x0], $0xffff  }
0x35d: {  	v4 =	vadd.f32 v5, v4;
	v5 =	vmul.f32 v13, v6;
	v6 =	vld.idx.msk [tilespmem:v11+s17+$0x0], $0xffff;
	v11 =	vor.u32 $0x1D, v3  }
0x35e: {  	v13 =	vld.idx.msk [tilespmem:v8+s18+$0x0], $0xffff  }
0x35f: {  	v4 =	vadd.f32 v5, v4;
	v5 =	vmul.f32 v14, v7;
	v7 =	vld.idx.msk [tilespmem:v8+s17+$0x0], $0xffff;
	v8 =	vor.u32 $0x1E, v3  }
0x360: {  	v14 =	vld.idx.msk [tilespmem:v10+s18+$0x0], $0xffff  }
0x361: {  	v3 =	vor.u32 $0x1F, v3;
	v4 =	vadd.f32 v5, v4;
	v5 =	vmul.f32 v15, v9;
	v9 =	vld.idx.msk [tilespmem:v10+s17+$0x0], $0xffff  }
0x362: {  	v10 =	vld.idx.msk [tilespmem:v11+s18+$0x0], $0xffff  }
0x363: {  	v4 =	vadd.f32 v5, v4;
	v5 =	vmul.f32 v12, v6;
	v6 =	vld.idx.msk [tilespmem:v11+s17+$0x0], $0xffff  }
0x364: {  	v11 =	vld.idx.msk [tilespmem:v8+s18+$0x0], $0xffff  }
0x365: {  	v4 =	vadd.f32 v5, v4;
	v5 =	vmul.f32 v13, v7;
	v7 =	vld.idx.msk [tilespmem:v8+s17+$0x0], $0xffff  }
0x366: {  	v8 =	vld.idx.msk [tilespmem:v3+s18+$0x0], $0xffff  }
0x367: {  	v4 =	vadd.f32 v5, v4;
	v5 =	vmul.f32 v14, v9;
	v3 =	vld.idx.msk [tilespmem:v3+s17+$0x0], $0xffff;
	_ =	sdelay $0x1  }
0x368: {  	v4 =	vadd.f32 v5, v4;
	v5 =	vmul.f32 v10, v6;
	_ =	sdelay $0x1  }
0x369: {  	v4 =	vadd.f32 v5, v4;
	v5 =	vmul.f32 v11, v7;
	_ =	sdelay $0x1  }
0x36a: {  	v4 =	vadd.f32 v5, v4;
	v3 =	vmul.f32 v8, v3;
	_ =	sdelay $0x1  }
0x36b: {  	v3 =	vadd.f32 v3, v4;
	_ =	sdelay $0x1  }
0x36c: {  	v3 =	vmul.f32 v3, v1;
	_ =	sdelay $0x1  }
0x36d: {  	v3 =	vadd.f32 v3, v2;
	_ =	sdelay $0x1  }
0x36e: {  	v3 =	vsub.f32 $0.0e+00, v3;
	_ =	sdelay $0x1  }
0x36f: {  	v3 =	vmul.f32 $1.442695020e+00, v3;
	_ =	sdelay $0x1  }
0x370: {  	(erf) = vpow2.f32 v3;
	_ =	sdelay $0x8  }
0x371: {  	v3 =	vpop (erf)  }
0x372: {  	v3 =	vadd.f32 $1.000000000e+00, v3;
	_ =	sdelay $0x1  }
.Ltmp1:
0x373: {  	s2 =	sadd.s32 $0x20, s2;
	(erf) = vrcp.f32 v3;
	(pc) =	sbr.rel @p0 .LBB2_4-.Ltmp1, $4  }
0x374: {  	s19 =	sadd.s32 $0xFFFFFFF0, s2  }
0x375: {  	v3 =	vmov s19  }
0x376: {  	v3 =	vshll.u32 v3, $0x5  }
0x377: {  	v3 =	vor.u32 v0, v3  }
0x378: {  	_ =	sdelay $0x2  }
0x379: {  	v4 =	vor.u32 $0x1, v3  }
0x37a: {  	v5 =	vpop (erf)  }
0x37b: {  	v6 =	vor.u32 $0x2, v3;
	[tilespmem:s14+$0x0] =	vst v5  }
0x37c: {  	v5 =	vld.idx.msk [tilespmem:v3+s18+$0x0], $0xffff  }
0x37d: {  	v7 =	vor.u32 $0x3, v3;
	v8 =	vld.idx.msk [tilespmem:v3+s17+$0x0], $0xffff  }
0x37e: {  	v9 =	vld.idx.msk [tilespmem:v4+s17+$0x0], $0xffff  }
0x37f: {  	v10 =	vor.u32 $0x4, v3;
	v4 =	vld.idx.msk [tilespmem:v4+s18+$0x0], $0xffff  }
0x380: {  	v11 =	vld.idx.msk [tilespmem:v6+s17+$0x0], $0xffff  }
0x381: {  	v12 =	vor.u32 $0x5, v3;
	v6 =	vld.idx.msk [tilespmem:v6+s18+$0x0], $0xffff  }
0x382: {  	v13 =	vld.idx.msk [tilespmem:v7+s17+$0x0], $0xffff;
	v5 =	vmul.f32 v5, v8  }
0x383: {  	v47 =	vor.u32 $0x6, v3;
	v7 =	vld.idx.msk [tilespmem:v7+s18+$0x0], $0xffff  }
0x384: {  	v14 =	vld.idx.msk [tilespmem:v10+s17+$0x0], $0xffff;
	v4 =	vmul.f32 v4, v9;
	v5 =	vadd.f32 $0.0e+00, v5  }
0x385: {  	v49 =	vor.u32 $0x7, v3;
	v48 =	vld.idx.msk [tilespmem:v10+s18+$0x0], $0xffff  }
0x386: {  	v50 =	vld.idx.msk [tilespmem:v12+s18+$0x0], $0xffff;
	v6 =	vmul.f32 v6, v11;
	v4 =	vadd.f32 v4, v5  }
0x387: {  	v51 =	vor.u32 $0x8, v3;
	v5 =	vld.idx.msk [tilespmem:v12+s17+$0x0], $0xffff  }
0x388: {  	v52 =	vld.idx.msk [tilespmem:v47+s18+$0x0], $0xffff;
	v7 =	vmul.f32 v7, v13;
	v4 =	vadd.f32 v6, v4  }
0x389: {  	v54 =	vor.u32 $0x9, v3;
	v53 =	vld.idx.msk [tilespmem:v47+s17+$0x0], $0xffff  }
0x38a: {  	v15 =	vld.idx.msk [tilespmem:v49+s18+$0x0], $0xffff;
	v55 =	vmul.f32 v48, v14;
	v4 =	vadd.f32 v7, v4  }
0x38b: {  	v57 =	vor.u32 $0xA, v3;
	v56 =	vld.idx.msk [tilespmem:v49+s17+$0x0], $0xffff  }
0x38c: {  	v58 =	vld.idx.msk [tilespmem:v51+s18+$0x0], $0xffff;
	v5 =	vmul.f32 v50, v5;
	v4 =	vadd.f32 v55, v4  }
0x38d: {  	v60 =	vor.u32 $0xB, v3;
	v59 =	vld.idx.msk [tilespmem:v51+s17+$0x0], $0xffff  }
0x38e: {  	v61 =	vld.idx.msk [tilespmem:v54+s18+$0x0], $0xffff;
	v4 =	vadd.f32 v5, v4;
	v5 =	vmul.f32 v52, v53  }
0x38f: {  	v63 =	vor.u32 $0xC, v3;
	v62 =	vld.idx.msk [tilespmem:v54+s17+$0x0], $0xffff  }
0x390: {  	v18 =	vld.idx.msk [tilespmem:v57+s18+$0x0], $0xffff;
	v4 =	vadd.f32 v5, v4;
	v5 =	vmul.f32 v15, v56  }
0x391: {  	v20 =	vor.u32 $0xD, v3;
	v19 =	vld.idx.msk [tilespmem:v57+s17+$0x0], $0xffff  }
0x392: {  	v21 =	vld.idx.msk [tilespmem:v60+s18+$0x0], $0xffff;
	v4 =	vadd.f32 v5, v4;
	v5 =	vmul.f32 v58, v59  }
0x393: {  	v23 =	vor.u32 $0xE, v3;
	v22 =	vld.idx.msk [tilespmem:v60+s17+$0x0], $0xffff  }
0x394: {  	v24 =	vld.idx.msk [tilespmem:v63+s18+$0x0], $0xffff;
	v4 =	vadd.f32 v5, v4;
	v5 =	vmul.f32 v61, v62  }
0x395: {  	v26 =	vor.u32 $0xF, v3;
	v25 =	vld.idx.msk [tilespmem:v63+s17+$0x0], $0xffff  }
0x396: {  	v27 =	vld.idx.msk [tilespmem:v20+s18+$0x0], $0xffff;
	v4 =	vadd.f32 v5, v4;
	v5 =	vmul.f32 v18, v19  }
0x397: {  	v29 =	vor.u32 $0x10, v3;
	v28 =	vld.idx.msk [tilespmem:v20+s17+$0x0], $0xffff  }
0x398: {  	v30 =	vld.idx.msk [tilespmem:v23+s18+$0x0], $0xffff;
	v4 =	vadd.f32 v5, v4;
	v5 =	vmul.f32 v21, v22  }
0x399: {  	v32 =	vor.u32 $0x11, v3;
	v31 =	vld.idx.msk [tilespmem:v23+s17+$0x0], $0xffff  }
0x39a: {  	v33 =	vld.idx.msk [tilespmem:v26+s18+$0x0], $0xffff;
	v4 =	vadd.f32 v5, v4;
	v5 =	vmul.f32 v24, v25  }
0x39b: {  	v35 =	vor.u32 $0x12, v3;
	v34 =	vld.idx.msk [tilespmem:v26+s17+$0x0], $0xffff  }
0x39c: {  	v36 =	vld.idx.msk [tilespmem:v29+s18+$0x0], $0xffff;
	v4 =	vadd.f32 v5, v4;
	v5 =	vmul.f32 v27, v28  }
0x39d: {  	v38 =	vor.u32 $0x13, v3;
	v37 =	vld.idx.msk [tilespmem:v29+s17+$0x0], $0xffff  }
0x39e: {  	v39 =	vld.idx.msk [tilespmem:v32+s18+$0x0], $0xffff;
	v4 =	vadd.f32 v5, v4;
	v5 =	vmul.f32 v30, v31  }
0x39f: {  	v41 =	vor.u32 $0x14, v3;
	v40 =	vld.idx.msk [tilespmem:v32+s17+$0x0], $0xffff  }
0x3a0: {  	v42 =	vld.idx.msk [tilespmem:v35+s18+$0x0], $0xffff;
	v4 =	vadd.f32 v5, v4;
	v5 =	vmul.f32 v33, v34  }
0x3a1: {  	v44 =	vor.u32 $0x15, v3;
	v43 =	vld.idx.msk [tilespmem:v35+s17+$0x0], $0xffff  }
0x3a2: {  	v45 =	vld.idx.msk [tilespmem:v38+s18+$0x0], $0xffff;
	v4 =	vadd.f32 v5, v4;
	v5 =	vmul.f32 v36, v37  }
0x3a3: {  	v46 =	vld.idx.msk [tilespmem:v38+s17+$0x0], $0xffff;
	v47 =	vor.u32 $0x16, v3  }
0x3a4: {  	v49 =	vld.idx.msk [tilespmem:v41+s17+$0x0], $0xffff;
	v4 =	vadd.f32 v5, v4;
	v5 =	vmul.f32 v39, v40  }
0x3a5: {  	v48 =	vld.idx.msk [tilespmem:v41+s18+$0x0], $0xffff;
	v50 =	vor.u32 $0x17, v3  }
0x3a6: {  	v51 =	vld.idx.msk [tilespmem:v44+s18+$0x0], $0xffff;
	v4 =	vadd.f32 v5, v4;
	v5 =	vmul.f32 v42, v43  }
0x3a7: {  	v52 =	vld.idx.msk [tilespmem:v44+s17+$0x0], $0xffff;
	v53 =	vor.u32 $0x18, v3  }
0x3a8: {  	v54 =	vld.idx.msk [tilespmem:v47+s18+$0x0], $0xffff;
	v4 =	vadd.f32 v5, v4;
	v5 =	vmul.f32 v45, v46  }
0x3a9: {  	v55 =	vld.idx.msk [tilespmem:v47+s17+$0x0], $0xffff;
	v56 =	vor.u32 $0x19, v3  }
0x3aa: {  	v57 =	vld.idx.msk [tilespmem:v50+s18+$0x0], $0xffff;
	v4 =	vadd.f32 v5, v4;
	v5 =	vmul.f32 v48, v49  }
0x3ab: {  	v58 =	vld.idx.msk [tilespmem:v50+s17+$0x0], $0xffff;
	v59 =	vor.u32 $0x1A, v3  }
0x3ac: {  	v60 =	vld.idx.msk [tilespmem:v53+s18+$0x0], $0xffff;
	v4 =	vadd.f32 v5, v4;
	v5 =	vmul.f32 v51, v52  }
0x3ad: {  	v61 =	vld.idx.msk [tilespmem:v53+s17+$0x0], $0xffff;
	v62 =	vor.u32 $0x1B, v3  }
0x3ae: {  	v63 =	vld.idx.msk [tilespmem:v56+s18+$0x0], $0xffff;
	v4 =	vadd.f32 v5, v4;
	v5 =	vmul.f32 v54, v55  }
0x3af: {  	v18 =	vld.idx.msk [tilespmem:v56+s17+$0x0], $0xffff;
	v19 =	vor.u32 $0x1C, v3  }
0x3b0: {  	v20 =	vld.idx.msk [tilespmem:v59+s18+$0x0], $0xffff;
	v4 =	vadd.f32 v5, v4;
	v5 =	vmul.f32 v57, v58  }
0x3b1: {  	v21 =	vld.idx.msk [tilespmem:v59+s17+$0x0], $0xffff;
	v22 =	vor.u32 $0x1D, v3  }
0x3b2: {  	v23 =	vld.idx.msk [tilespmem:v62+s18+$0x0], $0xffff;
	v4 =	vadd.f32 v5, v4;
	v5 =	vmul.f32 v60, v61  }
0x3b3: {  	v24 =	vld.idx.msk [tilespmem:v62+s17+$0x0], $0xffff;
	v25 =	vor.u32 $0x1E, v3  }
0x3b4: {  	v26 =	vld.idx.msk [tilespmem:v19+s18+$0x0], $0xffff;
	v4 =	vadd.f32 v5, v4;
	v5 =	vmul.f32 v63, v18  }
0x3b5: {  	v3 =	vor.u32 $0x1F, v3;
	v27 =	vld.idx.msk [tilespmem:v19+s17+$0x0], $0xffff  }
0x3b6: {  	v28 =	vld.idx.msk [tilespmem:v22+s18+$0x0], $0xffff;
	v4 =	vadd.f32 v5, v4;
	v5 =	vmul.f32 v20, v21  }
0x3b7: {  	v29 =	vld.idx.msk [tilespmem:v22+s17+$0x0], $0xffff  }
0x3b8: {  	v30 =	vld.idx.msk [tilespmem:v25+s18+$0x0], $0xffff;
	v4 =	vadd.f32 v5, v4;
	v5 =	vmul.f32 v23, v24  }
0x3b9: {  	v31 =	vld.idx.msk [tilespmem:v25+s17+$0x0], $0xffff  }
0x3ba: {  	v32 =	vld.idx.msk [tilespmem:v3+s18+$0x0], $0xffff;
	v4 =	vadd.f32 v5, v4;
	v5 =	vmul.f32 v26, v27  }
0x3bb: {  	v3 =	vld.idx.msk [tilespmem:v3+s17+$0x0], $0xffff  }
0x3bc: {  	v4 =	vadd.f32 v5, v4;
	v5 =	vmul.f32 v28, v29;
	_ =	sdelay $0x1  }
0x3bd: {  	v4 =	vadd.f32 v5, v4;
	v5 =	vmul.f32 v30, v31;
	_ =	sdelay $0x1  }
0x3be: {  	v3 =	vmul.f32 v32, v3;
	v4 =	vadd.f32 v5, v4;
	_ =	sdelay $0x1  }
0x3bf: {  	v3 =	vadd.f32 v3, v4;
	_ =	sdelay $0x1  }
0x3c0: {  	v3 =	vmul.f32 v3, v1;
	_ =	sdelay $0x1  }
0x3c1: {  	v3 =	vadd.f32 v3, v2;
	_ =	sdelay $0x1  }
0x3c2: {  	v3 =	vsub.f32 $0.0e+00, v3;
	_ =	sdelay $0x1  }
0x3c3: {  	v3 =	vmul.f32 $1.442695020e+00, v3;
	_ =	sdelay $0x1  }
0x3c4: {  	(erf) = vpow2.f32 v3;
	_ =	sdelay $0x8  }
0x3c5: {  	v3 =	vpop (erf)  }
0x3c6: {  	v3 =	vadd.f32 $1.000000000e+00, v3;
	_ =	sdelay $0x1  }
0x3c7: {  	(erf) = vrcp.f32 v3;
	_ =	sdelay $0x3  }
0x3c8: {  	v3 =	vmov s2  }
0x3c9: {  	v3 =	vshll.u32 v3, $0x5  }
0x3ca: {  	v3 =	vor.u32 v0, v3;
	_ =	sdelay $0x1  }
0x3cb: {  	v4 =	vor.u32 $0x1, v3  }
0x3cc: {  	s1 =	sadd.s32 $0x20, s1;
	v5 =	vpop (erf)  }
0x3cd: {  	[tilespmem:s1+$0xFFFFFFF0] =	vst v5;
	v5 =	vor.u32 $0x2, v3  }
0x3ce: {  	v33 =	vld.idx.msk [tilespmem:v3+s17+$0x0], $0xffff  }
0x3cf: {  	v35 =	vor.u32 $0x3, v3;
	v34 =	vld.idx.msk [tilespmem:v3+s18+$0x0], $0xffff  }
0x3d0: {  	v36 =	vld.idx.msk [tilespmem:v4+s18+$0x0], $0xffff  }
0x3d1: {  	v37 =	vor.u32 $0x4, v3;
	v4 =	vld.idx.msk [tilespmem:v4+s17+$0x0], $0xffff  }
0x3d2: {  	v38 =	vld.idx.msk [tilespmem:v5+s18+$0x0], $0xffff  }
0x3d3: {  	v39 =	vor.u32 $0x5, v3;
	v5 =	vld.idx.msk [tilespmem:v5+s17+$0x0], $0xffff  }
0x3d4: {  	v40 =	vld.idx.msk [tilespmem:v35+s18+$0x0], $0xffff;
	v6 =	vmul.f32 v34, v33  }
0x3d5: {  	v42 =	vor.u32 $0x6, v3;
	v41 =	vld.idx.msk [tilespmem:v35+s17+$0x0], $0xffff  }
0x3d6: {  	v43 =	vld.idx.msk [tilespmem:v37+s18+$0x0], $0xffff;
	v4 =	vmul.f32 v36, v4;
	v6 =	vadd.f32 $0.0e+00, v6  }
0x3d7: {  	v45 =	vor.u32 $0x7, v3;
	v44 =	vld.idx.msk [tilespmem:v37+s17+$0x0], $0xffff  }
0x3d8: {  	v46 =	vld.idx.msk [tilespmem:v39+s18+$0x0], $0xffff;
	v4 =	vadd.f32 v4, v6;
	v5 =	vmul.f32 v38, v5  }
0x3d9: {  	v48 =	vor.u32 $0x8, v3;
	v47 =	vld.idx.msk [tilespmem:v39+s17+$0x0], $0xffff  }
0x3da: {  	v49 =	vld.idx.msk [tilespmem:v42+s18+$0x0], $0xffff;
	v4 =	vadd.f32 v5, v4;
	v5 =	vmul.f32 v40, v41  }
0x3db: {  	v51 =	vor.u32 $0x9, v3;
	v50 =	vld.idx.msk [tilespmem:v42+s17+$0x0], $0xffff  }
0x3dc: {  	v52 =	vld.idx.msk [tilespmem:v45+s18+$0x0], $0xffff;
	v4 =	vadd.f32 v5, v4;
	v5 =	vmul.f32 v43, v44  }
0x3dd: {  	v54 =	vor.u32 $0xA, v3;
	v53 =	vld.idx.msk [tilespmem:v45+s17+$0x0], $0xffff  }
0x3de: {  	v55 =	vld.idx.msk [tilespmem:v48+s18+$0x0], $0xffff;
	v4 =	vadd.f32 v5, v4;
	v5 =	vmul.f32 v46, v47  }
0x3df: {  	v57 =	vor.u32 $0xB, v3;
	v56 =	vld.idx.msk [tilespmem:v48+s17+$0x0], $0xffff  }
0x3e0: {  	v58 =	vld.idx.msk [tilespmem:v51+s18+$0x0], $0xffff;
	v4 =	vadd.f32 v5, v4;
	v5 =	vmul.f32 v49, v50  }
0x3e1: {  	v60 =	vor.u32 $0xC, v3;
	v59 =	vld.idx.msk [tilespmem:v51+s17+$0x0], $0xffff  }
0x3e2: {  	v61 =	vld.idx.msk [tilespmem:v54+s18+$0x0], $0xffff;
	v4 =	vadd.f32 v5, v4;
	v5 =	vmul.f32 v52, v53  }
0x3e3: {  	v63 =	vor.u32 $0xD, v3;
	v62 =	vld.idx.msk [tilespmem:v54+s17+$0x0], $0xffff  }
0x3e4: {  	v18 =	vld.idx.msk [tilespmem:v57+s18+$0x0], $0xffff;
	v4 =	vadd.f32 v5, v4;
	v5 =	vmul.f32 v55, v56  }
0x3e5: {  	v20 =	vor.u32 $0xE, v3;
	v19 =	vld.idx.msk [tilespmem:v57+s17+$0x0], $0xffff  }
0x3e6: {  	v21 =	vld.idx.msk [tilespmem:v60+s18+$0x0], $0xffff;
	v4 =	vadd.f32 v5, v4;
	v5 =	vmul.f32 v58, v59  }
0x3e7: {  	v23 =	vor.u32 $0xF, v3;
	v22 =	vld.idx.msk [tilespmem:v60+s17+$0x0], $0xffff  }
0x3e8: {  	v24 =	vld.idx.msk [tilespmem:v63+s18+$0x0], $0xffff;
	v4 =	vadd.f32 v5, v4;
	v5 =	vmul.f32 v61, v62  }
0x3e9: {  	v26 =	vor.u32 $0x10, v3;
	v25 =	vld.idx.msk [tilespmem:v63+s17+$0x0], $0xffff  }
0x3ea: {  	v27 =	vld.idx.msk [tilespmem:v20+s18+$0x0], $0xffff;
	v4 =	vadd.f32 v5, v4;
	v5 =	vmul.f32 v18, v19  }
0x3eb: {  	v29 =	vor.u32 $0x11, v3;
	v28 =	vld.idx.msk [tilespmem:v20+s17+$0x0], $0xffff  }
0x3ec: {  	v30 =	vld.idx.msk [tilespmem:v23+s18+$0x0], $0xffff;
	v4 =	vadd.f32 v5, v4;
	v5 =	vmul.f32 v21, v22  }
0x3ed: {  	v32 =	vor.u32 $0x12, v3;
	v31 =	vld.idx.msk [tilespmem:v23+s17+$0x0], $0xffff  }
0x3ee: {  	v33 =	vld.idx.msk [tilespmem:v26+s18+$0x0], $0xffff;
	v4 =	vadd.f32 v5, v4;
	v5 =	vmul.f32 v24, v25  }
0x3ef: {  	v35 =	vor.u32 $0x13, v3;
	v34 =	vld.idx.msk [tilespmem:v26+s17+$0x0], $0xffff  }
0x3f0: {  	v37 =	vld.idx.msk [tilespmem:v29+s17+$0x0], $0xffff;
	v4 =	vadd.f32 v5, v4;
	v5 =	vmul.f32 v27, v28  }
0x3f1: {  	v36 =	vld.idx.msk [tilespmem:v29+s18+$0x0], $0xffff;
	v38 =	vor.u32 $0x14, v3  }
0x3f2: {  	v39 =	vld.idx.msk [tilespmem:v32+s18+$0x0], $0xffff;
	v4 =	vadd.f32 v5, v4;
	v5 =	vmul.f32 v30, v31  }
0x3f3: {  	v40 =	vld.idx.msk [tilespmem:v32+s17+$0x0], $0xffff;
	v41 =	vor.u32 $0x15, v3  }
0x3f4: {  	v42 =	vld.idx.msk [tilespmem:v35+s18+$0x0], $0xffff;
	v4 =	vadd.f32 v5, v4;
	v5 =	vmul.f32 v33, v34  }
0x3f5: {  	v43 =	vld.idx.msk [tilespmem:v35+s17+$0x0], $0xffff;
	v44 =	vor.u32 $0x16, v3  }
0x3f6: {  	v45 =	vld.idx.msk [tilespmem:v38+s18+$0x0], $0xffff;
	v4 =	vadd.f32 v5, v4;
	v5 =	vmul.f32 v36, v37  }
0x3f7: {  	v46 =	vld.idx.msk [tilespmem:v38+s17+$0x0], $0xffff;
	v47 =	vor.u32 $0x17, v3  }
0x3f8: {  	v48 =	vld.idx.msk [tilespmem:v41+s18+$0x0], $0xffff;
	v4 =	vadd.f32 v5, v4;
	v5 =	vmul.f32 v39, v40  }
0x3f9: {  	v49 =	vld.idx.msk [tilespmem:v41+s17+$0x0], $0xffff;
	v50 =	vor.u32 $0x18, v3  }
0x3fa: {  	v51 =	vld.idx.msk [tilespmem:v44+s18+$0x0], $0xffff;
	v4 =	vadd.f32 v5, v4;
	v5 =	vmul.f32 v42, v43  }
0x3fb: {  	v52 =	vld.idx.msk [tilespmem:v44+s17+$0x0], $0xffff;
	v53 =	vor.u32 $0x19, v3  }
0x3fc: {  	v54 =	vld.idx.msk [tilespmem:v47+s18+$0x0], $0xffff;
	v4 =	vadd.f32 v5, v4;
	v5 =	vmul.f32 v45, v46  }
0x3fd: {  	v55 =	vld.idx.msk [tilespmem:v47+s17+$0x0], $0xffff;
	v56 =	vor.u32 $0x1A, v3  }
0x3fe: {  	v57 =	vld.idx.msk [tilespmem:v50+s18+$0x0], $0xffff;
	v4 =	vadd.f32 v5, v4;
	v5 =	vmul.f32 v48, v49  }
0x3ff: {  	v58 =	vld.idx.msk [tilespmem:v50+s17+$0x0], $0xffff;
	v59 =	vor.u32 $0x1B, v3  }
0x400: {  	v60 =	vld.idx.msk [tilespmem:v53+s18+$0x0], $0xffff;
	v4 =	vadd.f32 v5, v4;
	v5 =	vmul.f32 v51, v52  }
0x401: {  	v61 =	vld.idx.msk [tilespmem:v53+s17+$0x0], $0xffff;
	v62 =	vor.u32 $0x1C, v3  }
0x402: {  	v63 =	vld.idx.msk [tilespmem:v56+s18+$0x0], $0xffff;
	v4 =	vadd.f32 v5, v4;
	v5 =	vmul.f32 v54, v55  }
0x403: {  	v17 =	vor.u32 $0x1D, v3;
	v16 =	vld.idx.msk [tilespmem:v56+s17+$0x0], $0xffff  }
0x404: {  	v18 =	vld.idx.msk [tilespmem:v59+s18+$0x0], $0xffff;
	v4 =	vadd.f32 v5, v4;
	v5 =	vmul.f32 v57, v58  }
0x405: {  	v20 =	vor.u32 $0x1E, v3;
	v19 =	vld.idx.msk [tilespmem:v59+s17+$0x0], $0xffff  }
0x406: {  	v21 =	vld.idx.msk [tilespmem:v62+s18+$0x0], $0xffff;
	v4 =	vadd.f32 v5, v4;
	v5 =	vmul.f32 v60, v61  }
0x407: {  	v3 =	vor.u32 $0x1F, v3;
	v22 =	vld.idx.msk [tilespmem:v62+s17+$0x0], $0xffff  }
0x408: {  	v23 =	vld.idx.msk [tilespmem:v17+s18+$0x0], $0xffff;
	v4 =	vadd.f32 v5, v4;
	v5 =	vmul.f32 v63, v16  }
0x409: {  	v24 =	vld.idx.msk [tilespmem:v17+s17+$0x0], $0xffff  }
0x40a: {  	v26 =	vld.idx.msk [tilespmem:v20+s17+$0x0], $0xffff;
	v4 =	vadd.f32 v5, v4;
	v5 =	vmul.f32 v18, v19  }
0x40b: {  	v25 =	vld.idx.msk [tilespmem:v20+s18+$0x0], $0xffff  }
0x40c: {  	v27 =	vld.idx.msk [tilespmem:v3+s18+$0x0], $0xffff;
	v4 =	vadd.f32 v5, v4;
	v5 =	vmul.f32 v21, v22  }
0x40d: {  	v3 =	vld.idx.msk [tilespmem:v3+s17+$0x0], $0xffff  }
0x40e: {  	v4 =	vadd.f32 v5, v4;
	v5 =	vmul.f32 v23, v24;
	_ =	sdelay $0x1  }
0x40f: {  	v4 =	vadd.f32 v5, v4;
	v5 =	vmul.f32 v25, v26;
	_ =	sdelay $0x1  }
0x410: {  	v3 =	vmul.f32 v27, v3;
	v4 =	vadd.f32 v5, v4;
	_ =	sdelay $0x1  }
0x411: {  	v3 =	vadd.f32 v3, v4;
	_ =	sdelay $0x1  }
0x412: {  	v3 =	vmul.f32 v3, v1;
	_ =	sdelay $0x1  }
0x413: {  	v3 =	vadd.f32 v3, v2;
	_ =	sdelay $0x1  }
0x414: {  	v3 =	vsub.f32 $0.0e+00, v3;
	_ =	sdelay $0x1  }
0x415: {  	v3 =	vmul.f32 $1.442695020e+00, v3;
	_ =	sdelay $0x1  }
0x416: {  	(erf) = vpow2.f32 v3;
	_ =	sdelay $0x8  }
0x417: {  	v3 =	vpop (erf)  }
0x418: {  	v3 =	vadd.f32 $1.000000000e+00, v3;
	_ =	sdelay $0x1  }
0x419: {  	(erf) = vrcp.f32 v3;
	_ =	sdelay $0x8  }
0x41a: {  	s12 =	simm.s32 $0x100;
	v3 =	vpop (erf)  }
0x41b: {  	[tilespmem:s1+$0x0] =	vst v3;
	v3 =	vmov s12  }
0x41c: {  	_ =	swait.ge [sflag:s31], $0x1000;
	v3 =	vshll.u32 v3, $0x5  }
0x41d: {  	[sflag:s31] =	ssyncset.done $0x0;
	v3 =	vor.u32 v0, v3  }
0x41e: {  	[sflag:s31] =	ssyncadd.s32 $0xFFFFF000  }
0x41f: {  	v4 =	vor.u32 $0x1, v3;
	_ =	swait.ge [sflag:s31], $0x1000  }
0x420: {  	[sflag:s31] =	ssyncset.done $0x0  }
0x421: {  	v5 =	vor.u32 $0x2, v3;
	[sflag:s31] =	ssyncadd.s32 $0xFFFFF000  }
0x422: {  	v28 =	vld.idx.msk [tilespmem:v3+s18+$0x0], $0xffff  }
0x423: {  	v29 =	vor.u32 $0x3, v3;
	v30 =	vld.idx.msk [tilespmem:v3+s17+$0x0], $0xffff  }
0x424: {  	v31 =	vld.idx.msk [tilespmem:v4+s17+$0x0], $0xffff  }
0x425: {  	v32 =	vor.u32 $0x4, v3;
	v4 =	vld.idx.msk [tilespmem:v4+s18+$0x0], $0xffff  }
0x426: {  	v33 =	vld.idx.msk [tilespmem:v5+s17+$0x0], $0xffff  }
0x427: {  	v34 =	vor.u32 $0x5, v3;
	v5 =	vld.idx.msk [tilespmem:v5+s18+$0x0], $0xffff  }
0x428: {  	v35 =	vld.idx.msk [tilespmem:v29+s17+$0x0], $0xffff;
	v6 =	vmul.f32 v28, v30  }
0x429: {  	v36 =	vor.u32 $0x6, v3;
	v7 =	vld.idx.msk [tilespmem:v29+s18+$0x0], $0xffff  }
0x42a: {  	v37 =	vld.idx.msk [tilespmem:v32+s17+$0x0], $0xffff;
	v4 =	vmul.f32 v4, v31;
	v6 =	vadd.f32 $0.0e+00, v6  }
0x42b: {  	v39 =	vor.u32 $0x7, v3;
	v38 =	vld.idx.msk [tilespmem:v32+s18+$0x0], $0xffff  }
0x42c: {  	v40 =	vld.idx.msk [tilespmem:v34+s18+$0x0], $0xffff;
	v5 =	vmul.f32 v5, v33;
	v4 =	vadd.f32 v4, v6  }
0x42d: {  	v42 =	vor.u32 $0x8, v3;
	v41 =	vld.idx.msk [tilespmem:v34+s17+$0x0], $0xffff  }
0x42e: {  	v43 =	vld.idx.msk [tilespmem:v36+s18+$0x0], $0xffff;
	v7 =	vmul.f32 v7, v35;
	v4 =	vadd.f32 v5, v4  }
0x42f: {  	v44 =	vor.u32 $0x9, v3;
	v5 =	vld.idx.msk [tilespmem:v36+s17+$0x0], $0xffff  }
0x430: {  	v45 =	vld.idx.msk [tilespmem:v39+s18+$0x0], $0xffff;
	v46 =	vmul.f32 v38, v37;
	v4 =	vadd.f32 v7, v4  }
0x431: {  	v48 =	vor.u32 $0xA, v3;
	v47 =	vld.idx.msk [tilespmem:v39+s17+$0x0], $0xffff  }
0x432: {  	v49 =	vld.idx.msk [tilespmem:v42+s18+$0x0], $0xffff;
	v6 =	vmul.f32 v40, v41;
	v4 =	vadd.f32 v46, v4  }
0x433: {  	v51 =	vor.u32 $0xB, v3;
	v50 =	vld.idx.msk [tilespmem:v42+s17+$0x0], $0xffff  }
0x434: {  	v52 =	vld.idx.msk [tilespmem:v44+s18+$0x0], $0xffff;
	v5 =	vmul.f32 v43, v5;
	v4 =	vadd.f32 v6, v4  }
0x435: {  	v54 =	vor.u32 $0xC, v3;
	v53 =	vld.idx.msk [tilespmem:v44+s17+$0x0], $0xffff  }
0x436: {  	v55 =	vld.idx.msk [tilespmem:v48+s18+$0x0], $0xffff;
	v4 =	vadd.f32 v5, v4;
	v5 =	vmul.f32 v45, v47  }
0x437: {  	v57 =	vor.u32 $0xD, v3;
	v56 =	vld.idx.msk [tilespmem:v48+s17+$0x0], $0xffff  }
0x438: {  	v58 =	vld.idx.msk [tilespmem:v51+s18+$0x0], $0xffff;
	v4 =	vadd.f32 v5, v4;
	v5 =	vmul.f32 v49, v50  }
0x439: {  	v60 =	vor.u32 $0xE, v3;
	v59 =	vld.idx.msk [tilespmem:v51+s17+$0x0], $0xffff  }
0x43a: {  	v61 =	vld.idx.msk [tilespmem:v54+s18+$0x0], $0xffff;
	v4 =	vadd.f32 v5, v4;
	v5 =	vmul.f32 v52, v53  }
0x43b: {  	v63 =	vor.u32 $0xF, v3;
	v62 =	vld.idx.msk [tilespmem:v54+s17+$0x0], $0xffff  }
0x43c: {  	v18 =	vld.idx.msk [tilespmem:v57+s18+$0x0], $0xffff;
	v4 =	vadd.f32 v5, v4;
	v5 =	vmul.f32 v55, v56  }
0x43d: {  	v20 =	vor.u32 $0x10, v3;
	v19 =	vld.idx.msk [tilespmem:v57+s17+$0x0], $0xffff  }
0x43e: {  	v21 =	vld.idx.msk [tilespmem:v60+s18+$0x0], $0xffff;
	v4 =	vadd.f32 v5, v4;
	v5 =	vmul.f32 v58, v59  }
0x43f: {  	v23 =	vor.u32 $0x11, v3;
	v22 =	vld.idx.msk [tilespmem:v60+s17+$0x0], $0xffff  }
0x440: {  	v24 =	vld.idx.msk [tilespmem:v63+s18+$0x0], $0xffff;
	v4 =	vadd.f32 v5, v4;
	v5 =	vmul.f32 v61, v62  }
0x441: {  	v26 =	vor.u32 $0x12, v3;
	v25 =	vld.idx.msk [tilespmem:v63+s17+$0x0], $0xffff  }
0x442: {  	v27 =	vld.idx.msk [tilespmem:v20+s18+$0x0], $0xffff;
	v4 =	vadd.f32 v5, v4;
	v5 =	vmul.f32 v18, v19  }
0x443: {  	v29 =	vor.u32 $0x13, v3;
	v28 =	vld.idx.msk [tilespmem:v20+s17+$0x0], $0xffff  }
0x444: {  	v30 =	vld.idx.msk [tilespmem:v23+s18+$0x0], $0xffff;
	v4 =	vadd.f32 v5, v4;
	v5 =	vmul.f32 v21, v22  }
0x445: {  	v32 =	vor.u32 $0x14, v3;
	v31 =	vld.idx.msk [tilespmem:v23+s17+$0x0], $0xffff  }
0x446: {  	v34 =	vld.idx.msk [tilespmem:v26+s17+$0x0], $0xffff;
	v4 =	vadd.f32 v5, v4;
	v5 =	vmul.f32 v24, v25  }
0x447: {  	v33 =	vld.idx.msk [tilespmem:v26+s18+$0x0], $0xffff;
	v35 =	vor.u32 $0x15, v3  }
0x448: {  	v37 =	vld.idx.msk [tilespmem:v29+s17+$0x0], $0xffff;
	v4 =	vadd.f32 v5, v4;
	v5 =	vmul.f32 v27, v28  }
0x449: {  	v38 =	vor.u32 $0x16, v3;
	v36 =	vld.idx.msk [tilespmem:v29+s18+$0x0], $0xffff  }
0x44a: {  	v39 =	vld.idx.msk [tilespmem:v32+s18+$0x0], $0xffff;
	v4 =	vadd.f32 v5, v4;
	v5 =	vmul.f32 v30, v31  }
0x44b: {  	v40 =	vld.idx.msk [tilespmem:v32+s17+$0x0], $0xffff;
	v41 =	vor.u32 $0x17, v3  }
0x44c: {  	v42 =	vld.idx.msk [tilespmem:v35+s18+$0x0], $0xffff;
	v4 =	vadd.f32 v5, v4;
	v5 =	vmul.f32 v33, v34  }
0x44d: {  	v44 =	vor.u32 $0x18, v3;
	v43 =	vld.idx.msk [tilespmem:v35+s17+$0x0], $0xffff  }
0x44e: {  	v46 =	vld.idx.msk [tilespmem:v38+s17+$0x0], $0xffff;
	v4 =	vadd.f32 v5, v4;
	v5 =	vmul.f32 v36, v37  }
0x44f: {  	v45 =	vld.idx.msk [tilespmem:v38+s18+$0x0], $0xffff;
	v47 =	vor.u32 $0x19, v3  }
0x450: {  	v48 =	vld.idx.msk [tilespmem:v41+s18+$0x0], $0xffff;
	v4 =	vadd.f32 v5, v4;
	v5 =	vmul.f32 v39, v40  }
0x451: {  	v49 =	vld.idx.msk [tilespmem:v41+s17+$0x0], $0xffff;
	v50 =	vor.u32 $0x1A, v3  }
0x452: {  	v51 =	vld.idx.msk [tilespmem:v44+s18+$0x0], $0xffff;
	v4 =	vadd.f32 v5, v4;
	v5 =	vmul.f32 v42, v43  }
0x453: {  	v52 =	vld.idx.msk [tilespmem:v44+s17+$0x0], $0xffff;
	v53 =	vor.u32 $0x1B, v3  }
0x454: {  	v54 =	vld.idx.msk [tilespmem:v47+s18+$0x0], $0xffff;
	v4 =	vadd.f32 v5, v4;
	v5 =	vmul.f32 v45, v46  }
0x455: {  	v55 =	vld.idx.msk [tilespmem:v47+s17+$0x0], $0xffff;
	v56 =	vor.u32 $0x1C, v3  }
0x456: {  	v57 =	vld.idx.msk [tilespmem:v50+s18+$0x0], $0xffff;
	v4 =	vadd.f32 v5, v4;
	v5 =	vmul.f32 v48, v49  }
0x457: {  	v58 =	vld.idx.msk [tilespmem:v50+s17+$0x0], $0xffff;
	v59 =	vor.u32 $0x1D, v3  }
0x458: {  	v60 =	vld.idx.msk [tilespmem:v53+s18+$0x0], $0xffff;
	v4 =	vadd.f32 v5, v4;
	v5 =	vmul.f32 v51, v52  }
0x459: {  	v61 =	vld.idx.msk [tilespmem:v53+s17+$0x0], $0xffff;
	v62 =	vor.u32 $0x1E, v3  }
0x45a: {  	v63 =	vld.idx.msk [tilespmem:v56+s18+$0x0], $0xffff;
	v4 =	vadd.f32 v5, v4;
	v5 =	vmul.f32 v54, v55  }
0x45b: {  	v3 =	vor.u32 $0x1F, v3;
	v12 =	vld.idx.msk [tilespmem:v56+s17+$0x0], $0xffff  }
0x45c: {  	v16 =	vld.idx.msk [tilespmem:v59+s18+$0x0], $0xffff;
	v4 =	vadd.f32 v5, v4;
	v5 =	vmul.f32 v57, v58  }
0x45d: {  	v17 =	vld.idx.msk [tilespmem:v59+s17+$0x0], $0xffff  }
0x45e: {  	v18 =	vld.idx.msk [tilespmem:v62+s18+$0x0], $0xffff;
	v4 =	vadd.f32 v5, v4;
	v5 =	vmul.f32 v60, v61  }
0x45f: {  	v19 =	vld.idx.msk [tilespmem:v62+s17+$0x0], $0xffff  }
0x460: {  	v20 =	vld.idx.msk [tilespmem:v3+s18+$0x0], $0xffff;
	v4 =	vadd.f32 v5, v4;
	v5 =	vmul.f32 v63, v12  }
0x461: {  	v3 =	vld.idx.msk [tilespmem:v3+s17+$0x0], $0xffff  }
0x462: {  	v4 =	vadd.f32 v5, v4;
	v5 =	vmul.f32 v16, v17;
	_ =	sdelay $0x1  }
0x463: {  	v4 =	vadd.f32 v5, v4;
	v5 =	vmul.f32 v18, v19;
	_ =	sdelay $0x1  }
0x464: {  	v3 =	vmul.f32 v20, v3;
	v4 =	vadd.f32 v5, v4;
	_ =	sdelay $0x1  }
0x465: {  	v3 =	vadd.f32 v3, v4;
	_ =	sdelay $0x1  }
0x466: {  	v3 =	vmul.f32 v3, v1;
	_ =	sdelay $0x1  }
0x467: {  	v3 =	vadd.f32 v3, v2;
	_ =	sdelay $0x1  }
0x468: {  	v3 =	vsub.f32 $0.0e+00, v3;
	_ =	sdelay $0x1  }
0x469: {  	v3 =	vmul.f32 $1.442695020e+00, v3;
	_ =	sdelay $0x1  }
0x46a: {  	(erf) = vpow2.f32 v3;
	_ =	sdelay $0x8  }
0x46b: {  	v3 =	vpop (erf)  }
0x46c: {  	v3 =	vadd.f32 $1.000000000e+00, v3;
	_ =	sdelay $0x1  }
0x46d: {  	(erf) = vrcp.f32 v3;
	_ =	sdelay $0x2  }
0x46e: {  	s14 =	simm.s32 $0x110  }
0x46f: {  	v3 =	vmov s14  }
0x470: {  	v3 =	vshll.u32 v3, $0x5  }
0x471: {  	v3 =	vor.u32 v0, v3;
	_ =	sdelay $0x1  }
0x472: {  	v4 =	vor.u32 $0x1, v3  }
0x473: {  	s1 =	simm.s32 $0x8510;
	v5 =	vpop (erf)  }
0x474: {  	[tilespmem:s1+$0xFFFFFFF0] =	vst v5;
	v5 =	vor.u32 $0x2, v3  }
0x475: {  	v21 =	vld.idx.msk [tilespmem:v3+s17+$0x0], $0xffff  }
0x476: {  	v23 =	vor.u32 $0x3, v3;
	v22 =	vld.idx.msk [tilespmem:v3+s18+$0x0], $0xffff  }
0x477: {  	v24 =	vld.idx.msk [tilespmem:v4+s18+$0x0], $0xffff  }
0x478: {  	v25 =	vor.u32 $0x4, v3;
	v4 =	vld.idx.msk [tilespmem:v4+s17+$0x0], $0xffff  }
0x479: {  	v26 =	vld.idx.msk [tilespmem:v5+s18+$0x0], $0xffff  }
0x47a: {  	v27 =	vor.u32 $0x5, v3;
	v5 =	vld.idx.msk [tilespmem:v5+s17+$0x0], $0xffff  }
0x47b: {  	v28 =	vld.idx.msk [tilespmem:v23+s18+$0x0], $0xffff;
	v6 =	vmul.f32 v22, v21  }
0x47c: {  	v30 =	vor.u32 $0x6, v3;
	v29 =	vld.idx.msk [tilespmem:v23+s17+$0x0], $0xffff  }
0x47d: {  	v31 =	vld.idx.msk [tilespmem:v25+s18+$0x0], $0xffff;
	v4 =	vmul.f32 v24, v4;
	v6 =	vadd.f32 $0.0e+00, v6  }
0x47e: {  	v33 =	vor.u32 $0x7, v3;
	v32 =	vld.idx.msk [tilespmem:v25+s17+$0x0], $0xffff  }
0x47f: {  	v34 =	vld.idx.msk [tilespmem:v27+s18+$0x0], $0xffff;
	v4 =	vadd.f32 v4, v6;
	v5 =	vmul.f32 v26, v5  }
0x480: {  	v36 =	vor.u32 $0x8, v3;
	v35 =	vld.idx.msk [tilespmem:v27+s17+$0x0], $0xffff  }
0x481: {  	v37 =	vld.idx.msk [tilespmem:v30+s18+$0x0], $0xffff;
	v4 =	vadd.f32 v5, v4;
	v5 =	vmul.f32 v28, v29  }
0x482: {  	v39 =	vor.u32 $0x9, v3;
	v38 =	vld.idx.msk [tilespmem:v30+s17+$0x0], $0xffff  }
0x483: {  	v40 =	vld.idx.msk [tilespmem:v33+s18+$0x0], $0xffff;
	v4 =	vadd.f32 v5, v4;
	v5 =	vmul.f32 v31, v32  }
0x484: {  	v42 =	vor.u32 $0xA, v3;
	v41 =	vld.idx.msk [tilespmem:v33+s17+$0x0], $0xffff  }
0x485: {  	v43 =	vld.idx.msk [tilespmem:v36+s18+$0x0], $0xffff;
	v4 =	vadd.f32 v5, v4;
	v5 =	vmul.f32 v34, v35  }
0x486: {  	v45 =	vor.u32 $0xB, v3;
	v44 =	vld.idx.msk [tilespmem:v36+s17+$0x0], $0xffff  }
0x487: {  	v46 =	vld.idx.msk [tilespmem:v39+s18+$0x0], $0xffff;
	v4 =	vadd.f32 v5, v4;
	v5 =	vmul.f32 v37, v38  }
0x488: {  	v48 =	vor.u32 $0xC, v3;
	v47 =	vld.idx.msk [tilespmem:v39+s17+$0x0], $0xffff  }
0x489: {  	v49 =	vld.idx.msk [tilespmem:v42+s18+$0x0], $0xffff;
	v4 =	vadd.f32 v5, v4;
	v5 =	vmul.f32 v40, v41  }
0x48a: {  	v51 =	vor.u32 $0xD, v3;
	v50 =	vld.idx.msk [tilespmem:v42+s17+$0x0], $0xffff  }
0x48b: {  	v52 =	vld.idx.msk [tilespmem:v45+s18+$0x0], $0xffff;
	v4 =	vadd.f32 v5, v4;
	v5 =	vmul.f32 v43, v44  }
0x48c: {  	v54 =	vor.u32 $0xE, v3;
	v53 =	vld.idx.msk [tilespmem:v45+s17+$0x0], $0xffff  }
0x48d: {  	v55 =	vld.idx.msk [tilespmem:v48+s18+$0x0], $0xffff;
	v4 =	vadd.f32 v5, v4;
	v5 =	vmul.f32 v46, v47  }
0x48e: {  	v57 =	vor.u32 $0xF, v3;
	v56 =	vld.idx.msk [tilespmem:v48+s17+$0x0], $0xffff  }
0x48f: {  	v58 =	vld.idx.msk [tilespmem:v51+s18+$0x0], $0xffff;
	v4 =	vadd.f32 v5, v4;
	v5 =	vmul.f32 v49, v50  }
0x490: {  	v60 =	vor.u32 $0x10, v3;
	v59 =	vld.idx.msk [tilespmem:v51+s17+$0x0], $0xffff  }
0x491: {  	v61 =	vld.idx.msk [tilespmem:v54+s18+$0x0], $0xffff;
	v4 =	vadd.f32 v5, v4;
	v5 =	vmul.f32 v52, v53  }
0x492: {  	v63 =	vor.u32 $0x11, v3;
	v62 =	vld.idx.msk [tilespmem:v54+s17+$0x0], $0xffff  }
0x493: {  	v18 =	vld.idx.msk [tilespmem:v57+s18+$0x0], $0xffff;
	v4 =	vadd.f32 v5, v4;
	v5 =	vmul.f32 v55, v56  }
0x494: {  	v20 =	vor.u32 $0x12, v3;
	v19 =	vld.idx.msk [tilespmem:v57+s17+$0x0], $0xffff  }
0x495: {  	v21 =	vld.idx.msk [tilespmem:v60+s18+$0x0], $0xffff;
	v4 =	vadd.f32 v5, v4;
	v5 =	vmul.f32 v58, v59  }
0x496: {  	v23 =	vor.u32 $0x13, v3;
	v22 =	vld.idx.msk [tilespmem:v60+s17+$0x0], $0xffff  }
0x497: {  	v25 =	vld.idx.msk [tilespmem:v63+s17+$0x0], $0xffff;
	v4 =	vadd.f32 v5, v4;
	v5 =	vmul.f32 v61, v62  }
0x498: {  	v24 =	vld.idx.msk [tilespmem:v63+s18+$0x0], $0xffff;
	v26 =	vor.u32 $0x14, v3  }
0x499: {  	v27 =	vld.idx.msk [tilespmem:v20+s18+$0x0], $0xffff;
	v4 =	vadd.f32 v5, v4;
	v5 =	vmul.f32 v18, v19  }
0x49a: {  	v28 =	vld.idx.msk [tilespmem:v20+s17+$0x0], $0xffff;
	v29 =	vor.u32 $0x15, v3  }
0x49b: {  	v30 =	vld.idx.msk [tilespmem:v23+s18+$0x0], $0xffff;
	v4 =	vadd.f32 v5, v4;
	v5 =	vmul.f32 v21, v22  }
0x49c: {  	v31 =	vld.idx.msk [tilespmem:v23+s17+$0x0], $0xffff;
	v32 =	vor.u32 $0x16, v3  }
0x49d: {  	v33 =	vld.idx.msk [tilespmem:v26+s18+$0x0], $0xffff;
	v4 =	vadd.f32 v5, v4;
	v5 =	vmul.f32 v24, v25  }
0x49e: {  	v34 =	vld.idx.msk [tilespmem:v26+s17+$0x0], $0xffff;
	v35 =	vor.u32 $0x17, v3  }
0x49f: {  	v36 =	vld.idx.msk [tilespmem:v29+s18+$0x0], $0xffff;
	v4 =	vadd.f32 v5, v4;
	v5 =	vmul.f32 v27, v28  }
0x4a0: {  	v37 =	vld.idx.msk [tilespmem:v29+s17+$0x0], $0xffff;
	v38 =	vor.u32 $0x18, v3  }
0x4a1: {  	v39 =	vld.idx.msk [tilespmem:v32+s18+$0x0], $0xffff;
	v4 =	vadd.f32 v5, v4;
	v5 =	vmul.f32 v30, v31  }
0x4a2: {  	v40 =	vld.idx.msk [tilespmem:v32+s17+$0x0], $0xffff;
	v41 =	vor.u32 $0x19, v3  }
0x4a3: {  	v42 =	vld.idx.msk [tilespmem:v35+s18+$0x0], $0xffff;
	v4 =	vadd.f32 v5, v4;
	v5 =	vmul.f32 v33, v34  }
0x4a4: {  	v43 =	vld.idx.msk [tilespmem:v35+s17+$0x0], $0xffff;
	v44 =	vor.u32 $0x1A, v3  }
0x4a5: {  	v45 =	vld.idx.msk [tilespmem:v38+s18+$0x0], $0xffff;
	v4 =	vadd.f32 v5, v4;
	v5 =	vmul.f32 v36, v37  }
0x4a6: {  	v46 =	vld.idx.msk [tilespmem:v38+s17+$0x0], $0xffff;
	v47 =	vor.u32 $0x1B, v3  }
0x4a7: {  	v48 =	vld.idx.msk [tilespmem:v41+s18+$0x0], $0xffff;
	v4 =	vadd.f32 v5, v4;
	v5 =	vmul.f32 v39, v40  }
0x4a8: {  	v49 =	vld.idx.msk [tilespmem:v41+s17+$0x0], $0xffff;
	v50 =	vor.u32 $0x1C, v3  }
0x4a9: {  	v51 =	vld.idx.msk [tilespmem:v44+s18+$0x0], $0xffff;
	v4 =	vadd.f32 v5, v4;
	v5 =	vmul.f32 v42, v43  }
0x4aa: {  	v52 =	vld.idx.msk [tilespmem:v44+s17+$0x0], $0xffff;
	v53 =	vor.u32 $0x1D, v3  }
0x4ab: {  	v54 =	vld.idx.msk [tilespmem:v47+s18+$0x0], $0xffff;
	v4 =	vadd.f32 v5, v4;
	v5 =	vmul.f32 v45, v46  }
0x4ac: {  	v55 =	vld.idx.msk [tilespmem:v47+s17+$0x0], $0xffff;
	v56 =	vor.u32 $0x1E, v3  }
0x4ad: {  	v57 =	vld.idx.msk [tilespmem:v50+s18+$0x0], $0xffff;
	v4 =	vadd.f32 v5, v4;
	v5 =	vmul.f32 v48, v49  }
0x4ae: {  	v3 =	vor.u32 $0x1F, v3;
	v58 =	vld.idx.msk [tilespmem:v50+s17+$0x0], $0xffff  }
0x4af: {  	v59 =	vld.idx.msk [tilespmem:v53+s18+$0x0], $0xffff;
	v4 =	vadd.f32 v5, v4;
	v5 =	vmul.f32 v51, v52  }
0x4b0: {  	v60 =	vld.idx.msk [tilespmem:v53+s17+$0x0], $0xffff  }
0x4b1: {  	v61 =	vld.idx.msk [tilespmem:v56+s18+$0x0], $0xffff;
	v4 =	vadd.f32 v5, v4;
	v5 =	vmul.f32 v54, v55  }
0x4b2: {  	v62 =	vld.idx.msk [tilespmem:v56+s17+$0x0], $0xffff  }
0x4b3: {  	v63 =	vld.idx.msk [tilespmem:v3+s18+$0x0], $0xffff;
	v4 =	vadd.f32 v5, v4;
	v5 =	vmul.f32 v57, v58  }
0x4b4: {  	v3 =	vld.idx.msk [tilespmem:v3+s17+$0x0], $0xffff  }
0x4b5: {  	v4 =	vadd.f32 v5, v4;
	v5 =	vmul.f32 v59, v60;
	_ =	sdelay $0x1  }
0x4b6: {  	v4 =	vadd.f32 v5, v4;
	v5 =	vmul.f32 v61, v62;
	_ =	sdelay $0x1  }
0x4b7: {  	v3 =	vmul.f32 v63, v3;
	v4 =	vadd.f32 v5, v4;
	_ =	sdelay $0x1  }
0x4b8: {  	v3 =	vadd.f32 v3, v4;
	_ =	sdelay $0x1  }
0x4b9: {  	v3 =	vmul.f32 v3, v1;
	_ =	sdelay $0x1  }
0x4ba: {  	v3 =	vadd.f32 v3, v2;
	_ =	sdelay $0x1  }
0x4bb: {  	v3 =	vsub.f32 $0.0e+00, v3;
	_ =	sdelay $0x1  }
0x4bc: {  	v3 =	vmul.f32 $1.442695020e+00, v3;
	_ =	sdelay $0x1  }
0x4bd: {  	(erf) = vpow2.f32 v3;
	_ =	sdelay $0x8  }
0x4be: {  	v3 =	vpop (erf)  }
0x4bf: {  	v3 =	vadd.f32 $1.000000000e+00, v3;
	_ =	sdelay $0x1  }
0x4c0: {  	(erf) = vrcp.f32 v3  }
0x4c1: {  	s19 =	simm.s32 $0x120  }
0x4c2: {  	v4 =	vmov s19  }
0x4c3: {  	v4 =	vshll.u32 v4, $0x5  }
0x4c4: {  	s2 =	simm.s32 $0x130;
	s12 =	simm.s32 $0x12;
	s14 =	simm.s32 $0x8510;
	v3 =	vor.u32 v0, v4  }
.LBB2_6:
0x4c5: {  	s12 =	sadd.s32 $0x2, s12;
	s1 =	sadd.s32 $0x20, s1  }
0x4c6: {  	v4 =	vor.u32 $0x1, v3;
	p0 =	slt.u32 s12, $0x16;
	_ =	sdelay $0x2  }
0x4c7: {  	v5 =	vor.u32 $0x2, v3;
	v6 =	vpop (erf)  }
0x4c8: {  	[tilespmem:s14+$0x0] =	vst v6;
	s14 =	smov.u32 s1  }
0x4c9: {  	v6 =	vld.idx.msk [tilespmem:v3+s18+$0x0], $0xffff  }
0x4ca: {  	v8 =	vor.u32 $0x3, v3;
	v7 =	vld.idx.msk [tilespmem:v4+s17+$0x0], $0xffff  }
0x4cb: {  	v9 =	vld.idx.msk [tilespmem:v3+s17+$0x0], $0xffff  }
0x4cc: {  	v4 =	vld.idx.msk [tilespmem:v4+s18+$0x0], $0xffff  }
0x4cd: {  	v11 =	vor.u32 $0x4, v3;
	v10 =	vld.idx.msk [tilespmem:v5+s17+$0x0], $0xffff  }
0x4ce: {  	v5 =	vld.idx.msk [tilespmem:v5+s18+$0x0], $0xffff  }
0x4cf: {  	v13 =	vor.u32 $0x5, v3;
	v12 =	vld.idx.msk [tilespmem:v8+s17+$0x0], $0xffff  }
0x4d0: {  	v8 =	vld.idx.msk [tilespmem:v8+s18+$0x0], $0xffff  }
0x4d1: {  	v6 =	vmul.f32 v6, v9;
	v9 =	vor.u32 $0x6, v3  }
0x4d2: {  	v14 =	vld.idx.msk [tilespmem:v11+s17+$0x0], $0xffff  }
0x4d3: {  	v4 =	vmul.f32 v4, v7;
	v6 =	vadd.f32 $0.0e+00, v6;
	v7 =	vld.idx.msk [tilespmem:v11+s18+$0x0], $0xffff;
	v11 =	vor.u32 $0x7, v3  }
0x4d4: {  	v5 =	vmul.f32 v5, v10;
	v10 =	vld.idx.msk [tilespmem:v13+s18+$0x0], $0xffff  }
0x4d5: {  	v4 =	vadd.f32 v4, v6;
	v6 =	vld.idx.msk [tilespmem:v13+s17+$0x0], $0xffff;
	v13 =	vor.u32 $0x8, v3  }
0x4d6: {  	v8 =	vmul.f32 v8, v12;
	v12 =	vld.idx.msk [tilespmem:v9+s18+$0x0], $0xffff  }
0x4d7: {  	v4 =	vadd.f32 v5, v4;
	v5 =	vld.idx.msk [tilespmem:v9+s17+$0x0], $0xffff;
	v9 =	vor.u32 $0x9, v3  }
0x4d8: {  	v15 =	vld.idx.msk [tilespmem:v11+s18+$0x0], $0xffff  }
0x4d9: {  	v4 =	vadd.f32 v8, v4;
	v7 =	vmul.f32 v7, v14;
	v8 =	vld.idx.msk [tilespmem:v11+s17+$0x0], $0xffff;
	v11 =	vor.u32 $0xA, v3  }
0x4da: {  	v14 =	vld.idx.msk [tilespmem:v13+s18+$0x0], $0xffff  }
0x4db: {  	v4 =	vadd.f32 v7, v4;
	v6 =	vmul.f32 v10, v6;
	v10 =	vor.u32 $0xB, v3;
	v7 =	vld.idx.msk [tilespmem:v13+s17+$0x0], $0xffff  }
0x4dc: {  	v13 =	vld.idx.msk [tilespmem:v9+s18+$0x0], $0xffff  }
0x4dd: {  	v4 =	vadd.f32 v6, v4;
	v5 =	vmul.f32 v12, v5;
	v6 =	vld.idx.msk [tilespmem:v9+s17+$0x0], $0xffff;
	v9 =	vor.u32 $0xC, v3  }
0x4de: {  	v12 =	vld.idx.msk [tilespmem:v11+s18+$0x0], $0xffff  }
0x4df: {  	v4 =	vadd.f32 v5, v4;
	v5 =	vmul.f32 v15, v8;
	v8 =	vld.idx.msk [tilespmem:v11+s17+$0x0], $0xffff;
	v11 =	vor.u32 $0xD, v3  }
0x4e0: {  	v15 =	vld.idx.msk [tilespmem:v10+s18+$0x0], $0xffff  }
0x4e1: {  	v4 =	vadd.f32 v5, v4;
	v5 =	vmul.f32 v14, v7;
	v7 =	vld.idx.msk [tilespmem:v10+s17+$0x0], $0xffff;
	v10 =	vor.u32 $0xE, v3  }
0x4e2: {  	v14 =	vld.idx.msk [tilespmem:v9+s18+$0x0], $0xffff  }
0x4e3: {  	v4 =	vadd.f32 v5, v4;
	v5 =	vmul.f32 v13, v6;
	v6 =	vld.idx.msk [tilespmem:v9+s17+$0x0], $0xffff;
	v9 =	vor.u32 $0xF, v3  }
0x4e4: {  	v13 =	vld.idx.msk [tilespmem:v11+s18+$0x0], $0xffff  }
0x4e5: {  	v4 =	vadd.f32 v5, v4;
	v5 =	vmul.f32 v12, v8;
	v8 =	vld.idx.msk [tilespmem:v11+s17+$0x0], $0xffff;
	v11 =	vor.u32 $0x10, v3  }
0x4e6: {  	v12 =	vld.idx.msk [tilespmem:v10+s18+$0x0], $0xffff  }
0x4e7: {  	v4 =	vadd.f32 v5, v4;
	v5 =	vmul.f32 v15, v7;
	v7 =	vld.idx.msk [tilespmem:v10+s17+$0x0], $0xffff;
	v10 =	vor.u32 $0x11, v3  }
0x4e8: {  	v15 =	vld.idx.msk [tilespmem:v9+s18+$0x0], $0xffff  }
0x4e9: {  	v4 =	vadd.f32 v5, v4;
	v5 =	vmul.f32 v14, v6;
	v6 =	vld.idx.msk [tilespmem:v9+s17+$0x0], $0xffff;
	v9 =	vor.u32 $0x12, v3  }
0x4ea: {  	v14 =	vld.idx.msk [tilespmem:v11+s18+$0x0], $0xffff  }
0x4eb: {  	v4 =	vadd.f32 v5, v4;
	v5 =	vmul.f32 v13, v8;
	v8 =	vld.idx.msk [tilespmem:v11+s17+$0x0], $0xffff;
	v11 =	vor.u32 $0x13, v3  }
0x4ec: {  	v13 =	vld.idx.msk [tilespmem:v10+s18+$0x0], $0xffff  }
0x4ed: {  	v4 =	vadd.f32 v5, v4;
	v5 =	vmul.f32 v12, v7;
	v7 =	vld.idx.msk [tilespmem:v10+s17+$0x0], $0xffff;
	v10 =	vor.u32 $0x14, v3  }
0x4ee: {  	v12 =	vld.idx.msk [tilespmem:v9+s18+$0x0], $0xffff  }
0x4ef: {  	v4 =	vadd.f32 v5, v4;
	v5 =	vmul.f32 v15, v6;
	v6 =	vld.idx.msk [tilespmem:v9+s17+$0x0], $0xffff;
	v9 =	vor.u32 $0x15, v3  }
0x4f0: {  	v15 =	vld.idx.msk [tilespmem:v11+s18+$0x0], $0xffff  }
0x4f1: {  	v4 =	vadd.f32 v5, v4;
	v5 =	vmul.f32 v14, v8;
	v8 =	vld.idx.msk [tilespmem:v11+s17+$0x0], $0xffff;
	v11 =	vor.u32 $0x16, v3  }
0x4f2: {  	v14 =	vld.idx.msk [tilespmem:v10+s18+$0x0], $0xffff  }
0x4f3: {  	v4 =	vadd.f32 v5, v4;
	v5 =	vmul.f32 v13, v7;
	v7 =	vld.idx.msk [tilespmem:v10+s17+$0x0], $0xffff;
	v10 =	vor.u32 $0x17, v3  }
0x4f4: {  	v13 =	vld.idx.msk [tilespmem:v9+s18+$0x0], $0xffff  }
0x4f5: {  	v4 =	vadd.f32 v5, v4;
	v5 =	vmul.f32 v12, v6;
	v6 =	vld.idx.msk [tilespmem:v9+s17+$0x0], $0xffff;
	v9 =	vor.u32 $0x18, v3  }
0x4f6: {  	v12 =	vld.idx.msk [tilespmem:v11+s18+$0x0], $0xffff  }
0x4f7: {  	v4 =	vadd.f32 v5, v4;
	v5 =	vmul.f32 v15, v8;
	v8 =	vld.idx.msk [tilespmem:v11+s17+$0x0], $0xffff;
	v11 =	vor.u32 $0x19, v3  }
0x4f8: {  	v15 =	vld.idx.msk [tilespmem:v10+s18+$0x0], $0xffff  }
0x4f9: {  	v4 =	vadd.f32 v5, v4;
	v5 =	vmul.f32 v14, v7;
	v7 =	vld.idx.msk [tilespmem:v10+s17+$0x0], $0xffff;
	v10 =	vor.u32 $0x1A, v3  }
0x4fa: {  	v14 =	vld.idx.msk [tilespmem:v9+s18+$0x0], $0xffff  }
0x4fb: {  	v4 =	vadd.f32 v5, v4;
	v5 =	vmul.f32 v13, v6;
	v6 =	vld.idx.msk [tilespmem:v9+s17+$0x0], $0xffff;
	v9 =	vor.u32 $0x1B, v3  }
0x4fc: {  	v13 =	vld.idx.msk [tilespmem:v11+s18+$0x0], $0xffff  }
0x4fd: {  	v4 =	vadd.f32 v5, v4;
	v5 =	vmul.f32 v12, v8;
	v8 =	vld.idx.msk [tilespmem:v11+s17+$0x0], $0xffff;
	v11 =	vor.u32 $0x1C, v3  }
0x4fe: {  	v12 =	vld.idx.msk [tilespmem:v10+s18+$0x0], $0xffff  }
0x4ff: {  	v4 =	vadd.f32 v5, v4;
	v5 =	vmul.f32 v15, v7;
	v7 =	vld.idx.msk [tilespmem:v10+s17+$0x0], $0xffff;
	v10 =	vor.u32 $0x1D, v3  }
0x500: {  	v15 =	vld.idx.msk [tilespmem:v9+s18+$0x0], $0xffff  }
0x501: {  	v4 =	vadd.f32 v5, v4;
	v5 =	vmul.f32 v14, v6;
	v6 =	vld.idx.msk [tilespmem:v9+s17+$0x0], $0xffff;
	v9 =	vor.u32 $0x1E, v3  }
0x502: {  	v14 =	vld.idx.msk [tilespmem:v11+s18+$0x0], $0xffff  }
0x503: {  	v3 =	vor.u32 $0x1F, v3;
	v4 =	vadd.f32 v5, v4;
	v5 =	vmul.f32 v13, v8;
	v8 =	vld.idx.msk [tilespmem:v11+s17+$0x0], $0xffff  }
0x504: {  	v11 =	vld.idx.msk [tilespmem:v10+s18+$0x0], $0xffff  }
0x505: {  	v4 =	vadd.f32 v5, v4;
	v5 =	vmul.f32 v12, v7;
	v7 =	vld.idx.msk [tilespmem:v10+s17+$0x0], $0xffff  }
0x506: {  	v10 =	vld.idx.msk [tilespmem:v9+s18+$0x0], $0xffff  }
0x507: {  	v4 =	vadd.f32 v5, v4;
	v5 =	vmul.f32 v15, v6;
	v6 =	vld.idx.msk [tilespmem:v9+s17+$0x0], $0xffff  }
0x508: {  	v9 =	vld.idx.msk [tilespmem:v3+s18+$0x0], $0xffff  }
0x509: {  	v4 =	vadd.f32 v5, v4;
	v5 =	vmul.f32 v14, v8;
	v3 =	vld.idx.msk [tilespmem:v3+s17+$0x0], $0xffff;
	_ =	sdelay $0x1  }
0x50a: {  	v4 =	vadd.f32 v5, v4;
	v5 =	vmul.f32 v11, v7;
	_ =	sdelay $0x1  }
0x50b: {  	v4 =	vadd.f32 v5, v4;
	v5 =	vmul.f32 v10, v6;
	_ =	sdelay $0x1  }
0x50c: {  	v4 =	vadd.f32 v5, v4;
	v3 =	vmul.f32 v9, v3;
	_ =	sdelay $0x1  }
0x50d: {  	v3 =	vadd.f32 v3, v4;
	_ =	sdelay $0x1  }
0x50e: {  	v3 =	vmul.f32 v3, v1;
	_ =	sdelay $0x1  }
0x50f: {  	v3 =	vadd.f32 v3, v2;
	_ =	sdelay $0x1  }
0x510: {  	v3 =	vsub.f32 $0.0e+00, v3;
	_ =	sdelay $0x1  }
0x511: {  	v3 =	vmul.f32 $1.442695020e+00, v3;
	_ =	sdelay $0x1  }
0x512: {  	(erf) = vpow2.f32 v3;
	_ =	sdelay $0x8  }
0x513: {  	v3 =	vpop (erf)  }
0x514: {  	v3 =	vadd.f32 $1.000000000e+00, v3;
	_ =	sdelay $0x1  }
0x515: {  	(erf) = vrcp.f32 v3;
	_ =	sdelay $0x3  }
0x516: {  	v3 =	vmov s2  }
0x517: {  	v3 =	vshll.u32 v3, $0x5  }
0x518: {  	v3 =	vor.u32 v0, v3;
	_ =	sdelay $0x1  }
0x519: {  	v4 =	vor.u32 $0x1, v3  }
0x51a: {  	v5 =	vpop (erf)  }
0x51b: {  	[tilespmem:s1+$0xFFFFFFF0] =	vst v5;
	v5 =	vor.u32 $0x2, v3  }
0x51c: {  	v6 =	vld.idx.msk [tilespmem:v3+s17+$0x0], $0xffff  }
0x51d: {  	v8 =	vor.u32 $0x3, v3;
	v7 =	vld.idx.msk [tilespmem:v3+s18+$0x0], $0xffff  }
0x51e: {  	v9 =	vld.idx.msk [tilespmem:v4+s18+$0x0], $0xffff  }
0x51f: {  	v10 =	vor.u32 $0x4, v3;
	v4 =	vld.idx.msk [tilespmem:v4+s17+$0x0], $0xffff  }
0x520: {  	v11 =	vld.idx.msk [tilespmem:v5+s18+$0x0], $0xffff  }
0x521: {  	v12 =	vor.u32 $0x5, v3;
	v5 =	vld.idx.msk [tilespmem:v5+s17+$0x0], $0xffff  }
0x522: {  	v13 =	vld.idx.msk [tilespmem:v8+s18+$0x0], $0xffff  }
0x523: {  	v6 =	vmul.f32 v7, v6;
	v7 =	vld.idx.msk [tilespmem:v8+s17+$0x0], $0xffff;
	v8 =	vor.u32 $0x6, v3  }
0x524: {  	v14 =	vld.idx.msk [tilespmem:v10+s18+$0x0], $0xffff  }
0x525: {  	v6 =	vadd.f32 $0.0e+00, v6;
	v4 =	vmul.f32 v9, v4;
	v9 =	vld.idx.msk [tilespmem:v10+s17+$0x0], $0xffff;
	v10 =	vor.u32 $0x7, v3  }
0x526: {  	v15 =	vld.idx.msk [tilespmem:v12+s18+$0x0], $0xffff  }
0x527: {  	v4 =	vadd.f32 v4, v6;
	v5 =	vmul.f32 v11, v5;
	v11 =	vor.u32 $0x8, v3;
	v6 =	vld.idx.msk [tilespmem:v12+s17+$0x0], $0xffff  }
0x528: {  	v12 =	vld.idx.msk [tilespmem:v8+s18+$0x0], $0xffff  }
0x529: {  	v4 =	vadd.f32 v5, v4;
	v5 =	vmul.f32 v13, v7;
	v7 =	vld.idx.msk [tilespmem:v8+s17+$0x0], $0xffff;
	v8 =	vor.u32 $0x9, v3  }
0x52a: {  	v13 =	vld.idx.msk [tilespmem:v10+s18+$0x0], $0xffff  }
0x52b: {  	v4 =	vadd.f32 v5, v4;
	v5 =	vmul.f32 v14, v9;
	v9 =	vld.idx.msk [tilespmem:v10+s17+$0x0], $0xffff;
	v10 =	vor.u32 $0xA, v3  }
0x52c: {  	v14 =	vld.idx.msk [tilespmem:v11+s18+$0x0], $0xffff  }
0x52d: {  	v4 =	vadd.f32 v5, v4;
	v5 =	vmul.f32 v15, v6;
	v6 =	vld.idx.msk [tilespmem:v11+s17+$0x0], $0xffff;
	v11 =	vor.u32 $0xB, v3  }
0x52e: {  	v15 =	vld.idx.msk [tilespmem:v8+s18+$0x0], $0xffff  }
0x52f: {  	v4 =	vadd.f32 v5, v4;
	v5 =	vmul.f32 v12, v7;
	v7 =	vld.idx.msk [tilespmem:v8+s17+$0x0], $0xffff;
	v8 =	vor.u32 $0xC, v3  }
0x530: {  	v12 =	vld.idx.msk [tilespmem:v10+s18+$0x0], $0xffff  }
0x531: {  	v4 =	vadd.f32 v5, v4;
	v5 =	vmul.f32 v13, v9;
	v9 =	vld.idx.msk [tilespmem:v10+s17+$0x0], $0xffff;
	v10 =	vor.u32 $0xD, v3  }
0x532: {  	v13 =	vld.idx.msk [tilespmem:v11+s18+$0x0], $0xffff  }
0x533: {  	v4 =	vadd.f32 v5, v4;
	v5 =	vmul.f32 v14, v6;
	v6 =	vld.idx.msk [tilespmem:v11+s17+$0x0], $0xffff;
	v11 =	vor.u32 $0xE, v3  }
0x534: {  	v14 =	vld.idx.msk [tilespmem:v8+s18+$0x0], $0xffff  }
0x535: {  	v4 =	vadd.f32 v5, v4;
	v5 =	vmul.f32 v15, v7;
	v7 =	vld.idx.msk [tilespmem:v8+s17+$0x0], $0xffff;
	v8 =	vor.u32 $0xF, v3  }
0x536: {  	v15 =	vld.idx.msk [tilespmem:v10+s18+$0x0], $0xffff  }
0x537: {  	v4 =	vadd.f32 v5, v4;
	v5 =	vmul.f32 v12, v9;
	v9 =	vld.idx.msk [tilespmem:v10+s17+$0x0], $0xffff;
	v10 =	vor.u32 $0x10, v3  }
0x538: {  	v12 =	vld.idx.msk [tilespmem:v11+s18+$0x0], $0xffff  }
0x539: {  	v4 =	vadd.f32 v5, v4;
	v5 =	vmul.f32 v13, v6;
	v6 =	vld.idx.msk [tilespmem:v11+s17+$0x0], $0xffff;
	v11 =	vor.u32 $0x11, v3  }
0x53a: {  	v13 =	vld.idx.msk [tilespmem:v8+s18+$0x0], $0xffff  }
0x53b: {  	v4 =	vadd.f32 v5, v4;
	v5 =	vmul.f32 v14, v7;
	v7 =	vld.idx.msk [tilespmem:v8+s17+$0x0], $0xffff;
	v8 =	vor.u32 $0x12, v3  }
0x53c: {  	v14 =	vld.idx.msk [tilespmem:v10+s18+$0x0], $0xffff  }
0x53d: {  	v4 =	vadd.f32 v5, v4;
	v5 =	vmul.f32 v15, v9;
	v9 =	vld.idx.msk [tilespmem:v10+s17+$0x0], $0xffff;
	v10 =	vor.u32 $0x13, v3  }
0x53e: {  	v15 =	vld.idx.msk [tilespmem:v11+s18+$0x0], $0xffff  }
0x53f: {  	v4 =	vadd.f32 v5, v4;
	v5 =	vmul.f32 v12, v6;
	v6 =	vld.idx.msk [tilespmem:v11+s17+$0x0], $0xffff;
	v11 =	vor.u32 $0x14, v3  }
0x540: {  	v12 =	vld.idx.msk [tilespmem:v8+s18+$0x0], $0xffff  }
0x541: {  	v4 =	vadd.f32 v5, v4;
	v5 =	vmul.f32 v13, v7;
	v7 =	vld.idx.msk [tilespmem:v8+s17+$0x0], $0xffff;
	v8 =	vor.u32 $0x15, v3  }
0x542: {  	v13 =	vld.idx.msk [tilespmem:v10+s18+$0x0], $0xffff  }
0x543: {  	v4 =	vadd.f32 v5, v4;
	v5 =	vmul.f32 v14, v9;
	v9 =	vld.idx.msk [tilespmem:v10+s17+$0x0], $0xffff;
	v10 =	vor.u32 $0x16, v3  }
0x544: {  	v14 =	vld.idx.msk [tilespmem:v11+s18+$0x0], $0xffff  }
0x545: {  	v4 =	vadd.f32 v5, v4;
	v5 =	vmul.f32 v15, v6;
	v6 =	vld.idx.msk [tilespmem:v11+s17+$0x0], $0xffff;
	v11 =	vor.u32 $0x17, v3  }
0x546: {  	v15 =	vld.idx.msk [tilespmem:v8+s18+$0x0], $0xffff  }
0x547: {  	v4 =	vadd.f32 v5, v4;
	v5 =	vmul.f32 v12, v7;
	v7 =	vld.idx.msk [tilespmem:v8+s17+$0x0], $0xffff;
	v8 =	vor.u32 $0x18, v3  }
0x548: {  	v12 =	vld.idx.msk [tilespmem:v10+s18+$0x0], $0xffff  }
0x549: {  	v4 =	vadd.f32 v5, v4;
	v5 =	vmul.f32 v13, v9;
	v9 =	vld.idx.msk [tilespmem:v10+s17+$0x0], $0xffff;
	v10 =	vor.u32 $0x19, v3  }
0x54a: {  	v13 =	vld.idx.msk [tilespmem:v11+s18+$0x0], $0xffff  }
0x54b: {  	v4 =	vadd.f32 v5, v4;
	v5 =	vmul.f32 v14, v6;
	v6 =	vld.idx.msk [tilespmem:v11+s17+$0x0], $0xffff;
	v11 =	vor.u32 $0x1A, v3  }
0x54c: {  	v14 =	vld.idx.msk [tilespmem:v8+s18+$0x0], $0xffff  }
0x54d: {  	v4 =	vadd.f32 v5, v4;
	v5 =	vmul.f32 v15, v7;
	v7 =	vld.idx.msk [tilespmem:v8+s17+$0x0], $0xffff;
	v8 =	vor.u32 $0x1B, v3  }
0x54e: {  	v15 =	vld.idx.msk [tilespmem:v10+s18+$0x0], $0xffff  }
0x54f: {  	v4 =	vadd.f32 v5, v4;
	v5 =	vmul.f32 v12, v9;
	v9 =	vld.idx.msk [tilespmem:v10+s17+$0x0], $0xffff;
	v10 =	vor.u32 $0x1C, v3  }
0x550: {  	v12 =	vld.idx.msk [tilespmem:v11+s18+$0x0], $0xffff  }
0x551: {  	v4 =	vadd.f32 v5, v4;
	v5 =	vmul.f32 v13, v6;
	v6 =	vld.idx.msk [tilespmem:v11+s17+$0x0], $0xffff;
	v11 =	vor.u32 $0x1D, v3  }
0x552: {  	v13 =	vld.idx.msk [tilespmem:v8+s18+$0x0], $0xffff  }
0x553: {  	v4 =	vadd.f32 v5, v4;
	v5 =	vmul.f32 v14, v7;
	v7 =	vld.idx.msk [tilespmem:v8+s17+$0x0], $0xffff;
	v8 =	vor.u32 $0x1E, v3  }
0x554: {  	v14 =	vld.idx.msk [tilespmem:v10+s18+$0x0], $0xffff  }
0x555: {  	v3 =	vor.u32 $0x1F, v3;
	v4 =	vadd.f32 v5, v4;
	v5 =	vmul.f32 v15, v9;
	v9 =	vld.idx.msk [tilespmem:v10+s17+$0x0], $0xffff  }
0x556: {  	v10 =	vld.idx.msk [tilespmem:v11+s18+$0x0], $0xffff  }
0x557: {  	v4 =	vadd.f32 v5, v4;
	v5 =	vmul.f32 v12, v6;
	v6 =	vld.idx.msk [tilespmem:v11+s17+$0x0], $0xffff  }
0x558: {  	v11 =	vld.idx.msk [tilespmem:v8+s18+$0x0], $0xffff  }
0x559: {  	v4 =	vadd.f32 v5, v4;
	v5 =	vmul.f32 v13, v7;
	v7 =	vld.idx.msk [tilespmem:v8+s17+$0x0], $0xffff  }
0x55a: {  	v8 =	vld.idx.msk [tilespmem:v3+s18+$0x0], $0xffff  }
0x55b: {  	v4 =	vadd.f32 v5, v4;
	v5 =	vmul.f32 v14, v9;
	v3 =	vld.idx.msk [tilespmem:v3+s17+$0x0], $0xffff;
	_ =	sdelay $0x1  }
0x55c: {  	v4 =	vadd.f32 v5, v4;
	v5 =	vmul.f32 v10, v6;
	_ =	sdelay $0x1  }
0x55d: {  	v4 =	vadd.f32 v5, v4;
	v5 =	vmul.f32 v11, v7;
	_ =	sdelay $0x1  }
0x55e: {  	v4 =	vadd.f32 v5, v4;
	v3 =	vmul.f32 v8, v3;
	_ =	sdelay $0x1  }
0x55f: {  	v3 =	vadd.f32 v3, v4;
	_ =	sdelay $0x1  }
0x560: {  	v3 =	vmul.f32 v3, v1;
	_ =	sdelay $0x1  }
0x561: {  	v3 =	vadd.f32 v3, v2;
	_ =	sdelay $0x1  }
0x562: {  	v3 =	vsub.f32 $0.0e+00, v3;
	_ =	sdelay $0x1  }
0x563: {  	v3 =	vmul.f32 $1.442695020e+00, v3;
	_ =	sdelay $0x1  }
0x564: {  	(erf) = vpow2.f32 v3;
	_ =	sdelay $0x8  }
0x565: {  	v3 =	vpop (erf)  }
0x566: {  	v3 =	vadd.f32 $1.000000000e+00, v3;
	_ =	sdelay $0x1  }
.Ltmp2:
0x567: {  	s2 =	sadd.s32 $0x20, s2;
	(erf) = vrcp.f32 v3;
	(pc) =	sbr.rel @p0 .LBB2_6-.Ltmp2, $4  }
0x568: {  	s19 =	sadd.s32 $0xFFFFFFF0, s2  }
0x569: {  	v3 =	vmov s19  }
0x56a: {  	v3 =	vshll.u32 v3, $0x5  }
0x56b: {  	v3 =	vor.u32 v0, v3  }
0x56c: {  	_ =	sdelay $0x2  }
0x56d: {  	v4 =	vor.u32 $0x1, v3  }
0x56e: {  	v5 =	vpop (erf)  }
0x56f: {  	v6 =	vor.u32 $0x2, v3;
	[tilespmem:s14+$0x0] =	vst v5  }
0x570: {  	v5 =	vld.idx.msk [tilespmem:v3+s18+$0x0], $0xffff  }
0x571: {  	v7 =	vor.u32 $0x3, v3;
	v8 =	vld.idx.msk [tilespmem:v3+s17+$0x0], $0xffff  }
0x572: {  	v9 =	vld.idx.msk [tilespmem:v4+s17+$0x0], $0xffff  }
0x573: {  	v10 =	vor.u32 $0x4, v3;
	v4 =	vld.idx.msk [tilespmem:v4+s18+$0x0], $0xffff  }
0x574: {  	v11 =	vld.idx.msk [tilespmem:v6+s17+$0x0], $0xffff  }
0x575: {  	v12 =	vor.u32 $0x5, v3;
	v6 =	vld.idx.msk [tilespmem:v6+s18+$0x0], $0xffff  }
0x576: {  	v13 =	vld.idx.msk [tilespmem:v7+s17+$0x0], $0xffff;
	v5 =	vmul.f32 v5, v8  }
0x577: {  	v47 =	vor.u32 $0x6, v3;
	v7 =	vld.idx.msk [tilespmem:v7+s18+$0x0], $0xffff  }
0x578: {  	v14 =	vld.idx.msk [tilespmem:v10+s17+$0x0], $0xffff;
	v4 =	vmul.f32 v4, v9;
	v5 =	vadd.f32 $0.0e+00, v5  }
0x579: {  	v49 =	vor.u32 $0x7, v3;
	v48 =	vld.idx.msk [tilespmem:v10+s18+$0x0], $0xffff  }
0x57a: {  	v50 =	vld.idx.msk [tilespmem:v12+s18+$0x0], $0xffff;
	v6 =	vmul.f32 v6, v11;
	v4 =	vadd.f32 v4, v5  }
0x57b: {  	v51 =	vor.u32 $0x8, v3;
	v5 =	vld.idx.msk [tilespmem:v12+s17+$0x0], $0xffff  }
0x57c: {  	v52 =	vld.idx.msk [tilespmem:v47+s18+$0x0], $0xffff;
	v7 =	vmul.f32 v7, v13;
	v4 =	vadd.f32 v6, v4  }
0x57d: {  	v54 =	vor.u32 $0x9, v3;
	v53 =	vld.idx.msk [tilespmem:v47+s17+$0x0], $0xffff  }
0x57e: {  	v15 =	vld.idx.msk [tilespmem:v49+s18+$0x0], $0xffff;
	v55 =	vmul.f32 v48, v14;
	v4 =	vadd.f32 v7, v4  }
0x57f: {  	v57 =	vor.u32 $0xA, v3;
	v56 =	vld.idx.msk [tilespmem:v49+s17+$0x0], $0xffff  }
0x580: {  	v58 =	vld.idx.msk [tilespmem:v51+s18+$0x0], $0xffff;
	v5 =	vmul.f32 v50, v5;
	v4 =	vadd.f32 v55, v4  }
0x581: {  	v60 =	vor.u32 $0xB, v3;
	v59 =	vld.idx.msk [tilespmem:v51+s17+$0x0], $0xffff  }
0x582: {  	v61 =	vld.idx.msk [tilespmem:v54+s18+$0x0], $0xffff;
	v4 =	vadd.f32 v5, v4;
	v5 =	vmul.f32 v52, v53  }
0x583: {  	v63 =	vor.u32 $0xC, v3;
	v62 =	vld.idx.msk [tilespmem:v54+s17+$0x0], $0xffff  }
0x584: {  	v18 =	vld.idx.msk [tilespmem:v57+s18+$0x0], $0xffff;
	v4 =	vadd.f32 v5, v4;
	v5 =	vmul.f32 v15, v56  }
0x585: {  	v20 =	vor.u32 $0xD, v3;
	v19 =	vld.idx.msk [tilespmem:v57+s17+$0x0], $0xffff  }
0x586: {  	v21 =	vld.idx.msk [tilespmem:v60+s18+$0x0], $0xffff;
	v4 =	vadd.f32 v5, v4;
	v5 =	vmul.f32 v58, v59  }
0x587: {  	v23 =	vor.u32 $0xE, v3;
	v22 =	vld.idx.msk [tilespmem:v60+s17+$0x0], $0xffff  }
0x588: {  	v24 =	vld.idx.msk [tilespmem:v63+s18+$0x0], $0xffff;
	v4 =	vadd.f32 v5, v4;
	v5 =	vmul.f32 v61, v62  }
0x589: {  	v26 =	vor.u32 $0xF, v3;
	v25 =	vld.idx.msk [tilespmem:v63+s17+$0x0], $0xffff  }
0x58a: {  	v27 =	vld.idx.msk [tilespmem:v20+s18+$0x0], $0xffff;
	v4 =	vadd.f32 v5, v4;
	v5 =	vmul.f32 v18, v19  }
0x58b: {  	v29 =	vor.u32 $0x10, v3;
	v28 =	vld.idx.msk [tilespmem:v20+s17+$0x0], $0xffff  }
0x58c: {  	v30 =	vld.idx.msk [tilespmem:v23+s18+$0x0], $0xffff;
	v4 =	vadd.f32 v5, v4;
	v5 =	vmul.f32 v21, v22  }
0x58d: {  	v32 =	vor.u32 $0x11, v3;
	v31 =	vld.idx.msk [tilespmem:v23+s17+$0x0], $0xffff  }
0x58e: {  	v33 =	vld.idx.msk [tilespmem:v26+s18+$0x0], $0xffff;
	v4 =	vadd.f32 v5, v4;
	v5 =	vmul.f32 v24, v25  }
0x58f: {  	v35 =	vor.u32 $0x12, v3;
	v34 =	vld.idx.msk [tilespmem:v26+s17+$0x0], $0xffff  }
0x590: {  	v36 =	vld.idx.msk [tilespmem:v29+s18+$0x0], $0xffff;
	v4 =	vadd.f32 v5, v4;
	v5 =	vmul.f32 v27, v28  }
0x591: {  	v38 =	vor.u32 $0x13, v3;
	v37 =	vld.idx.msk [tilespmem:v29+s17+$0x0], $0xffff  }
0x592: {  	v39 =	vld.idx.msk [tilespmem:v32+s18+$0x0], $0xffff;
	v4 =	vadd.f32 v5, v4;
	v5 =	vmul.f32 v30, v31  }
0x593: {  	v41 =	vor.u32 $0x14, v3;
	v40 =	vld.idx.msk [tilespmem:v32+s17+$0x0], $0xffff  }
0x594: {  	v42 =	vld.idx.msk [tilespmem:v35+s18+$0x0], $0xffff;
	v4 =	vadd.f32 v5, v4;
	v5 =	vmul.f32 v33, v34  }
0x595: {  	v44 =	vor.u32 $0x15, v3;
	v43 =	vld.idx.msk [tilespmem:v35+s17+$0x0], $0xffff  }
0x596: {  	v45 =	vld.idx.msk [tilespmem:v38+s18+$0x0], $0xffff;
	v4 =	vadd.f32 v5, v4;
	v5 =	vmul.f32 v36, v37  }
0x597: {  	v46 =	vld.idx.msk [tilespmem:v38+s17+$0x0], $0xffff;
	v47 =	vor.u32 $0x16, v3  }
0x598: {  	v49 =	vld.idx.msk [tilespmem:v41+s17+$0x0], $0xffff;
	v4 =	vadd.f32 v5, v4;
	v5 =	vmul.f32 v39, v40  }
0x599: {  	v48 =	vld.idx.msk [tilespmem:v41+s18+$0x0], $0xffff;
	v50 =	vor.u32 $0x17, v3  }
0x59a: {  	v51 =	vld.idx.msk [tilespmem:v44+s18+$0x0], $0xffff;
	v4 =	vadd.f32 v5, v4;
	v5 =	vmul.f32 v42, v43  }
0x59b: {  	v52 =	vld.idx.msk [tilespmem:v44+s17+$0x0], $0xffff;
	v53 =	vor.u32 $0x18, v3  }
0x59c: {  	v54 =	vld.idx.msk [tilespmem:v47+s18+$0x0], $0xffff;
	v4 =	vadd.f32 v5, v4;
	v5 =	vmul.f32 v45, v46  }
0x59d: {  	v55 =	vld.idx.msk [tilespmem:v47+s17+$0x0], $0xffff;
	v56 =	vor.u32 $0x19, v3  }
0x59e: {  	v57 =	vld.idx.msk [tilespmem:v50+s18+$0x0], $0xffff;
	v4 =	vadd.f32 v5, v4;
	v5 =	vmul.f32 v48, v49  }
0x59f: {  	v58 =	vld.idx.msk [tilespmem:v50+s17+$0x0], $0xffff;
	v59 =	vor.u32 $0x1A, v3  }
0x5a0: {  	v60 =	vld.idx.msk [tilespmem:v53+s18+$0x0], $0xffff;
	v4 =	vadd.f32 v5, v4;
	v5 =	vmul.f32 v51, v52  }
0x5a1: {  	v61 =	vld.idx.msk [tilespmem:v53+s17+$0x0], $0xffff;
	v62 =	vor.u32 $0x1B, v3  }
0x5a2: {  	v63 =	vld.idx.msk [tilespmem:v56+s18+$0x0], $0xffff;
	v4 =	vadd.f32 v5, v4;
	v5 =	vmul.f32 v54, v55  }
0x5a3: {  	v18 =	vld.idx.msk [tilespmem:v56+s17+$0x0], $0xffff;
	v19 =	vor.u32 $0x1C, v3  }
0x5a4: {  	v20 =	vld.idx.msk [tilespmem:v59+s18+$0x0], $0xffff;
	v4 =	vadd.f32 v5, v4;
	v5 =	vmul.f32 v57, v58  }
0x5a5: {  	v21 =	vld.idx.msk [tilespmem:v59+s17+$0x0], $0xffff;
	v22 =	vor.u32 $0x1D, v3  }
0x5a6: {  	v23 =	vld.idx.msk [tilespmem:v62+s18+$0x0], $0xffff;
	v4 =	vadd.f32 v5, v4;
	v5 =	vmul.f32 v60, v61  }
0x5a7: {  	v24 =	vld.idx.msk [tilespmem:v62+s17+$0x0], $0xffff;
	v25 =	vor.u32 $0x1E, v3  }
0x5a8: {  	v26 =	vld.idx.msk [tilespmem:v19+s18+$0x0], $0xffff;
	v4 =	vadd.f32 v5, v4;
	v5 =	vmul.f32 v63, v18  }
0x5a9: {  	v3 =	vor.u32 $0x1F, v3;
	v27 =	vld.idx.msk [tilespmem:v19+s17+$0x0], $0xffff  }
0x5aa: {  	v28 =	vld.idx.msk [tilespmem:v22+s18+$0x0], $0xffff;
	v4 =	vadd.f32 v5, v4;
	v5 =	vmul.f32 v20, v21  }
0x5ab: {  	v29 =	vld.idx.msk [tilespmem:v22+s17+$0x0], $0xffff  }
0x5ac: {  	v30 =	vld.idx.msk [tilespmem:v25+s18+$0x0], $0xffff;
	v4 =	vadd.f32 v5, v4;
	v5 =	vmul.f32 v23, v24  }
0x5ad: {  	v31 =	vld.idx.msk [tilespmem:v25+s17+$0x0], $0xffff  }
0x5ae: {  	v32 =	vld.idx.msk [tilespmem:v3+s18+$0x0], $0xffff;
	v4 =	vadd.f32 v5, v4;
	v5 =	vmul.f32 v26, v27  }
0x5af: {  	v3 =	vld.idx.msk [tilespmem:v3+s17+$0x0], $0xffff  }
0x5b0: {  	v4 =	vadd.f32 v5, v4;
	v5 =	vmul.f32 v28, v29;
	_ =	sdelay $0x1  }
0x5b1: {  	v4 =	vadd.f32 v5, v4;
	v5 =	vmul.f32 v30, v31;
	_ =	sdelay $0x1  }
0x5b2: {  	v3 =	vmul.f32 v32, v3;
	v4 =	vadd.f32 v5, v4;
	_ =	sdelay $0x1  }
0x5b3: {  	v3 =	vadd.f32 v3, v4;
	_ =	sdelay $0x1  }
0x5b4: {  	v3 =	vmul.f32 v3, v1;
	_ =	sdelay $0x1  }
0x5b5: {  	v3 =	vadd.f32 v3, v2;
	_ =	sdelay $0x1  }
0x5b6: {  	v3 =	vsub.f32 $0.0e+00, v3;
	_ =	sdelay $0x1  }
0x5b7: {  	v3 =	vmul.f32 $1.442695020e+00, v3;
	_ =	sdelay $0x1  }
0x5b8: {  	(erf) = vpow2.f32 v3;
	_ =	sdelay $0x8  }
0x5b9: {  	v3 =	vpop (erf)  }
0x5ba: {  	v3 =	vadd.f32 $1.000000000e+00, v3;
	_ =	sdelay $0x1  }
0x5bb: {  	(erf) = vrcp.f32 v3;
	_ =	sdelay $0x3  }
0x5bc: {  	v3 =	vmov s2  }
0x5bd: {  	v3 =	vshll.u32 v3, $0x5  }
0x5be: {  	v3 =	vor.u32 v0, v3;
	_ =	sdelay $0x1  }
0x5bf: {  	v4 =	vor.u32 $0x1, v3  }
0x5c0: {  	s1 =	sadd.s32 $0x20, s1;
	v5 =	vpop (erf)  }
0x5c1: {  	[tilespmem:s1+$0xFFFFFFF0] =	vst v5;
	v5 =	vor.u32 $0x2, v3  }
0x5c2: {  	v33 =	vld.idx.msk [tilespmem:v3+s17+$0x0], $0xffff  }
0x5c3: {  	v35 =	vor.u32 $0x3, v3;
	v34 =	vld.idx.msk [tilespmem:v3+s18+$0x0], $0xffff  }
0x5c4: {  	v36 =	vld.idx.msk [tilespmem:v4+s18+$0x0], $0xffff  }
0x5c5: {  	v37 =	vor.u32 $0x4, v3;
	v4 =	vld.idx.msk [tilespmem:v4+s17+$0x0], $0xffff  }
0x5c6: {  	v38 =	vld.idx.msk [tilespmem:v5+s18+$0x0], $0xffff  }
0x5c7: {  	v39 =	vor.u32 $0x5, v3;
	v5 =	vld.idx.msk [tilespmem:v5+s17+$0x0], $0xffff  }
0x5c8: {  	v40 =	vld.idx.msk [tilespmem:v35+s18+$0x0], $0xffff;
	v6 =	vmul.f32 v34, v33  }
0x5c9: {  	v42 =	vor.u32 $0x6, v3;
	v41 =	vld.idx.msk [tilespmem:v35+s17+$0x0], $0xffff  }
0x5ca: {  	v43 =	vld.idx.msk [tilespmem:v37+s18+$0x0], $0xffff;
	v4 =	vmul.f32 v36, v4;
	v6 =	vadd.f32 $0.0e+00, v6  }
0x5cb: {  	v45 =	vor.u32 $0x7, v3;
	v44 =	vld.idx.msk [tilespmem:v37+s17+$0x0], $0xffff  }
0x5cc: {  	v46 =	vld.idx.msk [tilespmem:v39+s18+$0x0], $0xffff;
	v4 =	vadd.f32 v4, v6;
	v5 =	vmul.f32 v38, v5  }
0x5cd: {  	v48 =	vor.u32 $0x8, v3;
	v47 =	vld.idx.msk [tilespmem:v39+s17+$0x0], $0xffff  }
0x5ce: {  	v49 =	vld.idx.msk [tilespmem:v42+s18+$0x0], $0xffff;
	v4 =	vadd.f32 v5, v4;
	v5 =	vmul.f32 v40, v41  }
0x5cf: {  	v51 =	vor.u32 $0x9, v3;
	v50 =	vld.idx.msk [tilespmem:v42+s17+$0x0], $0xffff  }
0x5d0: {  	v52 =	vld.idx.msk [tilespmem:v45+s18+$0x0], $0xffff;
	v4 =	vadd.f32 v5, v4;
	v5 =	vmul.f32 v43, v44  }
0x5d1: {  	v54 =	vor.u32 $0xA, v3;
	v53 =	vld.idx.msk [tilespmem:v45+s17+$0x0], $0xffff  }
0x5d2: {  	v55 =	vld.idx.msk [tilespmem:v48+s18+$0x0], $0xffff;
	v4 =	vadd.f32 v5, v4;
	v5 =	vmul.f32 v46, v47  }
0x5d3: {  	v57 =	vor.u32 $0xB, v3;
	v56 =	vld.idx.msk [tilespmem:v48+s17+$0x0], $0xffff  }
0x5d4: {  	v58 =	vld.idx.msk [tilespmem:v51+s18+$0x0], $0xffff;
	v4 =	vadd.f32 v5, v4;
	v5 =	vmul.f32 v49, v50  }
0x5d5: {  	v60 =	vor.u32 $0xC, v3;
	v59 =	vld.idx.msk [tilespmem:v51+s17+$0x0], $0xffff  }
0x5d6: {  	v61 =	vld.idx.msk [tilespmem:v54+s18+$0x0], $0xffff;
	v4 =	vadd.f32 v5, v4;
	v5 =	vmul.f32 v52, v53  }
0x5d7: {  	v63 =	vor.u32 $0xD, v3;
	v62 =	vld.idx.msk [tilespmem:v54+s17+$0x0], $0xffff  }
0x5d8: {  	v18 =	vld.idx.msk [tilespmem:v57+s18+$0x0], $0xffff;
	v4 =	vadd.f32 v5, v4;
	v5 =	vmul.f32 v55, v56  }
0x5d9: {  	v20 =	vor.u32 $0xE, v3;
	v19 =	vld.idx.msk [tilespmem:v57+s17+$0x0], $0xffff  }
0x5da: {  	v21 =	vld.idx.msk [tilespmem:v60+s18+$0x0], $0xffff;
	v4 =	vadd.f32 v5, v4;
	v5 =	vmul.f32 v58, v59  }
0x5db: {  	v23 =	vor.u32 $0xF, v3;
	v22 =	vld.idx.msk [tilespmem:v60+s17+$0x0], $0xffff  }
0x5dc: {  	v24 =	vld.idx.msk [tilespmem:v63+s18+$0x0], $0xffff;
	v4 =	vadd.f32 v5, v4;
	v5 =	vmul.f32 v61, v62  }
0x5dd: {  	v26 =	vor.u32 $0x10, v3;
	v25 =	vld.idx.msk [tilespmem:v63+s17+$0x0], $0xffff  }
0x5de: {  	v27 =	vld.idx.msk [tilespmem:v20+s18+$0x0], $0xffff;
	v4 =	vadd.f32 v5, v4;
	v5 =	vmul.f32 v18, v19  }
0x5df: {  	v29 =	vor.u32 $0x11, v3;
	v28 =	vld.idx.msk [tilespmem:v20+s17+$0x0], $0xffff  }
0x5e0: {  	v30 =	vld.idx.msk [tilespmem:v23+s18+$0x0], $0xffff;
	v4 =	vadd.f32 v5, v4;
	v5 =	vmul.f32 v21, v22  }
0x5e1: {  	v32 =	vor.u32 $0x12, v3;
	v31 =	vld.idx.msk [tilespmem:v23+s17+$0x0], $0xffff  }
0x5e2: {  	v33 =	vld.idx.msk [tilespmem:v26+s18+$0x0], $0xffff;
	v4 =	vadd.f32 v5, v4;
	v5 =	vmul.f32 v24, v25  }
0x5e3: {  	v35 =	vor.u32 $0x13, v3;
	v34 =	vld.idx.msk [tilespmem:v26+s17+$0x0], $0xffff  }
0x5e4: {  	v37 =	vld.idx.msk [tilespmem:v29+s17+$0x0], $0xffff;
	v4 =	vadd.f32 v5, v4;
	v5 =	vmul.f32 v27, v28  }
0x5e5: {  	v36 =	vld.idx.msk [tilespmem:v29+s18+$0x0], $0xffff;
	v38 =	vor.u32 $0x14, v3  }
0x5e6: {  	v39 =	vld.idx.msk [tilespmem:v32+s18+$0x0], $0xffff;
	v4 =	vadd.f32 v5, v4;
	v5 =	vmul.f32 v30, v31  }
0x5e7: {  	v40 =	vld.idx.msk [tilespmem:v32+s17+$0x0], $0xffff;
	v41 =	vor.u32 $0x15, v3  }
0x5e8: {  	v42 =	vld.idx.msk [tilespmem:v35+s18+$0x0], $0xffff;
	v4 =	vadd.f32 v5, v4;
	v5 =	vmul.f32 v33, v34  }
0x5e9: {  	v43 =	vld.idx.msk [tilespmem:v35+s17+$0x0], $0xffff;
	v44 =	vor.u32 $0x16, v3  }
0x5ea: {  	v45 =	vld.idx.msk [tilespmem:v38+s18+$0x0], $0xffff;
	v4 =	vadd.f32 v5, v4;
	v5 =	vmul.f32 v36, v37  }
0x5eb: {  	v46 =	vld.idx.msk [tilespmem:v38+s17+$0x0], $0xffff;
	v47 =	vor.u32 $0x17, v3  }
0x5ec: {  	v48 =	vld.idx.msk [tilespmem:v41+s18+$0x0], $0xffff;
	v4 =	vadd.f32 v5, v4;
	v5 =	vmul.f32 v39, v40  }
0x5ed: {  	v49 =	vld.idx.msk [tilespmem:v41+s17+$0x0], $0xffff;
	v50 =	vor.u32 $0x18, v3  }
0x5ee: {  	v51 =	vld.idx.msk [tilespmem:v44+s18+$0x0], $0xffff;
	v4 =	vadd.f32 v5, v4;
	v5 =	vmul.f32 v42, v43  }
0x5ef: {  	v52 =	vld.idx.msk [tilespmem:v44+s17+$0x0], $0xffff;
	v53 =	vor.u32 $0x19, v3  }
0x5f0: {  	v54 =	vld.idx.msk [tilespmem:v47+s18+$0x0], $0xffff;
	v4 =	vadd.f32 v5, v4;
	v5 =	vmul.f32 v45, v46  }
0x5f1: {  	v55 =	vld.idx.msk [tilespmem:v47+s17+$0x0], $0xffff;
	v56 =	vor.u32 $0x1A, v3  }
0x5f2: {  	v57 =	vld.idx.msk [tilespmem:v50+s18+$0x0], $0xffff;
	v4 =	vadd.f32 v5, v4;
	v5 =	vmul.f32 v48, v49  }
0x5f3: {  	v58 =	vld.idx.msk [tilespmem:v50+s17+$0x0], $0xffff;
	v59 =	vor.u32 $0x1B, v3  }
0x5f4: {  	v60 =	vld.idx.msk [tilespmem:v53+s18+$0x0], $0xffff;
	v4 =	vadd.f32 v5, v4;
	v5 =	vmul.f32 v51, v52  }
0x5f5: {  	v61 =	vld.idx.msk [tilespmem:v53+s17+$0x0], $0xffff;
	v62 =	vor.u32 $0x1C, v3  }
0x5f6: {  	v63 =	vld.idx.msk [tilespmem:v56+s18+$0x0], $0xffff;
	v4 =	vadd.f32 v5, v4;
	v5 =	vmul.f32 v54, v55  }
0x5f7: {  	v17 =	vor.u32 $0x1D, v3;
	v16 =	vld.idx.msk [tilespmem:v56+s17+$0x0], $0xffff  }
0x5f8: {  	v18 =	vld.idx.msk [tilespmem:v59+s18+$0x0], $0xffff;
	v4 =	vadd.f32 v5, v4;
	v5 =	vmul.f32 v57, v58  }
0x5f9: {  	v20 =	vor.u32 $0x1E, v3;
	v19 =	vld.idx.msk [tilespmem:v59+s17+$0x0], $0xffff  }
0x5fa: {  	v21 =	vld.idx.msk [tilespmem:v62+s18+$0x0], $0xffff;
	v4 =	vadd.f32 v5, v4;
	v5 =	vmul.f32 v60, v61  }
0x5fb: {  	v3 =	vor.u32 $0x1F, v3;
	v22 =	vld.idx.msk [tilespmem:v62+s17+$0x0], $0xffff  }
0x5fc: {  	v23 =	vld.idx.msk [tilespmem:v17+s18+$0x0], $0xffff;
	v4 =	vadd.f32 v5, v4;
	v5 =	vmul.f32 v63, v16  }
0x5fd: {  	v24 =	vld.idx.msk [tilespmem:v17+s17+$0x0], $0xffff  }
0x5fe: {  	v26 =	vld.idx.msk [tilespmem:v20+s17+$0x0], $0xffff;
	v4 =	vadd.f32 v5, v4;
	v5 =	vmul.f32 v18, v19  }
0x5ff: {  	v25 =	vld.idx.msk [tilespmem:v20+s18+$0x0], $0xffff  }
0x600: {  	v27 =	vld.idx.msk [tilespmem:v3+s18+$0x0], $0xffff;
	v4 =	vadd.f32 v5, v4;
	v5 =	vmul.f32 v21, v22  }
0x601: {  	v3 =	vld.idx.msk [tilespmem:v3+s17+$0x0], $0xffff  }
0x602: {  	v4 =	vadd.f32 v5, v4;
	v5 =	vmul.f32 v23, v24;
	_ =	sdelay $0x1  }
0x603: {  	v4 =	vadd.f32 v5, v4;
	v5 =	vmul.f32 v25, v26;
	_ =	sdelay $0x1  }
0x604: {  	v3 =	vmul.f32 v27, v3;
	v4 =	vadd.f32 v5, v4;
	_ =	sdelay $0x1  }
0x605: {  	v3 =	vadd.f32 v3, v4;
	_ =	sdelay $0x1  }
0x606: {  	v3 =	vmul.f32 v3, v1;
	_ =	sdelay $0x1  }
0x607: {  	v3 =	vadd.f32 v3, v2;
	_ =	sdelay $0x1  }
0x608: {  	v3 =	vsub.f32 $0.0e+00, v3;
	_ =	sdelay $0x1  }
0x609: {  	v3 =	vmul.f32 $1.442695020e+00, v3;
	_ =	sdelay $0x1  }
0x60a: {  	(erf) = vpow2.f32 v3;
	_ =	sdelay $0x8  }
0x60b: {  	v3 =	vpop (erf)  }
0x60c: {  	v3 =	vadd.f32 $1.000000000e+00, v3;
	_ =	sdelay $0x1  }
0x60d: {  	(erf) = vrcp.f32 v3;
	_ =	sdelay $0x8  }
0x60e: {  	s12 =	simm.s32 $0x180;
	v3 =	vpop (erf)  }
0x60f: {  	[tilespmem:s1+$0x0] =	vst v3;
	v3 =	vmov s12  }
0x610: {  	_ =	swait.ge [sflag:s31], $0x1000;
	v3 =	vshll.u32 v3, $0x5  }
0x611: {  	[sflag:s31] =	ssyncset.done $0x0;
	v3 =	vor.u32 v0, v3  }
0x612: {  	[sflag:s31] =	ssyncadd.s32 $0xFFFFF000  }
0x613: {  	v4 =	vor.u32 $0x1, v3;
	_ =	swait.ge [sflag:s31], $0x1000  }
0x614: {  	[sflag:s31] =	ssyncset.done $0x0  }
0x615: {  	v5 =	vor.u32 $0x2, v3;
	[sflag:s31] =	ssyncadd.s32 $0xFFFFF000  }
0x616: {  	v28 =	vld.idx.msk [tilespmem:v3+s18+$0x0], $0xffff  }
0x617: {  	v29 =	vor.u32 $0x3, v3;
	v30 =	vld.idx.msk [tilespmem:v3+s17+$0x0], $0xffff  }
0x618: {  	v31 =	vld.idx.msk [tilespmem:v4+s17+$0x0], $0xffff  }
0x619: {  	v32 =	vor.u32 $0x4, v3;
	v4 =	vld.idx.msk [tilespmem:v4+s18+$0x0], $0xffff  }
0x61a: {  	v33 =	vld.idx.msk [tilespmem:v5+s17+$0x0], $0xffff  }
0x61b: {  	v34 =	vor.u32 $0x5, v3;
	v5 =	vld.idx.msk [tilespmem:v5+s18+$0x0], $0xffff  }
0x61c: {  	v35 =	vld.idx.msk [tilespmem:v29+s17+$0x0], $0xffff;
	v6 =	vmul.f32 v28, v30  }
0x61d: {  	v36 =	vor.u32 $0x6, v3;
	v7 =	vld.idx.msk [tilespmem:v29+s18+$0x0], $0xffff  }
0x61e: {  	v37 =	vld.idx.msk [tilespmem:v32+s17+$0x0], $0xffff;
	v4 =	vmul.f32 v4, v31;
	v6 =	vadd.f32 $0.0e+00, v6  }
0x61f: {  	v39 =	vor.u32 $0x7, v3;
	v38 =	vld.idx.msk [tilespmem:v32+s18+$0x0], $0xffff  }
0x620: {  	v40 =	vld.idx.msk [tilespmem:v34+s18+$0x0], $0xffff;
	v5 =	vmul.f32 v5, v33;
	v4 =	vadd.f32 v4, v6  }
0x621: {  	v42 =	vor.u32 $0x8, v3;
	v41 =	vld.idx.msk [tilespmem:v34+s17+$0x0], $0xffff  }
0x622: {  	v43 =	vld.idx.msk [tilespmem:v36+s18+$0x0], $0xffff;
	v7 =	vmul.f32 v7, v35;
	v4 =	vadd.f32 v5, v4  }
0x623: {  	v44 =	vor.u32 $0x9, v3;
	v5 =	vld.idx.msk [tilespmem:v36+s17+$0x0], $0xffff  }
0x624: {  	v45 =	vld.idx.msk [tilespmem:v39+s18+$0x0], $0xffff;
	v46 =	vmul.f32 v38, v37;
	v4 =	vadd.f32 v7, v4  }
0x625: {  	v48 =	vor.u32 $0xA, v3;
	v47 =	vld.idx.msk [tilespmem:v39+s17+$0x0], $0xffff  }
0x626: {  	v49 =	vld.idx.msk [tilespmem:v42+s18+$0x0], $0xffff;
	v6 =	vmul.f32 v40, v41;
	v4 =	vadd.f32 v46, v4  }
0x627: {  	v51 =	vor.u32 $0xB, v3;
	v50 =	vld.idx.msk [tilespmem:v42+s17+$0x0], $0xffff  }
0x628: {  	v52 =	vld.idx.msk [tilespmem:v44+s18+$0x0], $0xffff;
	v5 =	vmul.f32 v43, v5;
	v4 =	vadd.f32 v6, v4  }
0x629: {  	v54 =	vor.u32 $0xC, v3;
	v53 =	vld.idx.msk [tilespmem:v44+s17+$0x0], $0xffff  }
0x62a: {  	v55 =	vld.idx.msk [tilespmem:v48+s18+$0x0], $0xffff;
	v4 =	vadd.f32 v5, v4;
	v5 =	vmul.f32 v45, v47  }
0x62b: {  	v57 =	vor.u32 $0xD, v3;
	v56 =	vld.idx.msk [tilespmem:v48+s17+$0x0], $0xffff  }
0x62c: {  	v58 =	vld.idx.msk [tilespmem:v51+s18+$0x0], $0xffff;
	v4 =	vadd.f32 v5, v4;
	v5 =	vmul.f32 v49, v50  }
0x62d: {  	v60 =	vor.u32 $0xE, v3;
	v59 =	vld.idx.msk [tilespmem:v51+s17+$0x0], $0xffff  }
0x62e: {  	v61 =	vld.idx.msk [tilespmem:v54+s18+$0x0], $0xffff;
	v4 =	vadd.f32 v5, v4;
	v5 =	vmul.f32 v52, v53  }
0x62f: {  	v63 =	vor.u32 $0xF, v3;
	v62 =	vld.idx.msk [tilespmem:v54+s17+$0x0], $0xffff  }
0x630: {  	v18 =	vld.idx.msk [tilespmem:v57+s18+$0x0], $0xffff;
	v4 =	vadd.f32 v5, v4;
	v5 =	vmul.f32 v55, v56  }
0x631: {  	v20 =	vor.u32 $0x10, v3;
	v19 =	vld.idx.msk [tilespmem:v57+s17+$0x0], $0xffff  }
0x632: {  	v21 =	vld.idx.msk [tilespmem:v60+s18+$0x0], $0xffff;
	v4 =	vadd.f32 v5, v4;
	v5 =	vmul.f32 v58, v59  }
0x633: {  	v23 =	vor.u32 $0x11, v3;
	v22 =	vld.idx.msk [tilespmem:v60+s17+$0x0], $0xffff  }
0x634: {  	v24 =	vld.idx.msk [tilespmem:v63+s18+$0x0], $0xffff;
	v4 =	vadd.f32 v5, v4;
	v5 =	vmul.f32 v61, v62  }
0x635: {  	v26 =	vor.u32 $0x12, v3;
	v25 =	vld.idx.msk [tilespmem:v63+s17+$0x0], $0xffff  }
0x636: {  	v27 =	vld.idx.msk [tilespmem:v20+s18+$0x0], $0xffff;
	v4 =	vadd.f32 v5, v4;
	v5 =	vmul.f32 v18, v19  }
0x637: {  	v29 =	vor.u32 $0x13, v3;
	v28 =	vld.idx.msk [tilespmem:v20+s17+$0x0], $0xffff  }
0x638: {  	v30 =	vld.idx.msk [tilespmem:v23+s18+$0x0], $0xffff;
	v4 =	vadd.f32 v5, v4;
	v5 =	vmul.f32 v21, v22  }
0x639: {  	v32 =	vor.u32 $0x14, v3;
	v31 =	vld.idx.msk [tilespmem:v23+s17+$0x0], $0xffff  }
0x63a: {  	v34 =	vld.idx.msk [tilespmem:v26+s17+$0x0], $0xffff;
	v4 =	vadd.f32 v5, v4;
	v5 =	vmul.f32 v24, v25  }
0x63b: {  	v33 =	vld.idx.msk [tilespmem:v26+s18+$0x0], $0xffff;
	v35 =	vor.u32 $0x15, v3  }
0x63c: {  	v37 =	vld.idx.msk [tilespmem:v29+s17+$0x0], $0xffff;
	v4 =	vadd.f32 v5, v4;
	v5 =	vmul.f32 v27, v28  }
0x63d: {  	v38 =	vor.u32 $0x16, v3;
	v36 =	vld.idx.msk [tilespmem:v29+s18+$0x0], $0xffff  }
0x63e: {  	v39 =	vld.idx.msk [tilespmem:v32+s18+$0x0], $0xffff;
	v4 =	vadd.f32 v5, v4;
	v5 =	vmul.f32 v30, v31  }
0x63f: {  	v40 =	vld.idx.msk [tilespmem:v32+s17+$0x0], $0xffff;
	v41 =	vor.u32 $0x17, v3  }
0x640: {  	v42 =	vld.idx.msk [tilespmem:v35+s18+$0x0], $0xffff;
	v4 =	vadd.f32 v5, v4;
	v5 =	vmul.f32 v33, v34  }
0x641: {  	v44 =	vor.u32 $0x18, v3;
	v43 =	vld.idx.msk [tilespmem:v35+s17+$0x0], $0xffff  }
0x642: {  	v46 =	vld.idx.msk [tilespmem:v38+s17+$0x0], $0xffff;
	v4 =	vadd.f32 v5, v4;
	v5 =	vmul.f32 v36, v37  }
0x643: {  	v45 =	vld.idx.msk [tilespmem:v38+s18+$0x0], $0xffff;
	v47 =	vor.u32 $0x19, v3  }
0x644: {  	v48 =	vld.idx.msk [tilespmem:v41+s18+$0x0], $0xffff;
	v4 =	vadd.f32 v5, v4;
	v5 =	vmul.f32 v39, v40  }
0x645: {  	v49 =	vld.idx.msk [tilespmem:v41+s17+$0x0], $0xffff;
	v50 =	vor.u32 $0x1A, v3  }
0x646: {  	v51 =	vld.idx.msk [tilespmem:v44+s18+$0x0], $0xffff;
	v4 =	vadd.f32 v5, v4;
	v5 =	vmul.f32 v42, v43  }
0x647: {  	v52 =	vld.idx.msk [tilespmem:v44+s17+$0x0], $0xffff;
	v53 =	vor.u32 $0x1B, v3  }
0x648: {  	v54 =	vld.idx.msk [tilespmem:v47+s18+$0x0], $0xffff;
	v4 =	vadd.f32 v5, v4;
	v5 =	vmul.f32 v45, v46  }
0x649: {  	v55 =	vld.idx.msk [tilespmem:v47+s17+$0x0], $0xffff;
	v56 =	vor.u32 $0x1C, v3  }
0x64a: {  	v57 =	vld.idx.msk [tilespmem:v50+s18+$0x0], $0xffff;
	v4 =	vadd.f32 v5, v4;
	v5 =	vmul.f32 v48, v49  }
0x64b: {  	v58 =	vld.idx.msk [tilespmem:v50+s17+$0x0], $0xffff;
	v59 =	vor.u32 $0x1D, v3  }
0x64c: {  	v60 =	vld.idx.msk [tilespmem:v53+s18+$0x0], $0xffff;
	v4 =	vadd.f32 v5, v4;
	v5 =	vmul.f32 v51, v52  }
0x64d: {  	v61 =	vld.idx.msk [tilespmem:v53+s17+$0x0], $0xffff;
	v62 =	vor.u32 $0x1E, v3  }
0x64e: {  	v63 =	vld.idx.msk [tilespmem:v56+s18+$0x0], $0xffff;
	v4 =	vadd.f32 v5, v4;
	v5 =	vmul.f32 v54, v55  }
0x64f: {  	v3 =	vor.u32 $0x1F, v3;
	v12 =	vld.idx.msk [tilespmem:v56+s17+$0x0], $0xffff  }
0x650: {  	v16 =	vld.idx.msk [tilespmem:v59+s18+$0x0], $0xffff;
	v4 =	vadd.f32 v5, v4;
	v5 =	vmul.f32 v57, v58  }
0x651: {  	v17 =	vld.idx.msk [tilespmem:v59+s17+$0x0], $0xffff  }
0x652: {  	v18 =	vld.idx.msk [tilespmem:v62+s18+$0x0], $0xffff;
	v4 =	vadd.f32 v5, v4;
	v5 =	vmul.f32 v60, v61  }
0x653: {  	v19 =	vld.idx.msk [tilespmem:v62+s17+$0x0], $0xffff  }
0x654: {  	v20 =	vld.idx.msk [tilespmem:v3+s18+$0x0], $0xffff;
	v4 =	vadd.f32 v5, v4;
	v5 =	vmul.f32 v63, v12  }
0x655: {  	v3 =	vld.idx.msk [tilespmem:v3+s17+$0x0], $0xffff  }
0x656: {  	v4 =	vadd.f32 v5, v4;
	v5 =	vmul.f32 v16, v17;
	_ =	sdelay $0x1  }
0x657: {  	v4 =	vadd.f32 v5, v4;
	v5 =	vmul.f32 v18, v19;
	_ =	sdelay $0x1  }
0x658: {  	v3 =	vmul.f32 v20, v3;
	v4 =	vadd.f32 v5, v4;
	_ =	sdelay $0x1  }
0x659: {  	v3 =	vadd.f32 v3, v4;
	_ =	sdelay $0x1  }
0x65a: {  	v3 =	vmul.f32 v3, v1;
	_ =	sdelay $0x1  }
0x65b: {  	v3 =	vadd.f32 v3, v2;
	_ =	sdelay $0x1  }
0x65c: {  	v3 =	vsub.f32 $0.0e+00, v3;
	_ =	sdelay $0x1  }
0x65d: {  	v3 =	vmul.f32 $1.442695020e+00, v3;
	_ =	sdelay $0x1  }
0x65e: {  	(erf) = vpow2.f32 v3;
	_ =	sdelay $0x8  }
0x65f: {  	v3 =	vpop (erf)  }
0x660: {  	v3 =	vadd.f32 $1.000000000e+00, v3;
	_ =	sdelay $0x1  }
0x661: {  	(erf) = vrcp.f32 v3;
	_ =	sdelay $0x2  }
0x662: {  	s14 =	simm.s32 $0x190  }
0x663: {  	v3 =	vmov s14  }
0x664: {  	v3 =	vshll.u32 v3, $0x5  }
0x665: {  	v3 =	vor.u32 v0, v3;
	_ =	sdelay $0x1  }
0x666: {  	v4 =	vor.u32 $0x1, v3  }
0x667: {  	s1 =	simm.s32 $0x8590;
	v5 =	vpop (erf)  }
0x668: {  	[tilespmem:s1+$0xFFFFFFF0] =	vst v5;
	v5 =	vor.u32 $0x2, v3  }
0x669: {  	v21 =	vld.idx.msk [tilespmem:v3+s17+$0x0], $0xffff  }
0x66a: {  	v23 =	vor.u32 $0x3, v3;
	v22 =	vld.idx.msk [tilespmem:v3+s18+$0x0], $0xffff  }
0x66b: {  	v24 =	vld.idx.msk [tilespmem:v4+s18+$0x0], $0xffff  }
0x66c: {  	v25 =	vor.u32 $0x4, v3;
	v4 =	vld.idx.msk [tilespmem:v4+s17+$0x0], $0xffff  }
0x66d: {  	v26 =	vld.idx.msk [tilespmem:v5+s18+$0x0], $0xffff  }
0x66e: {  	v27 =	vor.u32 $0x5, v3;
	v5 =	vld.idx.msk [tilespmem:v5+s17+$0x0], $0xffff  }
0x66f: {  	v28 =	vld.idx.msk [tilespmem:v23+s18+$0x0], $0xffff;
	v6 =	vmul.f32 v22, v21  }
0x670: {  	v30 =	vor.u32 $0x6, v3;
	v29 =	vld.idx.msk [tilespmem:v23+s17+$0x0], $0xffff  }
0x671: {  	v31 =	vld.idx.msk [tilespmem:v25+s18+$0x0], $0xffff;
	v4 =	vmul.f32 v24, v4;
	v6 =	vadd.f32 $0.0e+00, v6  }
0x672: {  	v33 =	vor.u32 $0x7, v3;
	v32 =	vld.idx.msk [tilespmem:v25+s17+$0x0], $0xffff  }
0x673: {  	v34 =	vld.idx.msk [tilespmem:v27+s18+$0x0], $0xffff;
	v4 =	vadd.f32 v4, v6;
	v5 =	vmul.f32 v26, v5  }
0x674: {  	v36 =	vor.u32 $0x8, v3;
	v35 =	vld.idx.msk [tilespmem:v27+s17+$0x0], $0xffff  }
0x675: {  	v37 =	vld.idx.msk [tilespmem:v30+s18+$0x0], $0xffff;
	v4 =	vadd.f32 v5, v4;
	v5 =	vmul.f32 v28, v29  }
0x676: {  	v39 =	vor.u32 $0x9, v3;
	v38 =	vld.idx.msk [tilespmem:v30+s17+$0x0], $0xffff  }
0x677: {  	v40 =	vld.idx.msk [tilespmem:v33+s18+$0x0], $0xffff;
	v4 =	vadd.f32 v5, v4;
	v5 =	vmul.f32 v31, v32  }
0x678: {  	v42 =	vor.u32 $0xA, v3;
	v41 =	vld.idx.msk [tilespmem:v33+s17+$0x0], $0xffff  }
0x679: {  	v43 =	vld.idx.msk [tilespmem:v36+s18+$0x0], $0xffff;
	v4 =	vadd.f32 v5, v4;
	v5 =	vmul.f32 v34, v35  }
0x67a: {  	v45 =	vor.u32 $0xB, v3;
	v44 =	vld.idx.msk [tilespmem:v36+s17+$0x0], $0xffff  }
0x67b: {  	v46 =	vld.idx.msk [tilespmem:v39+s18+$0x0], $0xffff;
	v4 =	vadd.f32 v5, v4;
	v5 =	vmul.f32 v37, v38  }
0x67c: {  	v48 =	vor.u32 $0xC, v3;
	v47 =	vld.idx.msk [tilespmem:v39+s17+$0x0], $0xffff  }
0x67d: {  	v49 =	vld.idx.msk [tilespmem:v42+s18+$0x0], $0xffff;
	v4 =	vadd.f32 v5, v4;
	v5 =	vmul.f32 v40, v41  }
0x67e: {  	v51 =	vor.u32 $0xD, v3;
	v50 =	vld.idx.msk [tilespmem:v42+s17+$0x0], $0xffff  }
0x67f: {  	v52 =	vld.idx.msk [tilespmem:v45+s18+$0x0], $0xffff;
	v4 =	vadd.f32 v5, v4;
	v5 =	vmul.f32 v43, v44  }
0x680: {  	v54 =	vor.u32 $0xE, v3;
	v53 =	vld.idx.msk [tilespmem:v45+s17+$0x0], $0xffff  }
0x681: {  	v55 =	vld.idx.msk [tilespmem:v48+s18+$0x0], $0xffff;
	v4 =	vadd.f32 v5, v4;
	v5 =	vmul.f32 v46, v47  }
0x682: {  	v57 =	vor.u32 $0xF, v3;
	v56 =	vld.idx.msk [tilespmem:v48+s17+$0x0], $0xffff  }
0x683: {  	v58 =	vld.idx.msk [tilespmem:v51+s18+$0x0], $0xffff;
	v4 =	vadd.f32 v5, v4;
	v5 =	vmul.f32 v49, v50  }
0x684: {  	v60 =	vor.u32 $0x10, v3;
	v59 =	vld.idx.msk [tilespmem:v51+s17+$0x0], $0xffff  }
0x685: {  	v61 =	vld.idx.msk [tilespmem:v54+s18+$0x0], $0xffff;
	v4 =	vadd.f32 v5, v4;
	v5 =	vmul.f32 v52, v53  }
0x686: {  	v63 =	vor.u32 $0x11, v3;
	v62 =	vld.idx.msk [tilespmem:v54+s17+$0x0], $0xffff  }
0x687: {  	v18 =	vld.idx.msk [tilespmem:v57+s18+$0x0], $0xffff;
	v4 =	vadd.f32 v5, v4;
	v5 =	vmul.f32 v55, v56  }
0x688: {  	v20 =	vor.u32 $0x12, v3;
	v19 =	vld.idx.msk [tilespmem:v57+s17+$0x0], $0xffff  }
0x689: {  	v21 =	vld.idx.msk [tilespmem:v60+s18+$0x0], $0xffff;
	v4 =	vadd.f32 v5, v4;
	v5 =	vmul.f32 v58, v59  }
0x68a: {  	v23 =	vor.u32 $0x13, v3;
	v22 =	vld.idx.msk [tilespmem:v60+s17+$0x0], $0xffff  }
0x68b: {  	v25 =	vld.idx.msk [tilespmem:v63+s17+$0x0], $0xffff;
	v4 =	vadd.f32 v5, v4;
	v5 =	vmul.f32 v61, v62  }
0x68c: {  	v24 =	vld.idx.msk [tilespmem:v63+s18+$0x0], $0xffff;
	v26 =	vor.u32 $0x14, v3  }
0x68d: {  	v27 =	vld.idx.msk [tilespmem:v20+s18+$0x0], $0xffff;
	v4 =	vadd.f32 v5, v4;
	v5 =	vmul.f32 v18, v19  }
0x68e: {  	v28 =	vld.idx.msk [tilespmem:v20+s17+$0x0], $0xffff;
	v29 =	vor.u32 $0x15, v3  }
0x68f: {  	v30 =	vld.idx.msk [tilespmem:v23+s18+$0x0], $0xffff;
	v4 =	vadd.f32 v5, v4;
	v5 =	vmul.f32 v21, v22  }
0x690: {  	v31 =	vld.idx.msk [tilespmem:v23+s17+$0x0], $0xffff;
	v32 =	vor.u32 $0x16, v3  }
0x691: {  	v33 =	vld.idx.msk [tilespmem:v26+s18+$0x0], $0xffff;
	v4 =	vadd.f32 v5, v4;
	v5 =	vmul.f32 v24, v25  }
0x692: {  	v34 =	vld.idx.msk [tilespmem:v26+s17+$0x0], $0xffff;
	v35 =	vor.u32 $0x17, v3  }
0x693: {  	v36 =	vld.idx.msk [tilespmem:v29+s18+$0x0], $0xffff;
	v4 =	vadd.f32 v5, v4;
	v5 =	vmul.f32 v27, v28  }
0x694: {  	v37 =	vld.idx.msk [tilespmem:v29+s17+$0x0], $0xffff;
	v38 =	vor.u32 $0x18, v3  }
0x695: {  	v39 =	vld.idx.msk [tilespmem:v32+s18+$0x0], $0xffff;
	v4 =	vadd.f32 v5, v4;
	v5 =	vmul.f32 v30, v31  }
0x696: {  	v40 =	vld.idx.msk [tilespmem:v32+s17+$0x0], $0xffff;
	v41 =	vor.u32 $0x19, v3  }
0x697: {  	v42 =	vld.idx.msk [tilespmem:v35+s18+$0x0], $0xffff;
	v4 =	vadd.f32 v5, v4;
	v5 =	vmul.f32 v33, v34  }
0x698: {  	v43 =	vld.idx.msk [tilespmem:v35+s17+$0x0], $0xffff;
	v44 =	vor.u32 $0x1A, v3  }
0x699: {  	v45 =	vld.idx.msk [tilespmem:v38+s18+$0x0], $0xffff;
	v4 =	vadd.f32 v5, v4;
	v5 =	vmul.f32 v36, v37  }
0x69a: {  	v46 =	vld.idx.msk [tilespmem:v38+s17+$0x0], $0xffff;
	v47 =	vor.u32 $0x1B, v3  }
0x69b: {  	v48 =	vld.idx.msk [tilespmem:v41+s18+$0x0], $0xffff;
	v4 =	vadd.f32 v5, v4;
	v5 =	vmul.f32 v39, v40  }
0x69c: {  	v49 =	vld.idx.msk [tilespmem:v41+s17+$0x0], $0xffff;
	v50 =	vor.u32 $0x1C, v3  }
0x69d: {  	v51 =	vld.idx.msk [tilespmem:v44+s18+$0x0], $0xffff;
	v4 =	vadd.f32 v5, v4;
	v5 =	vmul.f32 v42, v43  }
0x69e: {  	v52 =	vld.idx.msk [tilespmem:v44+s17+$0x0], $0xffff;
	v53 =	vor.u32 $0x1D, v3  }
0x69f: {  	v54 =	vld.idx.msk [tilespmem:v47+s18+$0x0], $0xffff;
	v4 =	vadd.f32 v5, v4;
	v5 =	vmul.f32 v45, v46  }
0x6a0: {  	v55 =	vld.idx.msk [tilespmem:v47+s17+$0x0], $0xffff;
	v56 =	vor.u32 $0x1E, v3  }
0x6a1: {  	v57 =	vld.idx.msk [tilespmem:v50+s18+$0x0], $0xffff;
	v4 =	vadd.f32 v5, v4;
	v5 =	vmul.f32 v48, v49  }
0x6a2: {  	v3 =	vor.u32 $0x1F, v3;
	v58 =	vld.idx.msk [tilespmem:v50+s17+$0x0], $0xffff  }
0x6a3: {  	v59 =	vld.idx.msk [tilespmem:v53+s18+$0x0], $0xffff;
	v4 =	vadd.f32 v5, v4;
	v5 =	vmul.f32 v51, v52  }
0x6a4: {  	v60 =	vld.idx.msk [tilespmem:v53+s17+$0x0], $0xffff  }
0x6a5: {  	v61 =	vld.idx.msk [tilespmem:v56+s18+$0x0], $0xffff;
	v4 =	vadd.f32 v5, v4;
	v5 =	vmul.f32 v54, v55  }
0x6a6: {  	v62 =	vld.idx.msk [tilespmem:v56+s17+$0x0], $0xffff  }
0x6a7: {  	v63 =	vld.idx.msk [tilespmem:v3+s18+$0x0], $0xffff;
	v4 =	vadd.f32 v5, v4;
	v5 =	vmul.f32 v57, v58  }
0x6a8: {  	v3 =	vld.idx.msk [tilespmem:v3+s17+$0x0], $0xffff  }
0x6a9: {  	v4 =	vadd.f32 v5, v4;
	v5 =	vmul.f32 v59, v60;
	_ =	sdelay $0x1  }
0x6aa: {  	v4 =	vadd.f32 v5, v4;
	v5 =	vmul.f32 v61, v62;
	_ =	sdelay $0x1  }
0x6ab: {  	v3 =	vmul.f32 v63, v3;
	v4 =	vadd.f32 v5, v4;
	_ =	sdelay $0x1  }
0x6ac: {  	v3 =	vadd.f32 v3, v4;
	_ =	sdelay $0x1  }
0x6ad: {  	v3 =	vmul.f32 v3, v1;
	_ =	sdelay $0x1  }
0x6ae: {  	v3 =	vadd.f32 v3, v2;
	_ =	sdelay $0x1  }
0x6af: {  	v3 =	vsub.f32 $0.0e+00, v3;
	_ =	sdelay $0x1  }
0x6b0: {  	v3 =	vmul.f32 $1.442695020e+00, v3;
	_ =	sdelay $0x1  }
0x6b1: {  	(erf) = vpow2.f32 v3;
	_ =	sdelay $0x8  }
0x6b2: {  	v3 =	vpop (erf)  }
0x6b3: {  	v3 =	vadd.f32 $1.000000000e+00, v3;
	_ =	sdelay $0x1  }
0x6b4: {  	(erf) = vrcp.f32 v3  }
0x6b5: {  	s19 =	simm.s32 $0x1A0  }
0x6b6: {  	v4 =	vmov s19  }
0x6b7: {  	v4 =	vshll.u32 v4, $0x5  }
0x6b8: {  	s2 =	simm.s32 $0x1B0;
	s12 =	simm.s32 $0x1A;
	s14 =	simm.s32 $0x8590;
	v3 =	vor.u32 v0, v4  }
.LBB2_8:
0x6b9: {  	s12 =	sadd.s32 $0x2, s12;
	s1 =	sadd.s32 $0x20, s1  }
0x6ba: {  	v4 =	vor.u32 $0x1, v3;
	p0 =	slt.u32 s12, $0x1E;
	_ =	sdelay $0x2  }
0x6bb: {  	v5 =	vor.u32 $0x2, v3;
	v6 =	vpop (erf)  }
0x6bc: {  	[tilespmem:s14+$0x0] =	vst v6;
	s14 =	smov.u32 s1  }
0x6bd: {  	v6 =	vld.idx.msk [tilespmem:v3+s18+$0x0], $0xffff  }
0x6be: {  	v8 =	vor.u32 $0x3, v3;
	v7 =	vld.idx.msk [tilespmem:v4+s17+$0x0], $0xffff  }
0x6bf: {  	v9 =	vld.idx.msk [tilespmem:v3+s17+$0x0], $0xffff  }
0x6c0: {  	v4 =	vld.idx.msk [tilespmem:v4+s18+$0x0], $0xffff  }
0x6c1: {  	v11 =	vor.u32 $0x4, v3;
	v10 =	vld.idx.msk [tilespmem:v5+s17+$0x0], $0xffff  }
0x6c2: {  	v5 =	vld.idx.msk [tilespmem:v5+s18+$0x0], $0xffff  }
0x6c3: {  	v13 =	vor.u32 $0x5, v3;
	v12 =	vld.idx.msk [tilespmem:v8+s17+$0x0], $0xffff  }
0x6c4: {  	v8 =	vld.idx.msk [tilespmem:v8+s18+$0x0], $0xffff  }
0x6c5: {  	v6 =	vmul.f32 v6, v9;
	v9 =	vor.u32 $0x6, v3  }
0x6c6: {  	v14 =	vld.idx.msk [tilespmem:v11+s17+$0x0], $0xffff  }
0x6c7: {  	v4 =	vmul.f32 v4, v7;
	v6 =	vadd.f32 $0.0e+00, v6;
	v7 =	vld.idx.msk [tilespmem:v11+s18+$0x0], $0xffff;
	v11 =	vor.u32 $0x7, v3  }
0x6c8: {  	v5 =	vmul.f32 v5, v10;
	v10 =	vld.idx.msk [tilespmem:v13+s18+$0x0], $0xffff  }
0x6c9: {  	v4 =	vadd.f32 v4, v6;
	v6 =	vld.idx.msk [tilespmem:v13+s17+$0x0], $0xffff;
	v13 =	vor.u32 $0x8, v3  }
0x6ca: {  	v8 =	vmul.f32 v8, v12;
	v12 =	vld.idx.msk [tilespmem:v9+s18+$0x0], $0xffff  }
0x6cb: {  	v4 =	vadd.f32 v5, v4;
	v5 =	vld.idx.msk [tilespmem:v9+s17+$0x0], $0xffff;
	v9 =	vor.u32 $0x9, v3  }
0x6cc: {  	v15 =	vld.idx.msk [tilespmem:v11+s18+$0x0], $0xffff  }
0x6cd: {  	v4 =	vadd.f32 v8, v4;
	v7 =	vmul.f32 v7, v14;
	v8 =	vld.idx.msk [tilespmem:v11+s17+$0x0], $0xffff;
	v11 =	vor.u32 $0xA, v3  }
0x6ce: {  	v14 =	vld.idx.msk [tilespmem:v13+s18+$0x0], $0xffff  }
0x6cf: {  	v4 =	vadd.f32 v7, v4;
	v6 =	vmul.f32 v10, v6;
	v10 =	vor.u32 $0xB, v3;
	v7 =	vld.idx.msk [tilespmem:v13+s17+$0x0], $0xffff  }
0x6d0: {  	v13 =	vld.idx.msk [tilespmem:v9+s18+$0x0], $0xffff  }
0x6d1: {  	v4 =	vadd.f32 v6, v4;
	v5 =	vmul.f32 v12, v5;
	v6 =	vld.idx.msk [tilespmem:v9+s17+$0x0], $0xffff;
	v9 =	vor.u32 $0xC, v3  }
0x6d2: {  	v12 =	vld.idx.msk [tilespmem:v11+s18+$0x0], $0xffff  }
0x6d3: {  	v4 =	vadd.f32 v5, v4;
	v5 =	vmul.f32 v15, v8;
	v8 =	vld.idx.msk [tilespmem:v11+s17+$0x0], $0xffff;
	v11 =	vor.u32 $0xD, v3  }
0x6d4: {  	v15 =	vld.idx.msk [tilespmem:v10+s18+$0x0], $0xffff  }
0x6d5: {  	v4 =	vadd.f32 v5, v4;
	v5 =	vmul.f32 v14, v7;
	v7 =	vld.idx.msk [tilespmem:v10+s17+$0x0], $0xffff;
	v10 =	vor.u32 $0xE, v3  }
0x6d6: {  	v14 =	vld.idx.msk [tilespmem:v9+s18+$0x0], $0xffff  }
0x6d7: {  	v4 =	vadd.f32 v5, v4;
	v5 =	vmul.f32 v13, v6;
	v6 =	vld.idx.msk [tilespmem:v9+s17+$0x0], $0xffff;
	v9 =	vor.u32 $0xF, v3  }
0x6d8: {  	v13 =	vld.idx.msk [tilespmem:v11+s18+$0x0], $0xffff  }
0x6d9: {  	v4 =	vadd.f32 v5, v4;
	v5 =	vmul.f32 v12, v8;
	v8 =	vld.idx.msk [tilespmem:v11+s17+$0x0], $0xffff;
	v11 =	vor.u32 $0x10, v3  }
0x6da: {  	v12 =	vld.idx.msk [tilespmem:v10+s18+$0x0], $0xffff  }
0x6db: {  	v4 =	vadd.f32 v5, v4;
	v5 =	vmul.f32 v15, v7;
	v7 =	vld.idx.msk [tilespmem:v10+s17+$0x0], $0xffff;
	v10 =	vor.u32 $0x11, v3  }
0x6dc: {  	v15 =	vld.idx.msk [tilespmem:v9+s18+$0x0], $0xffff  }
0x6dd: {  	v4 =	vadd.f32 v5, v4;
	v5 =	vmul.f32 v14, v6;
	v6 =	vld.idx.msk [tilespmem:v9+s17+$0x0], $0xffff;
	v9 =	vor.u32 $0x12, v3  }
0x6de: {  	v14 =	vld.idx.msk [tilespmem:v11+s18+$0x0], $0xffff  }
0x6df: {  	v4 =	vadd.f32 v5, v4;
	v5 =	vmul.f32 v13, v8;
	v8 =	vld.idx.msk [tilespmem:v11+s17+$0x0], $0xffff;
	v11 =	vor.u32 $0x13, v3  }
0x6e0: {  	v13 =	vld.idx.msk [tilespmem:v10+s18+$0x0], $0xffff  }
0x6e1: {  	v4 =	vadd.f32 v5, v4;
	v5 =	vmul.f32 v12, v7;
	v7 =	vld.idx.msk [tilespmem:v10+s17+$0x0], $0xffff;
	v10 =	vor.u32 $0x14, v3  }
0x6e2: {  	v12 =	vld.idx.msk [tilespmem:v9+s18+$0x0], $0xffff  }
0x6e3: {  	v4 =	vadd.f32 v5, v4;
	v5 =	vmul.f32 v15, v6;
	v6 =	vld.idx.msk [tilespmem:v9+s17+$0x0], $0xffff;
	v9 =	vor.u32 $0x15, v3  }
0x6e4: {  	v15 =	vld.idx.msk [tilespmem:v11+s18+$0x0], $0xffff  }
0x6e5: {  	v4 =	vadd.f32 v5, v4;
	v5 =	vmul.f32 v14, v8;
	v8 =	vld.idx.msk [tilespmem:v11+s17+$0x0], $0xffff;
	v11 =	vor.u32 $0x16, v3  }
0x6e6: {  	v14 =	vld.idx.msk [tilespmem:v10+s18+$0x0], $0xffff  }
0x6e7: {  	v4 =	vadd.f32 v5, v4;
	v5 =	vmul.f32 v13, v7;
	v7 =	vld.idx.msk [tilespmem:v10+s17+$0x0], $0xffff;
	v10 =	vor.u32 $0x17, v3  }
0x6e8: {  	v13 =	vld.idx.msk [tilespmem:v9+s18+$0x0], $0xffff  }
0x6e9: {  	v4 =	vadd.f32 v5, v4;
	v5 =	vmul.f32 v12, v6;
	v6 =	vld.idx.msk [tilespmem:v9+s17+$0x0], $0xffff;
	v9 =	vor.u32 $0x18, v3  }
0x6ea: {  	v12 =	vld.idx.msk [tilespmem:v11+s18+$0x0], $0xffff  }
0x6eb: {  	v4 =	vadd.f32 v5, v4;
	v5 =	vmul.f32 v15, v8;
	v8 =	vld.idx.msk [tilespmem:v11+s17+$0x0], $0xffff;
	v11 =	vor.u32 $0x19, v3  }
0x6ec: {  	v15 =	vld.idx.msk [tilespmem:v10+s18+$0x0], $0xffff  }
0x6ed: {  	v4 =	vadd.f32 v5, v4;
	v5 =	vmul.f32 v14, v7;
	v7 =	vld.idx.msk [tilespmem:v10+s17+$0x0], $0xffff;
	v10 =	vor.u32 $0x1A, v3  }
0x6ee: {  	v14 =	vld.idx.msk [tilespmem:v9+s18+$0x0], $0xffff  }
0x6ef: {  	v4 =	vadd.f32 v5, v4;
	v5 =	vmul.f32 v13, v6;
	v6 =	vld.idx.msk [tilespmem:v9+s17+$0x0], $0xffff;
	v9 =	vor.u32 $0x1B, v3  }
0x6f0: {  	v13 =	vld.idx.msk [tilespmem:v11+s18+$0x0], $0xffff  }
0x6f1: {  	v4 =	vadd.f32 v5, v4;
	v5 =	vmul.f32 v12, v8;
	v8 =	vld.idx.msk [tilespmem:v11+s17+$0x0], $0xffff;
	v11 =	vor.u32 $0x1C, v3  }
0x6f2: {  	v12 =	vld.idx.msk [tilespmem:v10+s18+$0x0], $0xffff  }
0x6f3: {  	v4 =	vadd.f32 v5, v4;
	v5 =	vmul.f32 v15, v7;
	v7 =	vld.idx.msk [tilespmem:v10+s17+$0x0], $0xffff;
	v10 =	vor.u32 $0x1D, v3  }
0x6f4: {  	v15 =	vld.idx.msk [tilespmem:v9+s18+$0x0], $0xffff  }
0x6f5: {  	v4 =	vadd.f32 v5, v4;
	v5 =	vmul.f32 v14, v6;
	v6 =	vld.idx.msk [tilespmem:v9+s17+$0x0], $0xffff;
	v9 =	vor.u32 $0x1E, v3  }
0x6f6: {  	v14 =	vld.idx.msk [tilespmem:v11+s18+$0x0], $0xffff  }
0x6f7: {  	v3 =	vor.u32 $0x1F, v3;
	v4 =	vadd.f32 v5, v4;
	v5 =	vmul.f32 v13, v8;
	v8 =	vld.idx.msk [tilespmem:v11+s17+$0x0], $0xffff  }
0x6f8: {  	v11 =	vld.idx.msk [tilespmem:v10+s18+$0x0], $0xffff  }
0x6f9: {  	v4 =	vadd.f32 v5, v4;
	v5 =	vmul.f32 v12, v7;
	v7 =	vld.idx.msk [tilespmem:v10+s17+$0x0], $0xffff  }
0x6fa: {  	v10 =	vld.idx.msk [tilespmem:v9+s18+$0x0], $0xffff  }
0x6fb: {  	v4 =	vadd.f32 v5, v4;
	v5 =	vmul.f32 v15, v6;
	v6 =	vld.idx.msk [tilespmem:v9+s17+$0x0], $0xffff  }
0x6fc: {  	v9 =	vld.idx.msk [tilespmem:v3+s18+$0x0], $0xffff  }
0x6fd: {  	v4 =	vadd.f32 v5, v4;
	v5 =	vmul.f32 v14, v8;
	v3 =	vld.idx.msk [tilespmem:v3+s17+$0x0], $0xffff;
	_ =	sdelay $0x1  }
0x6fe: {  	v4 =	vadd.f32 v5, v4;
	v5 =	vmul.f32 v11, v7;
	_ =	sdelay $0x1  }
0x6ff: {  	v4 =	vadd.f32 v5, v4;
	v5 =	vmul.f32 v10, v6;
	_ =	sdelay $0x1  }
0x700: {  	v4 =	vadd.f32 v5, v4;
	v3 =	vmul.f32 v9, v3;
	_ =	sdelay $0x1  }
0x701: {  	v3 =	vadd.f32 v3, v4;
	_ =	sdelay $0x1  }
0x702: {  	v3 =	vmul.f32 v3, v1;
	_ =	sdelay $0x1  }
0x703: {  	v3 =	vadd.f32 v3, v2;
	_ =	sdelay $0x1  }
0x704: {  	v3 =	vsub.f32 $0.0e+00, v3;
	_ =	sdelay $0x1  }
0x705: {  	v3 =	vmul.f32 $1.442695020e+00, v3;
	_ =	sdelay $0x1  }
0x706: {  	(erf) = vpow2.f32 v3;
	_ =	sdelay $0x8  }
0x707: {  	v3 =	vpop (erf)  }
0x708: {  	v3 =	vadd.f32 $1.000000000e+00, v3;
	_ =	sdelay $0x1  }
0x709: {  	(erf) = vrcp.f32 v3;
	_ =	sdelay $0x3  }
0x70a: {  	v3 =	vmov s2  }
0x70b: {  	v3 =	vshll.u32 v3, $0x5  }
0x70c: {  	v3 =	vor.u32 v0, v3;
	_ =	sdelay $0x1  }
0x70d: {  	v4 =	vor.u32 $0x1, v3  }
0x70e: {  	v5 =	vpop (erf)  }
0x70f: {  	[tilespmem:s1+$0xFFFFFFF0] =	vst v5;
	v5 =	vor.u32 $0x2, v3  }
0x710: {  	v6 =	vld.idx.msk [tilespmem:v3+s17+$0x0], $0xffff  }
0x711: {  	v8 =	vor.u32 $0x3, v3;
	v7 =	vld.idx.msk [tilespmem:v3+s18+$0x0], $0xffff  }
0x712: {  	v9 =	vld.idx.msk [tilespmem:v4+s18+$0x0], $0xffff  }
0x713: {  	v10 =	vor.u32 $0x4, v3;
	v4 =	vld.idx.msk [tilespmem:v4+s17+$0x0], $0xffff  }
0x714: {  	v11 =	vld.idx.msk [tilespmem:v5+s18+$0x0], $0xffff  }
0x715: {  	v12 =	vor.u32 $0x5, v3;
	v5 =	vld.idx.msk [tilespmem:v5+s17+$0x0], $0xffff  }
0x716: {  	v13 =	vld.idx.msk [tilespmem:v8+s18+$0x0], $0xffff  }
0x717: {  	v6 =	vmul.f32 v7, v6;
	v7 =	vld.idx.msk [tilespmem:v8+s17+$0x0], $0xffff;
	v8 =	vor.u32 $0x6, v3  }
0x718: {  	v14 =	vld.idx.msk [tilespmem:v10+s18+$0x0], $0xffff  }
0x719: {  	v6 =	vadd.f32 $0.0e+00, v6;
	v4 =	vmul.f32 v9, v4;
	v9 =	vld.idx.msk [tilespmem:v10+s17+$0x0], $0xffff;
	v10 =	vor.u32 $0x7, v3  }
0x71a: {  	v15 =	vld.idx.msk [tilespmem:v12+s18+$0x0], $0xffff  }
0x71b: {  	v4 =	vadd.f32 v4, v6;
	v5 =	vmul.f32 v11, v5;
	v11 =	vor.u32 $0x8, v3;
	v6 =	vld.idx.msk [tilespmem:v12+s17+$0x0], $0xffff  }
0x71c: {  	v12 =	vld.idx.msk [tilespmem:v8+s18+$0x0], $0xffff  }
0x71d: {  	v4 =	vadd.f32 v5, v4;
	v5 =	vmul.f32 v13, v7;
	v7 =	vld.idx.msk [tilespmem:v8+s17+$0x0], $0xffff;
	v8 =	vor.u32 $0x9, v3  }
0x71e: {  	v13 =	vld.idx.msk [tilespmem:v10+s18+$0x0], $0xffff  }
0x71f: {  	v4 =	vadd.f32 v5, v4;
	v5 =	vmul.f32 v14, v9;
	v9 =	vld.idx.msk [tilespmem:v10+s17+$0x0], $0xffff;
	v10 =	vor.u32 $0xA, v3  }
0x720: {  	v14 =	vld.idx.msk [tilespmem:v11+s18+$0x0], $0xffff  }
0x721: {  	v4 =	vadd.f32 v5, v4;
	v5 =	vmul.f32 v15, v6;
	v6 =	vld.idx.msk [tilespmem:v11+s17+$0x0], $0xffff;
	v11 =	vor.u32 $0xB, v3  }
0x722: {  	v15 =	vld.idx.msk [tilespmem:v8+s18+$0x0], $0xffff  }
0x723: {  	v4 =	vadd.f32 v5, v4;
	v5 =	vmul.f32 v12, v7;
	v7 =	vld.idx.msk [tilespmem:v8+s17+$0x0], $0xffff;
	v8 =	vor.u32 $0xC, v3  }
0x724: {  	v12 =	vld.idx.msk [tilespmem:v10+s18+$0x0], $0xffff  }
0x725: {  	v4 =	vadd.f32 v5, v4;
	v5 =	vmul.f32 v13, v9;
	v9 =	vld.idx.msk [tilespmem:v10+s17+$0x0], $0xffff;
	v10 =	vor.u32 $0xD, v3  }
0x726: {  	v13 =	vld.idx.msk [tilespmem:v11+s18+$0x0], $0xffff  }
0x727: {  	v4 =	vadd.f32 v5, v4;
	v5 =	vmul.f32 v14, v6;
	v6 =	vld.idx.msk [tilespmem:v11+s17+$0x0], $0xffff;
	v11 =	vor.u32 $0xE, v3  }
0x728: {  	v14 =	vld.idx.msk [tilespmem:v8+s18+$0x0], $0xffff  }
0x729: {  	v4 =	vadd.f32 v5, v4;
	v5 =	vmul.f32 v15, v7;
	v7 =	vld.idx.msk [tilespmem:v8+s17+$0x0], $0xffff;
	v8 =	vor.u32 $0xF, v3  }
0x72a: {  	v15 =	vld.idx.msk [tilespmem:v10+s18+$0x0], $0xffff  }
0x72b: {  	v4 =	vadd.f32 v5, v4;
	v5 =	vmul.f32 v12, v9;
	v9 =	vld.idx.msk [tilespmem:v10+s17+$0x0], $0xffff;
	v10 =	vor.u32 $0x10, v3  }
0x72c: {  	v12 =	vld.idx.msk [tilespmem:v11+s18+$0x0], $0xffff  }
0x72d: {  	v4 =	vadd.f32 v5, v4;
	v5 =	vmul.f32 v13, v6;
	v6 =	vld.idx.msk [tilespmem:v11+s17+$0x0], $0xffff;
	v11 =	vor.u32 $0x11, v3  }
0x72e: {  	v13 =	vld.idx.msk [tilespmem:v8+s18+$0x0], $0xffff  }
0x72f: {  	v4 =	vadd.f32 v5, v4;
	v5 =	vmul.f32 v14, v7;
	v7 =	vld.idx.msk [tilespmem:v8+s17+$0x0], $0xffff;
	v8 =	vor.u32 $0x12, v3  }
0x730: {  	v14 =	vld.idx.msk [tilespmem:v10+s18+$0x0], $0xffff  }
0x731: {  	v4 =	vadd.f32 v5, v4;
	v5 =	vmul.f32 v15, v9;
	v9 =	vld.idx.msk [tilespmem:v10+s17+$0x0], $0xffff;
	v10 =	vor.u32 $0x13, v3  }
0x732: {  	v15 =	vld.idx.msk [tilespmem:v11+s18+$0x0], $0xffff  }
0x733: {  	v4 =	vadd.f32 v5, v4;
	v5 =	vmul.f32 v12, v6;
	v6 =	vld.idx.msk [tilespmem:v11+s17+$0x0], $0xffff;
	v11 =	vor.u32 $0x14, v3  }
0x734: {  	v12 =	vld.idx.msk [tilespmem:v8+s18+$0x0], $0xffff  }
0x735: {  	v4 =	vadd.f32 v5, v4;
	v5 =	vmul.f32 v13, v7;
	v7 =	vld.idx.msk [tilespmem:v8+s17+$0x0], $0xffff;
	v8 =	vor.u32 $0x15, v3  }
0x736: {  	v13 =	vld.idx.msk [tilespmem:v10+s18+$0x0], $0xffff  }
0x737: {  	v4 =	vadd.f32 v5, v4;
	v5 =	vmul.f32 v14, v9;
	v9 =	vld.idx.msk [tilespmem:v10+s17+$0x0], $0xffff;
	v10 =	vor.u32 $0x16, v3  }
0x738: {  	v14 =	vld.idx.msk [tilespmem:v11+s18+$0x0], $0xffff  }
0x739: {  	v4 =	vadd.f32 v5, v4;
	v5 =	vmul.f32 v15, v6;
	v6 =	vld.idx.msk [tilespmem:v11+s17+$0x0], $0xffff;
	v11 =	vor.u32 $0x17, v3  }
0x73a: {  	v15 =	vld.idx.msk [tilespmem:v8+s18+$0x0], $0xffff  }
0x73b: {  	v4 =	vadd.f32 v5, v4;
	v5 =	vmul.f32 v12, v7;
	v7 =	vld.idx.msk [tilespmem:v8+s17+$0x0], $0xffff;
	v8 =	vor.u32 $0x18, v3  }
0x73c: {  	v12 =	vld.idx.msk [tilespmem:v10+s18+$0x0], $0xffff  }
0x73d: {  	v4 =	vadd.f32 v5, v4;
	v5 =	vmul.f32 v13, v9;
	v9 =	vld.idx.msk [tilespmem:v10+s17+$0x0], $0xffff;
	v10 =	vor.u32 $0x19, v3  }
0x73e: {  	v13 =	vld.idx.msk [tilespmem:v11+s18+$0x0], $0xffff  }
0x73f: {  	v4 =	vadd.f32 v5, v4;
	v5 =	vmul.f32 v14, v6;
	v6 =	vld.idx.msk [tilespmem:v11+s17+$0x0], $0xffff;
	v11 =	vor.u32 $0x1A, v3  }
0x740: {  	v14 =	vld.idx.msk [tilespmem:v8+s18+$0x0], $0xffff  }
0x741: {  	v4 =	vadd.f32 v5, v4;
	v5 =	vmul.f32 v15, v7;
	v7 =	vld.idx.msk [tilespmem:v8+s17+$0x0], $0xffff;
	v8 =	vor.u32 $0x1B, v3  }
0x742: {  	v15 =	vld.idx.msk [tilespmem:v10+s18+$0x0], $0xffff  }
0x743: {  	v4 =	vadd.f32 v5, v4;
	v5 =	vmul.f32 v12, v9;
	v9 =	vld.idx.msk [tilespmem:v10+s17+$0x0], $0xffff;
	v10 =	vor.u32 $0x1C, v3  }
0x744: {  	v12 =	vld.idx.msk [tilespmem:v11+s18+$0x0], $0xffff  }
0x745: {  	v4 =	vadd.f32 v5, v4;
	v5 =	vmul.f32 v13, v6;
	v6 =	vld.idx.msk [tilespmem:v11+s17+$0x0], $0xffff;
	v11 =	vor.u32 $0x1D, v3  }
0x746: {  	v13 =	vld.idx.msk [tilespmem:v8+s18+$0x0], $0xffff  }
0x747: {  	v4 =	vadd.f32 v5, v4;
	v5 =	vmul.f32 v14, v7;
	v7 =	vld.idx.msk [tilespmem:v8+s17+$0x0], $0xffff;
	v8 =	vor.u32 $0x1E, v3  }
0x748: {  	v14 =	vld.idx.msk [tilespmem:v10+s18+$0x0], $0xffff  }
0x749: {  	v3 =	vor.u32 $0x1F, v3;
	v4 =	vadd.f32 v5, v4;
	v5 =	vmul.f32 v15, v9;
	v9 =	vld.idx.msk [tilespmem:v10+s17+$0x0], $0xffff  }
0x74a: {  	v10 =	vld.idx.msk [tilespmem:v11+s18+$0x0], $0xffff  }
0x74b: {  	v4 =	vadd.f32 v5, v4;
	v5 =	vmul.f32 v12, v6;
	v6 =	vld.idx.msk [tilespmem:v11+s17+$0x0], $0xffff  }
0x74c: {  	v11 =	vld.idx.msk [tilespmem:v8+s18+$0x0], $0xffff  }
0x74d: {  	v4 =	vadd.f32 v5, v4;
	v5 =	vmul.f32 v13, v7;
	v7 =	vld.idx.msk [tilespmem:v8+s17+$0x0], $0xffff  }
0x74e: {  	v8 =	vld.idx.msk [tilespmem:v3+s18+$0x0], $0xffff  }
0x74f: {  	v4 =	vadd.f32 v5, v4;
	v5 =	vmul.f32 v14, v9;
	v3 =	vld.idx.msk [tilespmem:v3+s17+$0x0], $0xffff;
	_ =	sdelay $0x1  }
0x750: {  	v4 =	vadd.f32 v5, v4;
	v5 =	vmul.f32 v10, v6;
	_ =	sdelay $0x1  }
0x751: {  	v4 =	vadd.f32 v5, v4;
	v5 =	vmul.f32 v11, v7;
	_ =	sdelay $0x1  }
0x752: {  	v4 =	vadd.f32 v5, v4;
	v3 =	vmul.f32 v8, v3;
	_ =	sdelay $0x1  }
0x753: {  	v3 =	vadd.f32 v3, v4;
	_ =	sdelay $0x1  }
0x754: {  	v3 =	vmul.f32 v3, v1;
	_ =	sdelay $0x1  }
0x755: {  	v3 =	vadd.f32 v3, v2;
	_ =	sdelay $0x1  }
0x756: {  	v3 =	vsub.f32 $0.0e+00, v3;
	_ =	sdelay $0x1  }
0x757: {  	v3 =	vmul.f32 $1.442695020e+00, v3;
	_ =	sdelay $0x1  }
0x758: {  	(erf) = vpow2.f32 v3;
	_ =	sdelay $0x8  }
0x759: {  	v3 =	vpop (erf)  }
0x75a: {  	v3 =	vadd.f32 $1.000000000e+00, v3;
	_ =	sdelay $0x1  }
.Ltmp3:
0x75b: {  	s2 =	sadd.s32 $0x20, s2;
	(erf) = vrcp.f32 v3;
	(pc) =	sbr.rel @p0 .LBB2_8-.Ltmp3, $4  }
0x75c: {  	s19 =	sadd.s32 $0xFFFFFFF0, s2  }
0x75d: {  	v3 =	vmov s19  }
0x75e: {  	v3 =	vshll.u32 v3, $0x5  }
0x75f: {  	v3 =	vor.u32 v0, v3  }
0x760: {  	_ =	sdelay $0x2  }
0x761: {  	v4 =	vor.u32 $0x1, v3  }
0x762: {  	v5 =	vpop (erf)  }
0x763: {  	v6 =	vor.u32 $0x2, v3;
	[tilespmem:s14+$0x0] =	vst v5  }
0x764: {  	v5 =	vld.idx.msk [tilespmem:v3+s18+$0x0], $0xffff  }
0x765: {  	v7 =	vor.u32 $0x3, v3;
	v8 =	vld.idx.msk [tilespmem:v3+s17+$0x0], $0xffff  }
0x766: {  	v9 =	vld.idx.msk [tilespmem:v4+s17+$0x0], $0xffff  }
0x767: {  	v10 =	vor.u32 $0x4, v3;
	v4 =	vld.idx.msk [tilespmem:v4+s18+$0x0], $0xffff  }
0x768: {  	v11 =	vld.idx.msk [tilespmem:v6+s17+$0x0], $0xffff  }
0x769: {  	v12 =	vor.u32 $0x5, v3;
	v6 =	vld.idx.msk [tilespmem:v6+s18+$0x0], $0xffff  }
0x76a: {  	v13 =	vld.idx.msk [tilespmem:v7+s17+$0x0], $0xffff;
	v5 =	vmul.f32 v5, v8  }
0x76b: {  	v24 =	vor.u32 $0x6, v3;
	v7 =	vld.idx.msk [tilespmem:v7+s18+$0x0], $0xffff  }
0x76c: {  	v14 =	vld.idx.msk [tilespmem:v10+s17+$0x0], $0xffff;
	v4 =	vmul.f32 v4, v9;
	v5 =	vadd.f32 $0.0e+00, v5  }
0x76d: {  	v26 =	vor.u32 $0x7, v3;
	v25 =	vld.idx.msk [tilespmem:v10+s18+$0x0], $0xffff  }
0x76e: {  	v27 =	vld.idx.msk [tilespmem:v12+s18+$0x0], $0xffff;
	v6 =	vmul.f32 v6, v11;
	v4 =	vadd.f32 v4, v5  }
0x76f: {  	v29 =	vor.u32 $0x8, v3;
	v28 =	vld.idx.msk [tilespmem:v12+s17+$0x0], $0xffff  }
0x770: {  	v30 =	vld.idx.msk [tilespmem:v24+s18+$0x0], $0xffff;
	v7 =	vmul.f32 v7, v13;
	v4 =	vadd.f32 v6, v4  }
0x771: {  	v32 =	vor.u32 $0x9, v3;
	v31 =	vld.idx.msk [tilespmem:v24+s17+$0x0], $0xffff  }
0x772: {  	v15 =	vld.idx.msk [tilespmem:v26+s18+$0x0], $0xffff;
	v33 =	vmul.f32 v25, v14;
	v4 =	vadd.f32 v7, v4  }
0x773: {  	v35 =	vor.u32 $0xA, v3;
	v34 =	vld.idx.msk [tilespmem:v26+s17+$0x0], $0xffff  }
0x774: {  	v36 =	vld.idx.msk [tilespmem:v29+s18+$0x0], $0xffff;
	v5 =	vmul.f32 v27, v28;
	v4 =	vadd.f32 v33, v4  }
0x775: {  	v38 =	vor.u32 $0xB, v3;
	v37 =	vld.idx.msk [tilespmem:v29+s17+$0x0], $0xffff  }
0x776: {  	v39 =	vld.idx.msk [tilespmem:v32+s18+$0x0], $0xffff;
	v40 =	vmul.f32 v30, v31;
	v4 =	vadd.f32 v5, v4  }
0x777: {  	v42 =	vor.u32 $0xC, v3;
	v41 =	vld.idx.msk [tilespmem:v32+s17+$0x0], $0xffff  }
0x778: {  	v43 =	vld.idx.msk [tilespmem:v35+s18+$0x0], $0xffff;
	v44 =	vmul.f32 v15, v34;
	v4 =	vadd.f32 v40, v4  }
0x779: {  	v46 =	vor.u32 $0xD, v3;
	v45 =	vld.idx.msk [tilespmem:v35+s17+$0x0], $0xffff  }
0x77a: {  	v47 =	vld.idx.msk [tilespmem:v38+s18+$0x0], $0xffff;
	v48 =	vmul.f32 v36, v37;
	v4 =	vadd.f32 v44, v4  }
0x77b: {  	v50 =	vor.u32 $0xE, v3;
	v49 =	vld.idx.msk [tilespmem:v38+s17+$0x0], $0xffff  }
0x77c: {  	v51 =	vld.idx.msk [tilespmem:v42+s18+$0x0], $0xffff;
	v52 =	vmul.f32 v39, v41;
	v4 =	vadd.f32 v48, v4  }
0x77d: {  	v54 =	vor.u32 $0xF, v3;
	v53 =	vld.idx.msk [tilespmem:v42+s17+$0x0], $0xffff  }
0x77e: {  	v55 =	vld.idx.msk [tilespmem:v46+s18+$0x0], $0xffff;
	v56 =	vmul.f32 v43, v45;
	v4 =	vadd.f32 v52, v4  }
0x77f: {  	v58 =	vor.u32 $0x10, v3;
	v57 =	vld.idx.msk [tilespmem:v46+s17+$0x0], $0xffff  }
0x780: {  	v59 =	vld.idx.msk [tilespmem:v50+s18+$0x0], $0xffff;
	v60 =	vmul.f32 v47, v49;
	v4 =	vadd.f32 v56, v4  }
0x781: {  	v62 =	vor.u32 $0x11, v3;
	v61 =	vld.idx.msk [tilespmem:v50+s17+$0x0], $0xffff  }
0x782: {  	v63 =	vld.idx.msk [tilespmem:v54+s18+$0x0], $0xffff;
	v18 =	vmul.f32 v51, v53;
	v4 =	vadd.f32 v60, v4  }
0x783: {  	v20 =	vor.u32 $0x12, v3;
	v19 =	vld.idx.msk [tilespmem:v54+s17+$0x0], $0xffff  }
0x784: {  	v21 =	vld.idx.msk [tilespmem:v58+s18+$0x0], $0xffff;
	v22 =	vmul.f32 v55, v57;
	v4 =	vadd.f32 v18, v4  }
0x785: {  	v23 =	vld.idx.msk [tilespmem:v58+s17+$0x0], $0xffff;
	v24 =	vor.u32 $0x13, v3  }
0x786: {  	v25 =	vld.idx.msk [tilespmem:v62+s18+$0x0], $0xffff;
	v26 =	vmul.f32 v59, v61;
	v4 =	vadd.f32 v22, v4  }
0x787: {  	v27 =	vld.idx.msk [tilespmem:v62+s17+$0x0], $0xffff;
	v28 =	vor.u32 $0x14, v3  }
0x788: {  	v29 =	vld.idx.msk [tilespmem:v20+s18+$0x0], $0xffff;
	v30 =	vmul.f32 v63, v19;
	v4 =	vadd.f32 v26, v4  }
0x789: {  	v32 =	vor.u32 $0x15, v3;
	v31 =	vld.idx.msk [tilespmem:v20+s17+$0x0], $0xffff  }
0x78a: {  	v34 =	vmul.f32 v21, v23;
	v35 =	vld.idx.msk [tilespmem:v24+s17+$0x0], $0xffff;
	v4 =	vadd.f32 v30, v4  }
0x78b: {  	v36 =	vor.u32 $0x16, v3;
	v33 =	vld.idx.msk [tilespmem:v24+s18+$0x0], $0xffff  }
0x78c: {  	v37 =	vld.idx.msk [tilespmem:v28+s18+$0x0], $0xffff;
	v38 =	vmul.f32 v25, v27;
	v4 =	vadd.f32 v34, v4  }
0x78d: {  	v39 =	vld.idx.msk [tilespmem:v28+s17+$0x0], $0xffff;
	v40 =	vor.u32 $0x17, v3  }
0x78e: {  	v41 =	vld.idx.msk [tilespmem:v32+s18+$0x0], $0xffff;
	v42 =	vmul.f32 v29, v31;
	v4 =	vadd.f32 v38, v4  }
0x78f: {  	v43 =	vld.idx.msk [tilespmem:v32+s17+$0x0], $0xffff;
	v44 =	vor.u32 $0x18, v3  }
0x790: {  	v45 =	vld.idx.msk [tilespmem:v36+s18+$0x0], $0xffff;
	v46 =	vmul.f32 v33, v35;
	v4 =	vadd.f32 v42, v4  }
0x791: {  	v47 =	vld.idx.msk [tilespmem:v36+s17+$0x0], $0xffff;
	v48 =	vor.u32 $0x19, v3  }
0x792: {  	v50 =	vmul.f32 v37, v39;
	v49 =	vld.idx.msk [tilespmem:v40+s18+$0x0], $0xffff;
	v4 =	vadd.f32 v46, v4  }
0x793: {  	v51 =	vld.idx.msk [tilespmem:v40+s17+$0x0], $0xffff;
	v52 =	vor.u32 $0x1A, v3  }
0x794: {  	v54 =	vmul.f32 v41, v43;
	v53 =	vld.idx.msk [tilespmem:v44+s18+$0x0], $0xffff;
	v4 =	vadd.f32 v50, v4  }
0x795: {  	v55 =	vld.idx.msk [tilespmem:v44+s17+$0x0], $0xffff;
	v56 =	vor.u32 $0x1B, v3  }
0x796: {  	v58 =	vmul.f32 v45, v47;
	v57 =	vld.idx.msk [tilespmem:v48+s18+$0x0], $0xffff;
	v4 =	vadd.f32 v54, v4  }
0x797: {  	v59 =	vld.idx.msk [tilespmem:v48+s17+$0x0], $0xffff;
	v60 =	vor.u32 $0x1C, v3  }
0x798: {  	v62 =	vmul.f32 v49, v51;
	v61 =	vld.idx.msk [tilespmem:v52+s18+$0x0], $0xffff;
	v4 =	vadd.f32 v58, v4  }
0x799: {  	v63 =	vld.idx.msk [tilespmem:v52+s17+$0x0], $0xffff;
	v18 =	vor.u32 $0x1D, v3  }
0x79a: {  	v20 =	vmul.f32 v53, v55;
	v19 =	vld.idx.msk [tilespmem:v56+s18+$0x0], $0xffff;
	v4 =	vadd.f32 v62, v4  }
0x79b: {  	v21 =	vld.idx.msk [tilespmem:v56+s17+$0x0], $0xffff;
	v22 =	vor.u32 $0x1E, v3  }
0x79c: {  	v24 =	vmul.f32 v57, v59;
	v23 =	vld.idx.msk [tilespmem:v60+s18+$0x0], $0xffff;
	v4 =	vadd.f32 v20, v4  }
0x79d: {  	v3 =	vor.u32 $0x1F, v3;
	v25 =	vld.idx.msk [tilespmem:v60+s17+$0x0], $0xffff  }
0x79e: {  	v27 =	vmul.f32 v61, v63;
	v26 =	vld.idx.msk [tilespmem:v18+s18+$0x0], $0xffff;
	v4 =	vadd.f32 v24, v4  }
0x79f: {  	v28 =	vld.idx.msk [tilespmem:v18+s17+$0x0], $0xffff  }
0x7a0: {  	v30 =	vmul.f32 v19, v21;
	v29 =	vld.idx.msk [tilespmem:v22+s18+$0x0], $0xffff;
	v4 =	vadd.f32 v27, v4  }
0x7a1: {  	v31 =	vld.idx.msk [tilespmem:v22+s17+$0x0], $0xffff  }
0x7a2: {  	v32 =	vld.idx.msk [tilespmem:v3+s18+$0x0], $0xffff;
	v33 =	vmul.f32 v23, v25;
	v4 =	vadd.f32 v30, v4  }
0x7a3: {  	v3 =	vld.idx.msk [tilespmem:v3+s17+$0x0], $0xffff  }
0x7a4: {  	v34 =	vmul.f32 v26, v28;
	v4 =	vadd.f32 v33, v4;
	_ =	sdelay $0x1  }
0x7a5: {  	v35 =	vmul.f32 v29, v31;
	v4 =	vadd.f32 v34, v4;
	_ =	sdelay $0x1  }
0x7a6: {  	v3 =	vmul.f32 v32, v3;
	v4 =	vadd.f32 v35, v4;
	_ =	sdelay $0x1  }
0x7a7: {  	v3 =	vadd.f32 v3, v4;
	_ =	sdelay $0x1  }
0x7a8: {  	v3 =	vmul.f32 v3, v1;
	_ =	sdelay $0x1  }
0x7a9: {  	v3 =	vadd.f32 v3, v2;
	_ =	sdelay $0x1  }
0x7aa: {  	v3 =	vsub.f32 $0.0e+00, v3;
	_ =	sdelay $0x1  }
0x7ab: {  	v3 =	vmul.f32 $1.442695020e+00, v3;
	_ =	sdelay $0x1  }
0x7ac: {  	(erf) = vpow2.f32 v3;
	_ =	sdelay $0x8  }
0x7ad: {  	v3 =	vpop (erf)  }
0x7ae: {  	v3 =	vadd.f32 $1.000000000e+00, v3;
	_ =	sdelay $0x1  }
0x7af: {  	(erf) = vrcp.f32 v3;
	_ =	sdelay $0x3  }
0x7b0: {  	v3 =	vmov s2  }
0x7b1: {  	v3 =	vshll.u32 v3, $0x5  }
0x7b2: {  	v3 =	vor.u32 v0, v3;
	_ =	sdelay $0x1  }
0x7b3: {  	v36 =	vor.u32 $0x1, v3  }
0x7b4: {  	s1 =	sadd.s32 $0x20, s1;
	v37 =	vpop (erf)  }
0x7b5: {  	v38 =	vor.u32 $0x2, v3;
	[tilespmem:s1+$0xFFFFFFF0] =	vst v37  }
0x7b6: {  	v39 =	vld.idx.msk [tilespmem:v3+s17+$0x0], $0xffff  }
0x7b7: {  	v41 =	vor.u32 $0x3, v3;
	v40 =	vld.idx.msk [tilespmem:v3+s18+$0x0], $0xffff  }
0x7b8: {  	v42 =	vld.idx.msk [tilespmem:v36+s18+$0x0], $0xffff  }
0x7b9: {  	v43 =	vor.u32 $0x4, v3;
	v4 =	vld.idx.msk [tilespmem:v36+s17+$0x0], $0xffff  }
0x7ba: {  	v44 =	vld.idx.msk [tilespmem:v38+s18+$0x0], $0xffff  }
0x7bb: {  	v45 =	vor.u32 $0x5, v3;
	v5 =	vld.idx.msk [tilespmem:v38+s17+$0x0], $0xffff  }
0x7bc: {  	v46 =	vld.idx.msk [tilespmem:v41+s18+$0x0], $0xffff;
	v6 =	vmul.f32 v40, v39  }
0x7bd: {  	v48 =	vor.u32 $0x6, v3;
	v47 =	vld.idx.msk [tilespmem:v41+s17+$0x0], $0xffff  }
0x7be: {  	v49 =	vld.idx.msk [tilespmem:v43+s18+$0x0], $0xffff;
	v4 =	vmul.f32 v42, v4;
	v6 =	vadd.f32 $0.0e+00, v6  }
0x7bf: {  	v51 =	vor.u32 $0x7, v3;
	v50 =	vld.idx.msk [tilespmem:v43+s17+$0x0], $0xffff  }
0x7c0: {  	v52 =	vld.idx.msk [tilespmem:v45+s18+$0x0], $0xffff;
	v5 =	vmul.f32 v44, v5;
	v4 =	vadd.f32 v4, v6  }
0x7c1: {  	v54 =	vor.u32 $0x8, v3;
	v53 =	vld.idx.msk [tilespmem:v45+s17+$0x0], $0xffff  }
0x7c2: {  	v55 =	vld.idx.msk [tilespmem:v48+s18+$0x0], $0xffff;
	v56 =	vmul.f32 v46, v47;
	v4 =	vadd.f32 v5, v4  }
0x7c3: {  	v58 =	vor.u32 $0x9, v3;
	v57 =	vld.idx.msk [tilespmem:v48+s17+$0x0], $0xffff  }
0x7c4: {  	v59 =	vld.idx.msk [tilespmem:v51+s18+$0x0], $0xffff;
	v60 =	vmul.f32 v49, v50;
	v4 =	vadd.f32 v56, v4  }
0x7c5: {  	v62 =	vor.u32 $0xA, v3;
	v61 =	vld.idx.msk [tilespmem:v51+s17+$0x0], $0xffff  }
0x7c6: {  	v63 =	vld.idx.msk [tilespmem:v54+s18+$0x0], $0xffff;
	v18 =	vmul.f32 v52, v53;
	v4 =	vadd.f32 v60, v4  }
0x7c7: {  	v20 =	vor.u32 $0xB, v3;
	v19 =	vld.idx.msk [tilespmem:v54+s17+$0x0], $0xffff  }
0x7c8: {  	v21 =	vld.idx.msk [tilespmem:v58+s18+$0x0], $0xffff;
	v22 =	vmul.f32 v55, v57;
	v4 =	vadd.f32 v18, v4  }
0x7c9: {  	v24 =	vor.u32 $0xC, v3;
	v23 =	vld.idx.msk [tilespmem:v58+s17+$0x0], $0xffff  }
0x7ca: {  	v25 =	vld.idx.msk [tilespmem:v62+s18+$0x0], $0xffff;
	v26 =	vmul.f32 v59, v61;
	v4 =	vadd.f32 v22, v4  }
0x7cb: {  	v28 =	vor.u32 $0xD, v3;
	v27 =	vld.idx.msk [tilespmem:v62+s17+$0x0], $0xffff  }
0x7cc: {  	v29 =	vld.idx.msk [tilespmem:v20+s18+$0x0], $0xffff;
	v30 =	vmul.f32 v63, v19;
	v4 =	vadd.f32 v26, v4  }
0x7cd: {  	v32 =	vor.u32 $0xE, v3;
	v31 =	vld.idx.msk [tilespmem:v20+s17+$0x0], $0xffff  }
0x7ce: {  	v33 =	vld.idx.msk [tilespmem:v24+s18+$0x0], $0xffff;
	v34 =	vmul.f32 v21, v23;
	v4 =	vadd.f32 v30, v4  }
0x7cf: {  	v35 =	vld.idx.msk [tilespmem:v24+s17+$0x0], $0xffff;
	v36 =	vor.u32 $0xF, v3  }
0x7d0: {  	v37 =	vld.idx.msk [tilespmem:v28+s18+$0x0], $0xffff;
	v38 =	vmul.f32 v25, v27;
	v4 =	vadd.f32 v34, v4  }
0x7d1: {  	v39 =	vld.idx.msk [tilespmem:v28+s17+$0x0], $0xffff;
	v40 =	vor.u32 $0x10, v3  }
0x7d2: {  	v41 =	vld.idx.msk [tilespmem:v32+s18+$0x0], $0xffff;
	v42 =	vmul.f32 v29, v31;
	v4 =	vadd.f32 v38, v4  }
0x7d3: {  	v43 =	vld.idx.msk [tilespmem:v32+s17+$0x0], $0xffff;
	v44 =	vor.u32 $0x11, v3  }
0x7d4: {  	v45 =	vld.idx.msk [tilespmem:v36+s18+$0x0], $0xffff;
	v46 =	vmul.f32 v33, v35;
	v4 =	vadd.f32 v42, v4  }
0x7d5: {  	v48 =	vor.u32 $0x12, v3;
	v47 =	vld.idx.msk [tilespmem:v36+s17+$0x0], $0xffff  }
0x7d6: {  	v49 =	vld.idx.msk [tilespmem:v40+s18+$0x0], $0xffff;
	v50 =	vmul.f32 v37, v39;
	v4 =	vadd.f32 v46, v4  }
0x7d7: {  	v52 =	vor.u32 $0x13, v3;
	v51 =	vld.idx.msk [tilespmem:v40+s17+$0x0], $0xffff  }
0x7d8: {  	v54 =	vmul.f32 v41, v43;
	v53 =	vld.idx.msk [tilespmem:v44+s18+$0x0], $0xffff;
	v4 =	vadd.f32 v50, v4  }
0x7d9: {  	v55 =	vld.idx.msk [tilespmem:v44+s17+$0x0], $0xffff;
	v56 =	vor.u32 $0x14, v3  }
0x7da: {  	v57 =	vld.idx.msk [tilespmem:v48+s18+$0x0], $0xffff;
	v58 =	vmul.f32 v45, v47;
	v4 =	vadd.f32 v54, v4  }
0x7db: {  	v59 =	vld.idx.msk [tilespmem:v48+s17+$0x0], $0xffff;
	v60 =	vor.u32 $0x15, v3  }
0x7dc: {  	v61 =	vld.idx.msk [tilespmem:v52+s18+$0x0], $0xffff;
	v62 =	vmul.f32 v49, v51;
	v4 =	vadd.f32 v58, v4  }
0x7dd: {  	v63 =	vld.idx.msk [tilespmem:v52+s17+$0x0], $0xffff;
	v18 =	vor.u32 $0x16, v3  }
0x7de: {  	v20 =	vmul.f32 v53, v55;
	v19 =	vld.idx.msk [tilespmem:v56+s18+$0x0], $0xffff;
	v4 =	vadd.f32 v62, v4  }
0x7df: {  	v21 =	vld.idx.msk [tilespmem:v56+s17+$0x0], $0xffff;
	v22 =	vor.u32 $0x17, v3  }
0x7e0: {  	v24 =	vmul.f32 v57, v59;
	v23 =	vld.idx.msk [tilespmem:v60+s18+$0x0], $0xffff;
	v4 =	vadd.f32 v20, v4  }
0x7e1: {  	v25 =	vld.idx.msk [tilespmem:v60+s17+$0x0], $0xffff;
	v26 =	vor.u32 $0x18, v3  }
0x7e2: {  	v28 =	vmul.f32 v61, v63;
	v27 =	vld.idx.msk [tilespmem:v18+s18+$0x0], $0xffff;
	v4 =	vadd.f32 v24, v4  }
0x7e3: {  	v29 =	vld.idx.msk [tilespmem:v18+s17+$0x0], $0xffff;
	v30 =	vor.u32 $0x19, v3  }
0x7e4: {  	v32 =	vmul.f32 v19, v21;
	v31 =	vld.idx.msk [tilespmem:v22+s18+$0x0], $0xffff;
	v4 =	vadd.f32 v28, v4  }
0x7e5: {  	v33 =	vld.idx.msk [tilespmem:v22+s17+$0x0], $0xffff;
	v34 =	vor.u32 $0x1A, v3  }
0x7e6: {  	v36 =	vmul.f32 v23, v25;
	v35 =	vld.idx.msk [tilespmem:v26+s18+$0x0], $0xffff;
	v4 =	vadd.f32 v32, v4  }
0x7e7: {  	v37 =	vld.idx.msk [tilespmem:v26+s17+$0x0], $0xffff;
	v38 =	vor.u32 $0x1B, v3  }
0x7e8: {  	v40 =	vmul.f32 v27, v29;
	v39 =	vld.idx.msk [tilespmem:v30+s18+$0x0], $0xffff;
	v4 =	vadd.f32 v36, v4  }
0x7e9: {  	v41 =	vld.idx.msk [tilespmem:v30+s17+$0x0], $0xffff;
	v42 =	vor.u32 $0x1C, v3  }
0x7ea: {  	v44 =	vmul.f32 v31, v33;
	v43 =	vld.idx.msk [tilespmem:v34+s18+$0x0], $0xffff;
	v4 =	vadd.f32 v40, v4  }
0x7eb: {  	v45 =	vld.idx.msk [tilespmem:v34+s17+$0x0], $0xffff;
	v46 =	vor.u32 $0x1D, v3  }
0x7ec: {  	v48 =	vmul.f32 v35, v37;
	v47 =	vld.idx.msk [tilespmem:v38+s18+$0x0], $0xffff;
	v4 =	vadd.f32 v44, v4  }
0x7ed: {  	v49 =	vld.idx.msk [tilespmem:v38+s17+$0x0], $0xffff;
	v50 =	vor.u32 $0x1E, v3  }
0x7ee: {  	v52 =	vmul.f32 v39, v41;
	v51 =	vld.idx.msk [tilespmem:v42+s18+$0x0], $0xffff;
	v4 =	vadd.f32 v48, v4  }
0x7ef: {  	v3 =	vor.u32 $0x1F, v3;
	v53 =	vld.idx.msk [tilespmem:v42+s17+$0x0], $0xffff  }
0x7f0: {  	v55 =	vmul.f32 v43, v45;
	v54 =	vld.idx.msk [tilespmem:v46+s18+$0x0], $0xffff;
	v4 =	vadd.f32 v52, v4  }
0x7f1: {  	v56 =	vld.idx.msk [tilespmem:v46+s17+$0x0], $0xffff  }
0x7f2: {  	v58 =	vmul.f32 v47, v49;
	v57 =	vld.idx.msk [tilespmem:v50+s18+$0x0], $0xffff;
	v4 =	vadd.f32 v55, v4  }
0x7f3: {  	v59 =	vld.idx.msk [tilespmem:v50+s17+$0x0], $0xffff  }
0x7f4: {  	v60 =	vld.idx.msk [tilespmem:v3+s18+$0x0], $0xffff;
	v61 =	vmul.f32 v51, v53;
	v4 =	vadd.f32 v58, v4  }
0x7f5: {  	v3 =	vld.idx.msk [tilespmem:v3+s17+$0x0], $0xffff  }
0x7f6: {  	v62 =	vmul.f32 v54, v56;
	v4 =	vadd.f32 v61, v4;
	_ =	sdelay $0x1  }
0x7f7: {  	v63 =	vmul.f32 v57, v59;
	v4 =	vadd.f32 v62, v4;
	_ =	sdelay $0x1  }
0x7f8: {  	v3 =	vmul.f32 v60, v3;
	v4 =	vadd.f32 v63, v4;
	_ =	sdelay $0x1  }
0x7f9: {  	v3 =	vadd.f32 v3, v4;
	_ =	sdelay $0x1  }
0x7fa: {  	v1 =	vmul.f32 v3, v1;
	_ =	sdelay $0x1  }
0x7fb: {  	v1 =	vadd.f32 v1, v2;
	_ =	sdelay $0x1  }
0x7fc: {  	v1 =	vsub.f32 $0.0e+00, v1;
	_ =	sdelay $0x1  }
0x7fd: {  	v1 =	vmul.f32 $1.442695020e+00, v1;
	_ =	sdelay $0x1  }
0x7fe: {  	(erf) = vpow2.f32 v1;
	_ =	sdelay $0x8  }
0x7ff: {  	v1 =	vpop (erf)  }
0x800: {  	v1 =	vadd.f32 $1.000000000e+00, v1;
	_ =	sdelay $0x1  }
0x801: {  	(erf) = vrcp.f32 v1;
	_ =	sdelay $0x7  }
0x802: {  	s4 =	sadd.s32 $0x1, s4  }
0x803: {  	p0 =	sne.s32 s4, s10;
	v1 =	vpop (erf)  }
.Ltmp4:
0x804: {  	[tilespmem:s1+$0x0] =	vst v1;
	(pc) =	sbr.rel @p0 .LBB2_1-.Ltmp4, $4  }
0x805: {  	[hbm4b:s9+s3] =	stream.linear.scatter [tilespmem:s0], [sflag:$0x3], $0x200, $0x38;
	[tilespmem:$0x8620] =	vst v63  }
0x806: {  	_ =	swait.ge [sflag:s13], $0x200  }
0x807: {  	[sflag:s13] =	ssyncset.done $0x0  }
0x808: {  	[sflag:s13] =	ssyncadd.s32 $0xFFFFFE00  }
0x809: {  	_ =	sfence.sel $0x180000  }
0x80a: {  	[bflag:$0x0] =	sbarrier.arrive $0xFFFF  }
0x80b: {  	_ =	strace $0x90000047  }
0x80c: {  	s0 =	stileid.u32;
	[bflag:$0x2] =	sbarrier.arrive $0xFFFF  }
0x80d: {  	p0 =	sne.s32 s0, $0x0;
	s0 =	rddreg [dreg:$0x6]  }
0x80e: {  	s0 =	sadd.s32 @!p0 $0x100000, s0  }
0x80f: {  	[sflag:s0] =	ssyncadd.tile.s32 @!p0 $0x1;
	_ =	shalt  }
.Lfunc_end2:
_tile_overlayer_lowered:
.L_overlay_start_2:
0x810: {  	(tag) =	ssettag $0x2  }
0x811: {  	s0 =	rddreg [dreg:$0x0];
	s2 =	stileid.u32  }
0x812: {  	s1 =	rddreg [dreg:$0x1];
	p0 =	sne.s32 s2, $0x0  }
0x813: {  	s3 =	rddreg [dreg:$0x2];
	[bflag:$0x3] =	sbarrier.arrive $0xFFFF;
	s2 =	simm.s32 @!p0 $0x1C03  }
0x814: {  	[timem:s3], [sflag:s2] =	dma.local @!p0 [hbm:s0], s1  }
0x815: {  	s0 =	simm.s32 @!p0 $0x3  }
0x816: {  	_ =	swait.ge @!p0 [sflag:s0], s1  }
0x817: {  	s1 =	ssub.s32 @!p0 $0x0, s1;
	[sflag:s0] =	ssyncset.done @!p0 $0x0  }
0x818: {  	[sflag:s0] =	ssyncadd.s32 @!p0 s1  }
0x819: {  	[bflag:$0x3] =	sbarrier.arrive $0xFFFF  }
0x81a: {  	_ =	shalt  }

</sc_bundles>
